<compile_context>
chip_gen: v7x
topology: tpu7x:2x2x1
jax: 0.10.2.dev20260603
libtpu: 0.0.44.dev20260713+nightly
codegen_flags: <defaults>
</compile_context>

<pallas_src>
import functools

import jax
import jax.numpy as jnp
from jax import lax
from jax.experimental import pallas as pl
from jax.experimental.pallas import tpu as pltpu
from jax.experimental.pallas import tpu_sc as plsc

_N = 10000
_D = 128
_H = 88
_G = 64
_OUT = 100

_NP = 10240
_HP = 128
_CH = 32
_BLK = 16
_NB = 8
_R = 512


def _seg_sum_sc(y, src2d, dst2d):
    cpt = src2d.shape[0] // 32
    rpt = _NP // 16
    mesh = plsc.VectorSubcoreMesh(core_axis_name="c", subcore_axis_name="s")

    @functools.partial(
        pl.kernel,
        out_type=jax.ShapeDtypeStruct((2 * _NP, _HP), jnp.float32),
        mesh=mesh,
        scratch_types=[
            pltpu.VMEM((_BLK, _CH), jnp.int32),
            pltpu.VMEM((_BLK, _CH), jnp.int32),
            pltpu.VMEM((_NB, _CH, _HP), jnp.float32),
            pltpu.VMEM_SHARED((_NP, _HP), jnp.float32),
        ] + [pltpu.SemaphoreType.DMA] * _NB,
    )
    def k(y_hbm, src_hbm, dst_hbm, out_hbm, srcb, dstb, rows, acc,
          *sems):
        cid = lax.axis_index("c")
        sid = lax.axis_index("s")

        def zfill(i, carry):
            for kk in range(_HP // 16):
                rows[0, i, pl.ds(kk * 16, 16)] = jnp.zeros((16,), jnp.float32)
            return carry

        lax.fori_loop(0, _CH, zfill, 0)

        def zcopy(t, carry):
            pltpu.sync_copy(rows.at[0],
                            acc.at[pl.ds(sid * rpt + t * _CH, _CH)])
            return carry

        lax.fori_loop(0, rpt // _CH, zcopy, 0)
        plsc.subcore_barrier()

        def gcopy(jj, b):
            return pltpu.make_async_copy(y_hbm.at[srcb.at[jj]], rows.at[b],
                                         sems[b])

        def blk(bi, carry):
            base = (cid * 16 + sid) * cpt + bi * _BLK
            pltpu.sync_copy(src_hbm.at[pl.ds(base, _BLK)], srcb)
            pltpu.sync_copy(dst_hbm.at[pl.ds(base, _BLK)], dstb)
            for b in range(_NB):
                gcopy(b, b).start()

            def quad(p, c2):
                for b in range(_NB):
                    jj = p * _NB + b
                    gcopy(jj, b).wait()
                    pltpu.sync_copy(rows.at[b], acc.at[dstb.at[jj]],
                                    add=True)

                    @pl.when(jj + _NB < _BLK)
                    def _():
                        gcopy(jj + _NB, b).start()
                return c2

            lax.fori_loop(0, _BLK // _NB, quad, 0)
            return carry

        lax.fori_loop(0, cpt // _BLK, blk, 0)
        plsc.subcore_barrier()

        def wback(t, carry):
            off = sid * rpt + t * _CH
            pltpu.sync_copy(acc.at[pl.ds(off, _CH)],
                            out_hbm.at[pl.ds(cid * _NP + off, _CH)])
            return carry

        lax.fori_loop(0, rpt // _CH, wback, 0)

    return k(y, src2d, dst2d)


def _tc_layer1(xp, wlT, wrT, b):

    def body(x_ref, wl_ref, wr_ref, b_ref, y_ref, z_ref):
        xb = x_ref[...]
        y = jnp.dot(xb, wl_ref[...], preferred_element_type=jnp.float32)
        col = lax.broadcasted_iota(jnp.int32, (_R, _HP), 1)
        y_ref[...] = jnp.where(col == _H, 1.0, y)
        z_ref[...] = jnp.dot(xb, wr_ref[...],
                             preferred_element_type=jnp.float32) + b_ref[...]

    return pl.pallas_call(
        body,
        grid=(_NP // _R,),
        in_specs=[
            pl.BlockSpec((_R, _D), lambda i: (i, 0)),
            pl.BlockSpec((_D, _HP), lambda i: (0, 0)),
            pl.BlockSpec((_D, _HP), lambda i: (0, 0)),
            pl.BlockSpec((1, _HP), lambda i: (0, 0)),
        ],
        out_specs=[
            pl.BlockSpec((_R, _HP), lambda i: (i, 0)),
            pl.BlockSpec((_R, _HP), lambda i: (i, 0)),
        ],
        out_shape=[
            jax.ShapeDtypeStruct((_NP, _HP), jnp.float32),
            jax.ShapeDtypeStruct((_NP, _HP), jnp.float32),
        ],
    )(xp, wlT, wrT, b)


def _combine(sp_ref, z_ref):
    s = sp_ref[0] + sp_ref[1]
    col = lax.broadcasted_iota(jnp.int32, (_R, _HP), 1)
    deg = jnp.sum(jnp.where(col == _H, s, 0.0), axis=1, keepdims=True)
    d = jnp.maximum(deg, 1.0)
    return jnp.maximum(s / d + z_ref[...], 0.0)


def _tc_mid(spart, z, wlT, wrT, b):

    def body(sp_ref, z_ref, wl_ref, wr_ref, b_ref, y_ref, zn_ref):
        h = _combine(sp_ref, z_ref)
        y = jnp.dot(h, wl_ref[...], preferred_element_type=jnp.float32)
        col = lax.broadcasted_iota(jnp.int32, (_R, _HP), 1)
        y_ref[...] = jnp.where(col == _H, 1.0, y)
        zn_ref[...] = jnp.dot(h, wr_ref[...],
                              preferred_element_type=jnp.float32) + b_ref[...]

    return pl.pallas_call(
        body,
        grid=(_NP // _R,),
        in_specs=[
            pl.BlockSpec((2, _R, _HP), lambda i: (0, i, 0)),
            pl.BlockSpec((_R, _HP), lambda i: (i, 0)),
            pl.BlockSpec((_HP, _HP), lambda i: (0, 0)),
            pl.BlockSpec((_HP, _HP), lambda i: (0, 0)),
            pl.BlockSpec((1, _HP), lambda i: (0, 0)),
        ],
        out_specs=[
            pl.BlockSpec((_R, _HP), lambda i: (i, 0)),
            pl.BlockSpec((_R, _HP), lambda i: (i, 0)),
        ],
        out_shape=[
            jax.ShapeDtypeStruct((_NP, _HP), jnp.float32),
            jax.ShapeDtypeStruct((_NP, _HP), jnp.float32),
        ],
    )(spart, z, wlT, wrT, b)


def _tc_final(spart, z, batch2d, wlinT, blin2d):
    nsteps = _NP // _R

    def body(sp_ref, z_ref, batch_ref, wlin_ref, blin_ref, out_ref, pooled):
        i = pl.program_id(0)
        h = _combine(sp_ref, z_ref)
        bb = batch_ref[...]
        gid = lax.broadcasted_iota(jnp.int32, (_G, _R), 0)
        mask = (bb == gid).astype(jnp.float32)
        part = jnp.dot(mask, h, preferred_element_type=jnp.float32)

        @pl.when(i == 0)
        def _():
            pooled[...] = jnp.zeros((_G, _HP), jnp.float32)

        pooled[...] += part

        @pl.when(i == nsteps - 1)
        def _():
            out_ref[...] = jnp.dot(
                pooled[...], wlin_ref[...],
                preferred_element_type=jnp.float32) + blin_ref[...]

    return pl.pallas_call(
        body,
        grid=(nsteps,),
        in_specs=[
            pl.BlockSpec((2, _R, _HP), lambda i: (0, i, 0)),
            pl.BlockSpec((_R, _HP), lambda i: (i, 0)),
            pl.BlockSpec((1, _R), lambda i: (0, i)),
            pl.BlockSpec((_HP, _OUT), lambda i: (0, 0)),
            pl.BlockSpec((1, _OUT), lambda i: (0, 0)),
        ],
        out_specs=pl.BlockSpec((_G, _OUT), lambda i: (0, 0)),
        out_shape=jax.ShapeDtypeStruct((_G, _OUT), jnp.float32),
        scratch_shapes=[pltpu.VMEM((_G, _HP), jnp.float32)],
    )(spart, z, batch2d, wlinT, blin2d)


def kernel(x, edge_index, batch, W1l, b1l, W1r, W2l, b2l, W2r, W3l, b3l, W3r,
           Wlin, blin):
    e = edge_index.shape[1]
    cpt = -(-e // (32 * _CH))
    cpt = -(-cpt // _BLK) * _BLK
    ep = 32 * cpt * _CH

    xp = jnp.pad(x, ((0, _NP - _N), (0, 0)))
    pad_e = ep - e
    srcp = jnp.concatenate(
        [edge_index[0], jnp.full((pad_e,), _N, jnp.int32)]).reshape(
            32 * cpt, _CH)
    dstp = jnp.concatenate(
        [edge_index[1], jnp.full((pad_e,), _N, jnp.int32)]).reshape(
            32 * cpt, _CH)
    batchp = jnp.pad(batch, (0, _NP - _N),
                     constant_values=_G).reshape(1, _NP)

    pw = _HP - _H
    w1lT = jnp.pad(W1l.T, ((0, 0), (0, pw)))
    w1rT = jnp.pad(W1r.T, ((0, 0), (0, pw)))
    b1p = jnp.pad(b1l, (0, pw)).reshape(1, _HP)
    w2lT = jnp.pad(W2l.T, ((0, pw), (0, pw)))
    w2rT = jnp.pad(W2r.T, ((0, pw), (0, pw)))
    b2p = jnp.pad(b2l, (0, pw)).reshape(1, _HP)
    w3lT = jnp.pad(W3l.T, ((0, pw), (0, pw)))
    w3rT = jnp.pad(W3r.T, ((0, pw), (0, pw)))
    b3p = jnp.pad(b3l, (0, pw)).reshape(1, _HP)
    wlinT = jnp.pad(Wlin.T, ((0, pw), (0, 0)))
    blin2d = blin.reshape(1, _OUT)

    y1, z1 = _tc_layer1(xp, w1lT, w1rT, b1p)
    s1 = _seg_sum_sc(y1, srcp, dstp).reshape(2, _NP, _HP)
    y2, z2 = _tc_mid(s1, z1, w2lT, w2rT, b2p)
    s2 = _seg_sum_sc(y2, srcp, dstp).reshape(2, _NP, _HP)
    y3, z3 = _tc_mid(s2, z2, w3lT, w3rT, b3p)
    s3 = _seg_sum_sc(y3, srcp, dstp).reshape(2, _NP, _HP)
    return _tc_final(s3, z3, batchp, wlinT, blin2d)

# --- scband reference (transcript-rebuilt; emitter-appended) ---
"""Pipeline reference for scband-sage-5222680232229 (READ-ONLY COPY).

The authoritative reference and input builder live on the scoring server;
editing this copy changes nothing except your own understanding.
"""

import jax, jax.numpy as jnp
import numpy as np

N = 10000
E = 320000
D = 128
H = 88
G = 64
OUT = 100


def setup_inputs(seed: int = 0) -> dict:
    key = jax.random.key(seed)
    ks = jax.random.split(key, 16)
    x = jax.random.normal(ks[0], (N, D), dtype=jnp.float32)
    edge_index = jax.random.randint(ks[1], (2, E), 0, N, dtype=jnp.int32)
    batch = jnp.sort(jax.random.randint(ks[2], (N,), 0, G, dtype=jnp.int32))
    s = 0.05
    W1l = jax.random.normal(ks[3], (H, D), dtype=jnp.float32) * s
    b1l = jnp.zeros((H,), dtype=jnp.float32)
    W1r = jax.random.normal(ks[4], (H, D), dtype=jnp.float32) * s
    W2l = jax.random.normal(ks[5], (H, H), dtype=jnp.float32) * s
    b2l = jnp.zeros((H,), dtype=jnp.float32)
    W2r = jax.random.normal(ks[6], (H, H), dtype=jnp.float32) * s
    W3l = jax.random.normal(ks[7], (H, H), dtype=jnp.float32) * s
    b3l = jnp.zeros((H,), dtype=jnp.float32)
    W3r = jax.random.normal(ks[8], (H, H), dtype=jnp.float32) * s
    Wlin = jax.random.normal(ks[9], (OUT, H), dtype=jnp.float32) * s
    blin = jnp.zeros((OUT,), dtype=jnp.float32)
    return {"x": x, "edge_index": edge_index, "batch": batch,
            "W1l": W1l, "b1l": b1l, "W1r": W1r,
            "W2l": W2l, "b2l": b2l, "W2r": W2r,
            "W3l": W3l, "b3l": b3l, "W3r": W3r,
            "Wlin": Wlin, "blin": blin}


def _sage_conv(x, edge_index, Wl, bl, Wr):
    # PyG SAGEConv(aggr='mean'): out = lin_l(mean_j x_j) + lin_r(x_i)
    src = edge_index[0]
    dst = edge_index[1]
    n = x.shape[0]
    msg = jnp.take(x, src, axis=0)
    summed = jax.ops.segment_sum(msg, dst, num_segments=n)
    deg = jax.ops.segment_sum(jnp.ones((src.shape[0],), x.dtype), dst, num_segments=n)
    deg = jnp.clip(deg, 1.0, None)
    agg = summed / deg[:, None]
    return agg @ Wl.T + bl + x @ Wr.T


def reference(x, edge_index, batch, W1l, b1l, W1r, W2l, b2l, W2r, W3l, b3l, W3r, Wlin, blin):
    h = jax.nn.relu(_sage_conv(x, edge_index, W1l, b1l, W1r))
    h = jax.nn.relu(_sage_conv(h, edge_index, W2l, b2l, W2r))
    h = jax.nn.relu(_sage_conv(h, edge_index, W3l, b3l, W3r))
    pooled = jax.ops.segment_sum(h, batch, num_segments=G)  # global_add_pool
    return pooled @ Wlin.T + blin

if __name__ == "__main__":
    import jax
    _d = setup_inputs()
    print(jax.jit(kernel)(*tuple(_d.values())))

</pallas_src>

<mosaic_0001>
#map = affine_map<(d0, d1) -> (0, 0)>
module attributes {stable_mosaic.version = 14 : i64} {
  func.func @k(%arg0: i32, %arg1: i32, %arg2: memref<10240x128xf32, #tpu.memory_space<hbm>>, %arg3: memref<10240x32xi32, #tpu.memory_space<hbm>>, %arg4: memref<10240x32xi32, #tpu.memory_space<hbm>>, %arg5: memref<20480x128xf32, #tpu.memory_space<hbm>>, %arg6: memref<16x32xi32, #tpu.memory_space<vmem>>, %arg7: memref<16x32xi32, #tpu.memory_space<vmem>>, %arg8: memref<8x32x128xf32, #tpu.memory_space<vmem>>, %arg9: memref<10240x128xf32, #tpu.memory_space<vmem_shared>>, %arg10: memref<!tpu.dma_semaphore, #tpu.memory_space<semaphore_mem>>, %arg11: memref<!tpu.dma_semaphore, #tpu.memory_space<semaphore_mem>>, %arg12: memref<!tpu.dma_semaphore, #tpu.memory_space<semaphore_mem>>, %arg13: memref<!tpu.dma_semaphore, #tpu.memory_space<semaphore_mem>>, %arg14: memref<!tpu.dma_semaphore, #tpu.memory_space<semaphore_mem>>, %arg15: memref<!tpu.dma_semaphore, #tpu.memory_space<semaphore_mem>>, %arg16: memref<!tpu.dma_semaphore, #tpu.memory_space<semaphore_mem>>, %arg17: memref<!tpu.dma_semaphore, #tpu.memory_space<semaphore_mem>>) attributes {dimension_semantics = [#tpu.dimension_semantics<core_parallel>, #tpu.dimension_semantics<subcore_parallel>], iteration_bounds = array<i64: 2, 16>, scalar_prefetch = 0 : i64, scratch_operands = 12 : i64, tpu.core_type = #tpu.core_type<sc_vector_subcore>, window_params = [{transform_indices = #map}, {transform_indices = #map}, {transform_indices = #map}, {transform_indices = #map}]} {
    %scan3A = arith.constant 0 : i32
    %scan3A_0 = arith.constant 0 : i32
    %scan3A_1 = arith.constant 32 : i32
    %scan3A_2 = arith.addi %scan3A_0, %scan3A_1 : i32
    %scan3A_3 = arith.constant 1 : i32
    scf.for %scan3A_24 = %scan3A_0 to %scan3A_2 step %scan3A_3  : i32 {
      %broadcast_in_dim3A = arith.constant 0.000000e+00 : f32
      %broadcast_in_dim3A_25 = vector.broadcast %broadcast_in_dim3A : f32 to vector<16xf32>
      %swap3A = arith.constant 0 : i32
      %swap3A_26 = arith.index_cast %swap3A : i32 to index
      %swap3A_27 = arith.index_cast %scan3A_24 : i32 to index
      %swap3A_28 = arith.constant 0 : index
      %swap3A_29 = tpu.vector_load %arg8[%swap3A_26, %swap3A_27, %swap3A_28] {strides = array<i32>} : memref<8x32x128xf32, #tpu.memory_space<vmem>>, vector<1x1x16xf32>,
      %swap3A_30 = vector.shape_cast %swap3A_29 : vector<1x1x16xf32> to vector<16xf32>
      %swap3A_31 = vector.shape_cast %broadcast_in_dim3A_25 : vector<16xf32> to vector<1x1x16xf32>
      tpu.vector_store %arg8[%swap3A_26, %swap3A_27, %swap3A_28], %swap3A_31 {strides = array<i32>} : memref<8x32x128xf32, #tpu.memory_space<vmem>>, vector<1x1x16xf32>,
      %broadcast_in_dim3A_32 = arith.constant 0.000000e+00 : f32
      %broadcast_in_dim3A_33 = vector.broadcast %broadcast_in_dim3A_32 : f32 to vector<16xf32>
      %swap3A_34 = arith.constant 0 : i32
      %swap3A_35 = arith.index_cast %swap3A_34 : i32 to index
      %swap3A_36 = arith.index_cast %scan3A_24 : i32 to index
      %swap3A_37 = arith.constant 16 : index
      %swap3A_38 = tpu.vector_load %arg8[%swap3A_35, %swap3A_36, %swap3A_37] {strides = array<i32>} : memref<8x32x128xf32, #tpu.memory_space<vmem>>, vector<1x1x16xf32>,
      %swap3A_39 = vector.shape_cast %swap3A_38 : vector<1x1x16xf32> to vector<16xf32>
      %swap3A_40 = vector.shape_cast %broadcast_in_dim3A_33 : vector<16xf32> to vector<1x1x16xf32>
      tpu.vector_store %arg8[%swap3A_35, %swap3A_36, %swap3A_37], %swap3A_40 {strides = array<i32>} : memref<8x32x128xf32, #tpu.memory_space<vmem>>, vector<1x1x16xf32>,
      %broadcast_in_dim3A_41 = arith.constant 0.000000e+00 : f32
      %broadcast_in_dim3A_42 = vector.broadcast %broadcast_in_dim3A_41 : f32 to vector<16xf32>
      %swap3A_43 = arith.constant 0 : i32
      %swap3A_44 = arith.index_cast %swap3A_43 : i32 to index
      %swap3A_45 = arith.index_cast %scan3A_24 : i32 to index
      %swap3A_46 = arith.constant 32 : index
      %swap3A_47 = tpu.vector_load %arg8[%swap3A_44, %swap3A_45, %swap3A_46] {strides = array<i32>} : memref<8x32x128xf32, #tpu.memory_space<vmem>>, vector<1x1x16xf32>,
      %swap3A_48 = vector.shape_cast %swap3A_47 : vector<1x1x16xf32> to vector<16xf32>
      %swap3A_49 = vector.shape_cast %broadcast_in_dim3A_42 : vector<16xf32> to vector<1x1x16xf32>
      tpu.vector_store %arg8[%swap3A_44, %swap3A_45, %swap3A_46], %swap3A_49 {strides = array<i32>} : memref<8x32x128xf32, #tpu.memory_space<vmem>>, vector<1x1x16xf32>,
      %broadcast_in_dim3A_50 = arith.constant 0.000000e+00 : f32
      %broadcast_in_dim3A_51 = vector.broadcast %broadcast_in_dim3A_50 : f32 to vector<16xf32>
      %swap3A_52 = arith.constant 0 : i32
      %swap3A_53 = arith.index_cast %swap3A_52 : i32 to index
      %swap3A_54 = arith.index_cast %scan3A_24 : i32 to index
      %swap3A_55 = arith.constant 48 : index
      %swap3A_56 = tpu.vector_load %arg8[%swap3A_53, %swap3A_54, %swap3A_55] {strides = array<i32>} : memref<8x32x128xf32, #tpu.memory_space<vmem>>, vector<1x1x16xf32>,
      %swap3A_57 = vector.shape_cast %swap3A_56 : vector<1x1x16xf32> to vector<16xf32>
      %swap3A_58 = vector.shape_cast %broadcast_in_dim3A_51 : vector<16xf32> to vector<1x1x16xf32>
      tpu.vector_store %arg8[%swap3A_53, %swap3A_54, %swap3A_55], %swap3A_58 {strides = array<i32>} : memref<8x32x128xf32, #tpu.memory_space<vmem>>, vector<1x1x16xf32>,
      %broadcast_in_dim3A_59 = arith.constant 0.000000e+00 : f32
      %broadcast_in_dim3A_60 = vector.broadcast %broadcast_in_dim3A_59 : f32 to vector<16xf32>
      %swap3A_61 = arith.constant 0 : i32
      %swap3A_62 = arith.index_cast %swap3A_61 : i32 to index
      %swap3A_63 = arith.index_cast %scan3A_24 : i32 to index
      %swap3A_64 = arith.constant 64 : index
      %swap3A_65 = tpu.vector_load %arg8[%swap3A_62, %swap3A_63, %swap3A_64] {strides = array<i32>} : memref<8x32x128xf32, #tpu.memory_space<vmem>>, vector<1x1x16xf32>,
      %swap3A_66 = vector.shape_cast %swap3A_65 : vector<1x1x16xf32> to vector<16xf32>
      %swap3A_67 = vector.shape_cast %broadcast_in_dim3A_60 : vector<16xf32> to vector<1x1x16xf32>
      tpu.vector_store %arg8[%swap3A_62, %swap3A_63, %swap3A_64], %swap3A_67 {strides = array<i32>} : memref<8x32x128xf32, #tpu.memory_space<vmem>>, vector<1x1x16xf32>,
      %broadcast_in_dim3A_68 = arith.constant 0.000000e+00 : f32
      %broadcast_in_dim3A_69 = vector.broadcast %broadcast_in_dim3A_68 : f32 to vector<16xf32>
      %swap3A_70 = arith.constant 0 : i32
      %swap3A_71 = arith.index_cast %swap3A_70 : i32 to index
      %swap3A_72 = arith.index_cast %scan3A_24 : i32 to index
      %swap3A_73 = arith.constant 80 : index
      %swap3A_74 = tpu.vector_load %arg8[%swap3A_71, %swap3A_72, %swap3A_73] {strides = array<i32>} : memref<8x32x128xf32, #tpu.memory_space<vmem>>, vector<1x1x16xf32>,
      %swap3A_75 = vector.shape_cast %swap3A_74 : vector<1x1x16xf32> to vector<16xf32>
      %swap3A_76 = vector.shape_cast %broadcast_in_dim3A_69 : vector<16xf32> to vector<1x1x16xf32>
      tpu.vector_store %arg8[%swap3A_71, %swap3A_72, %swap3A_73], %swap3A_76 {strides = array<i32>} : memref<8x32x128xf32, #tpu.memory_space<vmem>>, vector<1x1x16xf32>,
      %broadcast_in_dim3A_77 = arith.constant 0.000000e+00 : f32
      %broadcast_in_dim3A_78 = vector.broadcast %broadcast_in_dim3A_77 : f32 to vector<16xf32>
      %swap3A_79 = arith.constant 0 : i32
      %swap3A_80 = arith.index_cast %swap3A_79 : i32 to index
      %swap3A_81 = arith.index_cast %scan3A_24 : i32 to index
      %swap3A_82 = arith.constant 96 : index
      %swap3A_83 = tpu.vector_load %arg8[%swap3A_80, %swap3A_81, %swap3A_82] {strides = array<i32>} : memref<8x32x128xf32, #tpu.memory_space<vmem>>, vector<1x1x16xf32>,
      %swap3A_84 = vector.shape_cast %swap3A_83 : vector<1x1x16xf32> to vector<16xf32>
      %swap3A_85 = vector.shape_cast %broadcast_in_dim3A_78 : vector<16xf32> to vector<1x1x16xf32>
      tpu.vector_store %arg8[%swap3A_80, %swap3A_81, %swap3A_82], %swap3A_85 {strides = array<i32>} : memref<8x32x128xf32, #tpu.memory_space<vmem>>, vector<1x1x16xf32>,
      %broadcast_in_dim3A_86 = arith.constant 0.000000e+00 : f32
      %broadcast_in_dim3A_87 = vector.broadcast %broadcast_in_dim3A_86 : f32 to vector<16xf32>
      %swap3A_88 = arith.constant 0 : i32
      %swap3A_89 = arith.index_cast %swap3A_88 : i32 to index
      %swap3A_90 = arith.index_cast %scan3A_24 : i32 to index
      %swap3A_91 = arith.constant 112 : index
      %swap3A_92 = tpu.vector_load %arg8[%swap3A_89, %swap3A_90, %swap3A_91] {strides = array<i32>} : memref<8x32x128xf32, #tpu.memory_space<vmem>>, vector<1x1x16xf32>,
      %swap3A_93 = vector.shape_cast %swap3A_92 : vector<1x1x16xf32> to vector<16xf32>
      %swap3A_94 = vector.shape_cast %broadcast_in_dim3A_87 : vector<16xf32> to vector<1x1x16xf32>
      tpu.vector_store %arg8[%swap3A_89, %swap3A_90, %swap3A_91], %swap3A_94 {strides = array<i32>} : memref<8x32x128xf32, #tpu.memory_space<vmem>>, vector<1x1x16xf32>,
    }
    %scan3A_4 = arith.constant 32 : i32
    %scan3A_5 = arith.constant 0 : i32
    %scan3A_6 = arith.constant 0 : i32
    %scan3A_7 = arith.constant 20 : i32
    %scan3A_8 = arith.addi %scan3A_6, %scan3A_7 : i32
    %scan3A_9 = arith.constant 1 : i32
    scf.for %scan3A_24 = %scan3A_6 to %scan3A_8 step %scan3A_9  : i32 {
      %mul3A = arith.constant 640 : i32
      %mul3A_25 = arith.muli %arg1, %mul3A : i32
      %mul3A_26 = arith.constant 32 : i32
      %mul3A_27 = arith.muli %scan3A_24, %mul3A_26 : i32
      %add3A = arith.addi %mul3A_25, %mul3A_27 : i32
      %run_scoped3A = arith.constant 0 : i32
      "tpu.region"() ({
        %run_scoped3A_28 = tpu.sem_alloc : memref<!tpu.dma_semaphore, #tpu.memory_space<semaphore_mem>>
        %dma_start3A = arith.constant 0 : i32
        %dma_start3A_29 = arith.constant 0 : i32
        %dma_start3A_30 = tpu.memref_slice %arg8[%run_scoped3A, %dma_start3A, %dma_start3A_29] : memref<8x32x128xf32, #tpu.memory_space<vmem>> -> memref<1x32x128xf32, #tpu.memory_space<vmem>>
        %dma_start3A_31 = tpu.memref_squeeze %dma_start3A_30 : memref<1x32x128xf32, #tpu.memory_space<vmem>> -> memref<32x128xf32, #tpu.memory_space<vmem>>
        %dma_start3A_32 = arith.constant 0 : i32
        %dma_start3A_33 = tpu.memref_slice %arg9[%add3A, %dma_start3A_32] : memref<10240x128xf32, #tpu.memory_space<vmem_shared>> -> memref<32x128xf32, #tpu.memory_space<vmem_shared>>
        %dma_start3A_34 = arith.constant 0 : i32
        %dma_start3A_35 = tpu.memref_slice %arg9[%add3A, %dma_start3A_34] : memref<10240x128xf32, #tpu.memory_space<vmem_shared>> -> memref<32x128xf32, #tpu.memory_space<vmem_shared>>
        %dma_start3A_36 = arith.constant 0 : i32
        %dma_start3A_37 = arith.constant 0 : i32
        %dma_start3A_38 = tpu.memref_slice %arg8[%run_scoped3A, %dma_start3A_36, %dma_start3A_37] : memref<8x32x128xf32, #tpu.memory_space<vmem>> -> memref<1x32x128xf32, #tpu.memory_space<vmem>>
        %dma_start3A_39 = tpu.memref_squeeze %dma_start3A_38 : memref<1x32x128xf32, #tpu.memory_space<vmem>> -> memref<32x128xf32, #tpu.memory_space<vmem>>
        tpu.enqueue_dma source(%dma_start3A_39 : memref<32x128xf32, #tpu.memory_space<vmem>>) target(%dma_start3A_35 : memref<32x128xf32, #tpu.memory_space<vmem_shared>>) target_semaphore(%run_scoped3A_28 : memref<!tpu.dma_semaphore, #tpu.memory_space<semaphore_mem>>)
        %dma_wait3A = arith.constant 0 : i32
        %dma_wait3A_40 = arith.constant 0 : i32
        %dma_wait3A_41 = tpu.memref_slice %arg8[%run_scoped3A, %dma_wait3A, %dma_wait3A_40] : memref<8x32x128xf32, #tpu.memory_space<vmem>> -> memref<1x32x128xf32, #tpu.memory_space<vmem>>
        %dma_wait3A_42 = tpu.memref_squeeze %dma_wait3A_41 : memref<1x32x128xf32, #tpu.memory_space<vmem>> -> memref<32x128xf32, #tpu.memory_space<vmem>>
        %dma_wait3A_43 = arith.constant 0 : i32
        %dma_wait3A_44 = tpu.memref_slice %arg9[%add3A, %dma_wait3A_43] : memref<10240x128xf32, #tpu.memory_space<vmem_shared>> -> memref<32x128xf32, #tpu.memory_space<vmem_shared>>
        %dma_wait3A_45 = arith.constant 0 : i32
        %dma_wait3A_46 = tpu.memref_slice %arg9[%add3A, %dma_wait3A_45] : memref<10240x128xf32, #tpu.memory_space<vmem_shared>> -> memref<32x128xf32, #tpu.memory_space<vmem_shared>>
        %dma_wait3A_47 = arith.constant 0 : i32
        %dma_wait3A_48 = arith.constant 0 : i32
        %dma_wait3A_49 = tpu.memref_slice %arg8[%run_scoped3A, %dma_wait3A_47, %dma_wait3A_48] : memref<8x32x128xf32, #tpu.memory_space<vmem>> -> memref<1x32x128xf32, #tpu.memory_space<vmem>>
        %dma_wait3A_50 = tpu.memref_squeeze %dma_wait3A_49 : memref<1x32x128xf32, #tpu.memory_space<vmem>> -> memref<32x128xf32, #tpu.memory_space<vmem>>
        tpu.wait_dma2 semaphore(%run_scoped3A_28 : memref<!tpu.dma_semaphore, #tpu.memory_space<semaphore_mem>>) src(%dma_wait3A_50 : memref<32x128xf32, #tpu.memory_space<vmem>>) dst(%dma_wait3A_46 : memref<32x128xf32, #tpu.memory_space<vmem_shared>>)
        tpu.yield
      }) : () -> ()
    }
    %scan3A_10 = arith.constant 20 : i32
    %barrier3A = arith.constant 0 : index
    tpu.barrier barrier_id(%barrier3A)
    %scan3A_11 = arith.constant 0 : i32
    %scan3A_12 = arith.constant 0 : i32
    %scan3A_13 = arith.constant 20 : i32
    %scan3A_14 = arith.addi %scan3A_12, %scan3A_13 : i32
    %scan3A_15 = arith.constant 1 : i32
    scf.for %scan3A_24 = %scan3A_12 to %scan3A_14 step %scan3A_15  : i32 {
      %mul3A = arith.constant 16 : i32
      %mul3A_25 = arith.muli %arg0, %mul3A : i32
      %add3A = arith.addi %mul3A_25, %arg1 : i32
      %mul3A_26 = arith.constant 320 : i32
      %mul3A_27 = arith.muli %add3A, %mul3A_26 : i32
      %mul3A_28 = arith.constant 16 : i32
      %mul3A_29 = arith.muli %scan3A_24, %mul3A_28 : i32
      %add3A_30 = arith.addi %mul3A_27, %mul3A_29 : i32
      "tpu.region"() ({
        %run_scoped3A = tpu.sem_alloc : memref<!tpu.dma_semaphore, #tpu.memory_space<semaphore_mem>>
        %dma_start3A_132 = arith.constant 0 : i32
        %dma_start3A_133 = tpu.memref_slice %arg3[%add3A_30, %dma_start3A_132] : memref<10240x32xi32, #tpu.memory_space<hbm>> -> memref<16x32xi32, #tpu.memory_space<hbm>>
        %dma_start3A_134 = arith.constant 0 : i32
        %dma_start3A_135 = tpu.memref_slice %arg3[%add3A_30, %dma_start3A_134] : memref<10240x32xi32, #tpu.memory_space<hbm>> -> memref<16x32xi32, #tpu.memory_space<hbm>>
        tpu.enqueue_dma source(%dma_start3A_135 : memref<16x32xi32, #tpu.memory_space<hbm>>) target(%arg6 : memref<16x32xi32, #tpu.memory_space<vmem>>) target_semaphore(%run_scoped3A : memref<!tpu.dma_semaphore, #tpu.memory_space<semaphore_mem>>)
        %dma_wait3A = arith.constant 0 : i32
        %dma_wait3A_136 = tpu.memref_slice %arg3[%add3A_30, %dma_wait3A] : memref<10240x32xi32, #tpu.memory_space<hbm>> -> memref<16x32xi32, #tpu.memory_space<hbm>>
        %dma_wait3A_137 = arith.constant 0 : i32
        %dma_wait3A_138 = tpu.memref_slice %arg3[%add3A_30, %dma_wait3A_137] : memref<10240x32xi32, #tpu.memory_space<hbm>> -> memref<16x32xi32, #tpu.memory_space<hbm>>
        tpu.wait_dma2 semaphore(%run_scoped3A : memref<!tpu.dma_semaphore, #tpu.memory_space<semaphore_mem>>) src(%dma_wait3A_138 : memref<16x32xi32, #tpu.memory_space<hbm>>) dst(%arg6 : memref<16x32xi32, #tpu.memory_space<vmem>>)
        tpu.yield
      }) : () -> ()
      "tpu.region"() ({
        %run_scoped3A = tpu.sem_alloc : memref<!tpu.dma_semaphore, #tpu.memory_space<semaphore_mem>>
        %dma_start3A_132 = arith.constant 0 : i32
        %dma_start3A_133 = tpu.memref_slice %arg4[%add3A_30, %dma_start3A_132] : memref<10240x32xi32, #tpu.memory_space<hbm>> -> memref<16x32xi32, #tpu.memory_space<hbm>>
        %dma_start3A_134 = arith.constant 0 : i32
        %dma_start3A_135 = tpu.memref_slice %arg4[%add3A_30, %dma_start3A_134] : memref<10240x32xi32, #tpu.memory_space<hbm>> -> memref<16x32xi32, #tpu.memory_space<hbm>>
        tpu.enqueue_dma source(%dma_start3A_135 : memref<16x32xi32, #tpu.memory_space<hbm>>) target(%arg7 : memref<16x32xi32, #tpu.memory_space<vmem>>) target_semaphore(%run_scoped3A : memref<!tpu.dma_semaphore, #tpu.memory_space<semaphore_mem>>)
        %dma_wait3A = arith.constant 0 : i32
        %dma_wait3A_136 = tpu.memref_slice %arg4[%add3A_30, %dma_wait3A] : memref<10240x32xi32, #tpu.memory_space<hbm>> -> memref<16x32xi32, #tpu.memory_space<hbm>>
        %dma_wait3A_137 = arith.constant 0 : i32
        %dma_wait3A_138 = tpu.memref_slice %arg4[%add3A_30, %dma_wait3A_137] : memref<10240x32xi32, #tpu.memory_space<hbm>> -> memref<16x32xi32, #tpu.memory_space<hbm>>
        tpu.wait_dma2 semaphore(%run_scoped3A : memref<!tpu.dma_semaphore, #tpu.memory_space<semaphore_mem>>) src(%dma_wait3A_138 : memref<16x32xi32, #tpu.memory_space<hbm>>) dst(%arg7 : memref<16x32xi32, #tpu.memory_space<vmem>>)
        tpu.yield
      }) : () -> ()
      %dma_start3A = arith.constant 0 : i32
      %dma_start3A_31 = arith.constant 0 : i32
      %dma_start3A_32 = arith.constant 0 : i32
      %dma_start3A_33 = arith.constant 0 : i32
      %dma_start3A_34 = tpu.memref_slice %arg8[%dma_start3A_31, %dma_start3A_32, %dma_start3A_33] : memref<8x32x128xf32, #tpu.memory_space<vmem>> -> memref<1x32x128xf32, #tpu.memory_space<vmem>>
      %dma_start3A_35 = tpu.memref_squeeze %dma_start3A_34 : memref<1x32x128xf32, #tpu.memory_space<vmem>> -> memref<32x128xf32, #tpu.memory_space<vmem>>
      %dma_start3A_36 = arith.constant 0 : i32
      %dma_start3A_37 = tpu.memref_slice %arg6[%dma_start3A, %dma_start3A_36] : memref<16x32xi32, #tpu.memory_space<vmem>> -> memref<1x32xi32, #tpu.memory_space<vmem>>
      %dma_start3A_38 = tpu.memref_squeeze %dma_start3A_37 : memref<1x32xi32, #tpu.memory_space<vmem>> -> memref<32xi32, #tpu.memory_space<vmem>>
      %dma_start3A_39 = arith.constant 0 : i32
      %dma_start3A_40 = arith.constant 0 : i32
      %dma_start3A_41 = tpu.memref_slice %arg2[%dma_start3A_39, %dma_start3A_40] : memref<10240x128xf32, #tpu.memory_space<hbm>> -> memref<10240x128xf32, #tpu.memory_space<hbm>>
      tpu.enqueue_indirect_dma source(%dma_start3A_41 : memref<10240x128xf32, #tpu.memory_space<hbm>>) target(%dma_start3A_35 : memref<32x128xf32, #tpu.memory_space<vmem>>) offsets(%dma_start3A_38 : memref<32xi32, #tpu.memory_space<vmem>>) semaphore(%arg10 : memref<!tpu.dma_semaphore, #tpu.memory_space<semaphore_mem>>)
      %dma_start3A_42 = arith.constant 1 : i32
      %dma_start3A_43 = arith.constant 1 : i32
      %dma_start3A_44 = arith.constant 0 : i32
      %dma_start3A_45 = arith.constant 0 : i32
      %dma_start3A_46 = tpu.memref_slice %arg8[%dma_start3A_43, %dma_start3A_44, %dma_start3A_45] : memref<8x32x128xf32, #tpu.memory_space<vmem>> -> memref<1x32x128xf32, #tpu.memory_space<vmem>>
      %dma_start3A_47 = tpu.memref_squeeze %dma_start3A_46 : memref<1x32x128xf32, #tpu.memory_space<vmem>> -> memref<32x128xf32, #tpu.memory_space<vmem>>
      %dma_start3A_48 = arith.constant 0 : i32
      %dma_start3A_49 = tpu.memref_slice %arg6[%dma_start3A_42, %dma_start3A_48] : memref<16x32xi32, #tpu.memory_space<vmem>> -> memref<1x32xi32, #tpu.memory_space<vmem>>
      %dma_start3A_50 = tpu.memref_squeeze %dma_start3A_49 : memref<1x32xi32, #tpu.memory_space<vmem>> -> memref<32xi32, #tpu.memory_space<vmem>>
      %dma_start3A_51 = arith.constant 0 : i32
      %dma_start3A_52 = arith.constant 0 : i32
      %dma_start3A_53 = tpu.memref_slice %arg2[%dma_start3A_51, %dma_start3A_52] : memref<10240x128xf32, #tpu.memory_space<hbm>> -> memref<10240x128xf32, #tpu.memory_space<hbm>>
      tpu.enqueue_indirect_dma source(%dma_start3A_53 : memref<10240x128xf32, #tpu.memory_space<hbm>>) target(%dma_start3A_47 : memref<32x128xf32, #tpu.memory_space<vmem>>) offsets(%dma_start3A_50 : memref<32xi32, #tpu.memory_space<vmem>>) semaphore(%arg11 : memref<!tpu.dma_semaphore, #tpu.memory_space<semaphore_mem>>)
      %dma_start3A_54 = arith.constant 2 : i32
      %dma_start3A_55 = arith.constant 2 : i32
      %dma_start3A_56 = arith.constant 0 : i32
      %dma_start3A_57 = arith.constant 0 : i32
      %dma_start3A_58 = tpu.memref_slice %arg8[%dma_start3A_55, %dma_start3A_56, %dma_start3A_57] : memref<8x32x128xf32, #tpu.memory_space<vmem>> -> memref<1x32x128xf32, #tpu.memory_space<vmem>>
      %dma_start3A_59 = tpu.memref_squeeze %dma_start3A_58 : memref<1x32x128xf32, #tpu.memory_space<vmem>> -> memref<32x128xf32, #tpu.memory_space<vmem>>
      %dma_start3A_60 = arith.constant 0 : i32
      %dma_start3A_61 = tpu.memref_slice %arg6[%dma_start3A_54, %dma_start3A_60] : memref<16x32xi32, #tpu.memory_space<vmem>> -> memref<1x32xi32, #tpu.memory_space<vmem>>
      %dma_start3A_62 = tpu.memref_squeeze %dma_start3A_61 : memref<1x32xi32, #tpu.memory_space<vmem>> -> memref<32xi32, #tpu.memory_space<vmem>>
      %dma_start3A_63 = arith.constant 0 : i32
      %dma_start3A_64 = arith.constant 0 : i32
      %dma_start3A_65 = tpu.memref_slice %arg2[%dma_start3A_63, %dma_start3A_64] : memref<10240x128xf32, #tpu.memory_space<hbm>> -> memref<10240x128xf32, #tpu.memory_space<hbm>>
      tpu.enqueue_indirect_dma source(%dma_start3A_65 : memref<10240x128xf32, #tpu.memory_space<hbm>>) target(%dma_start3A_59 : memref<32x128xf32, #tpu.memory_space<vmem>>) offsets(%dma_start3A_62 : memref<32xi32, #tpu.memory_space<vmem>>) semaphore(%arg12 : memref<!tpu.dma_semaphore, #tpu.memory_space<semaphore_mem>>)
      %dma_start3A_66 = arith.constant 3 : i32
      %dma_start3A_67 = arith.constant 3 : i32
      %dma_start3A_68 = arith.constant 0 : i32
      %dma_start3A_69 = arith.constant 0 : i32
      %dma_start3A_70 = tpu.memref_slice %arg8[%dma_start3A_67, %dma_start3A_68, %dma_start3A_69] : memref<8x32x128xf32, #tpu.memory_space<vmem>> -> memref<1x32x128xf32, #tpu.memory_space<vmem>>
      %dma_start3A_71 = tpu.memref_squeeze %dma_start3A_70 : memref<1x32x128xf32, #tpu.memory_space<vmem>> -> memref<32x128xf32, #tpu.memory_space<vmem>>
      %dma_start3A_72 = arith.constant 0 : i32
      %dma_start3A_73 = tpu.memref_slice %arg6[%dma_start3A_66, %dma_start3A_72] : memref<16x32xi32, #tpu.memory_space<vmem>> -> memref<1x32xi32, #tpu.memory_space<vmem>>
      %dma_start3A_74 = tpu.memref_squeeze %dma_start3A_73 : memref<1x32xi32, #tpu.memory_space<vmem>> -> memref<32xi32, #tpu.memory_space<vmem>>
      %dma_start3A_75 = arith.constant 0 : i32
      %dma_start3A_76 = arith.constant 0 : i32
      %dma_start3A_77 = tpu.memref_slice %arg2[%dma_start3A_75, %dma_start3A_76] : memref<10240x128xf32, #tpu.memory_space<hbm>> -> memref<10240x128xf32, #tpu.memory_space<hbm>>
      tpu.enqueue_indirect_dma source(%dma_start3A_77 : memref<10240x128xf32, #tpu.memory_space<hbm>>) target(%dma_start3A_71 : memref<32x128xf32, #tpu.memory_space<vmem>>) offsets(%dma_start3A_74 : memref<32xi32, #tpu.memory_space<vmem>>) semaphore(%arg13 : memref<!tpu.dma_semaphore, #tpu.memory_space<semaphore_mem>>)
      %dma_start3A_78 = arith.constant 4 : i32
      %dma_start3A_79 = arith.constant 4 : i32
      %dma_start3A_80 = arith.constant 0 : i32
      %dma_start3A_81 = arith.constant 0 : i32
      %dma_start3A_82 = tpu.memref_slice %arg8[%dma_start3A_79, %dma_start3A_80, %dma_start3A_81] : memref<8x32x128xf32, #tpu.memory_space<vmem>> -> memref<1x32x128xf32, #tpu.memory_space<vmem>>
      %dma_start3A_83 = tpu.memref_squeeze %dma_start3A_82 : memref<1x32x128xf32, #tpu.memory_space<vmem>> -> memref<32x128xf32, #tpu.memory_space<vmem>>
      %dma_start3A_84 = arith.constant 0 : i32
      %dma_start3A_85 = tpu.memref_slice %arg6[%dma_start3A_78, %dma_start3A_84] : memref<16x32xi32, #tpu.memory_space<vmem>> -> memref<1x32xi32, #tpu.memory_space<vmem>>
      %dma_start3A_86 = tpu.memref_squeeze %dma_start3A_85 : memref<1x32xi32, #tpu.memory_space<vmem>> -> memref<32xi32, #tpu.memory_space<vmem>>
      %dma_start3A_87 = arith.constant 0 : i32
      %dma_start3A_88 = arith.constant 0 : i32
      %dma_start3A_89 = tpu.memref_slice %arg2[%dma_start3A_87, %dma_start3A_88] : memref<10240x128xf32, #tpu.memory_space<hbm>> -> memref<10240x128xf32, #tpu.memory_space<hbm>>
      tpu.enqueue_indirect_dma source(%dma_start3A_89 : memref<10240x128xf32, #tpu.memory_space<hbm>>) target(%dma_start3A_83 : memref<32x128xf32, #tpu.memory_space<vmem>>) offsets(%dma_start3A_86 : memref<32xi32, #tpu.memory_space<vmem>>) semaphore(%arg14 : memref<!tpu.dma_semaphore, #tpu.memory_space<semaphore_mem>>)
      %dma_start3A_90 = arith.constant 5 : i32
      %dma_start3A_91 = arith.constant 5 : i32
      %dma_start3A_92 = arith.constant 0 : i32
      %dma_start3A_93 = arith.constant 0 : i32
      %dma_start3A_94 = tpu.memref_slice %arg8[%dma_start3A_91, %dma_start3A_92, %dma_start3A_93] : memref<8x32x128xf32, #tpu.memory_space<vmem>> -> memref<1x32x128xf32, #tpu.memory_space<vmem>>
      %dma_start3A_95 = tpu.memref_squeeze %dma_start3A_94 : memref<1x32x128xf32, #tpu.memory_space<vmem>> -> memref<32x128xf32, #tpu.memory_space<vmem>>
      %dma_start3A_96 = arith.constant 0 : i32
      %dma_start3A_97 = tpu.memref_slice %arg6[%dma_start3A_90, %dma_start3A_96] : memref<16x32xi32, #tpu.memory_space<vmem>> -> memref<1x32xi32, #tpu.memory_space<vmem>>
      %dma_start3A_98 = tpu.memref_squeeze %dma_start3A_97 : memref<1x32xi32, #tpu.memory_space<vmem>> -> memref<32xi32, #tpu.memory_space<vmem>>
      %dma_start3A_99 = arith.constant 0 : i32
      %dma_start3A_100 = arith.constant 0 : i32
      %dma_start3A_101 = tpu.memref_slice %arg2[%dma_start3A_99, %dma_start3A_100] : memref<10240x128xf32, #tpu.memory_space<hbm>> -> memref<10240x128xf32, #tpu.memory_space<hbm>>
      tpu.enqueue_indirect_dma source(%dma_start3A_101 : memref<10240x128xf32, #tpu.memory_space<hbm>>) target(%dma_start3A_95 : memref<32x128xf32, #tpu.memory_space<vmem>>) offsets(%dma_start3A_98 : memref<32xi32, #tpu.memory_space<vmem>>) semaphore(%arg15 : memref<!tpu.dma_semaphore, #tpu.memory_space<semaphore_mem>>)
      %dma_start3A_102 = arith.constant 6 : i32
      %dma_start3A_103 = arith.constant 6 : i32
      %dma_start3A_104 = arith.constant 0 : i32
      %dma_start3A_105 = arith.constant 0 : i32
      %dma_start3A_106 = tpu.memref_slice %arg8[%dma_start3A_103, %dma_start3A_104, %dma_start3A_105] : memref<8x32x128xf32, #tpu.memory_space<vmem>> -> memref<1x32x128xf32, #tpu.memory_space<vmem>>
      %dma_start3A_107 = tpu.memref_squeeze %dma_start3A_106 : memref<1x32x128xf32, #tpu.memory_space<vmem>> -> memref<32x128xf32, #tpu.memory_space<vmem>>
      %dma_start3A_108 = arith.constant 0 : i32
      %dma_start3A_109 = tpu.memref_slice %arg6[%dma_start3A_102, %dma_start3A_108] : memref<16x32xi32, #tpu.memory_space<vmem>> -> memref<1x32xi32, #tpu.memory_space<vmem>>
      %dma_start3A_110 = tpu.memref_squeeze %dma_start3A_109 : memref<1x32xi32, #tpu.memory_space<vmem>> -> memref<32xi32, #tpu.memory_space<vmem>>
      %dma_start3A_111 = arith.constant 0 : i32
      %dma_start3A_112 = arith.constant 0 : i32
      %dma_start3A_113 = tpu.memref_slice %arg2[%dma_start3A_111, %dma_start3A_112] : memref<10240x128xf32, #tpu.memory_space<hbm>> -> memref<10240x128xf32, #tpu.memory_space<hbm>>
      tpu.enqueue_indirect_dma source(%dma_start3A_113 : memref<10240x128xf32, #tpu.memory_space<hbm>>) target(%dma_start3A_107 : memref<32x128xf32, #tpu.memory_space<vmem>>) offsets(%dma_start3A_110 : memref<32xi32, #tpu.memory_space<vmem>>) semaphore(%arg16 : memref<!tpu.dma_semaphore, #tpu.memory_space<semaphore_mem>>)
      %dma_start3A_114 = arith.constant 7 : i32
      %dma_start3A_115 = arith.constant 7 : i32
      %dma_start3A_116 = arith.constant 0 : i32
      %dma_start3A_117 = arith.constant 0 : i32
      %dma_start3A_118 = tpu.memref_slice %arg8[%dma_start3A_115, %dma_start3A_116, %dma_start3A_117] : memref<8x32x128xf32, #tpu.memory_space<vmem>> -> memref<1x32x128xf32, #tpu.memory_space<vmem>>
      %dma_start3A_119 = tpu.memref_squeeze %dma_start3A_118 : memref<1x32x128xf32, #tpu.memory_space<vmem>> -> memref<32x128xf32, #tpu.memory_space<vmem>>
      %dma_start3A_120 = arith.constant 0 : i32
      %dma_start3A_121 = tpu.memref_slice %arg6[%dma_start3A_114, %dma_start3A_120] : memref<16x32xi32, #tpu.memory_space<vmem>> -> memref<1x32xi32, #tpu.memory_space<vmem>>
      %dma_start3A_122 = tpu.memref_squeeze %dma_start3A_121 : memref<1x32xi32, #tpu.memory_space<vmem>> -> memref<32xi32, #tpu.memory_space<vmem>>
      %dma_start3A_123 = arith.constant 0 : i32
      %dma_start3A_124 = arith.constant 0 : i32
      %dma_start3A_125 = tpu.memref_slice %arg2[%dma_start3A_123, %dma_start3A_124] : memref<10240x128xf32, #tpu.memory_space<hbm>> -> memref<10240x128xf32, #tpu.memory_space<hbm>>
      tpu.enqueue_indirect_dma source(%dma_start3A_125 : memref<10240x128xf32, #tpu.memory_space<hbm>>) target(%dma_start3A_119 : memref<32x128xf32, #tpu.memory_space<vmem>>) offsets(%dma_start3A_122 : memref<32xi32, #tpu.memory_space<vmem>>) semaphore(%arg17 : memref<!tpu.dma_semaphore, #tpu.memory_space<semaphore_mem>>)
      %scan3A_126 = arith.constant 0 : i32
      %scan3A_127 = arith.constant 0 : i32
      %scan3A_128 = arith.constant 2 : i32
      %scan3A_129 = arith.addi %scan3A_127, %scan3A_128 : i32
      %scan3A_130 = arith.constant 1 : i32
      scf.for %scan3A_132 = %scan3A_127 to %scan3A_129 step %scan3A_130  : i32 {
        %mul3A_133 = arith.constant 8 : i32
        %mul3A_134 = arith.muli %scan3A_132, %mul3A_133 : i32
        %add3A_135 = arith.constant 0 : i32
        %add3A_136 = arith.addi %mul3A_134, %add3A_135 : i32
        %dma_wait3A = arith.constant 0 : i32
        %dma_wait3A_137 = arith.constant 0 : i32
        %dma_wait3A_138 = arith.constant 0 : i32
        %dma_wait3A_139 = tpu.memref_slice %arg8[%dma_wait3A, %dma_wait3A_137, %dma_wait3A_138] : memref<8x32x128xf32, #tpu.memory_space<vmem>> -> memref<1x32x128xf32, #tpu.memory_space<vmem>>
        %dma_wait3A_140 = tpu.memref_squeeze %dma_wait3A_139 : memref<1x32x128xf32, #tpu.memory_space<vmem>> -> memref<32x128xf32, #tpu.memory_space<vmem>>
        %dma_wait3A_141 = arith.constant 0 : i32
        %dma_wait3A_142 = tpu.memref_slice %arg6[%add3A_136, %dma_wait3A_141] : memref<16x32xi32, #tpu.memory_space<vmem>> -> memref<1x32xi32, #tpu.memory_space<vmem>>
        %dma_wait3A_143 = tpu.memref_squeeze %dma_wait3A_142 : memref<1x32xi32, #tpu.memory_space<vmem>> -> memref<32xi32, #tpu.memory_space<vmem>>
        %dma_wait3A_144 = arith.constant 0 : i32
        %dma_wait3A_145 = arith.constant 0 : i32
        %dma_wait3A_146 = tpu.memref_slice %arg2[%dma_wait3A_144, %dma_wait3A_145] : memref<10240x128xf32, #tpu.memory_space<hbm>> -> memref<10240x128xf32, #tpu.memory_space<hbm>>
        tpu.wait_indirect_dma semaphore(%arg10 : memref<!tpu.dma_semaphore, #tpu.memory_space<semaphore_mem>>) src(%dma_wait3A_146 : memref<10240x128xf32, #tpu.memory_space<hbm>>) dst(%dma_wait3A_140 : memref<32x128xf32, #tpu.memory_space<vmem>>)
        %run_scoped3A = arith.constant 0 : i32
        "tpu.region"() ({
          %run_scoped3A_312 = tpu.sem_alloc : memref<!tpu.dma_semaphore, #tpu.memory_space<semaphore_mem>>
          %dma_start3A_313 = arith.constant 0 : i32
          %dma_start3A_314 = arith.constant 0 : i32
          %dma_start3A_315 = tpu.memref_slice %arg8[%run_scoped3A, %dma_start3A_313, %dma_start3A_314] : memref<8x32x128xf32, #tpu.memory_space<vmem>> -> memref<1x32x128xf32, #tpu.memory_space<vmem>>
          %dma_start3A_316 = tpu.memref_squeeze %dma_start3A_315 : memref<1x32x128xf32, #tpu.memory_space<vmem>> -> memref<32x128xf32, #tpu.memory_space<vmem>>
          %dma_start3A_317 = arith.constant 0 : i32
          %dma_start3A_318 = tpu.memref_slice %arg7[%add3A_136, %dma_start3A_317] : memref<16x32xi32, #tpu.memory_space<vmem>> -> memref<1x32xi32, #tpu.memory_space<vmem>>
          %dma_start3A_319 = tpu.memref_squeeze %dma_start3A_318 : memref<1x32xi32, #tpu.memory_space<vmem>> -> memref<32xi32, #tpu.memory_space<vmem>>
          %dma_start3A_320 = arith.constant 0 : i32
          %dma_start3A_321 = arith.constant 0 : i32
          %dma_start3A_322 = tpu.memref_slice %arg9[%dma_start3A_320, %dma_start3A_321] : memref<10240x128xf32, #tpu.memory_space<vmem_shared>> -> memref<10240x128xf32, #tpu.memory_space<vmem_shared>>
          tpu.enqueue_indirect_dma source(%dma_start3A_316 : memref<32x128xf32, #tpu.memory_space<vmem>>) target(%dma_start3A_322 : memref<10240x128xf32, #tpu.memory_space<vmem_shared>>) offsets(%dma_start3A_319 : memref<32xi32, #tpu.memory_space<vmem>>) semaphore(%run_scoped3A_312 : memref<!tpu.dma_semaphore, #tpu.memory_space<semaphore_mem>>) {add = true}
          %dma_wait3A_323 = arith.constant 0 : i32
          %dma_wait3A_324 = arith.constant 0 : i32
          %dma_wait3A_325 = tpu.memref_slice %arg8[%run_scoped3A, %dma_wait3A_323, %dma_wait3A_324] : memref<8x32x128xf32, #tpu.memory_space<vmem>> -> memref<1x32x128xf32, #tpu.memory_space<vmem>>
          %dma_wait3A_326 = tpu.memref_squeeze %dma_wait3A_325 : memref<1x32x128xf32, #tpu.memory_space<vmem>> -> memref<32x128xf32, #tpu.memory_space<vmem>>
          %dma_wait3A_327 = arith.constant 0 : i32
          %dma_wait3A_328 = tpu.memref_slice %arg7[%add3A_136, %dma_wait3A_327] : memref<16x32xi32, #tpu.memory_space<vmem>> -> memref<1x32xi32, #tpu.memory_space<vmem>>
          %dma_wait3A_329 = tpu.memref_squeeze %dma_wait3A_328 : memref<1x32xi32, #tpu.memory_space<vmem>> -> memref<32xi32, #tpu.memory_space<vmem>>
          %dma_wait3A_330 = arith.constant 0 : i32
          %dma_wait3A_331 = arith.constant 0 : i32
          %dma_wait3A_332 = tpu.memref_slice %arg9[%dma_wait3A_330, %dma_wait3A_331] : memref<10240x128xf32, #tpu.memory_space<vmem_shared>> -> memref<10240x128xf32, #tpu.memory_space<vmem_shared>>
          tpu.wait_indirect_dma semaphore(%run_scoped3A_312 : memref<!tpu.dma_semaphore, #tpu.memory_space<semaphore_mem>>) src(%dma_wait3A_326 : memref<32x128xf32, #tpu.memory_space<vmem>>) dst(%dma_wait3A_332 : memref<10240x128xf32, #tpu.memory_space<vmem_shared>>)
          tpu.yield
        }) : () -> ()
        %add3A_147 = arith.constant 8 : i32
        %add3A_148 = arith.addi %add3A_136, %add3A_147 : i32
        %lt3A = arith.constant 16 : i32
        %lt3A_149 = arith.cmpi slt, %add3A_148, %lt3A : i32
        %convert_element_type3A = arith.extui %lt3A_149 : i1 to i32
        %cond3A = arith.constant 0 : i32
        %cond3A_150 = arith.cmpi ne, %convert_element_type3A, %cond3A : i32
        scf.if %cond3A_150 {
          %add3A_312 = arith.constant 8 : i32
          %add3A_313 = arith.addi %add3A_136, %add3A_312 : i32
          %dma_start3A_314 = arith.constant 0 : i32
          %dma_start3A_315 = arith.constant 0 : i32
          %dma_start3A_316 = arith.constant 0 : i32
          %dma_start3A_317 = tpu.memref_slice %arg8[%dma_start3A_314, %dma_start3A_315, %dma_start3A_316] : memref<8x32x128xf32, #tpu.memory_space<vmem>> -> memref<1x32x128xf32, #tpu.memory_space<vmem>>
          %dma_start3A_318 = tpu.memref_squeeze %dma_start3A_317 : memref<1x32x128xf32, #tpu.memory_space<vmem>> -> memref<32x128xf32, #tpu.memory_space<vmem>>
          %dma_start3A_319 = arith.constant 0 : i32
          %dma_start3A_320 = tpu.memref_slice %arg6[%add3A_313, %dma_start3A_319] : memref<16x32xi32, #tpu.memory_space<vmem>> -> memref<1x32xi32, #tpu.memory_space<vmem>>
          %dma_start3A_321 = tpu.memref_squeeze %dma_start3A_320 : memref<1x32xi32, #tpu.memory_space<vmem>> -> memref<32xi32, #tpu.memory_space<vmem>>
          %dma_start3A_322 = arith.constant 0 : i32
          %dma_start3A_323 = arith.constant 0 : i32
          %dma_start3A_324 = tpu.memref_slice %arg2[%dma_start3A_322, %dma_start3A_323] : memref<10240x128xf32, #tpu.memory_space<hbm>> -> memref<10240x128xf32, #tpu.memory_space<hbm>>
          tpu.enqueue_indirect_dma source(%dma_start3A_324 : memref<10240x128xf32, #tpu.memory_space<hbm>>) target(%dma_start3A_318 : memref<32x128xf32, #tpu.memory_space<vmem>>) offsets(%dma_start3A_321 : memref<32xi32, #tpu.memory_space<vmem>>) semaphore(%arg10 : memref<!tpu.dma_semaphore, #tpu.memory_space<semaphore_mem>>)
        } else {
        }
        %mul3A_151 = arith.constant 8 : i32
        %mul3A_152 = arith.muli %scan3A_132, %mul3A_151 : i32
        %add3A_153 = arith.constant 1 : i32
        %add3A_154 = arith.addi %mul3A_152, %add3A_153 : i32
        %dma_wait3A_155 = arith.constant 1 : i32
        %dma_wait3A_156 = arith.constant 0 : i32
        %dma_wait3A_157 = arith.constant 0 : i32
        %dma_wait3A_158 = tpu.memref_slice %arg8[%dma_wait3A_155, %dma_wait3A_156, %dma_wait3A_157] : memref<8x32x128xf32, #tpu.memory_space<vmem>> -> memref<1x32x128xf32, #tpu.memory_space<vmem>>
        %dma_wait3A_159 = tpu.memref_squeeze %dma_wait3A_158 : memref<1x32x128xf32, #tpu.memory_space<vmem>> -> memref<32x128xf32, #tpu.memory_space<vmem>>
        %dma_wait3A_160 = arith.constant 0 : i32
        %dma_wait3A_161 = tpu.memref_slice %arg6[%add3A_154, %dma_wait3A_160] : memref<16x32xi32, #tpu.memory_space<vmem>> -> memref<1x32xi32, #tpu.memory_space<vmem>>
        %dma_wait3A_162 = tpu.memref_squeeze %dma_wait3A_161 : memref<1x32xi32, #tpu.memory_space<vmem>> -> memref<32xi32, #tpu.memory_space<vmem>>
        %dma_wait3A_163 = arith.constant 0 : i32
        %dma_wait3A_164 = arith.constant 0 : i32
        %dma_wait3A_165 = tpu.memref_slice %arg2[%dma_wait3A_163, %dma_wait3A_164] : memref<10240x128xf32, #tpu.memory_space<hbm>> -> memref<10240x128xf32, #tpu.memory_space<hbm>>
        tpu.wait_indirect_dma semaphore(%arg11 : memref<!tpu.dma_semaphore, #tpu.memory_space<semaphore_mem>>) src(%dma_wait3A_165 : memref<10240x128xf32, #tpu.memory_space<hbm>>) dst(%dma_wait3A_159 : memref<32x128xf32, #tpu.memory_space<vmem>>)
        %run_scoped3A_166 = arith.constant 1 : i32
        "tpu.region"() ({
          %run_scoped3A_312 = tpu.sem_alloc : memref<!tpu.dma_semaphore, #tpu.memory_space<semaphore_mem>>
          %dma_start3A_313 = arith.constant 0 : i32
          %dma_start3A_314 = arith.constant 0 : i32
          %dma_start3A_315 = tpu.memref_slice %arg8[%run_scoped3A_166, %dma_start3A_313, %dma_start3A_314] : memref<8x32x128xf32, #tpu.memory_space<vmem>> -> memref<1x32x128xf32, #tpu.memory_space<vmem>>
          %dma_start3A_316 = tpu.memref_squeeze %dma_start3A_315 : memref<1x32x128xf32, #tpu.memory_space<vmem>> -> memref<32x128xf32, #tpu.memory_space<vmem>>
          %dma_start3A_317 = arith.constant 0 : i32
          %dma_start3A_318 = tpu.memref_slice %arg7[%add3A_154, %dma_start3A_317] : memref<16x32xi32, #tpu.memory_space<vmem>> -> memref<1x32xi32, #tpu.memory_space<vmem>>
          %dma_start3A_319 = tpu.memref_squeeze %dma_start3A_318 : memref<1x32xi32, #tpu.memory_space<vmem>> -> memref<32xi32, #tpu.memory_space<vmem>>
          %dma_start3A_320 = arith.constant 0 : i32
          %dma_start3A_321 = arith.constant 0 : i32
          %dma_start3A_322 = tpu.memref_slice %arg9[%dma_start3A_320, %dma_start3A_321] : memref<10240x128xf32, #tpu.memory_space<vmem_shared>> -> memref<10240x128xf32, #tpu.memory_space<vmem_shared>>
          tpu.enqueue_indirect_dma source(%dma_start3A_316 : memref<32x128xf32, #tpu.memory_space<vmem>>) target(%dma_start3A_322 : memref<10240x128xf32, #tpu.memory_space<vmem_shared>>) offsets(%dma_start3A_319 : memref<32xi32, #tpu.memory_space<vmem>>) semaphore(%run_scoped3A_312 : memref<!tpu.dma_semaphore, #tpu.memory_space<semaphore_mem>>) {add = true}
          %dma_wait3A_323 = arith.constant 0 : i32
          %dma_wait3A_324 = arith.constant 0 : i32
          %dma_wait3A_325 = tpu.memref_slice %arg8[%run_scoped3A_166, %dma_wait3A_323, %dma_wait3A_324] : memref<8x32x128xf32, #tpu.memory_space<vmem>> -> memref<1x32x128xf32, #tpu.memory_space<vmem>>
          %dma_wait3A_326 = tpu.memref_squeeze %dma_wait3A_325 : memref<1x32x128xf32, #tpu.memory_space<vmem>> -> memref<32x128xf32, #tpu.memory_space<vmem>>
          %dma_wait3A_327 = arith.constant 0 : i32
          %dma_wait3A_328 = tpu.memref_slice %arg7[%add3A_154, %dma_wait3A_327] : memref<16x32xi32, #tpu.memory_space<vmem>> -> memref<1x32xi32, #tpu.memory_space<vmem>>
          %dma_wait3A_329 = tpu.memref_squeeze %dma_wait3A_328 : memref<1x32xi32, #tpu.memory_space<vmem>> -> memref<32xi32, #tpu.memory_space<vmem>>
          %dma_wait3A_330 = arith.constant 0 : i32
          %dma_wait3A_331 = arith.constant 0 : i32
          %dma_wait3A_332 = tpu.memref_slice %arg9[%dma_wait3A_330, %dma_wait3A_331] : memref<10240x128xf32, #tpu.memory_space<vmem_shared>> -> memref<10240x128xf32, #tpu.memory_space<vmem_shared>>
          tpu.wait_indirect_dma semaphore(%run_scoped3A_312 : memref<!tpu.dma_semaphore, #tpu.memory_space<semaphore_mem>>) src(%dma_wait3A_326 : memref<32x128xf32, #tpu.memory_space<vmem>>) dst(%dma_wait3A_332 : memref<10240x128xf32, #tpu.memory_space<vmem_shared>>)
          tpu.yield
        }) : () -> ()
        %add3A_167 = arith.constant 8 : i32
        %add3A_168 = arith.addi %add3A_154, %add3A_167 : i32
        %lt3A_169 = arith.constant 16 : i32
        %lt3A_170 = arith.cmpi slt, %add3A_168, %lt3A_169 : i32
        %convert_element_type3A_171 = arith.extui %lt3A_170 : i1 to i32
        %cond3A_172 = arith.constant 0 : i32
        %cond3A_173 = arith.cmpi ne, %convert_element_type3A_171, %cond3A_172 : i32
        scf.if %cond3A_173 {
          %add3A_312 = arith.constant 8 : i32
          %add3A_313 = arith.addi %add3A_154, %add3A_312 : i32
          %dma_start3A_314 = arith.constant 1 : i32
          %dma_start3A_315 = arith.constant 0 : i32
          %dma_start3A_316 = arith.constant 0 : i32
          %dma_start3A_317 = tpu.memref_slice %arg8[%dma_start3A_314, %dma_start3A_315, %dma_start3A_316] : memref<8x32x128xf32, #tpu.memory_space<vmem>> -> memref<1x32x128xf32, #tpu.memory_space<vmem>>
          %dma_start3A_318 = tpu.memref_squeeze %dma_start3A_317 : memref<1x32x128xf32, #tpu.memory_space<vmem>> -> memref<32x128xf32, #tpu.memory_space<vmem>>
          %dma_start3A_319 = arith.constant 0 : i32
          %dma_start3A_320 = tpu.memref_slice %arg6[%add3A_313, %dma_start3A_319] : memref<16x32xi32, #tpu.memory_space<vmem>> -> memref<1x32xi32, #tpu.memory_space<vmem>>
          %dma_start3A_321 = tpu.memref_squeeze %dma_start3A_320 : memref<1x32xi32, #tpu.memory_space<vmem>> -> memref<32xi32, #tpu.memory_space<vmem>>
          %dma_start3A_322 = arith.constant 0 : i32
          %dma_start3A_323 = arith.constant 0 : i32
          %dma_start3A_324 = tpu.memref_slice %arg2[%dma_start3A_322, %dma_start3A_323] : memref<10240x128xf32, #tpu.memory_space<hbm>> -> memref<10240x128xf32, #tpu.memory_space<hbm>>
          tpu.enqueue_indirect_dma source(%dma_start3A_324 : memref<10240x128xf32, #tpu.memory_space<hbm>>) target(%dma_start3A_318 : memref<32x128xf32, #tpu.memory_space<vmem>>) offsets(%dma_start3A_321 : memref<32xi32, #tpu.memory_space<vmem>>) semaphore(%arg11 : memref<!tpu.dma_semaphore, #tpu.memory_space<semaphore_mem>>)
        } else {
        }
        %mul3A_174 = arith.constant 8 : i32
        %mul3A_175 = arith.muli %scan3A_132, %mul3A_174 : i32
        %add3A_176 = arith.constant 2 : i32
        %add3A_177 = arith.addi %mul3A_175, %add3A_176 : i32
        %dma_wait3A_178 = arith.constant 2 : i32
        %dma_wait3A_179 = arith.constant 0 : i32
        %dma_wait3A_180 = arith.constant 0 : i32
        %dma_wait3A_181 = tpu.memref_slice %arg8[%dma_wait3A_178, %dma_wait3A_179, %dma_wait3A_180] : memref<8x32x128xf32, #tpu.memory_space<vmem>> -> memref<1x32x128xf32, #tpu.memory_space<vmem>>
        %dma_wait3A_182 = tpu.memref_squeeze %dma_wait3A_181 : memref<1x32x128xf32, #tpu.memory_space<vmem>> -> memref<32x128xf32, #tpu.memory_space<vmem>>
        %dma_wait3A_183 = arith.constant 0 : i32
        %dma_wait3A_184 = tpu.memref_slice %arg6[%add3A_177, %dma_wait3A_183] : memref<16x32xi32, #tpu.memory_space<vmem>> -> memref<1x32xi32, #tpu.memory_space<vmem>>
        %dma_wait3A_185 = tpu.memref_squeeze %dma_wait3A_184 : memref<1x32xi32, #tpu.memory_space<vmem>> -> memref<32xi32, #tpu.memory_space<vmem>>
        %dma_wait3A_186 = arith.constant 0 : i32
        %dma_wait3A_187 = arith.constant 0 : i32
        %dma_wait3A_188 = tpu.memref_slice %arg2[%dma_wait3A_186, %dma_wait3A_187] : memref<10240x128xf32, #tpu.memory_space<hbm>> -> memref<10240x128xf32, #tpu.memory_space<hbm>>
        tpu.wait_indirect_dma semaphore(%arg12 : memref<!tpu.dma_semaphore, #tpu.memory_space<semaphore_mem>>) src(%dma_wait3A_188 : memref<10240x128xf32, #tpu.memory_space<hbm>>) dst(%dma_wait3A_182 : memref<32x128xf32, #tpu.memory_space<vmem>>)
        %run_scoped3A_189 = arith.constant 2 : i32
        "tpu.region"() ({
          %run_scoped3A_312 = tpu.sem_alloc : memref<!tpu.dma_semaphore, #tpu.memory_space<semaphore_mem>>
          %dma_start3A_313 = arith.constant 0 : i32
          %dma_start3A_314 = arith.constant 0 : i32
          %dma_start3A_315 = tpu.memref_slice %arg8[%run_scoped3A_189, %dma_start3A_313, %dma_start3A_314] : memref<8x32x128xf32, #tpu.memory_space<vmem>> -> memref<1x32x128xf32, #tpu.memory_space<vmem>>
          %dma_start3A_316 = tpu.memref_squeeze %dma_start3A_315 : memref<1x32x128xf32, #tpu.memory_space<vmem>> -> memref<32x128xf32, #tpu.memory_space<vmem>>
          %dma_start3A_317 = arith.constant 0 : i32
          %dma_start3A_318 = tpu.memref_slice %arg7[%add3A_177, %dma_start3A_317] : memref<16x32xi32, #tpu.memory_space<vmem>> -> memref<1x32xi32, #tpu.memory_space<vmem>>
          %dma_start3A_319 = tpu.memref_squeeze %dma_start3A_318 : memref<1x32xi32, #tpu.memory_space<vmem>> -> memref<32xi32, #tpu.memory_space<vmem>>
          %dma_start3A_320 = arith.constant 0 : i32
          %dma_start3A_321 = arith.constant 0 : i32
          %dma_start3A_322 = tpu.memref_slice %arg9[%dma_start3A_320, %dma_start3A_321] : memref<10240x128xf32, #tpu.memory_space<vmem_shared>> -> memref<10240x128xf32, #tpu.memory_space<vmem_shared>>
          tpu.enqueue_indirect_dma source(%dma_start3A_316 : memref<32x128xf32, #tpu.memory_space<vmem>>) target(%dma_start3A_322 : memref<10240x128xf32, #tpu.memory_space<vmem_shared>>) offsets(%dma_start3A_319 : memref<32xi32, #tpu.memory_space<vmem>>) semaphore(%run_scoped3A_312 : memref<!tpu.dma_semaphore, #tpu.memory_space<semaphore_mem>>) {add = true}
          %dma_wait3A_323 = arith.constant 0 : i32
          %dma_wait3A_324 = arith.constant 0 : i32
          %dma_wait3A_325 = tpu.memref_slice %arg8[%run_scoped3A_189, %dma_wait3A_323, %dma_wait3A_324] : memref<8x32x128xf32, #tpu.memory_space<vmem>> -> memref<1x32x128xf32, #tpu.memory_space<vmem>>
          %dma_wait3A_326 = tpu.memref_squeeze %dma_wait3A_325 : memref<1x32x128xf32, #tpu.memory_space<vmem>> -> memref<32x128xf32, #tpu.memory_space<vmem>>
          %dma_wait3A_327 = arith.constant 0 : i32
          %dma_wait3A_328 = tpu.memref_slice %arg7[%add3A_177, %dma_wait3A_327] : memref<16x32xi32, #tpu.memory_space<vmem>> -> memref<1x32xi32, #tpu.memory_space<vmem>>
          %dma_wait3A_329 = tpu.memref_squeeze %dma_wait3A_328 : memref<1x32xi32, #tpu.memory_space<vmem>> -> memref<32xi32, #tpu.memory_space<vmem>>
          %dma_wait3A_330 = arith.constant 0 : i32
          %dma_wait3A_331 = arith.constant 0 : i32
          %dma_wait3A_332 = tpu.memref_slice %arg9[%dma_wait3A_330, %dma_wait3A_331] : memref<10240x128xf32, #tpu.memory_space<vmem_shared>> -> memref<10240x128xf32, #tpu.memory_space<vmem_shared>>
          tpu.wait_indirect_dma semaphore(%run_scoped3A_312 : memref<!tpu.dma_semaphore, #tpu.memory_space<semaphore_mem>>) src(%dma_wait3A_326 : memref<32x128xf32, #tpu.memory_space<vmem>>) dst(%dma_wait3A_332 : memref<10240x128xf32, #tpu.memory_space<vmem_shared>>)
          tpu.yield
        }) : () -> ()
        %add3A_190 = arith.constant 8 : i32
        %add3A_191 = arith.addi %add3A_177, %add3A_190 : i32
        %lt3A_192 = arith.constant 16 : i32
        %lt3A_193 = arith.cmpi slt, %add3A_191, %lt3A_192 : i32
        %convert_element_type3A_194 = arith.extui %lt3A_193 : i1 to i32
        %cond3A_195 = arith.constant 0 : i32
        %cond3A_196 = arith.cmpi ne, %convert_element_type3A_194, %cond3A_195 : i32
        scf.if %cond3A_196 {
          %add3A_312 = arith.constant 8 : i32
          %add3A_313 = arith.addi %add3A_177, %add3A_312 : i32
          %dma_start3A_314 = arith.constant 2 : i32
          %dma_start3A_315 = arith.constant 0 : i32
          %dma_start3A_316 = arith.constant 0 : i32
          %dma_start3A_317 = tpu.memref_slice %arg8[%dma_start3A_314, %dma_start3A_315, %dma_start3A_316] : memref<8x32x128xf32, #tpu.memory_space<vmem>> -> memref<1x32x128xf32, #tpu.memory_space<vmem>>
          %dma_start3A_318 = tpu.memref_squeeze %dma_start3A_317 : memref<1x32x128xf32, #tpu.memory_space<vmem>> -> memref<32x128xf32, #tpu.memory_space<vmem>>
          %dma_start3A_319 = arith.constant 0 : i32
          %dma_start3A_320 = tpu.memref_slice %arg6[%add3A_313, %dma_start3A_319] : memref<16x32xi32, #tpu.memory_space<vmem>> -> memref<1x32xi32, #tpu.memory_space<vmem>>
          %dma_start3A_321 = tpu.memref_squeeze %dma_start3A_320 : memref<1x32xi32, #tpu.memory_space<vmem>> -> memref<32xi32, #tpu.memory_space<vmem>>
          %dma_start3A_322 = arith.constant 0 : i32
          %dma_start3A_323 = arith.constant 0 : i32
          %dma_start3A_324 = tpu.memref_slice %arg2[%dma_start3A_322, %dma_start3A_323] : memref<10240x128xf32, #tpu.memory_space<hbm>> -> memref<10240x128xf32, #tpu.memory_space<hbm>>
          tpu.enqueue_indirect_dma source(%dma_start3A_324 : memref<10240x128xf32, #tpu.memory_space<hbm>>) target(%dma_start3A_318 : memref<32x128xf32, #tpu.memory_space<vmem>>) offsets(%dma_start3A_321 : memref<32xi32, #tpu.memory_space<vmem>>) semaphore(%arg12 : memref<!tpu.dma_semaphore, #tpu.memory_space<semaphore_mem>>)
        } else {
        }
        %mul3A_197 = arith.constant 8 : i32
        %mul3A_198 = arith.muli %scan3A_132, %mul3A_197 : i32
        %add3A_199 = arith.constant 3 : i32
        %add3A_200 = arith.addi %mul3A_198, %add3A_199 : i32
        %dma_wait3A_201 = arith.constant 3 : i32
        %dma_wait3A_202 = arith.constant 0 : i32
        %dma_wait3A_203 = arith.constant 0 : i32
        %dma_wait3A_204 = tpu.memref_slice %arg8[%dma_wait3A_201, %dma_wait3A_202, %dma_wait3A_203] : memref<8x32x128xf32, #tpu.memory_space<vmem>> -> memref<1x32x128xf32, #tpu.memory_space<vmem>>
        %dma_wait3A_205 = tpu.memref_squeeze %dma_wait3A_204 : memref<1x32x128xf32, #tpu.memory_space<vmem>> -> memref<32x128xf32, #tpu.memory_space<vmem>>
        %dma_wait3A_206 = arith.constant 0 : i32
        %dma_wait3A_207 = tpu.memref_slice %arg6[%add3A_200, %dma_wait3A_206] : memref<16x32xi32, #tpu.memory_space<vmem>> -> memref<1x32xi32, #tpu.memory_space<vmem>>
        %dma_wait3A_208 = tpu.memref_squeeze %dma_wait3A_207 : memref<1x32xi32, #tpu.memory_space<vmem>> -> memref<32xi32, #tpu.memory_space<vmem>>
        %dma_wait3A_209 = arith.constant 0 : i32
        %dma_wait3A_210 = arith.constant 0 : i32
        %dma_wait3A_211 = tpu.memref_slice %arg2[%dma_wait3A_209, %dma_wait3A_210] : memref<10240x128xf32, #tpu.memory_space<hbm>> -> memref<10240x128xf32, #tpu.memory_space<hbm>>
        tpu.wait_indirect_dma semaphore(%arg13 : memref<!tpu.dma_semaphore, #tpu.memory_space<semaphore_mem>>) src(%dma_wait3A_211 : memref<10240x128xf32, #tpu.memory_space<hbm>>) dst(%dma_wait3A_205 : memref<32x128xf32, #tpu.memory_space<vmem>>)
        %run_scoped3A_212 = arith.constant 3 : i32
        "tpu.region"() ({
          %run_scoped3A_312 = tpu.sem_alloc : memref<!tpu.dma_semaphore, #tpu.memory_space<semaphore_mem>>
          %dma_start3A_313 = arith.constant 0 : i32
          %dma_start3A_314 = arith.constant 0 : i32
          %dma_start3A_315 = tpu.memref_slice %arg8[%run_scoped3A_212, %dma_start3A_313, %dma_start3A_314] : memref<8x32x128xf32, #tpu.memory_space<vmem>> -> memref<1x32x128xf32, #tpu.memory_space<vmem>>
          %dma_start3A_316 = tpu.memref_squeeze %dma_start3A_315 : memref<1x32x128xf32, #tpu.memory_space<vmem>> -> memref<32x128xf32, #tpu.memory_space<vmem>>
          %dma_start3A_317 = arith.constant 0 : i32
          %dma_start3A_318 = tpu.memref_slice %arg7[%add3A_200, %dma_start3A_317] : memref<16x32xi32, #tpu.memory_space<vmem>> -> memref<1x32xi32, #tpu.memory_space<vmem>>
          %dma_start3A_319 = tpu.memref_squeeze %dma_start3A_318 : memref<1x32xi32, #tpu.memory_space<vmem>> -> memref<32xi32, #tpu.memory_space<vmem>>
          %dma_start3A_320 = arith.constant 0 : i32
          %dma_start3A_321 = arith.constant 0 : i32
          %dma_start3A_322 = tpu.memref_slice %arg9[%dma_start3A_320, %dma_start3A_321] : memref<10240x128xf32, #tpu.memory_space<vmem_shared>> -> memref<10240x128xf32, #tpu.memory_space<vmem_shared>>
          tpu.enqueue_indirect_dma source(%dma_start3A_316 : memref<32x128xf32, #tpu.memory_space<vmem>>) target(%dma_start3A_322 : memref<10240x128xf32, #tpu.memory_space<vmem_shared>>) offsets(%dma_start3A_319 : memref<32xi32, #tpu.memory_space<vmem>>) semaphore(%run_scoped3A_312 : memref<!tpu.dma_semaphore, #tpu.memory_space<semaphore_mem>>) {add = true}
          %dma_wait3A_323 = arith.constant 0 : i32
          %dma_wait3A_324 = arith.constant 0 : i32
          %dma_wait3A_325 = tpu.memref_slice %arg8[%run_scoped3A_212, %dma_wait3A_323, %dma_wait3A_324] : memref<8x32x128xf32, #tpu.memory_space<vmem>> -> memref<1x32x128xf32, #tpu.memory_space<vmem>>
          %dma_wait3A_326 = tpu.memref_squeeze %dma_wait3A_325 : memref<1x32x128xf32, #tpu.memory_space<vmem>> -> memref<32x128xf32, #tpu.memory_space<vmem>>
          %dma_wait3A_327 = arith.constant 0 : i32
          %dma_wait3A_328 = tpu.memref_slice %arg7[%add3A_200, %dma_wait3A_327] : memref<16x32xi32, #tpu.memory_space<vmem>> -> memref<1x32xi32, #tpu.memory_space<vmem>>
          %dma_wait3A_329 = tpu.memref_squeeze %dma_wait3A_328 : memref<1x32xi32, #tpu.memory_space<vmem>> -> memref<32xi32, #tpu.memory_space<vmem>>
          %dma_wait3A_330 = arith.constant 0 : i32
          %dma_wait3A_331 = arith.constant 0 : i32
          %dma_wait3A_332 = tpu.memref_slice %arg9[%dma_wait3A_330, %dma_wait3A_331] : memref<10240x128xf32, #tpu.memory_space<vmem_shared>> -> memref<10240x128xf32, #tpu.memory_space<vmem_shared>>
          tpu.wait_indirect_dma semaphore(%run_scoped3A_312 : memref<!tpu.dma_semaphore, #tpu.memory_space<semaphore_mem>>) src(%dma_wait3A_326 : memref<32x128xf32, #tpu.memory_space<vmem>>) dst(%dma_wait3A_332 : memref<10240x128xf32, #tpu.memory_space<vmem_shared>>)
          tpu.yield
        }) : () -> ()
        %add3A_213 = arith.constant 8 : i32
        %add3A_214 = arith.addi %add3A_200, %add3A_213 : i32
        %lt3A_215 = arith.constant 16 : i32
        %lt3A_216 = arith.cmpi slt, %add3A_214, %lt3A_215 : i32
        %convert_element_type3A_217 = arith.extui %lt3A_216 : i1 to i32
        %cond3A_218 = arith.constant 0 : i32
        %cond3A_219 = arith.cmpi ne, %convert_element_type3A_217, %cond3A_218 : i32
        scf.if %cond3A_219 {
          %add3A_312 = arith.constant 8 : i32
          %add3A_313 = arith.addi %add3A_200, %add3A_312 : i32
          %dma_start3A_314 = arith.constant 3 : i32
          %dma_start3A_315 = arith.constant 0 : i32
          %dma_start3A_316 = arith.constant 0 : i32
          %dma_start3A_317 = tpu.memref_slice %arg8[%dma_start3A_314, %dma_start3A_315, %dma_start3A_316] : memref<8x32x128xf32, #tpu.memory_space<vmem>> -> memref<1x32x128xf32, #tpu.memory_space<vmem>>
          %dma_start3A_318 = tpu.memref_squeeze %dma_start3A_317 : memref<1x32x128xf32, #tpu.memory_space<vmem>> -> memref<32x128xf32, #tpu.memory_space<vmem>>
          %dma_start3A_319 = arith.constant 0 : i32
          %dma_start3A_320 = tpu.memref_slice %arg6[%add3A_313, %dma_start3A_319] : memref<16x32xi32, #tpu.memory_space<vmem>> -> memref<1x32xi32, #tpu.memory_space<vmem>>
          %dma_start3A_321 = tpu.memref_squeeze %dma_start3A_320 : memref<1x32xi32, #tpu.memory_space<vmem>> -> memref<32xi32, #tpu.memory_space<vmem>>
          %dma_start3A_322 = arith.constant 0 : i32
          %dma_start3A_323 = arith.constant 0 : i32
          %dma_start3A_324 = tpu.memref_slice %arg2[%dma_start3A_322, %dma_start3A_323] : memref<10240x128xf32, #tpu.memory_space<hbm>> -> memref<10240x128xf32, #tpu.memory_space<hbm>>
          tpu.enqueue_indirect_dma source(%dma_start3A_324 : memref<10240x128xf32, #tpu.memory_space<hbm>>) target(%dma_start3A_318 : memref<32x128xf32, #tpu.memory_space<vmem>>) offsets(%dma_start3A_321 : memref<32xi32, #tpu.memory_space<vmem>>) semaphore(%arg13 : memref<!tpu.dma_semaphore, #tpu.memory_space<semaphore_mem>>)
        } else {
        }
        %mul3A_220 = arith.constant 8 : i32
        %mul3A_221 = arith.muli %scan3A_132, %mul3A_220 : i32
        %add3A_222 = arith.constant 4 : i32
        %add3A_223 = arith.addi %mul3A_221, %add3A_222 : i32
        %dma_wait3A_224 = arith.constant 4 : i32
        %dma_wait3A_225 = arith.constant 0 : i32
        %dma_wait3A_226 = arith.constant 0 : i32
        %dma_wait3A_227 = tpu.memref_slice %arg8[%dma_wait3A_224, %dma_wait3A_225, %dma_wait3A_226] : memref<8x32x128xf32, #tpu.memory_space<vmem>> -> memref<1x32x128xf32, #tpu.memory_space<vmem>>
        %dma_wait3A_228 = tpu.memref_squeeze %dma_wait3A_227 : memref<1x32x128xf32, #tpu.memory_space<vmem>> -> memref<32x128xf32, #tpu.memory_space<vmem>>
        %dma_wait3A_229 = arith.constant 0 : i32
        %dma_wait3A_230 = tpu.memref_slice %arg6[%add3A_223, %dma_wait3A_229] : memref<16x32xi32, #tpu.memory_space<vmem>> -> memref<1x32xi32, #tpu.memory_space<vmem>>
        %dma_wait3A_231 = tpu.memref_squeeze %dma_wait3A_230 : memref<1x32xi32, #tpu.memory_space<vmem>> -> memref<32xi32, #tpu.memory_space<vmem>>
        %dma_wait3A_232 = arith.constant 0 : i32
        %dma_wait3A_233 = arith.constant 0 : i32
        %dma_wait3A_234 = tpu.memref_slice %arg2[%dma_wait3A_232, %dma_wait3A_233] : memref<10240x128xf32, #tpu.memory_space<hbm>> -> memref<10240x128xf32, #tpu.memory_space<hbm>>
        tpu.wait_indirect_dma semaphore(%arg14 : memref<!tpu.dma_semaphore, #tpu.memory_space<semaphore_mem>>) src(%dma_wait3A_234 : memref<10240x128xf32, #tpu.memory_space<hbm>>) dst(%dma_wait3A_228 : memref<32x128xf32, #tpu.memory_space<vmem>>)
        %run_scoped3A_235 = arith.constant 4 : i32
        "tpu.region"() ({
          %run_scoped3A_312 = tpu.sem_alloc : memref<!tpu.dma_semaphore, #tpu.memory_space<semaphore_mem>>
          %dma_start3A_313 = arith.constant 0 : i32
          %dma_start3A_314 = arith.constant 0 : i32
          %dma_start3A_315 = tpu.memref_slice %arg8[%run_scoped3A_235, %dma_start3A_313, %dma_start3A_314] : memref<8x32x128xf32, #tpu.memory_space<vmem>> -> memref<1x32x128xf32, #tpu.memory_space<vmem>>
          %dma_start3A_316 = tpu.memref_squeeze %dma_start3A_315 : memref<1x32x128xf32, #tpu.memory_space<vmem>> -> memref<32x128xf32, #tpu.memory_space<vmem>>
          %dma_start3A_317 = arith.constant 0 : i32
          %dma_start3A_318 = tpu.memref_slice %arg7[%add3A_223, %dma_start3A_317] : memref<16x32xi32, #tpu.memory_space<vmem>> -> memref<1x32xi32, #tpu.memory_space<vmem>>
          %dma_start3A_319 = tpu.memref_squeeze %dma_start3A_318 : memref<1x32xi32, #tpu.memory_space<vmem>> -> memref<32xi32, #tpu.memory_space<vmem>>
          %dma_start3A_320 = arith.constant 0 : i32
          %dma_start3A_321 = arith.constant 0 : i32
          %dma_start3A_322 = tpu.memref_slice %arg9[%dma_start3A_320, %dma_start3A_321] : memref<10240x128xf32, #tpu.memory_space<vmem_shared>> -> memref<10240x128xf32, #tpu.memory_space<vmem_shared>>
          tpu.enqueue_indirect_dma source(%dma_start3A_316 : memref<32x128xf32, #tpu.memory_space<vmem>>) target(%dma_start3A_322 : memref<10240x128xf32, #tpu.memory_space<vmem_shared>>) offsets(%dma_start3A_319 : memref<32xi32, #tpu.memory_space<vmem>>) semaphore(%run_scoped3A_312 : memref<!tpu.dma_semaphore, #tpu.memory_space<semaphore_mem>>) {add = true}
          %dma_wait3A_323 = arith.constant 0 : i32
          %dma_wait3A_324 = arith.constant 0 : i32
          %dma_wait3A_325 = tpu.memref_slice %arg8[%run_scoped3A_235, %dma_wait3A_323, %dma_wait3A_324] : memref<8x32x128xf32, #tpu.memory_space<vmem>> -> memref<1x32x128xf32, #tpu.memory_space<vmem>>
          %dma_wait3A_326 = tpu.memref_squeeze %dma_wait3A_325 : memref<1x32x128xf32, #tpu.memory_space<vmem>> -> memref<32x128xf32, #tpu.memory_space<vmem>>
          %dma_wait3A_327 = arith.constant 0 : i32
          %dma_wait3A_328 = tpu.memref_slice %arg7[%add3A_223, %dma_wait3A_327] : memref<16x32xi32, #tpu.memory_space<vmem>> -> memref<1x32xi32, #tpu.memory_space<vmem>>
          %dma_wait3A_329 = tpu.memref_squeeze %dma_wait3A_328 : memref<1x32xi32, #tpu.memory_space<vmem>> -> memref<32xi32, #tpu.memory_space<vmem>>
          %dma_wait3A_330 = arith.constant 0 : i32
          %dma_wait3A_331 = arith.constant 0 : i32
          %dma_wait3A_332 = tpu.memref_slice %arg9[%dma_wait3A_330, %dma_wait3A_331] : memref<10240x128xf32, #tpu.memory_space<vmem_shared>> -> memref<10240x128xf32, #tpu.memory_space<vmem_shared>>
          tpu.wait_indirect_dma semaphore(%run_scoped3A_312 : memref<!tpu.dma_semaphore, #tpu.memory_space<semaphore_mem>>) src(%dma_wait3A_326 : memref<32x128xf32, #tpu.memory_space<vmem>>) dst(%dma_wait3A_332 : memref<10240x128xf32, #tpu.memory_space<vmem_shared>>)
          tpu.yield
        }) : () -> ()
        %add3A_236 = arith.constant 8 : i32
        %add3A_237 = arith.addi %add3A_223, %add3A_236 : i32
        %lt3A_238 = arith.constant 16 : i32
        %lt3A_239 = arith.cmpi slt, %add3A_237, %lt3A_238 : i32
        %convert_element_type3A_240 = arith.extui %lt3A_239 : i1 to i32
        %cond3A_241 = arith.constant 0 : i32
        %cond3A_242 = arith.cmpi ne, %convert_element_type3A_240, %cond3A_241 : i32
        scf.if %cond3A_242 {
          %add3A_312 = arith.constant 8 : i32
          %add3A_313 = arith.addi %add3A_223, %add3A_312 : i32
          %dma_start3A_314 = arith.constant 4 : i32
          %dma_start3A_315 = arith.constant 0 : i32
          %dma_start3A_316 = arith.constant 0 : i32
          %dma_start3A_317 = tpu.memref_slice %arg8[%dma_start3A_314, %dma_start3A_315, %dma_start3A_316] : memref<8x32x128xf32, #tpu.memory_space<vmem>> -> memref<1x32x128xf32, #tpu.memory_space<vmem>>
          %dma_start3A_318 = tpu.memref_squeeze %dma_start3A_317 : memref<1x32x128xf32, #tpu.memory_space<vmem>> -> memref<32x128xf32, #tpu.memory_space<vmem>>
          %dma_start3A_319 = arith.constant 0 : i32
          %dma_start3A_320 = tpu.memref_slice %arg6[%add3A_313, %dma_start3A_319] : memref<16x32xi32, #tpu.memory_space<vmem>> -> memref<1x32xi32, #tpu.memory_space<vmem>>
          %dma_start3A_321 = tpu.memref_squeeze %dma_start3A_320 : memref<1x32xi32, #tpu.memory_space<vmem>> -> memref<32xi32, #tpu.memory_space<vmem>>
          %dma_start3A_322 = arith.constant 0 : i32
          %dma_start3A_323 = arith.constant 0 : i32
          %dma_start3A_324 = tpu.memref_slice %arg2[%dma_start3A_322, %dma_start3A_323] : memref<10240x128xf32, #tpu.memory_space<hbm>> -> memref<10240x128xf32, #tpu.memory_space<hbm>>
          tpu.enqueue_indirect_dma source(%dma_start3A_324 : memref<10240x128xf32, #tpu.memory_space<hbm>>) target(%dma_start3A_318 : memref<32x128xf32, #tpu.memory_space<vmem>>) offsets(%dma_start3A_321 : memref<32xi32, #tpu.memory_space<vmem>>) semaphore(%arg14 : memref<!tpu.dma_semaphore, #tpu.memory_space<semaphore_mem>>)
        } else {
        }
        %mul3A_243 = arith.constant 8 : i32
        %mul3A_244 = arith.muli %scan3A_132, %mul3A_243 : i32
        %add3A_245 = arith.constant 5 : i32
        %add3A_246 = arith.addi %mul3A_244, %add3A_245 : i32
        %dma_wait3A_247 = arith.constant 5 : i32
        %dma_wait3A_248 = arith.constant 0 : i32
        %dma_wait3A_249 = arith.constant 0 : i32
        %dma_wait3A_250 = tpu.memref_slice %arg8[%dma_wait3A_247, %dma_wait3A_248, %dma_wait3A_249] : memref<8x32x128xf32, #tpu.memory_space<vmem>> -> memref<1x32x128xf32, #tpu.memory_space<vmem>>
        %dma_wait3A_251 = tpu.memref_squeeze %dma_wait3A_250 : memref<1x32x128xf32, #tpu.memory_space<vmem>> -> memref<32x128xf32, #tpu.memory_space<vmem>>
        %dma_wait3A_252 = arith.constant 0 : i32
        %dma_wait3A_253 = tpu.memref_slice %arg6[%add3A_246, %dma_wait3A_252] : memref<16x32xi32, #tpu.memory_space<vmem>> -> memref<1x32xi32, #tpu.memory_space<vmem>>
        %dma_wait3A_254 = tpu.memref_squeeze %dma_wait3A_253 : memref<1x32xi32, #tpu.memory_space<vmem>> -> memref<32xi32, #tpu.memory_space<vmem>>
        %dma_wait3A_255 = arith.constant 0 : i32
        %dma_wait3A_256 = arith.constant 0 : i32
        %dma_wait3A_257 = tpu.memref_slice %arg2[%dma_wait3A_255, %dma_wait3A_256] : memref<10240x128xf32, #tpu.memory_space<hbm>> -> memref<10240x128xf32, #tpu.memory_space<hbm>>
        tpu.wait_indirect_dma semaphore(%arg15 : memref<!tpu.dma_semaphore, #tpu.memory_space<semaphore_mem>>) src(%dma_wait3A_257 : memref<10240x128xf32, #tpu.memory_space<hbm>>) dst(%dma_wait3A_251 : memref<32x128xf32, #tpu.memory_space<vmem>>)
        %run_scoped3A_258 = arith.constant 5 : i32
        "tpu.region"() ({
          %run_scoped3A_312 = tpu.sem_alloc : memref<!tpu.dma_semaphore, #tpu.memory_space<semaphore_mem>>
          %dma_start3A_313 = arith.constant 0 : i32
          %dma_start3A_314 = arith.constant 0 : i32
          %dma_start3A_315 = tpu.memref_slice %arg8[%run_scoped3A_258, %dma_start3A_313, %dma_start3A_314] : memref<8x32x128xf32, #tpu.memory_space<vmem>> -> memref<1x32x128xf32, #tpu.memory_space<vmem>>
          %dma_start3A_316 = tpu.memref_squeeze %dma_start3A_315 : memref<1x32x128xf32, #tpu.memory_space<vmem>> -> memref<32x128xf32, #tpu.memory_space<vmem>>
          %dma_start3A_317 = arith.constant 0 : i32
          %dma_start3A_318 = tpu.memref_slice %arg7[%add3A_246, %dma_start3A_317] : memref<16x32xi32, #tpu.memory_space<vmem>> -> memref<1x32xi32, #tpu.memory_space<vmem>>
          %dma_start3A_319 = tpu.memref_squeeze %dma_start3A_318 : memref<1x32xi32, #tpu.memory_space<vmem>> -> memref<32xi32, #tpu.memory_space<vmem>>
          %dma_start3A_320 = arith.constant 0 : i32
          %dma_start3A_321 = arith.constant 0 : i32
          %dma_start3A_322 = tpu.memref_slice %arg9[%dma_start3A_320, %dma_start3A_321] : memref<10240x128xf32, #tpu.memory_space<vmem_shared>> -> memref<10240x128xf32, #tpu.memory_space<vmem_shared>>
          tpu.enqueue_indirect_dma source(%dma_start3A_316 : memref<32x128xf32, #tpu.memory_space<vmem>>) target(%dma_start3A_322 : memref<10240x128xf32, #tpu.memory_space<vmem_shared>>) offsets(%dma_start3A_319 : memref<32xi32, #tpu.memory_space<vmem>>) semaphore(%run_scoped3A_312 : memref<!tpu.dma_semaphore, #tpu.memory_space<semaphore_mem>>) {add = true}
          %dma_wait3A_323 = arith.constant 0 : i32
          %dma_wait3A_324 = arith.constant 0 : i32
          %dma_wait3A_325 = tpu.memref_slice %arg8[%run_scoped3A_258, %dma_wait3A_323, %dma_wait3A_324] : memref<8x32x128xf32, #tpu.memory_space<vmem>> -> memref<1x32x128xf32, #tpu.memory_space<vmem>>
          %dma_wait3A_326 = tpu.memref_squeeze %dma_wait3A_325 : memref<1x32x128xf32, #tpu.memory_space<vmem>> -> memref<32x128xf32, #tpu.memory_space<vmem>>
          %dma_wait3A_327 = arith.constant 0 : i32
          %dma_wait3A_328 = tpu.memref_slice %arg7[%add3A_246, %dma_wait3A_327] : memref<16x32xi32, #tpu.memory_space<vmem>> -> memref<1x32xi32, #tpu.memory_space<vmem>>
          %dma_wait3A_329 = tpu.memref_squeeze %dma_wait3A_328 : memref<1x32xi32, #tpu.memory_space<vmem>> -> memref<32xi32, #tpu.memory_space<vmem>>
          %dma_wait3A_330 = arith.constant 0 : i32
          %dma_wait3A_331 = arith.constant 0 : i32
          %dma_wait3A_332 = tpu.memref_slice %arg9[%dma_wait3A_330, %dma_wait3A_331] : memref<10240x128xf32, #tpu.memory_space<vmem_shared>> -> memref<10240x128xf32, #tpu.memory_space<vmem_shared>>
          tpu.wait_indirect_dma semaphore(%run_scoped3A_312 : memref<!tpu.dma_semaphore, #tpu.memory_space<semaphore_mem>>) src(%dma_wait3A_326 : memref<32x128xf32, #tpu.memory_space<vmem>>) dst(%dma_wait3A_332 : memref<10240x128xf32, #tpu.memory_space<vmem_shared>>)
          tpu.yield
        }) : () -> ()
        %add3A_259 = arith.constant 8 : i32
        %add3A_260 = arith.addi %add3A_246, %add3A_259 : i32
        %lt3A_261 = arith.constant 16 : i32
        %lt3A_262 = arith.cmpi slt, %add3A_260, %lt3A_261 : i32
        %convert_element_type3A_263 = arith.extui %lt3A_262 : i1 to i32
        %cond3A_264 = arith.constant 0 : i32
        %cond3A_265 = arith.cmpi ne, %convert_element_type3A_263, %cond3A_264 : i32
        scf.if %cond3A_265 {
          %add3A_312 = arith.constant 8 : i32
          %add3A_313 = arith.addi %add3A_246, %add3A_312 : i32
          %dma_start3A_314 = arith.constant 5 : i32
          %dma_start3A_315 = arith.constant 0 : i32
          %dma_start3A_316 = arith.constant 0 : i32
          %dma_start3A_317 = tpu.memref_slice %arg8[%dma_start3A_314, %dma_start3A_315, %dma_start3A_316] : memref<8x32x128xf32, #tpu.memory_space<vmem>> -> memref<1x32x128xf32, #tpu.memory_space<vmem>>
          %dma_start3A_318 = tpu.memref_squeeze %dma_start3A_317 : memref<1x32x128xf32, #tpu.memory_space<vmem>> -> memref<32x128xf32, #tpu.memory_space<vmem>>
          %dma_start3A_319 = arith.constant 0 : i32
          %dma_start3A_320 = tpu.memref_slice %arg6[%add3A_313, %dma_start3A_319] : memref<16x32xi32, #tpu.memory_space<vmem>> -> memref<1x32xi32, #tpu.memory_space<vmem>>
          %dma_start3A_321 = tpu.memref_squeeze %dma_start3A_320 : memref<1x32xi32, #tpu.memory_space<vmem>> -> memref<32xi32, #tpu.memory_space<vmem>>
          %dma_start3A_322 = arith.constant 0 : i32
          %dma_start3A_323 = arith.constant 0 : i32
          %dma_start3A_324 = tpu.memref_slice %arg2[%dma_start3A_322, %dma_start3A_323] : memref<10240x128xf32, #tpu.memory_space<hbm>> -> memref<10240x128xf32, #tpu.memory_space<hbm>>
          tpu.enqueue_indirect_dma source(%dma_start3A_324 : memref<10240x128xf32, #tpu.memory_space<hbm>>) target(%dma_start3A_318 : memref<32x128xf32, #tpu.memory_space<vmem>>) offsets(%dma_start3A_321 : memref<32xi32, #tpu.memory_space<vmem>>) semaphore(%arg15 : memref<!tpu.dma_semaphore, #tpu.memory_space<semaphore_mem>>)
        } else {
        }
        %mul3A_266 = arith.constant 8 : i32
        %mul3A_267 = arith.muli %scan3A_132, %mul3A_266 : i32
        %add3A_268 = arith.constant 6 : i32
        %add3A_269 = arith.addi %mul3A_267, %add3A_268 : i32
        %dma_wait3A_270 = arith.constant 6 : i32
        %dma_wait3A_271 = arith.constant 0 : i32
        %dma_wait3A_272 = arith.constant 0 : i32
        %dma_wait3A_273 = tpu.memref_slice %arg8[%dma_wait3A_270, %dma_wait3A_271, %dma_wait3A_272] : memref<8x32x128xf32, #tpu.memory_space<vmem>> -> memref<1x32x128xf32, #tpu.memory_space<vmem>>
        %dma_wait3A_274 = tpu.memref_squeeze %dma_wait3A_273 : memref<1x32x128xf32, #tpu.memory_space<vmem>> -> memref<32x128xf32, #tpu.memory_space<vmem>>
        %dma_wait3A_275 = arith.constant 0 : i32
        %dma_wait3A_276 = tpu.memref_slice %arg6[%add3A_269, %dma_wait3A_275] : memref<16x32xi32, #tpu.memory_space<vmem>> -> memref<1x32xi32, #tpu.memory_space<vmem>>
        %dma_wait3A_277 = tpu.memref_squeeze %dma_wait3A_276 : memref<1x32xi32, #tpu.memory_space<vmem>> -> memref<32xi32, #tpu.memory_space<vmem>>
        %dma_wait3A_278 = arith.constant 0 : i32
        %dma_wait3A_279 = arith.constant 0 : i32
        %dma_wait3A_280 = tpu.memref_slice %arg2[%dma_wait3A_278, %dma_wait3A_279] : memref<10240x128xf32, #tpu.memory_space<hbm>> -> memref<10240x128xf32, #tpu.memory_space<hbm>>
        tpu.wait_indirect_dma semaphore(%arg16 : memref<!tpu.dma_semaphore, #tpu.memory_space<semaphore_mem>>) src(%dma_wait3A_280 : memref<10240x128xf32, #tpu.memory_space<hbm>>) dst(%dma_wait3A_274 : memref<32x128xf32, #tpu.memory_space<vmem>>)
        %run_scoped3A_281 = arith.constant 6 : i32
        "tpu.region"() ({
          %run_scoped3A_312 = tpu.sem_alloc : memref<!tpu.dma_semaphore, #tpu.memory_space<semaphore_mem>>
          %dma_start3A_313 = arith.constant 0 : i32
          %dma_start3A_314 = arith.constant 0 : i32
          %dma_start3A_315 = tpu.memref_slice %arg8[%run_scoped3A_281, %dma_start3A_313, %dma_start3A_314] : memref<8x32x128xf32, #tpu.memory_space<vmem>> -> memref<1x32x128xf32, #tpu.memory_space<vmem>>
          %dma_start3A_316 = tpu.memref_squeeze %dma_start3A_315 : memref<1x32x128xf32, #tpu.memory_space<vmem>> -> memref<32x128xf32, #tpu.memory_space<vmem>>
          %dma_start3A_317 = arith.constant 0 : i32
          %dma_start3A_318 = tpu.memref_slice %arg7[%add3A_269, %dma_start3A_317] : memref<16x32xi32, #tpu.memory_space<vmem>> -> memref<1x32xi32, #tpu.memory_space<vmem>>
          %dma_start3A_319 = tpu.memref_squeeze %dma_start3A_318 : memref<1x32xi32, #tpu.memory_space<vmem>> -> memref<32xi32, #tpu.memory_space<vmem>>
          %dma_start3A_320 = arith.constant 0 : i32
          %dma_start3A_321 = arith.constant 0 : i32
          %dma_start3A_322 = tpu.memref_slice %arg9[%dma_start3A_320, %dma_start3A_321] : memref<10240x128xf32, #tpu.memory_space<vmem_shared>> -> memref<10240x128xf32, #tpu.memory_space<vmem_shared>>
          tpu.enqueue_indirect_dma source(%dma_start3A_316 : memref<32x128xf32, #tpu.memory_space<vmem>>) target(%dma_start3A_322 : memref<10240x128xf32, #tpu.memory_space<vmem_shared>>) offsets(%dma_start3A_319 : memref<32xi32, #tpu.memory_space<vmem>>) semaphore(%run_scoped3A_312 : memref<!tpu.dma_semaphore, #tpu.memory_space<semaphore_mem>>) {add = true}
          %dma_wait3A_323 = arith.constant 0 : i32
          %dma_wait3A_324 = arith.constant 0 : i32
          %dma_wait3A_325 = tpu.memref_slice %arg8[%run_scoped3A_281, %dma_wait3A_323, %dma_wait3A_324] : memref<8x32x128xf32, #tpu.memory_space<vmem>> -> memref<1x32x128xf32, #tpu.memory_space<vmem>>
          %dma_wait3A_326 = tpu.memref_squeeze %dma_wait3A_325 : memref<1x32x128xf32, #tpu.memory_space<vmem>> -> memref<32x128xf32, #tpu.memory_space<vmem>>
          %dma_wait3A_327 = arith.constant 0 : i32
          %dma_wait3A_328 = tpu.memref_slice %arg7[%add3A_269, %dma_wait3A_327] : memref<16x32xi32, #tpu.memory_space<vmem>> -> memref<1x32xi32, #tpu.memory_space<vmem>>
          %dma_wait3A_329 = tpu.memref_squeeze %dma_wait3A_328 : memref<1x32xi32, #tpu.memory_space<vmem>> -> memref<32xi32, #tpu.memory_space<vmem>>
          %dma_wait3A_330 = arith.constant 0 : i32
          %dma_wait3A_331 = arith.constant 0 : i32
          %dma_wait3A_332 = tpu.memref_slice %arg9[%dma_wait3A_330, %dma_wait3A_331] : memref<10240x128xf32, #tpu.memory_space<vmem_shared>> -> memref<10240x128xf32, #tpu.memory_space<vmem_shared>>
          tpu.wait_indirect_dma semaphore(%run_scoped3A_312 : memref<!tpu.dma_semaphore, #tpu.memory_space<semaphore_mem>>) src(%dma_wait3A_326 : memref<32x128xf32, #tpu.memory_space<vmem>>) dst(%dma_wait3A_332 : memref<10240x128xf32, #tpu.memory_space<vmem_shared>>)
          tpu.yield
        }) : () -> ()
        %add3A_282 = arith.constant 8 : i32
        %add3A_283 = arith.addi %add3A_269, %add3A_282 : i32
        %lt3A_284 = arith.constant 16 : i32
        %lt3A_285 = arith.cmpi slt, %add3A_283, %lt3A_284 : i32
        %convert_element_type3A_286 = arith.extui %lt3A_285 : i1 to i32
        %cond3A_287 = arith.constant 0 : i32
        %cond3A_288 = arith.cmpi ne, %convert_element_type3A_286, %cond3A_287 : i32
        scf.if %cond3A_288 {
          %add3A_312 = arith.constant 8 : i32
          %add3A_313 = arith.addi %add3A_269, %add3A_312 : i32
          %dma_start3A_314 = arith.constant 6 : i32
          %dma_start3A_315 = arith.constant 0 : i32
          %dma_start3A_316 = arith.constant 0 : i32
          %dma_start3A_317 = tpu.memref_slice %arg8[%dma_start3A_314, %dma_start3A_315, %dma_start3A_316] : memref<8x32x128xf32, #tpu.memory_space<vmem>> -> memref<1x32x128xf32, #tpu.memory_space<vmem>>
          %dma_start3A_318 = tpu.memref_squeeze %dma_start3A_317 : memref<1x32x128xf32, #tpu.memory_space<vmem>> -> memref<32x128xf32, #tpu.memory_space<vmem>>
          %dma_start3A_319 = arith.constant 0 : i32
          %dma_start3A_320 = tpu.memref_slice %arg6[%add3A_313, %dma_start3A_319] : memref<16x32xi32, #tpu.memory_space<vmem>> -> memref<1x32xi32, #tpu.memory_space<vmem>>
          %dma_start3A_321 = tpu.memref_squeeze %dma_start3A_320 : memref<1x32xi32, #tpu.memory_space<vmem>> -> memref<32xi32, #tpu.memory_space<vmem>>
          %dma_start3A_322 = arith.constant 0 : i32
          %dma_start3A_323 = arith.constant 0 : i32
          %dma_start3A_324 = tpu.memref_slice %arg2[%dma_start3A_322, %dma_start3A_323] : memref<10240x128xf32, #tpu.memory_space<hbm>> -> memref<10240x128xf32, #tpu.memory_space<hbm>>
          tpu.enqueue_indirect_dma source(%dma_start3A_324 : memref<10240x128xf32, #tpu.memory_space<hbm>>) target(%dma_start3A_318 : memref<32x128xf32, #tpu.memory_space<vmem>>) offsets(%dma_start3A_321 : memref<32xi32, #tpu.memory_space<vmem>>) semaphore(%arg16 : memref<!tpu.dma_semaphore, #tpu.memory_space<semaphore_mem>>)
        } else {
        }
        %mul3A_289 = arith.constant 8 : i32
        %mul3A_290 = arith.muli %scan3A_132, %mul3A_289 : i32
        %add3A_291 = arith.constant 7 : i32
        %add3A_292 = arith.addi %mul3A_290, %add3A_291 : i32
        %dma_wait3A_293 = arith.constant 7 : i32
        %dma_wait3A_294 = arith.constant 0 : i32
        %dma_wait3A_295 = arith.constant 0 : i32
        %dma_wait3A_296 = tpu.memref_slice %arg8[%dma_wait3A_293, %dma_wait3A_294, %dma_wait3A_295] : memref<8x32x128xf32, #tpu.memory_space<vmem>> -> memref<1x32x128xf32, #tpu.memory_space<vmem>>
        %dma_wait3A_297 = tpu.memref_squeeze %dma_wait3A_296 : memref<1x32x128xf32, #tpu.memory_space<vmem>> -> memref<32x128xf32, #tpu.memory_space<vmem>>
        %dma_wait3A_298 = arith.constant 0 : i32
        %dma_wait3A_299 = tpu.memref_slice %arg6[%add3A_292, %dma_wait3A_298] : memref<16x32xi32, #tpu.memory_space<vmem>> -> memref<1x32xi32, #tpu.memory_space<vmem>>
        %dma_wait3A_300 = tpu.memref_squeeze %dma_wait3A_299 : memref<1x32xi32, #tpu.memory_space<vmem>> -> memref<32xi32, #tpu.memory_space<vmem>>
        %dma_wait3A_301 = arith.constant 0 : i32
        %dma_wait3A_302 = arith.constant 0 : i32
        %dma_wait3A_303 = tpu.memref_slice %arg2[%dma_wait3A_301, %dma_wait3A_302] : memref<10240x128xf32, #tpu.memory_space<hbm>> -> memref<10240x128xf32, #tpu.memory_space<hbm>>
        tpu.wait_indirect_dma semaphore(%arg17 : memref<!tpu.dma_semaphore, #tpu.memory_space<semaphore_mem>>) src(%dma_wait3A_303 : memref<10240x128xf32, #tpu.memory_space<hbm>>) dst(%dma_wait3A_297 : memref<32x128xf32, #tpu.memory_space<vmem>>)
        %run_scoped3A_304 = arith.constant 7 : i32
        "tpu.region"() ({
          %run_scoped3A_312 = tpu.sem_alloc : memref<!tpu.dma_semaphore, #tpu.memory_space<semaphore_mem>>
          %dma_start3A_313 = arith.constant 0 : i32
          %dma_start3A_314 = arith.constant 0 : i32
          %dma_start3A_315 = tpu.memref_slice %arg8[%run_scoped3A_304, %dma_start3A_313, %dma_start3A_314] : memref<8x32x128xf32, #tpu.memory_space<vmem>> -> memref<1x32x128xf32, #tpu.memory_space<vmem>>
          %dma_start3A_316 = tpu.memref_squeeze %dma_start3A_315 : memref<1x32x128xf32, #tpu.memory_space<vmem>> -> memref<32x128xf32, #tpu.memory_space<vmem>>
          %dma_start3A_317 = arith.constant 0 : i32
          %dma_start3A_318 = tpu.memref_slice %arg7[%add3A_292, %dma_start3A_317] : memref<16x32xi32, #tpu.memory_space<vmem>> -> memref<1x32xi32, #tpu.memory_space<vmem>>
          %dma_start3A_319 = tpu.memref_squeeze %dma_start3A_318 : memref<1x32xi32, #tpu.memory_space<vmem>> -> memref<32xi32, #tpu.memory_space<vmem>>
          %dma_start3A_320 = arith.constant 0 : i32
          %dma_start3A_321 = arith.constant 0 : i32
          %dma_start3A_322 = tpu.memref_slice %arg9[%dma_start3A_320, %dma_start3A_321] : memref<10240x128xf32, #tpu.memory_space<vmem_shared>> -> memref<10240x128xf32, #tpu.memory_space<vmem_shared>>
          tpu.enqueue_indirect_dma source(%dma_start3A_316 : memref<32x128xf32, #tpu.memory_space<vmem>>) target(%dma_start3A_322 : memref<10240x128xf32, #tpu.memory_space<vmem_shared>>) offsets(%dma_start3A_319 : memref<32xi32, #tpu.memory_space<vmem>>) semaphore(%run_scoped3A_312 : memref<!tpu.dma_semaphore, #tpu.memory_space<semaphore_mem>>) {add = true}
          %dma_wait3A_323 = arith.constant 0 : i32
          %dma_wait3A_324 = arith.constant 0 : i32
          %dma_wait3A_325 = tpu.memref_slice %arg8[%run_scoped3A_304, %dma_wait3A_323, %dma_wait3A_324] : memref<8x32x128xf32, #tpu.memory_space<vmem>> -> memref<1x32x128xf32, #tpu.memory_space<vmem>>
          %dma_wait3A_326 = tpu.memref_squeeze %dma_wait3A_325 : memref<1x32x128xf32, #tpu.memory_space<vmem>> -> memref<32x128xf32, #tpu.memory_space<vmem>>
          %dma_wait3A_327 = arith.constant 0 : i32
          %dma_wait3A_328 = tpu.memref_slice %arg7[%add3A_292, %dma_wait3A_327] : memref<16x32xi32, #tpu.memory_space<vmem>> -> memref<1x32xi32, #tpu.memory_space<vmem>>
          %dma_wait3A_329 = tpu.memref_squeeze %dma_wait3A_328 : memref<1x32xi32, #tpu.memory_space<vmem>> -> memref<32xi32, #tpu.memory_space<vmem>>
          %dma_wait3A_330 = arith.constant 0 : i32
          %dma_wait3A_331 = arith.constant 0 : i32
          %dma_wait3A_332 = tpu.memref_slice %arg9[%dma_wait3A_330, %dma_wait3A_331] : memref<10240x128xf32, #tpu.memory_space<vmem_shared>> -> memref<10240x128xf32, #tpu.memory_space<vmem_shared>>
          tpu.wait_indirect_dma semaphore(%run_scoped3A_312 : memref<!tpu.dma_semaphore, #tpu.memory_space<semaphore_mem>>) src(%dma_wait3A_326 : memref<32x128xf32, #tpu.memory_space<vmem>>) dst(%dma_wait3A_332 : memref<10240x128xf32, #tpu.memory_space<vmem_shared>>)
          tpu.yield
        }) : () -> ()
        %add3A_305 = arith.constant 8 : i32
        %add3A_306 = arith.addi %add3A_292, %add3A_305 : i32
        %lt3A_307 = arith.constant 16 : i32
        %lt3A_308 = arith.cmpi slt, %add3A_306, %lt3A_307 : i32
        %convert_element_type3A_309 = arith.extui %lt3A_308 : i1 to i32
        %cond3A_310 = arith.constant 0 : i32
        %cond3A_311 = arith.cmpi ne, %convert_element_type3A_309, %cond3A_310 : i32
        scf.if %cond3A_311 {
          %add3A_312 = arith.constant 8 : i32
          %add3A_313 = arith.addi %add3A_292, %add3A_312 : i32
          %dma_start3A_314 = arith.constant 7 : i32
          %dma_start3A_315 = arith.constant 0 : i32
          %dma_start3A_316 = arith.constant 0 : i32
          %dma_start3A_317 = tpu.memref_slice %arg8[%dma_start3A_314, %dma_start3A_315, %dma_start3A_316] : memref<8x32x128xf32, #tpu.memory_space<vmem>> -> memref<1x32x128xf32, #tpu.memory_space<vmem>>
          %dma_start3A_318 = tpu.memref_squeeze %dma_start3A_317 : memref<1x32x128xf32, #tpu.memory_space<vmem>> -> memref<32x128xf32, #tpu.memory_space<vmem>>
          %dma_start3A_319 = arith.constant 0 : i32
          %dma_start3A_320 = tpu.memref_slice %arg6[%add3A_313, %dma_start3A_319] : memref<16x32xi32, #tpu.memory_space<vmem>> -> memref<1x32xi32, #tpu.memory_space<vmem>>
          %dma_start3A_321 = tpu.memref_squeeze %dma_start3A_320 : memref<1x32xi32, #tpu.memory_space<vmem>> -> memref<32xi32, #tpu.memory_space<vmem>>
          %dma_start3A_322 = arith.constant 0 : i32
          %dma_start3A_323 = arith.constant 0 : i32
          %dma_start3A_324 = tpu.memref_slice %arg2[%dma_start3A_322, %dma_start3A_323] : memref<10240x128xf32, #tpu.memory_space<hbm>> -> memref<10240x128xf32, #tpu.memory_space<hbm>>
          tpu.enqueue_indirect_dma source(%dma_start3A_324 : memref<10240x128xf32, #tpu.memory_space<hbm>>) target(%dma_start3A_318 : memref<32x128xf32, #tpu.memory_space<vmem>>) offsets(%dma_start3A_321 : memref<32xi32, #tpu.memory_space<vmem>>) semaphore(%arg17 : memref<!tpu.dma_semaphore, #tpu.memory_space<semaphore_mem>>)
        } else {
        }
      }
      %scan3A_131 = arith.constant 2 : i32
    }
    %scan3A_16 = arith.constant 20 : i32
    %barrier3A_17 = arith.constant 0 : index
    tpu.barrier barrier_id(%barrier3A_17)
    %scan3A_18 = arith.constant 0 : i32
    %scan3A_19 = arith.constant 0 : i32
    %scan3A_20 = arith.constant 20 : i32
    %scan3A_21 = arith.addi %scan3A_19, %scan3A_20 : i32
    %scan3A_22 = arith.constant 1 : i32
    scf.for %scan3A_24 = %scan3A_19 to %scan3A_21 step %scan3A_22  : i32 {
      %mul3A = arith.constant 640 : i32
      %mul3A_25 = arith.muli %arg1, %mul3A : i32
      %mul3A_26 = arith.constant 32 : i32
      %mul3A_27 = arith.muli %scan3A_24, %mul3A_26 : i32
      %add3A = arith.addi %mul3A_25, %mul3A_27 : i32
      %mul3A_28 = arith.constant 10240 : i32
      %mul3A_29 = arith.muli %arg0, %mul3A_28 : i32
      %add3A_30 = arith.addi %mul3A_29, %add3A : i32
      "tpu.region"() ({
        %run_scoped3A = tpu.sem_alloc : memref<!tpu.dma_semaphore, #tpu.memory_space<semaphore_mem>>
        %dma_start3A = arith.constant 0 : i32
        %dma_start3A_31 = tpu.memref_slice %arg5[%add3A_30, %dma_start3A] : memref<20480x128xf32, #tpu.memory_space<hbm>> -> memref<32x128xf32, #tpu.memory_space<hbm>>
        %dma_start3A_32 = arith.constant 0 : i32
        %dma_start3A_33 = tpu.memref_slice %arg9[%add3A, %dma_start3A_32] : memref<10240x128xf32, #tpu.memory_space<vmem_shared>> -> memref<32x128xf32, #tpu.memory_space<vmem_shared>>
        tpu.enqueue_dma source(%dma_start3A_33 : memref<32x128xf32, #tpu.memory_space<vmem_shared>>) target(%dma_start3A_31 : memref<32x128xf32, #tpu.memory_space<hbm>>) target_semaphore(%run_scoped3A : memref<!tpu.dma_semaphore, #tpu.memory_space<semaphore_mem>>)
        %dma_wait3A = arith.constant 0 : i32
        %dma_wait3A_34 = tpu.memref_slice %arg5[%add3A_30, %dma_wait3A] : memref<20480x128xf32, #tpu.memory_space<hbm>> -> memref<32x128xf32, #tpu.memory_space<hbm>>
        %dma_wait3A_35 = arith.constant 0 : i32
        %dma_wait3A_36 = tpu.memref_slice %arg9[%add3A, %dma_wait3A_35] : memref<10240x128xf32, #tpu.memory_space<vmem_shared>> -> memref<32x128xf32, #tpu.memory_space<vmem_shared>>
        tpu.wait_dma2 semaphore(%run_scoped3A : memref<!tpu.dma_semaphore, #tpu.memory_space<semaphore_mem>>) src(%dma_wait3A_36 : memref<32x128xf32, #tpu.memory_space<vmem_shared>>) dst(%dma_wait3A_34 : memref<32x128xf32, #tpu.memory_space<hbm>>)
        tpu.yield
      }) : () -> ()
    }
    %scan3A_23 = arith.constant 20 : i32
    return
  }
}

#map = affine_map<(d0, d1) -> (0, 0)>
module attributes {stable_mosaic.version = 14 : i64} {
  func.func @k(%arg0: i32, %arg1: i32, %arg2: memref<10240x128xf32, #tpu.memory_space<hbm>>, %arg3: memref<10240x32xi32, #tpu.memory_space<hbm>>, %arg4: memref<10240x32xi32, #tpu.memory_space<hbm>>, %arg5: memref<20480x128xf32, #tpu.memory_space<hbm>>, %arg6: memref<16x32xi32, #tpu.memory_space<vmem>>, %arg7: memref<16x32xi32, #tpu.memory_space<vmem>>, %arg8: memref<8x32x128xf32, #tpu.memory_space<vmem>>, %arg9: memref<10240x128xf32, #tpu.memory_space<vmem_shared>>, %arg10: memref<!tpu.dma_semaphore, #tpu.memory_space<semaphore_mem>>, %arg11: memref<!tpu.dma_semaphore, #tpu.memory_space<semaphore_mem>>, %arg12: memref<!tpu.dma_semaphore, #tpu.memory_space<semaphore_mem>>, %arg13: memref<!tpu.dma_semaphore, #tpu.memory_space<semaphore_mem>>, %arg14: memref<!tpu.dma_semaphore, #tpu.memory_space<semaphore_mem>>, %arg15: memref<!tpu.dma_semaphore, #tpu.memory_space<semaphore_mem>>, %arg16: memref<!tpu.dma_semaphore, #tpu.memory_space<semaphore_mem>>, %arg17: memref<!tpu.dma_semaphore, #tpu.memory_space<semaphore_mem>>) attributes {dimension_semantics = [#tpu.dimension_semantics<core_parallel>, #tpu.dimension_semantics<subcore_parallel>], iteration_bounds = array<i64: 2, 16>, scalar_prefetch = 0 : i64, scratch_operands = 12 : i64, tpu.core_type = #tpu.core_type<sc_vector_subcore>, window_params = [{transform_indices = #map}, {transform_indices = #map}, {transform_indices = #map}, {transform_indices = #map}]} {
    %scan3A = arith.constant 0 : i32
    %scan3A_0 = arith.constant 0 : i32
    %scan3A_1 = arith.constant 32 : i32
    %scan3A_2 = arith.addi %scan3A_0, %scan3A_1 : i32
    %scan3A_3 = arith.constant 1 : i32
    scf.for %scan3A_24 = %scan3A_0 to %scan3A_2 step %scan3A_3  : i32 {
      %broadcast_in_dim3A = arith.constant 0.000000e+00 : f32
      %broadcast_in_dim3A_25 = vector.broadcast %broadcast_in_dim3A : f32 to vector<16xf32>
      %swap3A = arith.constant 0 : i32
      %swap3A_26 = arith.index_cast %swap3A : i32 to index
      %swap3A_27 = arith.index_cast %scan3A_24 : i32 to index
      %swap3A_28 = arith.constant 0 : index
      %swap3A_29 = tpu.vector_load %arg8[%swap3A_26, %swap3A_27, %swap3A_28] {strides = array<i32>} : memref<8x32x128xf32, #tpu.memory_space<vmem>>, vector<1x1x16xf32>,
      %swap3A_30 = vector.shape_cast %swap3A_29 : vector<1x1x16xf32> to vector<16xf32>
      %swap3A_31 = vector.shape_cast %broadcast_in_dim3A_25 : vector<16xf32> to vector<1x1x16xf32>
      tpu.vector_store %arg8[%swap3A_26, %swap3A_27, %swap3A_28], %swap3A_31 {strides = array<i32>} : memref<8x32x128xf32, #tpu.memory_space<vmem>>, vector<1x1x16xf32>,
      %broadcast_in_dim3A_32 = arith.constant 0.000000e+00 : f32
      %broadcast_in_dim3A_33 = vector.broadcast %broadcast_in_dim3A_32 : f32 to vector<16xf32>
      %swap3A_34 = arith.constant 0 : i32
      %swap3A_35 = arith.index_cast %swap3A_34 : i32 to index
      %swap3A_36 = arith.index_cast %scan3A_24 : i32 to index
      %swap3A_37 = arith.constant 16 : index
      %swap3A_38 = tpu.vector_load %arg8[%swap3A_35, %swap3A_36, %swap3A_37] {strides = array<i32>} : memref<8x32x128xf32, #tpu.memory_space<vmem>>, vector<1x1x16xf32>,
      %swap3A_39 = vector.shape_cast %swap3A_38 : vector<1x1x16xf32> to vector<16xf32>
      %swap3A_40 = vector.shape_cast %broadcast_in_dim3A_33 : vector<16xf32> to vector<1x1x16xf32>
      tpu.vector_store %arg8[%swap3A_35, %swap3A_36, %swap3A_37], %swap3A_40 {strides = array<i32>} : memref<8x32x128xf32, #tpu.memory_space<vmem>>, vector<1x1x16xf32>,
      %broadcast_in_dim3A_41 = arith.constant 0.000000e+00 : f32
      %broadcast_in_dim3A_42 = vector.broadcast %broadcast_in_dim3A_41 : f32 to vector<16xf32>
      %swap3A_43 = arith.constant 0 : i32
      %swap3A_44 = arith.index_cast %swap3A_43 : i32 to index
      %swap3A_45 = arith.index_cast %scan3A_24 : i32 to index
      %swap3A_46 = arith.constant 32 : index
      %swap3A_47 = tpu.vector_load %arg8[%swap3A_44, %swap3A_45, %swap3A_46] {strides = array<i32>} : memref<8x32x128xf32, #tpu.memory_space<vmem>>, vector<1x1x16xf32>,
      %swap3A_48 = vector.shape_cast %swap3A_47 : vector<1x1x16xf32> to vector<16xf32>
      %swap3A_49 = vector.shape_cast %broadcast_in_dim3A_42 : vector<16xf32> to vector<1x1x16xf32>
      tpu.vector_store %arg8[%swap3A_44, %swap3A_45, %swap3A_46], %swap3A_49 {strides = array<i32>} : memref<8x32x128xf32, #tpu.memory_space<vmem>>, vector<1x1x16xf32>,
      %broadcast_in_dim3A_50 = arith.constant 0.000000e+00 : f32
      %broadcast_in_dim3A_51 = vector.broadcast %broadcast_in_dim3A_50 : f32 to vector<16xf32>
      %swap3A_52 = arith.constant 0 : i32
      %swap3A_53 = arith.index_cast %swap3A_52 : i32 to index
      %swap3A_54 = arith.index_cast %scan3A_24 : i32 to index
      %swap3A_55 = arith.constant 48 : index
      %swap3A_56 = tpu.vector_load %arg8[%swap3A_53, %swap3A_54, %swap3A_55] {strides = array<i32>} : memref<8x32x128xf32, #tpu.memory_space<vmem>>, vector<1x1x16xf32>,
      %swap3A_57 = vector.shape_cast %swap3A_56 : vector<1x1x16xf32> to vector<16xf32>
      %swap3A_58 = vector.shape_cast %broadcast_in_dim3A_51 : vector<16xf32> to vector<1x1x16xf32>
      tpu.vector_store %arg8[%swap3A_53, %swap3A_54, %swap3A_55], %swap3A_58 {strides = array<i32>} : memref<8x32x128xf32, #tpu.memory_space<vmem>>, vector<1x1x16xf32>,
      %broadcast_in_dim3A_59 = arith.constant 0.000000e+00 : f32
      %broadcast_in_dim3A_60 = vector.broadcast %broadcast_in_dim3A_59 : f32 to vector<16xf32>
      %swap3A_61 = arith.constant 0 : i32
      %swap3A_62 = arith.index_cast %swap3A_61 : i32 to index
      %swap3A_63 = arith.index_cast %scan3A_24 : i32 to index
      %swap3A_64 = arith.constant 64 : index
      %swap3A_65 = tpu.vector_load %arg8[%swap3A_62, %swap3A_63, %swap3A_64] {strides = array<i32>} : memref<8x32x128xf32, #tpu.memory_space<vmem>>, vector<1x1x16xf32>,
      %swap3A_66 = vector.shape_cast %swap3A_65 : vector<1x1x16xf32> to vector<16xf32>
      %swap3A_67 = vector.shape_cast %broadcast_in_dim3A_60 : vector<16xf32> to vector<1x1x16xf32>
      tpu.vector_store %arg8[%swap3A_62, %swap3A_63, %swap3A_64], %swap3A_67 {strides = array<i32>} : memref<8x32x128xf32, #tpu.memory_space<vmem>>, vector<1x1x16xf32>,
      %broadcast_in_dim3A_68 = arith.constant 0.000000e+00 : f32
      %broadcast_in_dim3A_69 = vector.broadcast %broadcast_in_dim3A_68 : f32 to vector<16xf32>
      %swap3A_70 = arith.constant 0 : i32
      %swap3A_71 = arith.index_cast %swap3A_70 : i32 to index
      %swap3A_72 = arith.index_cast %scan3A_24 : i32 to index
      %swap3A_73 = arith.constant 80 : index
      %swap3A_74 = tpu.vector_load %arg8[%swap3A_71, %swap3A_72, %swap3A_73] {strides = array<i32>} : memref<8x32x128xf32, #tpu.memory_space<vmem>>, vector<1x1x16xf32>,
      %swap3A_75 = vector.shape_cast %swap3A_74 : vector<1x1x16xf32> to vector<16xf32>
      %swap3A_76 = vector.shape_cast %broadcast_in_dim3A_69 : vector<16xf32> to vector<1x1x16xf32>
      tpu.vector_store %arg8[%swap3A_71, %swap3A_72, %swap3A_73], %swap3A_76 {strides = array<i32>} : memref<8x32x128xf32, #tpu.memory_space<vmem>>, vector<1x1x16xf32>,
      %broadcast_in_dim3A_77 = arith.constant 0.000000e+00 : f32
      %broadcast_in_dim3A_78 = vector.broadcast %broadcast_in_dim3A_77 : f32 to vector<16xf32>
      %swap3A_79 = arith.constant 0 : i32
      %swap3A_80 = arith.index_cast %swap3A_79 : i32 to index
      %swap3A_81 = arith.index_cast %scan3A_24 : i32 to index
      %swap3A_82 = arith.constant 96 : index
      %swap3A_83 = tpu.vector_load %arg8[%swap3A_80, %swap3A_81, %swap3A_82] {strides = array<i32>} : memref<8x32x128xf32, #tpu.memory_space<vmem>>, vector<1x1x16xf32>,
      %swap3A_84 = vector.shape_cast %swap3A_83 : vector<1x1x16xf32> to vector<16xf32>
      %swap3A_85 = vector.shape_cast %broadcast_in_dim3A_78 : vector<16xf32> to vector<1x1x16xf32>
      tpu.vector_store %arg8[%swap3A_80, %swap3A_81, %swap3A_82], %swap3A_85 {strides = array<i32>} : memref<8x32x128xf32, #tpu.memory_space<vmem>>, vector<1x1x16xf32>,
      %broadcast_in_dim3A_86 = arith.constant 0.000000e+00 : f32
      %broadcast_in_dim3A_87 = vector.broadcast %broadcast_in_dim3A_86 : f32 to vector<16xf32>
      %swap3A_88 = arith.constant 0 : i32
      %swap3A_89 = arith.index_cast %swap3A_88 : i32 to index
      %swap3A_90 = arith.index_cast %scan3A_24 : i32 to index
      %swap3A_91 = arith.constant 112 : index
      %swap3A_92 = tpu.vector_load %arg8[%swap3A_89, %swap3A_90, %swap3A_91] {strides = array<i32>} : memref<8x32x128xf32, #tpu.memory_space<vmem>>, vector<1x1x16xf32>,
      %swap3A_93 = vector.shape_cast %swap3A_92 : vector<1x1x16xf32> to vector<16xf32>
      %swap3A_94 = vector.shape_cast %broadcast_in_dim3A_87 : vector<16xf32> to vector<1x1x16xf32>
      tpu.vector_store %arg8[%swap3A_89, %swap3A_90, %swap3A_91], %swap3A_94 {strides = array<i32>} : memref<8x32x128xf32, #tpu.memory_space<vmem>>, vector<1x1x16xf32>,
    }
    %scan3A_4 = arith.constant 32 : i32
    %scan3A_5 = arith.constant 0 : i32
    %scan3A_6 = arith.constant 0 : i32
    %scan3A_7 = arith.constant 20 : i32
    %scan3A_8 = arith.addi %scan3A_6, %scan3A_7 : i32
    %scan3A_9 = arith.constant 1 : i32
    scf.for %scan3A_24 = %scan3A_6 to %scan3A_8 step %scan3A_9  : i32 {
      %mul3A = arith.constant 640 : i32
      %mul3A_25 = arith.muli %arg1, %mul3A : i32
      %mul3A_26 = arith.constant 32 : i32
      %mul3A_27 = arith.muli %scan3A_24, %mul3A_26 : i32
      %add3A = arith.addi %mul3A_25, %mul3A_27 : i32
      %run_scoped3A = arith.constant 0 : i32
      "tpu.region"() ({
        %run_scoped3A_28 = tpu.sem_alloc : memref<!tpu.dma_semaphore, #tpu.memory_space<semaphore_mem>>
        %dma_start3A = arith.constant 0 : i32
        %dma_start3A_29 = arith.constant 0 : i32
        %dma_start3A_30 = tpu.memref_slice %arg8[%run_scoped3A, %dma_start3A, %dma_start3A_29] : memref<8x32x128xf32, #tpu.memory_space<vmem>> -> memref<1x32x128xf32, #tpu.memory_space<vmem>>
        %dma_start3A_31 = tpu.memref_squeeze %dma_start3A_30 : memref<1x32x128xf32, #tpu.memory_space<vmem>> -> memref<32x128xf32, #tpu.memory_space<vmem>>
        %dma_start3A_32 = arith.constant 0 : i32
        %dma_start3A_33 = tpu.memref_slice %arg9[%add3A, %dma_start3A_32] : memref<10240x128xf32, #tpu.memory_space<vmem_shared>> -> memref<32x128xf32, #tpu.memory_space<vmem_shared>>
        %dma_start3A_34 = arith.constant 0 : i32
        %dma_start3A_35 = tpu.memref_slice %arg9[%add3A, %dma_start3A_34] : memref<10240x128xf32, #tpu.memory_space<vmem_shared>> -> memref<32x128xf32, #tpu.memory_space<vmem_shared>>
        %dma_start3A_36 = arith.constant 0 : i32
        %dma_start3A_37 = arith.constant 0 : i32
        %dma_start3A_38 = tpu.memref_slice %arg8[%run_scoped3A, %dma_start3A_36, %dma_start3A_37] : memref<8x32x128xf32, #tpu.memory_space<vmem>> -> memref<1x32x128xf32, #tpu.memory_space<vmem>>
        %dma_start3A_39 = tpu.memref_squeeze %dma_start3A_38 : memref<1x32x128xf32, #tpu.memory_space<vmem>> -> memref<32x128xf32, #tpu.memory_space<vmem>>
        tpu.enqueue_dma source(%dma_start3A_39 : memref<32x128xf32, #tpu.memory_space<vmem>>) target(%dma_start3A_35 : memref<32x128xf32, #tpu.memory_space<vmem_shared>>) target_semaphore(%run_scoped3A_28 : memref<!tpu.dma_semaphore, #tpu.memory_space<semaphore_mem>>)
        %dma_wait3A = arith.constant 0 : i32
        %dma_wait3A_40 = arith.constant 0 : i32
        %dma_wait3A_41 = tpu.memref_slice %arg8[%run_scoped3A, %dma_wait3A, %dma_wait3A_40] : memref<8x32x128xf32, #tpu.memory_space<vmem>> -> memref<1x32x128xf32, #tpu.memory_space<vmem>>
        %dma_wait3A_42 = tpu.memref_squeeze %dma_wait3A_41 : memref<1x32x128xf32, #tpu.memory_space<vmem>> -> memref<32x128xf32, #tpu.memory_space<vmem>>
        %dma_wait3A_43 = arith.constant 0 : i32
        %dma_wait3A_44 = tpu.memref_slice %arg9[%add3A, %dma_wait3A_43] : memref<10240x128xf32, #tpu.memory_space<vmem_shared>> -> memref<32x128xf32, #tpu.memory_space<vmem_shared>>
        %dma_wait3A_45 = arith.constant 0 : i32
        %dma_wait3A_46 = tpu.memref_slice %arg9[%add3A, %dma_wait3A_45] : memref<10240x128xf32, #tpu.memory_space<vmem_shared>> -> memref<32x128xf32, #tpu.memory_space<vmem_shared>>
        %dma_wait3A_47 = arith.constant 0 : i32
        %dma_wait3A_48 = arith.constant 0 : i32
        %dma_wait3A_49 = tpu.memref_slice %arg8[%run_scoped3A, %dma_wait3A_47, %dma_wait3A_48] : memref<8x32x128xf32, #tpu.memory_space<vmem>> -> memref<1x32x128xf32, #tpu.memory_space<vmem>>
        %dma_wait3A_50 = tpu.memref_squeeze %dma_wait3A_49 : memref<1x32x128xf32, #tpu.memory_space<vmem>> -> memref<32x128xf32, #tpu.memory_space<vmem>>
        tpu.wait_dma2 semaphore(%run_scoped3A_28 : memref<!tpu.dma_semaphore, #tpu.memory_space<semaphore_mem>>) src(%dma_wait3A_50 : memref<32x128xf32, #tpu.memory_space<vmem>>) dst(%dma_wait3A_46 : memref<32x128xf32, #tpu.memory_space<vmem_shared>>)
        tpu.yield
      }) : () -> ()
    }
    %scan3A_10 = arith.constant 20 : i32
    %barrier3A = arith.constant 0 : index
    tpu.barrier barrier_id(%barrier3A)
    %scan3A_11 = arith.constant 0 : i32
    %scan3A_12 = arith.constant 0 : i32
    %scan3A_13 = arith.constant 20 : i32
    %scan3A_14 = arith.addi %scan3A_12, %scan3A_13 : i32
    %scan3A_15 = arith.constant 1 : i32
    scf.for %scan3A_24 = %scan3A_12 to %scan3A_14 step %scan3A_15  : i32 {
      %mul3A = arith.constant 16 : i32
      %mul3A_25 = arith.muli %arg0, %mul3A : i32
      %add3A = arith.addi %mul3A_25, %arg1 : i32
      %mul3A_26 = arith.constant 320 : i32
      %mul3A_27 = arith.muli %add3A, %mul3A_26 : i32
      %mul3A_28 = arith.constant 16 : i32
      %mul3A_29 = arith.muli %scan3A_24, %mul3A_28 : i32
      %add3A_30 = arith.addi %mul3A_27, %mul3A_29 : i32
      "tpu.region"() ({
        %run_scoped3A = tpu.sem_alloc : memref<!tpu.dma_semaphore, #tpu.memory_space<semaphore_mem>>
        %dma_start3A_132 = arith.constant 0 : i32
        %dma_start3A_133 = tpu.memref_slice %arg3[%add3A_30, %dma_start3A_132] : memref<10240x32xi32, #tpu.memory_space<hbm>> -> memref<16x32xi32, #tpu.memory_space<hbm>>
        %dma_start3A_134 = arith.constant 0 : i32
        %dma_start3A_135 = tpu.memref_slice %arg3[%add3A_30, %dma_start3A_134] : memref<10240x32xi32, #tpu.memory_space<hbm>> -> memref<16x32xi32, #tpu.memory_space<hbm>>
        tpu.enqueue_dma source(%dma_start3A_135 : memref<16x32xi32, #tpu.memory_space<hbm>>) target(%arg6 : memref<16x32xi32, #tpu.memory_space<vmem>>) target_semaphore(%run_scoped3A : memref<!tpu.dma_semaphore, #tpu.memory_space<semaphore_mem>>)
        %dma_wait3A = arith.constant 0 : i32
        %dma_wait3A_136 = tpu.memref_slice %arg3[%add3A_30, %dma_wait3A] : memref<10240x32xi32, #tpu.memory_space<hbm>> -> memref<16x32xi32, #tpu.memory_space<hbm>>
        %dma_wait3A_137 = arith.constant 0 : i32
        %dma_wait3A_138 = tpu.memref_slice %arg3[%add3A_30, %dma_wait3A_137] : memref<10240x32xi32, #tpu.memory_space<hbm>> -> memref<16x32xi32, #tpu.memory_space<hbm>>
        tpu.wait_dma2 semaphore(%run_scoped3A : memref<!tpu.dma_semaphore, #tpu.memory_space<semaphore_mem>>) src(%dma_wait3A_138 : memref<16x32xi32, #tpu.memory_space<hbm>>) dst(%arg6 : memref<16x32xi32, #tpu.memory_space<vmem>>)
        tpu.yield
      }) : () -> ()
      "tpu.region"() ({
        %run_scoped3A = tpu.sem_alloc : memref<!tpu.dma_semaphore, #tpu.memory_space<semaphore_mem>>
        %dma_start3A_132 = arith.constant 0 : i32
        %dma_start3A_133 = tpu.memref_slice %arg4[%add3A_30, %dma_start3A_132] : memref<10240x32xi32, #tpu.memory_space<hbm>> -> memref<16x32xi32, #tpu.memory_space<hbm>>
        %dma_start3A_134 = arith.constant 0 : i32
        %dma_start3A_135 = tpu.memref_slice %arg4[%add3A_30, %dma_start3A_134] : memref<10240x32xi32, #tpu.memory_space<hbm>> -> memref<16x32xi32, #tpu.memory_space<hbm>>
        tpu.enqueue_dma source(%dma_start3A_135 : memref<16x32xi32, #tpu.memory_space<hbm>>) target(%arg7 : memref<16x32xi32, #tpu.memory_space<vmem>>) target_semaphore(%run_scoped3A : memref<!tpu.dma_semaphore, #tpu.memory_space<semaphore_mem>>)
        %dma_wait3A = arith.constant 0 : i32
        %dma_wait3A_136 = tpu.memref_slice %arg4[%add3A_30, %dma_wait3A] : memref<10240x32xi32, #tpu.memory_space<hbm>> -> memref<16x32xi32, #tpu.memory_space<hbm>>
        %dma_wait3A_137 = arith.constant 0 : i32
        %dma_wait3A_138 = tpu.memref_slice %arg4[%add3A_30, %dma_wait3A_137] : memref<10240x32xi32, #tpu.memory_space<hbm>> -> memref<16x32xi32, #tpu.memory_space<hbm>>
        tpu.wait_dma2 semaphore(%run_scoped3A : memref<!tpu.dma_semaphore, #tpu.memory_space<semaphore_mem>>) src(%dma_wait3A_138 : memref<16x32xi32, #tpu.memory_space<hbm>>) dst(%arg7 : memref<16x32xi32, #tpu.memory_space<vmem>>)
        tpu.yield
      }) : () -> ()
      %dma_start3A = arith.constant 0 : i32
      %dma_start3A_31 = arith.constant 0 : i32
      %dma_start3A_32 = arith.constant 0 : i32
      %dma_start3A_33 = arith.constant 0 : i32
      %dma_start3A_34 = tpu.memref_slice %arg8[%dma_start3A_31, %dma_start3A_32, %dma_start3A_33] : memref<8x32x128xf32, #tpu.memory_space<vmem>> -> memref<1x32x128xf32, #tpu.memory_space<vmem>>
      %dma_start3A_35 = tpu.memref_squeeze %dma_start3A_34 : memref<1x32x128xf32, #tpu.memory_space<vmem>> -> memref<32x128xf32, #tpu.memory_space<vmem>>
      %dma_start3A_36 = arith.constant 0 : i32
      %dma_start3A_37 = tpu.memref_slice %arg6[%dma_start3A, %dma_start3A_36] : memref<16x32xi32, #tpu.memory_space<vmem>> -> memref<1x32xi32, #tpu.memory_space<vmem>>
      %dma_start3A_38 = tpu.memref_squeeze %dma_start3A_37 : memref<1x32xi32, #tpu.memory_space<vmem>> -> memref<32xi32, #tpu.memory_space<vmem>>
      %dma_start3A_39 = arith.constant 0 : i32
      %dma_start3A_40 = arith.constant 0 : i32
      %dma_start3A_41 = tpu.memref_slice %arg2[%dma_start3A_39, %dma_start3A_40] : memref<10240x128xf32, #tpu.memory_space<hbm>> -> memref<10240x128xf32, #tpu.memory_space<hbm>>
      tpu.enqueue_indirect_dma source(%dma_start3A_41 : memref<10240x128xf32, #tpu.memory_space<hbm>>) target(%dma_start3A_35 : memref<32x128xf32, #tpu.memory_space<vmem>>) offsets(%dma_start3A_38 : memref<32xi32, #tpu.memory_space<vmem>>) semaphore(%arg10 : memref<!tpu.dma_semaphore, #tpu.memory_space<semaphore_mem>>)
      %dma_start3A_42 = arith.constant 1 : i32
      %dma_start3A_43 = arith.constant 1 : i32
      %dma_start3A_44 = arith.constant 0 : i32
      %dma_start3A_45 = arith.constant 0 : i32
      %dma_start3A_46 = tpu.memref_slice %arg8[%dma_start3A_43, %dma_start3A_44, %dma_start3A_45] : memref<8x32x128xf32, #tpu.memory_space<vmem>> -> memref<1x32x128xf32, #tpu.memory_space<vmem>>
      %dma_start3A_47 = tpu.memref_squeeze %dma_start3A_46 : memref<1x32x128xf32, #tpu.memory_space<vmem>> -> memref<32x128xf32, #tpu.memory_space<vmem>>
      %dma_start3A_48 = arith.constant 0 : i32
      %dma_start3A_49 = tpu.memref_slice %arg6[%dma_start3A_42, %dma_start3A_48] : memref<16x32xi32, #tpu.memory_space<vmem>> -> memref<1x32xi32, #tpu.memory_space<vmem>>
      %dma_start3A_50 = tpu.memref_squeeze %dma_start3A_49 : memref<1x32xi32, #tpu.memory_space<vmem>> -> memref<32xi32, #tpu.memory_space<vmem>>
      %dma_start3A_51 = arith.constant 0 : i32
      %dma_start3A_52 = arith.constant 0 : i32
      %dma_start3A_53 = tpu.memref_slice %arg2[%dma_start3A_51, %dma_start3A_52] : memref<10240x128xf32, #tpu.memory_space<hbm>> -> memref<10240x128xf32, #tpu.memory_space<hbm>>
      tpu.enqueue_indirect_dma source(%dma_start3A_53 : memref<10240x128xf32, #tpu.memory_space<hbm>>) target(%dma_start3A_47 : memref<32x128xf32, #tpu.memory_space<vmem>>) offsets(%dma_start3A_50 : memref<32xi32, #tpu.memory_space<vmem>>) semaphore(%arg11 : memref<!tpu.dma_semaphore, #tpu.memory_space<semaphore_mem>>)
      %dma_start3A_54 = arith.constant 2 : i32
      %dma_start3A_55 = arith.constant 2 : i32
      %dma_start3A_56 = arith.constant 0 : i32
      %dma_start3A_57 = arith.constant 0 : i32
      %dma_start3A_58 = tpu.memref_slice %arg8[%dma_start3A_55, %dma_start3A_56, %dma_start3A_57] : memref<8x32x128xf32, #tpu.memory_space<vmem>> -> memref<1x32x128xf32, #tpu.memory_space<vmem>>
      %dma_start3A_59 = tpu.memref_squeeze %dma_start3A_58 : memref<1x32x128xf32, #tpu.memory_space<vmem>> -> memref<32x128xf32, #tpu.memory_space<vmem>>
      %dma_start3A_60 = arith.constant 0 : i32
      %dma_start3A_61 = tpu.memref_slice %arg6[%dma_start3A_54, %dma_start3A_60] : memref<16x32xi32, #tpu.memory_space<vmem>> -> memref<1x32xi32, #tpu.memory_space<vmem>>
      %dma_start3A_62 = tpu.memref_squeeze %dma_start3A_61 : memref<1x32xi32, #tpu.memory_space<vmem>> -> memref<32xi32, #tpu.memory_space<vmem>>
      %dma_start3A_63 = arith.constant 0 : i32
      %dma_start3A_64 = arith.constant 0 : i32
      %dma_start3A_65 = tpu.memref_slice %arg2[%dma_start3A_63, %dma_start3A_64] : memref<10240x128xf32, #tpu.memory_space<hbm>> -> memref<10240x128xf32, #tpu.memory_space<hbm>>
      tpu.enqueue_indirect_dma source(%dma_start3A_65 : memref<10240x128xf32, #tpu.memory_space<hbm>>) target(%dma_start3A_59 : memref<32x128xf32, #tpu.memory_space<vmem>>) offsets(%dma_start3A_62 : memref<32xi32, #tpu.memory_space<vmem>>) semaphore(%arg12 : memref<!tpu.dma_semaphore, #tpu.memory_space<semaphore_mem>>)
      %dma_start3A_66 = arith.constant 3 : i32
      %dma_start3A_67 = arith.constant 3 : i32
      %dma_start3A_68 = arith.constant 0 : i32
      %dma_start3A_69 = arith.constant 0 : i32
      %dma_start3A_70 = tpu.memref_slice %arg8[%dma_start3A_67, %dma_start3A_68, %dma_start3A_69] : memref<8x32x128xf32, #tpu.memory_space<vmem>> -> memref<1x32x128xf32, #tpu.memory_space<vmem>>
      %dma_start3A_71 = tpu.memref_squeeze %dma_start3A_70 : memref<1x32x128xf32, #tpu.memory_space<vmem>> -> memref<32x128xf32, #tpu.memory_space<vmem>>
      %dma_start3A_72 = arith.constant 0 : i32
      %dma_start3A_73 = tpu.memref_slice %arg6[%dma_start3A_66, %dma_start3A_72] : memref<16x32xi32, #tpu.memory_space<vmem>> -> memref<1x32xi32, #tpu.memory_space<vmem>>
      %dma_start3A_74 = tpu.memref_squeeze %dma_start3A_73 : memref<1x32xi32, #tpu.memory_space<vmem>> -> memref<32xi32, #tpu.memory_space<vmem>>
      %dma_start3A_75 = arith.constant 0 : i32
      %dma_start3A_76 = arith.constant 0 : i32
      %dma_start3A_77 = tpu.memref_slice %arg2[%dma_start3A_75, %dma_start3A_76] : memref<10240x128xf32, #tpu.memory_space<hbm>> -> memref<10240x128xf32, #tpu.memory_space<hbm>>
      tpu.enqueue_indirect_dma source(%dma_start3A_77 : memref<10240x128xf32, #tpu.memory_space<hbm>>) target(%dma_start3A_71 : memref<32x128xf32, #tpu.memory_space<vmem>>) offsets(%dma_start3A_74 : memref<32xi32, #tpu.memory_space<vmem>>) semaphore(%arg13 : memref<!tpu.dma_semaphore, #tpu.memory_space<semaphore_mem>>)
      %dma_start3A_78 = arith.constant 4 : i32
      %dma_start3A_79 = arith.constant 4 : i32
      %dma_start3A_80 = arith.constant 0 : i32
      %dma_start3A_81 = arith.constant 0 : i32
      %dma_start3A_82 = tpu.memref_slice %arg8[%dma_start3A_79, %dma_start3A_80, %dma_start3A_81] : memref<8x32x128xf32, #tpu.memory_space<vmem>> -> memref<1x32x128xf32, #tpu.memory_space<vmem>>
      %dma_start3A_83 = tpu.memref_squeeze %dma_start3A_82 : memref<1x32x128xf32, #tpu.memory_space<vmem>> -> memref<32x128xf32, #tpu.memory_space<vmem>>
      %dma_start3A_84 = arith.constant 0 : i32
      %dma_start3A_85 = tpu.memref_slice %arg6[%dma_start3A_78, %dma_start3A_84] : memref<16x32xi32, #tpu.memory_space<vmem>> -> memref<1x32xi32, #tpu.memory_space<vmem>>
      %dma_start3A_86 = tpu.memref_squeeze %dma_start3A_85 : memref<1x32xi32, #tpu.memory_space<vmem>> -> memref<32xi32, #tpu.memory_space<vmem>>
      %dma_start3A_87 = arith.constant 0 : i32
      %dma_start3A_88 = arith.constant 0 : i32
      %dma_start3A_89 = tpu.memref_slice %arg2[%dma_start3A_87, %dma_start3A_88] : memref<10240x128xf32, #tpu.memory_space<hbm>> -> memref<10240x128xf32, #tpu.memory_space<hbm>>
      tpu.enqueue_indirect_dma source(%dma_start3A_89 : memref<10240x128xf32, #tpu.memory_space<hbm>>) target(%dma_start3A_83 : memref<32x128xf32, #tpu.memory_space<vmem>>) offsets(%dma_start3A_86 : memref<32xi32, #tpu.memory_space<vmem>>) semaphore(%arg14 : memref<!tpu.dma_semaphore, #tpu.memory_space<semaphore_mem>>)
      %dma_start3A_90 = arith.constant 5 : i32
      %dma_start3A_91 = arith.constant 5 : i32
      %dma_start3A_92 = arith.constant 0 : i32
      %dma_start3A_93 = arith.constant 0 : i32
      %dma_start3A_94 = tpu.memref_slice %arg8[%dma_start3A_91, %dma_start3A_92, %dma_start3A_93] : memref<8x32x128xf32, #tpu.memory_space<vmem>> -> memref<1x32x128xf32, #tpu.memory_space<vmem>>
      %dma_start3A_95 = tpu.memref_squeeze %dma_start3A_94 : memref<1x32x128xf32, #tpu.memory_space<vmem>> -> memref<32x128xf32, #tpu.memory_space<vmem>>
      %dma_start3A_96 = arith.constant 0 : i32
      %dma_start3A_97 = tpu.memref_slice %arg6[%dma_start3A_90, %dma_start3A_96] : memref<16x32xi32, #tpu.memory_space<vmem>> -> memref<1x32xi32, #tpu.memory_space<vmem>>
      %dma_start3A_98 = tpu.memref_squeeze %dma_start3A_97 : memref<1x32xi32, #tpu.memory_space<vmem>> -> memref<32xi32, #tpu.memory_space<vmem>>
      %dma_start3A_99 = arith.constant 0 : i32
      %dma_start3A_100 = arith.constant 0 : i32
      %dma_start3A_101 = tpu.memref_slice %arg2[%dma_start3A_99, %dma_start3A_100] : memref<10240x128xf32, #tpu.memory_space<hbm>> -> memref<10240x128xf32, #tpu.memory_space<hbm>>
      tpu.enqueue_indirect_dma source(%dma_start3A_101 : memref<10240x128xf32, #tpu.memory_space<hbm>>) target(%dma_start3A_95 : memref<32x128xf32, #tpu.memory_space<vmem>>) offsets(%dma_start3A_98 : memref<32xi32, #tpu.memory_space<vmem>>) semaphore(%arg15 : memref<!tpu.dma_semaphore, #tpu.memory_space<semaphore_mem>>)
      %dma_start3A_102 = arith.constant 6 : i32
      %dma_start3A_103 = arith.constant 6 : i32
      %dma_start3A_104 = arith.constant 0 : i32
      %dma_start3A_105 = arith.constant 0 : i32
      %dma_start3A_106 = tpu.memref_slice %arg8[%dma_start3A_103, %dma_start3A_104, %dma_start3A_105] : memref<8x32x128xf32, #tpu.memory_space<vmem>> -> memref<1x32x128xf32, #tpu.memory_space<vmem>>
      %dma_start3A_107 = tpu.memref_squeeze %dma_start3A_106 : memref<1x32x128xf32, #tpu.memory_space<vmem>> -> memref<32x128xf32, #tpu.memory_space<vmem>>
      %dma_start3A_108 = arith.constant 0 : i32
      %dma_start3A_109 = tpu.memref_slice %arg6[%dma_start3A_102, %dma_start3A_108] : memref<16x32xi32, #tpu.memory_space<vmem>> -> memref<1x32xi32, #tpu.memory_space<vmem>>
      %dma_start3A_110 = tpu.memref_squeeze %dma_start3A_109 : memref<1x32xi32, #tpu.memory_space<vmem>> -> memref<32xi32, #tpu.memory_space<vmem>>
      %dma_start3A_111 = arith.constant 0 : i32
      %dma_start3A_112 = arith.constant 0 : i32
      %dma_start3A_113 = tpu.memref_slice %arg2[%dma_start3A_111, %dma_start3A_112] : memref<10240x128xf32, #tpu.memory_space<hbm>> -> memref<10240x128xf32, #tpu.memory_space<hbm>>
      tpu.enqueue_indirect_dma source(%dma_start3A_113 : memref<10240x128xf32, #tpu.memory_space<hbm>>) target(%dma_start3A_107 : memref<32x128xf32, #tpu.memory_space<vmem>>) offsets(%dma_start3A_110 : memref<32xi32, #tpu.memory_space<vmem>>) semaphore(%arg16 : memref<!tpu.dma_semaphore, #tpu.memory_space<semaphore_mem>>)
      %dma_start3A_114 = arith.constant 7 : i32
      %dma_start3A_115 = arith.constant 7 : i32
      %dma_start3A_116 = arith.constant 0 : i32
      %dma_start3A_117 = arith.constant 0 : i32
      %dma_start3A_118 = tpu.memref_slice %arg8[%dma_start3A_115, %dma_start3A_116, %dma_start3A_117] : memref<8x32x128xf32, #tpu.memory_space<vmem>> -> memref<1x32x128xf32, #tpu.memory_space<vmem>>
      %dma_start3A_119 = tpu.memref_squeeze %dma_start3A_118 : memref<1x32x128xf32, #tpu.memory_space<vmem>> -> memref<32x128xf32, #tpu.memory_space<vmem>>
      %dma_start3A_120 = arith.constant 0 : i32
      %dma_start3A_121 = tpu.memref_slice %arg6[%dma_start3A_114, %dma_start3A_120] : memref<16x32xi32, #tpu.memory_space<vmem>> -> memref<1x32xi32, #tpu.memory_space<vmem>>
      %dma_start3A_122 = tpu.memref_squeeze %dma_start3A_121 : memref<1x32xi32, #tpu.memory_space<vmem>> -> memref<32xi32, #tpu.memory_space<vmem>>
      %dma_start3A_123 = arith.constant 0 : i32
      %dma_start3A_124 = arith.constant 0 : i32
      %dma_start3A_125 = tpu.memref_slice %arg2[%dma_start3A_123, %dma_start3A_124] : memref<10240x128xf32, #tpu.memory_space<hbm>> -> memref<10240x128xf32, #tpu.memory_space<hbm>>
      tpu.enqueue_indirect_dma source(%dma_start3A_125 : memref<10240x128xf32, #tpu.memory_space<hbm>>) target(%dma_start3A_119 : memref<32x128xf32, #tpu.memory_space<vmem>>) offsets(%dma_start3A_122 : memref<32xi32, #tpu.memory_space<vmem>>) semaphore(%arg17 : memref<!tpu.dma_semaphore, #tpu.memory_space<semaphore_mem>>)
      %scan3A_126 = arith.constant 0 : i32
      %scan3A_127 = arith.constant 0 : i32
      %scan3A_128 = arith.constant 2 : i32
      %scan3A_129 = arith.addi %scan3A_127, %scan3A_128 : i32
      %scan3A_130 = arith.constant 1 : i32
      scf.for %scan3A_132 = %scan3A_127 to %scan3A_129 step %scan3A_130  : i32 {
        %mul3A_133 = arith.constant 8 : i32
        %mul3A_134 = arith.muli %scan3A_132, %mul3A_133 : i32
        %add3A_135 = arith.constant 0 : i32
        %add3A_136 = arith.addi %mul3A_134, %add3A_135 : i32
        %dma_wait3A = arith.constant 0 : i32
        %dma_wait3A_137 = arith.constant 0 : i32
        %dma_wait3A_138 = arith.constant 0 : i32
        %dma_wait3A_139 = tpu.memref_slice %arg8[%dma_wait3A, %dma_wait3A_137, %dma_wait3A_138] : memref<8x32x128xf32, #tpu.memory_space<vmem>> -> memref<1x32x128xf32, #tpu.memory_space<vmem>>
        %dma_wait3A_140 = tpu.memref_squeeze %dma_wait3A_139 : memref<1x32x128xf32, #tpu.memory_space<vmem>> -> memref<32x128xf32, #tpu.memory_space<vmem>>
        %dma_wait3A_141 = arith.constant 0 : i32
        %dma_wait3A_142 = tpu.memref_slice %arg6[%add3A_136, %dma_wait3A_141] : memref<16x32xi32, #tpu.memory_space<vmem>> -> memref<1x32xi32, #tpu.memory_space<vmem>>
        %dma_wait3A_143 = tpu.memref_squeeze %dma_wait3A_142 : memref<1x32xi32, #tpu.memory_space<vmem>> -> memref<32xi32, #tpu.memory_space<vmem>>
        %dma_wait3A_144 = arith.constant 0 : i32
        %dma_wait3A_145 = arith.constant 0 : i32
        %dma_wait3A_146 = tpu.memref_slice %arg2[%dma_wait3A_144, %dma_wait3A_145] : memref<10240x128xf32, #tpu.memory_space<hbm>> -> memref<10240x128xf32, #tpu.memory_space<hbm>>
        tpu.wait_indirect_dma semaphore(%arg10 : memref<!tpu.dma_semaphore, #tpu.memory_space<semaphore_mem>>) src(%dma_wait3A_146 : memref<10240x128xf32, #tpu.memory_space<hbm>>) dst(%dma_wait3A_140 : memref<32x128xf32, #tpu.memory_space<vmem>>)
        %run_scoped3A = arith.constant 0 : i32
        "tpu.region"() ({
          %run_scoped3A_312 = tpu.sem_alloc : memref<!tpu.dma_semaphore, #tpu.memory_space<semaphore_mem>>
          %dma_start3A_313 = arith.constant 0 : i32
          %dma_start3A_314 = arith.constant 0 : i32
          %dma_start3A_315 = tpu.memref_slice %arg8[%run_scoped3A, %dma_start3A_313, %dma_start3A_314] : memref<8x32x128xf32, #tpu.memory_space<vmem>> -> memref<1x32x128xf32, #tpu.memory_space<vmem>>
          %dma_start3A_316 = tpu.memref_squeeze %dma_start3A_315 : memref<1x32x128xf32, #tpu.memory_space<vmem>> -> memref<32x128xf32, #tpu.memory_space<vmem>>
          %dma_start3A_317 = arith.constant 0 : i32
          %dma_start3A_318 = tpu.memref_slice %arg7[%add3A_136, %dma_start3A_317] : memref<16x32xi32, #tpu.memory_space<vmem>> -> memref<1x32xi32, #tpu.memory_space<vmem>>
          %dma_start3A_319 = tpu.memref_squeeze %dma_start3A_318 : memref<1x32xi32, #tpu.memory_space<vmem>> -> memref<32xi32, #tpu.memory_space<vmem>>
          %dma_start3A_320 = arith.constant 0 : i32
          %dma_start3A_321 = arith.constant 0 : i32
          %dma_start3A_322 = tpu.memref_slice %arg9[%dma_start3A_320, %dma_start3A_321] : memref<10240x128xf32, #tpu.memory_space<vmem_shared>> -> memref<10240x128xf32, #tpu.memory_space<vmem_shared>>
          tpu.enqueue_indirect_dma source(%dma_start3A_316 : memref<32x128xf32, #tpu.memory_space<vmem>>) target(%dma_start3A_322 : memref<10240x128xf32, #tpu.memory_space<vmem_shared>>) offsets(%dma_start3A_319 : memref<32xi32, #tpu.memory_space<vmem>>) semaphore(%run_scoped3A_312 : memref<!tpu.dma_semaphore, #tpu.memory_space<semaphore_mem>>) {add = true}
          %dma_wait3A_323 = arith.constant 0 : i32
          %dma_wait3A_324 = arith.constant 0 : i32
          %dma_wait3A_325 = tpu.memref_slice %arg8[%run_scoped3A, %dma_wait3A_323, %dma_wait3A_324] : memref<8x32x128xf32, #tpu.memory_space<vmem>> -> memref<1x32x128xf32, #tpu.memory_space<vmem>>
          %dma_wait3A_326 = tpu.memref_squeeze %dma_wait3A_325 : memref<1x32x128xf32, #tpu.memory_space<vmem>> -> memref<32x128xf32, #tpu.memory_space<vmem>>
          %dma_wait3A_327 = arith.constant 0 : i32
          %dma_wait3A_328 = tpu.memref_slice %arg7[%add3A_136, %dma_wait3A_327] : memref<16x32xi32, #tpu.memory_space<vmem>> -> memref<1x32xi32, #tpu.memory_space<vmem>>
          %dma_wait3A_329 = tpu.memref_squeeze %dma_wait3A_328 : memref<1x32xi32, #tpu.memory_space<vmem>> -> memref<32xi32, #tpu.memory_space<vmem>>
          %dma_wait3A_330 = arith.constant 0 : i32
          %dma_wait3A_331 = arith.constant 0 : i32
          %dma_wait3A_332 = tpu.memref_slice %arg9[%dma_wait3A_330, %dma_wait3A_331] : memref<10240x128xf32, #tpu.memory_space<vmem_shared>> -> memref<10240x128xf32, #tpu.memory_space<vmem_shared>>
          tpu.wait_indirect_dma semaphore(%run_scoped3A_312 : memref<!tpu.dma_semaphore, #tpu.memory_space<semaphore_mem>>) src(%dma_wait3A_326 : memref<32x128xf32, #tpu.memory_space<vmem>>) dst(%dma_wait3A_332 : memref<10240x128xf32, #tpu.memory_space<vmem_shared>>)
          tpu.yield
        }) : () -> ()
        %add3A_147 = arith.constant 8 : i32
        %add3A_148 = arith.addi %add3A_136, %add3A_147 : i32
        %lt3A = arith.constant 16 : i32
        %lt3A_149 = arith.cmpi slt, %add3A_148, %lt3A : i32
        %convert_element_type3A = arith.extui %lt3A_149 : i1 to i32
        %cond3A = arith.constant 0 : i32
        %cond3A_150 = arith.cmpi ne, %convert_element_type3A, %cond3A : i32
        scf.if %cond3A_150 {
          %add3A_312 = arith.constant 8 : i32
          %add3A_313 = arith.addi %add3A_136, %add3A_312 : i32
          %dma_start3A_314 = arith.constant 0 : i32
          %dma_start3A_315 = arith.constant 0 : i32
          %dma_start3A_316 = arith.constant 0 : i32
          %dma_start3A_317 = tpu.memref_slice %arg8[%dma_start3A_314, %dma_start3A_315, %dma_start3A_316] : memref<8x32x128xf32, #tpu.memory_space<vmem>> -> memref<1x32x128xf32, #tpu.memory_space<vmem>>
          %dma_start3A_318 = tpu.memref_squeeze %dma_start3A_317 : memref<1x32x128xf32, #tpu.memory_space<vmem>> -> memref<32x128xf32, #tpu.memory_space<vmem>>
          %dma_start3A_319 = arith.constant 0 : i32
          %dma_start3A_320 = tpu.memref_slice %arg6[%add3A_313, %dma_start3A_319] : memref<16x32xi32, #tpu.memory_space<vmem>> -> memref<1x32xi32, #tpu.memory_space<vmem>>
          %dma_start3A_321 = tpu.memref_squeeze %dma_start3A_320 : memref<1x32xi32, #tpu.memory_space<vmem>> -> memref<32xi32, #tpu.memory_space<vmem>>
          %dma_start3A_322 = arith.constant 0 : i32
          %dma_start3A_323 = arith.constant 0 : i32
          %dma_start3A_324 = tpu.memref_slice %arg2[%dma_start3A_322, %dma_start3A_323] : memref<10240x128xf32, #tpu.memory_space<hbm>> -> memref<10240x128xf32, #tpu.memory_space<hbm>>
          tpu.enqueue_indirect_dma source(%dma_start3A_324 : memref<10240x128xf32, #tpu.memory_space<hbm>>) target(%dma_start3A_318 : memref<32x128xf32, #tpu.memory_space<vmem>>) offsets(%dma_start3A_321 : memref<32xi32, #tpu.memory_space<vmem>>) semaphore(%arg10 : memref<!tpu.dma_semaphore, #tpu.memory_space<semaphore_mem>>)
        } else {
        }
        %mul3A_151 = arith.constant 8 : i32
        %mul3A_152 = arith.muli %scan3A_132, %mul3A_151 : i32
        %add3A_153 = arith.constant 1 : i32
        %add3A_154 = arith.addi %mul3A_152, %add3A_153 : i32
        %dma_wait3A_155 = arith.constant 1 : i32
        %dma_wait3A_156 = arith.constant 0 : i32
        %dma_wait3A_157 = arith.constant 0 : i32
        %dma_wait3A_158 = tpu.memref_slice %arg8[%dma_wait3A_155, %dma_wait3A_156, %dma_wait3A_157] : memref<8x32x128xf32, #tpu.memory_space<vmem>> -> memref<1x32x128xf32, #tpu.memory_space<vmem>>
        %dma_wait3A_159 = tpu.memref_squeeze %dma_wait3A_158 : memref<1x32x128xf32, #tpu.memory_space<vmem>> -> memref<32x128xf32, #tpu.memory_space<vmem>>
        %dma_wait3A_160 = arith.constant 0 : i32
        %dma_wait3A_161 = tpu.memref_slice %arg6[%add3A_154, %dma_wait3A_160] : memref<16x32xi32, #tpu.memory_space<vmem>> -> memref<1x32xi32, #tpu.memory_space<vmem>>
        %dma_wait3A_162 = tpu.memref_squeeze %dma_wait3A_161 : memref<1x32xi32, #tpu.memory_space<vmem>> -> memref<32xi32, #tpu.memory_space<vmem>>
        %dma_wait3A_163 = arith.constant 0 : i32
        %dma_wait3A_164 = arith.constant 0 : i32
        %dma_wait3A_165 = tpu.memref_slice %arg2[%dma_wait3A_163, %dma_wait3A_164] : memref<10240x128xf32, #tpu.memory_space<hbm>> -> memref<10240x128xf32, #tpu.memory_space<hbm>>
        tpu.wait_indirect_dma semaphore(%arg11 : memref<!tpu.dma_semaphore, #tpu.memory_space<semaphore_mem>>) src(%dma_wait3A_165 : memref<10240x128xf32, #tpu.memory_space<hbm>>) dst(%dma_wait3A_159 : memref<32x128xf32, #tpu.memory_space<vmem>>)
        %run_scoped3A_166 = arith.constant 1 : i32
        "tpu.region"() ({
          %run_scoped3A_312 = tpu.sem_alloc : memref<!tpu.dma_semaphore, #tpu.memory_space<semaphore_mem>>
          %dma_start3A_313 = arith.constant 0 : i32
          %dma_start3A_314 = arith.constant 0 : i32
          %dma_start3A_315 = tpu.memref_slice %arg8[%run_scoped3A_166, %dma_start3A_313, %dma_start3A_314] : memref<8x32x128xf32, #tpu.memory_space<vmem>> -> memref<1x32x128xf32, #tpu.memory_space<vmem>>
          %dma_start3A_316 = tpu.memref_squeeze %dma_start3A_315 : memref<1x32x128xf32, #tpu.memory_space<vmem>> -> memref<32x128xf32, #tpu.memory_space<vmem>>
          %dma_start3A_317 = arith.constant 0 : i32
          %dma_start3A_318 = tpu.memref_slice %arg7[%add3A_154, %dma_start3A_317] : memref<16x32xi32, #tpu.memory_space<vmem>> -> memref<1x32xi32, #tpu.memory_space<vmem>>
          %dma_start3A_319 = tpu.memref_squeeze %dma_start3A_318 : memref<1x32xi32, #tpu.memory_space<vmem>> -> memref<32xi32, #tpu.memory_space<vmem>>
          %dma_start3A_320 = arith.constant 0 : i32
          %dma_start3A_321 = arith.constant 0 : i32
          %dma_start3A_322 = tpu.memref_slice %arg9[%dma_start3A_320, %dma_start3A_321] : memref<10240x128xf32, #tpu.memory_space<vmem_shared>> -> memref<10240x128xf32, #tpu.memory_space<vmem_shared>>
          tpu.enqueue_indirect_dma source(%dma_start3A_316 : memref<32x128xf32, #tpu.memory_space<vmem>>) target(%dma_start3A_322 : memref<10240x128xf32, #tpu.memory_space<vmem_shared>>) offsets(%dma_start3A_319 : memref<32xi32, #tpu.memory_space<vmem>>) semaphore(%run_scoped3A_312 : memref<!tpu.dma_semaphore, #tpu.memory_space<semaphore_mem>>) {add = true}
          %dma_wait3A_323 = arith.constant 0 : i32
          %dma_wait3A_324 = arith.constant 0 : i32
          %dma_wait3A_325 = tpu.memref_slice %arg8[%run_scoped3A_166, %dma_wait3A_323, %dma_wait3A_324] : memref<8x32x128xf32, #tpu.memory_space<vmem>> -> memref<1x32x128xf32, #tpu.memory_space<vmem>>
          %dma_wait3A_326 = tpu.memref_squeeze %dma_wait3A_325 : memref<1x32x128xf32, #tpu.memory_space<vmem>> -> memref<32x128xf32, #tpu.memory_space<vmem>>
          %dma_wait3A_327 = arith.constant 0 : i32
          %dma_wait3A_328 = tpu.memref_slice %arg7[%add3A_154, %dma_wait3A_327] : memref<16x32xi32, #tpu.memory_space<vmem>> -> memref<1x32xi32, #tpu.memory_space<vmem>>
          %dma_wait3A_329 = tpu.memref_squeeze %dma_wait3A_328 : memref<1x32xi32, #tpu.memory_space<vmem>> -> memref<32xi32, #tpu.memory_space<vmem>>
          %dma_wait3A_330 = arith.constant 0 : i32
          %dma_wait3A_331 = arith.constant 0 : i32
          %dma_wait3A_332 = tpu.memref_slice %arg9[%dma_wait3A_330, %dma_wait3A_331] : memref<10240x128xf32, #tpu.memory_space<vmem_shared>> -> memref<10240x128xf32, #tpu.memory_space<vmem_shared>>
          tpu.wait_indirect_dma semaphore(%run_scoped3A_312 : memref<!tpu.dma_semaphore, #tpu.memory_space<semaphore_mem>>) src(%dma_wait3A_326 : memref<32x128xf32, #tpu.memory_space<vmem>>) dst(%dma_wait3A_332 : memref<10240x128xf32, #tpu.memory_space<vmem_shared>>)
          tpu.yield
        }) : () -> ()
        %add3A_167 = arith.constant 8 : i32
        %add3A_168 = arith.addi %add3A_154, %add3A_167 : i32
        %lt3A_169 = arith.constant 16 : i32
        %lt3A_170 = arith.cmpi slt, %add3A_168, %lt3A_169 : i32
        %convert_element_type3A_171 = arith.extui %lt3A_170 : i1 to i32
        %cond3A_172 = arith.constant 0 : i32
        %cond3A_173 = arith.cmpi ne, %convert_element_type3A_171, %cond3A_172 : i32
        scf.if %cond3A_173 {
          %add3A_312 = arith.constant 8 : i32
          %add3A_313 = arith.addi %add3A_154, %add3A_312 : i32
          %dma_start3A_314 = arith.constant 1 : i32
          %dma_start3A_315 = arith.constant 0 : i32
          %dma_start3A_316 = arith.constant 0 : i32
          %dma_start3A_317 = tpu.memref_slice %arg8[%dma_start3A_314, %dma_start3A_315, %dma_start3A_316] : memref<8x32x128xf32, #tpu.memory_space<vmem>> -> memref<1x32x128xf32, #tpu.memory_space<vmem>>
          %dma_start3A_318 = tpu.memref_squeeze %dma_start3A_317 : memref<1x32x128xf32, #tpu.memory_space<vmem>> -> memref<32x128xf32, #tpu.memory_space<vmem>>
          %dma_start3A_319 = arith.constant 0 : i32
          %dma_start3A_320 = tpu.memref_slice %arg6[%add3A_313, %dma_start3A_319] : memref<16x32xi32, #tpu.memory_space<vmem>> -> memref<1x32xi32, #tpu.memory_space<vmem>>
          %dma_start3A_321 = tpu.memref_squeeze %dma_start3A_320 : memref<1x32xi32, #tpu.memory_space<vmem>> -> memref<32xi32, #tpu.memory_space<vmem>>
          %dma_start3A_322 = arith.constant 0 : i32
          %dma_start3A_323 = arith.constant 0 : i32
          %dma_start3A_324 = tpu.memref_slice %arg2[%dma_start3A_322, %dma_start3A_323] : memref<10240x128xf32, #tpu.memory_space<hbm>> -> memref<10240x128xf32, #tpu.memory_space<hbm>>
          tpu.enqueue_indirect_dma source(%dma_start3A_324 : memref<10240x128xf32, #tpu.memory_space<hbm>>) target(%dma_start3A_318 : memref<32x128xf32, #tpu.memory_space<vmem>>) offsets(%dma_start3A_321 : memref<32xi32, #tpu.memory_space<vmem>>) semaphore(%arg11 : memref<!tpu.dma_semaphore, #tpu.memory_space<semaphore_mem>>)
        } else {
        }
        %mul3A_174 = arith.constant 8 : i32
        %mul3A_175 = arith.muli %scan3A_132, %mul3A_174 : i32
        %add3A_176 = arith.constant 2 : i32
        %add3A_177 = arith.addi %mul3A_175, %add3A_176 : i32
        %dma_wait3A_178 = arith.constant 2 : i32
        %dma_wait3A_179 = arith.constant 0 : i32
        %dma_wait3A_180 = arith.constant 0 : i32
        %dma_wait3A_181 = tpu.memref_slice %arg8[%dma_wait3A_178, %dma_wait3A_179, %dma_wait3A_180] : memref<8x32x128xf32, #tpu.memory_space<vmem>> -> memref<1x32x128xf32, #tpu.memory_space<vmem>>
        %dma_wait3A_182 = tpu.memref_squeeze %dma_wait3A_181 : memref<1x32x128xf32, #tpu.memory_space<vmem>> -> memref<32x128xf32, #tpu.memory_space<vmem>>
        %dma_wait3A_183 = arith.constant 0 : i32
        %dma_wait3A_184 = tpu.memref_slice %arg6[%add3A_177, %dma_wait3A_183] : memref<16x32xi32, #tpu.memory_space<vmem>> -> memref<1x32xi32, #tpu.memory_space<vmem>>
        %dma_wait3A_185 = tpu.memref_squeeze %dma_wait3A_184 : memref<1x32xi32, #tpu.memory_space<vmem>> -> memref<32xi32, #tpu.memory_space<vmem>>
        %dma_wait3A_186 = arith.constant 0 : i32
        %dma_wait3A_187 = arith.constant 0 : i32
        %dma_wait3A_188 = tpu.memref_slice %arg2[%dma_wait3A_186, %dma_wait3A_187] : memref<10240x128xf32, #tpu.memory_space<hbm>> -> memref<10240x128xf32, #tpu.memory_space<hbm>>
        tpu.wait_indirect_dma semaphore(%arg12 : memref<!tpu.dma_semaphore, #tpu.memory_space<semaphore_mem>>) src(%dma_wait3A_188 : memref<10240x128xf32, #tpu.memory_space<hbm>>) dst(%dma_wait3A_182 : memref<32x128xf32, #tpu.memory_space<vmem>>)
        %run_scoped3A_189 = arith.constant 2 : i32
        "tpu.region"() ({
          %run_scoped3A_312 = tpu.sem_alloc : memref<!tpu.dma_semaphore, #tpu.memory_space<semaphore_mem>>
          %dma_start3A_313 = arith.constant 0 : i32
          %dma_start3A_314 = arith.constant 0 : i32
          %dma_start3A_315 = tpu.memref_slice %arg8[%run_scoped3A_189, %dma_start3A_313, %dma_start3A_314] : memref<8x32x128xf32, #tpu.memory_space<vmem>> -> memref<1x32x128xf32, #tpu.memory_space<vmem>>
          %dma_start3A_316 = tpu.memref_squeeze %dma_start3A_315 : memref<1x32x128xf32, #tpu.memory_space<vmem>> -> memref<32x128xf32, #tpu.memory_space<vmem>>
          %dma_start3A_317 = arith.constant 0 : i32
          %dma_start3A_318 = tpu.memref_slice %arg7[%add3A_177, %dma_start3A_317] : memref<16x32xi32, #tpu.memory_space<vmem>> -> memref<1x32xi32, #tpu.memory_space<vmem>>
          %dma_start3A_319 = tpu.memref_squeeze %dma_start3A_318 : memref<1x32xi32, #tpu.memory_space<vmem>> -> memref<32xi32, #tpu.memory_space<vmem>>
          %dma_start3A_320 = arith.constant 0 : i32
          %dma_start3A_321 = arith.constant 0 : i32
          %dma_start3A_322 = tpu.memref_slice %arg9[%dma_start3A_320, %dma_start3A_321] : memref<10240x128xf32, #tpu.memory_space<vmem_shared>> -> memref<10240x128xf32, #tpu.memory_space<vmem_shared>>
          tpu.enqueue_indirect_dma source(%dma_start3A_316 : memref<32x128xf32, #tpu.memory_space<vmem>>) target(%dma_start3A_322 : memref<10240x128xf32, #tpu.memory_space<vmem_shared>>) offsets(%dma_start3A_319 : memref<32xi32, #tpu.memory_space<vmem>>) semaphore(%run_scoped3A_312 : memref<!tpu.dma_semaphore, #tpu.memory_space<semaphore_mem>>) {add = true}
          %dma_wait3A_323 = arith.constant 0 : i32
          %dma_wait3A_324 = arith.constant 0 : i32
          %dma_wait3A_325 = tpu.memref_slice %arg8[%run_scoped3A_189, %dma_wait3A_323, %dma_wait3A_324] : memref<8x32x128xf32, #tpu.memory_space<vmem>> -> memref<1x32x128xf32, #tpu.memory_space<vmem>>
          %dma_wait3A_326 = tpu.memref_squeeze %dma_wait3A_325 : memref<1x32x128xf32, #tpu.memory_space<vmem>> -> memref<32x128xf32, #tpu.memory_space<vmem>>
          %dma_wait3A_327 = arith.constant 0 : i32
          %dma_wait3A_328 = tpu.memref_slice %arg7[%add3A_177, %dma_wait3A_327] : memref<16x32xi32, #tpu.memory_space<vmem>> -> memref<1x32xi32, #tpu.memory_space<vmem>>
          %dma_wait3A_329 = tpu.memref_squeeze %dma_wait3A_328 : memref<1x32xi32, #tpu.memory_space<vmem>> -> memref<32xi32, #tpu.memory_space<vmem>>
          %dma_wait3A_330 = arith.constant 0 : i32
          %dma_wait3A_331 = arith.constant 0 : i32
          %dma_wait3A_332 = tpu.memref_slice %arg9[%dma_wait3A_330, %dma_wait3A_331] : memref<10240x128xf32, #tpu.memory_space<vmem_shared>> -> memref<10240x128xf32, #tpu.memory_space<vmem_shared>>
          tpu.wait_indirect_dma semaphore(%run_scoped3A_312 : memref<!tpu.dma_semaphore, #tpu.memory_space<semaphore_mem>>) src(%dma_wait3A_326 : memref<32x128xf32, #tpu.memory_space<vmem>>) dst(%dma_wait3A_332 : memref<10240x128xf32, #tpu.memory_space<vmem_shared>>)
          tpu.yield
        }) : () -> ()
        %add3A_190 = arith.constant 8 : i32
        %add3A_191 = arith.addi %add3A_177, %add3A_190 : i32
        %lt3A_192 = arith.constant 16 : i32
        %lt3A_193 = arith.cmpi slt, %add3A_191, %lt3A_192 : i32
        %convert_element_type3A_194 = arith.extui %lt3A_193 : i1 to i32
        %cond3A_195 = arith.constant 0 : i32
        %cond3A_196 = arith.cmpi ne, %convert_element_type3A_194, %cond3A_195 : i32
        scf.if %cond3A_196 {
          %add3A_312 = arith.constant 8 : i32
          %add3A_313 = arith.addi %add3A_177, %add3A_312 : i32
          %dma_start3A_314 = arith.constant 2 : i32
          %dma_start3A_315 = arith.constant 0 : i32
          %dma_start3A_316 = arith.constant 0 : i32
          %dma_start3A_317 = tpu.memref_slice %arg8[%dma_start3A_314, %dma_start3A_315, %dma_start3A_316] : memref<8x32x128xf32, #tpu.memory_space<vmem>> -> memref<1x32x128xf32, #tpu.memory_space<vmem>>
          %dma_start3A_318 = tpu.memref_squeeze %dma_start3A_317 : memref<1x32x128xf32, #tpu.memory_space<vmem>> -> memref<32x128xf32, #tpu.memory_space<vmem>>
          %dma_start3A_319 = arith.constant 0 : i32
          %dma_start3A_320 = tpu.memref_slice %arg6[%add3A_313, %dma_start3A_319] : memref<16x32xi32, #tpu.memory_space<vmem>> -> memref<1x32xi32, #tpu.memory_space<vmem>>
          %dma_start3A_321 = tpu.memref_squeeze %dma_start3A_320 : memref<1x32xi32, #tpu.memory_space<vmem>> -> memref<32xi32, #tpu.memory_space<vmem>>
          %dma_start3A_322 = arith.constant 0 : i32
          %dma_start3A_323 = arith.constant 0 : i32
          %dma_start3A_324 = tpu.memref_slice %arg2[%dma_start3A_322, %dma_start3A_323] : memref<10240x128xf32, #tpu.memory_space<hbm>> -> memref<10240x128xf32, #tpu.memory_space<hbm>>
          tpu.enqueue_indirect_dma source(%dma_start3A_324 : memref<10240x128xf32, #tpu.memory_space<hbm>>) target(%dma_start3A_318 : memref<32x128xf32, #tpu.memory_space<vmem>>) offsets(%dma_start3A_321 : memref<32xi32, #tpu.memory_space<vmem>>) semaphore(%arg12 : memref<!tpu.dma_semaphore, #tpu.memory_space<semaphore_mem>>)
        } else {
        }
        %mul3A_197 = arith.constant 8 : i32
        %mul3A_198 = arith.muli %scan3A_132, %mul3A_197 : i32
        %add3A_199 = arith.constant 3 : i32
        %add3A_200 = arith.addi %mul3A_198, %add3A_199 : i32
        %dma_wait3A_201 = arith.constant 3 : i32
        %dma_wait3A_202 = arith.constant 0 : i32
        %dma_wait3A_203 = arith.constant 0 : i32
        %dma_wait3A_204 = tpu.memref_slice %arg8[%dma_wait3A_201, %dma_wait3A_202, %dma_wait3A_203] : memref<8x32x128xf32, #tpu.memory_space<vmem>> -> memref<1x32x128xf32, #tpu.memory_space<vmem>>
        %dma_wait3A_205 = tpu.memref_squeeze %dma_wait3A_204 : memref<1x32x128xf32, #tpu.memory_space<vmem>> -> memref<32x128xf32, #tpu.memory_space<vmem>>
        %dma_wait3A_206 = arith.constant 0 : i32
        %dma_wait3A_207 = tpu.memref_slice %arg6[%add3A_200, %dma_wait3A_206] : memref<16x32xi32, #tpu.memory_space<vmem>> -> memref<1x32xi32, #tpu.memory_space<vmem>>
        %dma_wait3A_208 = tpu.memref_squeeze %dma_wait3A_207 : memref<1x32xi32, #tpu.memory_space<vmem>> -> memref<32xi32, #tpu.memory_space<vmem>>
        %dma_wait3A_209 = arith.constant 0 : i32
        %dma_wait3A_210 = arith.constant 0 : i32
        %dma_wait3A_211 = tpu.memref_slice %arg2[%dma_wait3A_209, %dma_wait3A_210] : memref<10240x128xf32, #tpu.memory_space<hbm>> -> memref<10240x128xf32, #tpu.memory_space<hbm>>
        tpu.wait_indirect_dma semaphore(%arg13 : memref<!tpu.dma_semaphore, #tpu.memory_space<semaphore_mem>>) src(%dma_wait3A_211 : memref<10240x128xf32, #tpu.memory_space<hbm>>) dst(%dma_wait3A_205 : memref<32x128xf32, #tpu.memory_space<vmem>>)
        %run_scoped3A_212 = arith.constant 3 : i32
        "tpu.region"() ({
          %run_scoped3A_312 = tpu.sem_alloc : memref<!tpu.dma_semaphore, #tpu.memory_space<semaphore_mem>>
          %dma_start3A_313 = arith.constant 0 : i32
          %dma_start3A_314 = arith.constant 0 : i32
          %dma_start3A_315 = tpu.memref_slice %arg8[%run_scoped3A_212, %dma_start3A_313, %dma_start3A_314] : memref<8x32x128xf32, #tpu.memory_space<vmem>> -> memref<1x32x128xf32, #tpu.memory_space<vmem>>
          %dma_start3A_316 = tpu.memref_squeeze %dma_start3A_315 : memref<1x32x128xf32, #tpu.memory_space<vmem>> -> memref<32x128xf32, #tpu.memory_space<vmem>>
          %dma_start3A_317 = arith.constant 0 : i32
          %dma_start3A_318 = tpu.memref_slice %arg7[%add3A_200, %dma_start3A_317] : memref<16x32xi32, #tpu.memory_space<vmem>> -> memref<1x32xi32, #tpu.memory_space<vmem>>
          %dma_start3A_319 = tpu.memref_squeeze %dma_start3A_318 : memref<1x32xi32, #tpu.memory_space<vmem>> -> memref<32xi32, #tpu.memory_space<vmem>>
          %dma_start3A_320 = arith.constant 0 : i32
          %dma_start3A_321 = arith.constant 0 : i32
          %dma_start3A_322 = tpu.memref_slice %arg9[%dma_start3A_320, %dma_start3A_321] : memref<10240x128xf32, #tpu.memory_space<vmem_shared>> -> memref<10240x128xf32, #tpu.memory_space<vmem_shared>>
          tpu.enqueue_indirect_dma source(%dma_start3A_316 : memref<32x128xf32, #tpu.memory_space<vmem>>) target(%dma_start3A_322 : memref<10240x128xf32, #tpu.memory_space<vmem_shared>>) offsets(%dma_start3A_319 : memref<32xi32, #tpu.memory_space<vmem>>) semaphore(%run_scoped3A_312 : memref<!tpu.dma_semaphore, #tpu.memory_space<semaphore_mem>>) {add = true}
          %dma_wait3A_323 = arith.constant 0 : i32
          %dma_wait3A_324 = arith.constant 0 : i32
          %dma_wait3A_325 = tpu.memref_slice %arg8[%run_scoped3A_212, %dma_wait3A_323, %dma_wait3A_324] : memref<8x32x128xf32, #tpu.memory_space<vmem>> -> memref<1x32x128xf32, #tpu.memory_space<vmem>>
          %dma_wait3A_326 = tpu.memref_squeeze %dma_wait3A_325 : memref<1x32x128xf32, #tpu.memory_space<vmem>> -> memref<32x128xf32, #tpu.memory_space<vmem>>
          %dma_wait3A_327 = arith.constant 0 : i32
          %dma_wait3A_328 = tpu.memref_slice %arg7[%add3A_200, %dma_wait3A_327] : memref<16x32xi32, #tpu.memory_space<vmem>> -> memref<1x32xi32, #tpu.memory_space<vmem>>
          %dma_wait3A_329 = tpu.memref_squeeze %dma_wait3A_328 : memref<1x32xi32, #tpu.memory_space<vmem>> -> memref<32xi32, #tpu.memory_space<vmem>>
          %dma_wait3A_330 = arith.constant 0 : i32
          %dma_wait3A_331 = arith.constant 0 : i32
          %dma_wait3A_332 = tpu.memref_slice %arg9[%dma_wait3A_330, %dma_wait3A_331] : memref<10240x128xf32, #tpu.memory_space<vmem_shared>> -> memref<10240x128xf32, #tpu.memory_space<vmem_shared>>
          tpu.wait_indirect_dma semaphore(%run_scoped3A_312 : memref<!tpu.dma_semaphore, #tpu.memory_space<semaphore_mem>>) src(%dma_wait3A_326 : memref<32x128xf32, #tpu.memory_space<vmem>>) dst(%dma_wait3A_332 : memref<10240x128xf32, #tpu.memory_space<vmem_shared>>)
          tpu.yield
        }) : () -> ()
        %add3A_213 = arith.constant 8 : i32
        %add3A_214 = arith.addi %add3A_200, %add3A_213 : i32
        %lt3A_215 = arith.constant 16 : i32
        %lt3A_216 = arith.cmpi slt, %add3A_214, %lt3A_215 : i32
        %convert_element_type3A_217 = arith.extui %lt3A_216 : i1 to i32
        %cond3A_218 = arith.constant 0 : i32
        %cond3A_219 = arith.cmpi ne, %convert_element_type3A_217, %cond3A_218 : i32
        scf.if %cond3A_219 {
          %add3A_312 = arith.constant 8 : i32
          %add3A_313 = arith.addi %add3A_200, %add3A_312 : i32
          %dma_start3A_314 = arith.constant 3 : i32
          %dma_start3A_315 = arith.constant 0 : i32
          %dma_start3A_316 = arith.constant 0 : i32
          %dma_start3A_317 = tpu.memref_slice %arg8[%dma_start3A_314, %dma_start3A_315, %dma_start3A_316] : memref<8x32x128xf32, #tpu.memory_space<vmem>> -> memref<1x32x128xf32, #tpu.memory_space<vmem>>
          %dma_start3A_318 = tpu.memref_squeeze %dma_start3A_317 : memref<1x32x128xf32, #tpu.memory_space<vmem>> -> memref<32x128xf32, #tpu.memory_space<vmem>>
          %dma_start3A_319 = arith.constant 0 : i32
          %dma_start3A_320 = tpu.memref_slice %arg6[%add3A_313, %dma_start3A_319] : memref<16x32xi32, #tpu.memory_space<vmem>> -> memref<1x32xi32, #tpu.memory_space<vmem>>
          %dma_start3A_321 = tpu.memref_squeeze %dma_start3A_320 : memref<1x32xi32, #tpu.memory_space<vmem>> -> memref<32xi32, #tpu.memory_space<vmem>>
          %dma_start3A_322 = arith.constant 0 : i32
          %dma_start3A_323 = arith.constant 0 : i32
          %dma_start3A_324 = tpu.memref_slice %arg2[%dma_start3A_322, %dma_start3A_323] : memref<10240x128xf32, #tpu.memory_space<hbm>> -> memref<10240x128xf32, #tpu.memory_space<hbm>>
          tpu.enqueue_indirect_dma source(%dma_start3A_324 : memref<10240x128xf32, #tpu.memory_space<hbm>>) target(%dma_start3A_318 : memref<32x128xf32, #tpu.memory_space<vmem>>) offsets(%dma_start3A_321 : memref<32xi32, #tpu.memory_space<vmem>>) semaphore(%arg13 : memref<!tpu.dma_semaphore, #tpu.memory_space<semaphore_mem>>)
        } else {
        }
        %mul3A_220 = arith.constant 8 : i32
        %mul3A_221 = arith.muli %scan3A_132, %mul3A_220 : i32
        %add3A_222 = arith.constant 4 : i32
        %add3A_223 = arith.addi %mul3A_221, %add3A_222 : i32
        %dma_wait3A_224 = arith.constant 4 : i32
        %dma_wait3A_225 = arith.constant 0 : i32
        %dma_wait3A_226 = arith.constant 0 : i32
        %dma_wait3A_227 = tpu.memref_slice %arg8[%dma_wait3A_224, %dma_wait3A_225, %dma_wait3A_226] : memref<8x32x128xf32, #tpu.memory_space<vmem>> -> memref<1x32x128xf32, #tpu.memory_space<vmem>>
        %dma_wait3A_228 = tpu.memref_squeeze %dma_wait3A_227 : memref<1x32x128xf32, #tpu.memory_space<vmem>> -> memref<32x128xf32, #tpu.memory_space<vmem>>
        %dma_wait3A_229 = arith.constant 0 : i32
        %dma_wait3A_230 = tpu.memref_slice %arg6[%add3A_223, %dma_wait3A_229] : memref<16x32xi32, #tpu.memory_space<vmem>> -> memref<1x32xi32, #tpu.memory_space<vmem>>
        %dma_wait3A_231 = tpu.memref_squeeze %dma_wait3A_230 : memref<1x32xi32, #tpu.memory_space<vmem>> -> memref<32xi32, #tpu.memory_space<vmem>>
        %dma_wait3A_232 = arith.constant 0 : i32
        %dma_wait3A_233 = arith.constant 0 : i32
        %dma_wait3A_234 = tpu.memref_slice %arg2[%dma_wait3A_232, %dma_wait3A_233] : memref<10240x128xf32, #tpu.memory_space<hbm>> -> memref<10240x128xf32, #tpu.memory_space<hbm>>
        tpu.wait_indirect_dma semaphore(%arg14 : memref<!tpu.dma_semaphore, #tpu.memory_space<semaphore_mem>>) src(%dma_wait3A_234 : memref<10240x128xf32, #tpu.memory_space<hbm>>) dst(%dma_wait3A_228 : memref<32x128xf32, #tpu.memory_space<vmem>>)
        %run_scoped3A_235 = arith.constant 4 : i32
        "tpu.region"() ({
          %run_scoped3A_312 = tpu.sem_alloc : memref<!tpu.dma_semaphore, #tpu.memory_space<semaphore_mem>>
          %dma_start3A_313 = arith.constant 0 : i32
          %dma_start3A_314 = arith.constant 0 : i32
          %dma_start3A_315 = tpu.memref_slice %arg8[%run_scoped3A_235, %dma_start3A_313, %dma_start3A_314] : memref<8x32x128xf32, #tpu.memory_space<vmem>> -> memref<1x32x128xf32, #tpu.memory_space<vmem>>
          %dma_start3A_316 = tpu.memref_squeeze %dma_start3A_315 : memref<1x32x128xf32, #tpu.memory_space<vmem>> -> memref<32x128xf32, #tpu.memory_space<vmem>>
          %dma_start3A_317 = arith.constant 0 : i32
          %dma_start3A_318 = tpu.memref_slice %arg7[%add3A_223, %dma_start3A_317] : memref<16x32xi32, #tpu.memory_space<vmem>> -> memref<1x32xi32, #tpu.memory_space<vmem>>
          %dma_start3A_319 = tpu.memref_squeeze %dma_start3A_318 : memref<1x32xi32, #tpu.memory_space<vmem>> -> memref<32xi32, #tpu.memory_space<vmem>>
          %dma_start3A_320 = arith.constant 0 : i32
          %dma_start3A_321 = arith.constant 0 : i32
          %dma_start3A_322 = tpu.memref_slice %arg9[%dma_start3A_320, %dma_start3A_321] : memref<10240x128xf32, #tpu.memory_space<vmem_shared>> -> memref<10240x128xf32, #tpu.memory_space<vmem_shared>>
          tpu.enqueue_indirect_dma source(%dma_start3A_316 : memref<32x128xf32, #tpu.memory_space<vmem>>) target(%dma_start3A_322 : memref<10240x128xf32, #tpu.memory_space<vmem_shared>>) offsets(%dma_start3A_319 : memref<32xi32, #tpu.memory_space<vmem>>) semaphore(%run_scoped3A_312 : memref<!tpu.dma_semaphore, #tpu.memory_space<semaphore_mem>>) {add = true}
          %dma_wait3A_323 = arith.constant 0 : i32
          %dma_wait3A_324 = arith.constant 0 : i32
          %dma_wait3A_325 = tpu.memref_slice %arg8[%run_scoped3A_235, %dma_wait3A_323, %dma_wait3A_324] : memref<8x32x128xf32, #tpu.memory_space<vmem>> -> memref<1x32x128xf32, #tpu.memory_space<vmem>>
          %dma_wait3A_326 = tpu.memref_squeeze %dma_wait3A_325 : memref<1x32x128xf32, #tpu.memory_space<vmem>> -> memref<32x128xf32, #tpu.memory_space<vmem>>
          %dma_wait3A_327 = arith.constant 0 : i32
          %dma_wait3A_328 = tpu.memref_slice %arg7[%add3A_223, %dma_wait3A_327] : memref<16x32xi32, #tpu.memory_space<vmem>> -> memref<1x32xi32, #tpu.memory_space<vmem>>
          %dma_wait3A_329 = tpu.memref_squeeze %dma_wait3A_328 : memref<1x32xi32, #tpu.memory_space<vmem>> -> memref<32xi32, #tpu.memory_space<vmem>>
          %dma_wait3A_330 = arith.constant 0 : i32
          %dma_wait3A_331 = arith.constant 0 : i32
          %dma_wait3A_332 = tpu.memref_slice %arg9[%dma_wait3A_330, %dma_wait3A_331] : memref<10240x128xf32, #tpu.memory_space<vmem_shared>> -> memref<10240x128xf32, #tpu.memory_space<vmem_shared>>
          tpu.wait_indirect_dma semaphore(%run_scoped3A_312 : memref<!tpu.dma_semaphore, #tpu.memory_space<semaphore_mem>>) src(%dma_wait3A_326 : memref<32x128xf32, #tpu.memory_space<vmem>>) dst(%dma_wait3A_332 : memref<10240x128xf32, #tpu.memory_space<vmem_shared>>)
          tpu.yield
        }) : () -> ()
        %add3A_236 = arith.constant 8 : i32
        %add3A_237 = arith.addi %add3A_223, %add3A_236 : i32
        %lt3A_238 = arith.constant 16 : i32
        %lt3A_239 = arith.cmpi slt, %add3A_237, %lt3A_238 : i32
        %convert_element_type3A_240 = arith.extui %lt3A_239 : i1 to i32
        %cond3A_241 = arith.constant 0 : i32
        %cond3A_242 = arith.cmpi ne, %convert_element_type3A_240, %cond3A_241 : i32
        scf.if %cond3A_242 {
          %add3A_312 = arith.constant 8 : i32
          %add3A_313 = arith.addi %add3A_223, %add3A_312 : i32
          %dma_start3A_314 = arith.constant 4 : i32
          %dma_start3A_315 = arith.constant 0 : i32
          %dma_start3A_316 = arith.constant 0 : i32
          %dma_start3A_317 = tpu.memref_slice %arg8[%dma_start3A_314, %dma_start3A_315, %dma_start3A_316] : memref<8x32x128xf32, #tpu.memory_space<vmem>> -> memref<1x32x128xf32, #tpu.memory_space<vmem>>
          %dma_start3A_318 = tpu.memref_squeeze %dma_start3A_317 : memref<1x32x128xf32, #tpu.memory_space<vmem>> -> memref<32x128xf32, #tpu.memory_space<vmem>>
          %dma_start3A_319 = arith.constant 0 : i32
          %dma_start3A_320 = tpu.memref_slice %arg6[%add3A_313, %dma_start3A_319] : memref<16x32xi32, #tpu.memory_space<vmem>> -> memref<1x32xi32, #tpu.memory_space<vmem>>
          %dma_start3A_321 = tpu.memref_squeeze %dma_start3A_320 : memref<1x32xi32, #tpu.memory_space<vmem>> -> memref<32xi32, #tpu.memory_space<vmem>>
          %dma_start3A_322 = arith.constant 0 : i32
          %dma_start3A_323 = arith.constant 0 : i32
          %dma_start3A_324 = tpu.memref_slice %arg2[%dma_start3A_322, %dma_start3A_323] : memref<10240x128xf32, #tpu.memory_space<hbm>> -> memref<10240x128xf32, #tpu.memory_space<hbm>>
          tpu.enqueue_indirect_dma source(%dma_start3A_324 : memref<10240x128xf32, #tpu.memory_space<hbm>>) target(%dma_start3A_318 : memref<32x128xf32, #tpu.memory_space<vmem>>) offsets(%dma_start3A_321 : memref<32xi32, #tpu.memory_space<vmem>>) semaphore(%arg14 : memref<!tpu.dma_semaphore, #tpu.memory_space<semaphore_mem>>)
        } else {
        }
        %mul3A_243 = arith.constant 8 : i32
        %mul3A_244 = arith.muli %scan3A_132, %mul3A_243 : i32
        %add3A_245 = arith.constant 5 : i32
        %add3A_246 = arith.addi %mul3A_244, %add3A_245 : i32
        %dma_wait3A_247 = arith.constant 5 : i32
        %dma_wait3A_248 = arith.constant 0 : i32
        %dma_wait3A_249 = arith.constant 0 : i32
        %dma_wait3A_250 = tpu.memref_slice %arg8[%dma_wait3A_247, %dma_wait3A_248, %dma_wait3A_249] : memref<8x32x128xf32, #tpu.memory_space<vmem>> -> memref<1x32x128xf32, #tpu.memory_space<vmem>>
        %dma_wait3A_251 = tpu.memref_squeeze %dma_wait3A_250 : memref<1x32x128xf32, #tpu.memory_space<vmem>> -> memref<32x128xf32, #tpu.memory_space<vmem>>
        %dma_wait3A_252 = arith.constant 0 : i32
        %dma_wait3A_253 = tpu.memref_slice %arg6[%add3A_246, %dma_wait3A_252] : memref<16x32xi32, #tpu.memory_space<vmem>> -> memref<1x32xi32, #tpu.memory_space<vmem>>
        %dma_wait3A_254 = tpu.memref_squeeze %dma_wait3A_253 : memref<1x32xi32, #tpu.memory_space<vmem>> -> memref<32xi32, #tpu.memory_space<vmem>>
        %dma_wait3A_255 = arith.constant 0 : i32
        %dma_wait3A_256 = arith.constant 0 : i32
        %dma_wait3A_257 = tpu.memref_slice %arg2[%dma_wait3A_255, %dma_wait3A_256] : memref<10240x128xf32, #tpu.memory_space<hbm>> -> memref<10240x128xf32, #tpu.memory_space<hbm>>
        tpu.wait_indirect_dma semaphore(%arg15 : memref<!tpu.dma_semaphore, #tpu.memory_space<semaphore_mem>>) src(%dma_wait3A_257 : memref<10240x128xf32, #tpu.memory_space<hbm>>) dst(%dma_wait3A_251 : memref<32x128xf32, #tpu.memory_space<vmem>>)
        %run_scoped3A_258 = arith.constant 5 : i32
        "tpu.region"() ({
          %run_scoped3A_312 = tpu.sem_alloc : memref<!tpu.dma_semaphore, #tpu.memory_space<semaphore_mem>>
          %dma_start3A_313 = arith.constant 0 : i32
          %dma_start3A_314 = arith.constant 0 : i32
          %dma_start3A_315 = tpu.memref_slice %arg8[%run_scoped3A_258, %dma_start3A_313, %dma_start3A_314] : memref<8x32x128xf32, #tpu.memory_space<vmem>> -> memref<1x32x128xf32, #tpu.memory_space<vmem>>
          %dma_start3A_316 = tpu.memref_squeeze %dma_start3A_315 : memref<1x32x128xf32, #tpu.memory_space<vmem>> -> memref<32x128xf32, #tpu.memory_space<vmem>>
          %dma_start3A_317 = arith.constant 0 : i32
          %dma_start3A_318 = tpu.memref_slice %arg7[%add3A_246, %dma_start3A_317] : memref<16x32xi32, #tpu.memory_space<vmem>> -> memref<1x32xi32, #tpu.memory_space<vmem>>
          %dma_start3A_319 = tpu.memref_squeeze %dma_start3A_318 : memref<1x32xi32, #tpu.memory_space<vmem>> -> memref<32xi32, #tpu.memory_space<vmem>>
          %dma_start3A_320 = arith.constant 0 : i32
          %dma_start3A_321 = arith.constant 0 : i32
          %dma_start3A_322 = tpu.memref_slice %arg9[%dma_start3A_320, %dma_start3A_321] : memref<10240x128xf32, #tpu.memory_space<vmem_shared>> -> memref<10240x128xf32, #tpu.memory_space<vmem_shared>>
          tpu.enqueue_indirect_dma source(%dma_start3A_316 : memref<32x128xf32, #tpu.memory_space<vmem>>) target(%dma_start3A_322 : memref<10240x128xf32, #tpu.memory_space<vmem_shared>>) offsets(%dma_start3A_319 : memref<32xi32, #tpu.memory_space<vmem>>) semaphore(%run_scoped3A_312 : memref<!tpu.dma_semaphore, #tpu.memory_space<semaphore_mem>>) {add = true}
          %dma_wait3A_323 = arith.constant 0 : i32
          %dma_wait3A_324 = arith.constant 0 : i32
          %dma_wait3A_325 = tpu.memref_slice %arg8[%run_scoped3A_258, %dma_wait3A_323, %dma_wait3A_324] : memref<8x32x128xf32, #tpu.memory_space<vmem>> -> memref<1x32x128xf32, #tpu.memory_space<vmem>>
          %dma_wait3A_326 = tpu.memref_squeeze %dma_wait3A_325 : memref<1x32x128xf32, #tpu.memory_space<vmem>> -> memref<32x128xf32, #tpu.memory_space<vmem>>
          %dma_wait3A_327 = arith.constant 0 : i32
          %dma_wait3A_328 = tpu.memref_slice %arg7[%add3A_246, %dma_wait3A_327] : memref<16x32xi32, #tpu.memory_space<vmem>> -> memref<1x32xi32, #tpu.memory_space<vmem>>
          %dma_wait3A_329 = tpu.memref_squeeze %dma_wait3A_328 : memref<1x32xi32, #tpu.memory_space<vmem>> -> memref<32xi32, #tpu.memory_space<vmem>>
          %dma_wait3A_330 = arith.constant 0 : i32
          %dma_wait3A_331 = arith.constant 0 : i32
          %dma_wait3A_332 = tpu.memref_slice %arg9[%dma_wait3A_330, %dma_wait3A_331] : memref<10240x128xf32, #tpu.memory_space<vmem_shared>> -> memref<10240x128xf32, #tpu.memory_space<vmem_shared>>
          tpu.wait_indirect_dma semaphore(%run_scoped3A_312 : memref<!tpu.dma_semaphore, #tpu.memory_space<semaphore_mem>>) src(%dma_wait3A_326 : memref<32x128xf32, #tpu.memory_space<vmem>>) dst(%dma_wait3A_332 : memref<10240x128xf32, #tpu.memory_space<vmem_shared>>)
          tpu.yield
        }) : () -> ()
        %add3A_259 = arith.constant 8 : i32
        %add3A_260 = arith.addi %add3A_246, %add3A_259 : i32
        %lt3A_261 = arith.constant 16 : i32
        %lt3A_262 = arith.cmpi slt, %add3A_260, %lt3A_261 : i32
        %convert_element_type3A_263 = arith.extui %lt3A_262 : i1 to i32
        %cond3A_264 = arith.constant 0 : i32
        %cond3A_265 = arith.cmpi ne, %convert_element_type3A_263, %cond3A_264 : i32
        scf.if %cond3A_265 {
          %add3A_312 = arith.constant 8 : i32
          %add3A_313 = arith.addi %add3A_246, %add3A_312 : i32
          %dma_start3A_314 = arith.constant 5 : i32
          %dma_start3A_315 = arith.constant 0 : i32
          %dma_start3A_316 = arith.constant 0 : i32
          %dma_start3A_317 = tpu.memref_slice %arg8[%dma_start3A_314, %dma_start3A_315, %dma_start3A_316] : memref<8x32x128xf32, #tpu.memory_space<vmem>> -> memref<1x32x128xf32, #tpu.memory_space<vmem>>
          %dma_start3A_318 = tpu.memref_squeeze %dma_start3A_317 : memref<1x32x128xf32, #tpu.memory_space<vmem>> -> memref<32x128xf32, #tpu.memory_space<vmem>>
          %dma_start3A_319 = arith.constant 0 : i32
          %dma_start3A_320 = tpu.memref_slice %arg6[%add3A_313, %dma_start3A_319] : memref<16x32xi32, #tpu.memory_space<vmem>> -> memref<1x32xi32, #tpu.memory_space<vmem>>
          %dma_start3A_321 = tpu.memref_squeeze %dma_start3A_320 : memref<1x32xi32, #tpu.memory_space<vmem>> -> memref<32xi32, #tpu.memory_space<vmem>>
          %dma_start3A_322 = arith.constant 0 : i32
          %dma_start3A_323 = arith.constant 0 : i32
          %dma_start3A_324 = tpu.memref_slice %arg2[%dma_start3A_322, %dma_start3A_323] : memref<10240x128xf32, #tpu.memory_space<hbm>> -> memref<10240x128xf32, #tpu.memory_space<hbm>>
          tpu.enqueue_indirect_dma source(%dma_start3A_324 : memref<10240x128xf32, #tpu.memory_space<hbm>>) target(%dma_start3A_318 : memref<32x128xf32, #tpu.memory_space<vmem>>) offsets(%dma_start3A_321 : memref<32xi32, #tpu.memory_space<vmem>>) semaphore(%arg15 : memref<!tpu.dma_semaphore, #tpu.memory_space<semaphore_mem>>)
        } else {
        }
        %mul3A_266 = arith.constant 8 : i32
        %mul3A_267 = arith.muli %scan3A_132, %mul3A_266 : i32
        %add3A_268 = arith.constant 6 : i32
        %add3A_269 = arith.addi %mul3A_267, %add3A_268 : i32
        %dma_wait3A_270 = arith.constant 6 : i32
        %dma_wait3A_271 = arith.constant 0 : i32
        %dma_wait3A_272 = arith.constant 0 : i32
        %dma_wait3A_273 = tpu.memref_slice %arg8[%dma_wait3A_270, %dma_wait3A_271, %dma_wait3A_272] : memref<8x32x128xf32, #tpu.memory_space<vmem>> -> memref<1x32x128xf32, #tpu.memory_space<vmem>>
        %dma_wait3A_274 = tpu.memref_squeeze %dma_wait3A_273 : memref<1x32x128xf32, #tpu.memory_space<vmem>> -> memref<32x128xf32, #tpu.memory_space<vmem>>
        %dma_wait3A_275 = arith.constant 0 : i32
        %dma_wait3A_276 = tpu.memref_slice %arg6[%add3A_269, %dma_wait3A_275] : memref<16x32xi32, #tpu.memory_space<vmem>> -> memref<1x32xi32, #tpu.memory_space<vmem>>
        %dma_wait3A_277 = tpu.memref_squeeze %dma_wait3A_276 : memref<1x32xi32, #tpu.memory_space<vmem>> -> memref<32xi32, #tpu.memory_space<vmem>>
        %dma_wait3A_278 = arith.constant 0 : i32
        %dma_wait3A_279 = arith.constant 0 : i32
        %dma_wait3A_280 = tpu.memref_slice %arg2[%dma_wait3A_278, %dma_wait3A_279] : memref<10240x128xf32, #tpu.memory_space<hbm>> -> memref<10240x128xf32, #tpu.memory_space<hbm>>
        tpu.wait_indirect_dma semaphore(%arg16 : memref<!tpu.dma_semaphore, #tpu.memory_space<semaphore_mem>>) src(%dma_wait3A_280 : memref<10240x128xf32, #tpu.memory_space<hbm>>) dst(%dma_wait3A_274 : memref<32x128xf32, #tpu.memory_space<vmem>>)
        %run_scoped3A_281 = arith.constant 6 : i32
        "tpu.region"() ({
          %run_scoped3A_312 = tpu.sem_alloc : memref<!tpu.dma_semaphore, #tpu.memory_space<semaphore_mem>>
          %dma_start3A_313 = arith.constant 0 : i32
          %dma_start3A_314 = arith.constant 0 : i32
          %dma_start3A_315 = tpu.memref_slice %arg8[%run_scoped3A_281, %dma_start3A_313, %dma_start3A_314] : memref<8x32x128xf32, #tpu.memory_space<vmem>> -> memref<1x32x128xf32, #tpu.memory_space<vmem>>
          %dma_start3A_316 = tpu.memref_squeeze %dma_start3A_315 : memref<1x32x128xf32, #tpu.memory_space<vmem>> -> memref<32x128xf32, #tpu.memory_space<vmem>>
          %dma_start3A_317 = arith.constant 0 : i32
          %dma_start3A_318 = tpu.memref_slice %arg7[%add3A_269, %dma_start3A_317] : memref<16x32xi32, #tpu.memory_space<vmem>> -> memref<1x32xi32, #tpu.memory_space<vmem>>
          %dma_start3A_319 = tpu.memref_squeeze %dma_start3A_318 : memref<1x32xi32, #tpu.memory_space<vmem>> -> memref<32xi32, #tpu.memory_space<vmem>>
          %dma_start3A_320 = arith.constant 0 : i32
          %dma_start3A_321 = arith.constant 0 : i32
          %dma_start3A_322 = tpu.memref_slice %arg9[%dma_start3A_320, %dma_start3A_321] : memref<10240x128xf32, #tpu.memory_space<vmem_shared>> -> memref<10240x128xf32, #tpu.memory_space<vmem_shared>>
          tpu.enqueue_indirect_dma source(%dma_start3A_316 : memref<32x128xf32, #tpu.memory_space<vmem>>) target(%dma_start3A_322 : memref<10240x128xf32, #tpu.memory_space<vmem_shared>>) offsets(%dma_start3A_319 : memref<32xi32, #tpu.memory_space<vmem>>) semaphore(%run_scoped3A_312 : memref<!tpu.dma_semaphore, #tpu.memory_space<semaphore_mem>>) {add = true}
          %dma_wait3A_323 = arith.constant 0 : i32
          %dma_wait3A_324 = arith.constant 0 : i32
          %dma_wait3A_325 = tpu.memref_slice %arg8[%run_scoped3A_281, %dma_wait3A_323, %dma_wait3A_324] : memref<8x32x128xf32, #tpu.memory_space<vmem>> -> memref<1x32x128xf32, #tpu.memory_space<vmem>>
          %dma_wait3A_326 = tpu.memref_squeeze %dma_wait3A_325 : memref<1x32x128xf32, #tpu.memory_space<vmem>> -> memref<32x128xf32, #tpu.memory_space<vmem>>
          %dma_wait3A_327 = arith.constant 0 : i32
          %dma_wait3A_328 = tpu.memref_slice %arg7[%add3A_269, %dma_wait3A_327] : memref<16x32xi32, #tpu.memory_space<vmem>> -> memref<1x32xi32, #tpu.memory_space<vmem>>
          %dma_wait3A_329 = tpu.memref_squeeze %dma_wait3A_328 : memref<1x32xi32, #tpu.memory_space<vmem>> -> memref<32xi32, #tpu.memory_space<vmem>>
          %dma_wait3A_330 = arith.constant 0 : i32
          %dma_wait3A_331 = arith.constant 0 : i32
          %dma_wait3A_332 = tpu.memref_slice %arg9[%dma_wait3A_330, %dma_wait3A_331] : memref<10240x128xf32, #tpu.memory_space<vmem_shared>> -> memref<10240x128xf32, #tpu.memory_space<vmem_shared>>
          tpu.wait_indirect_dma semaphore(%run_scoped3A_312 : memref<!tpu.dma_semaphore, #tpu.memory_space<semaphore_mem>>) src(%dma_wait3A_326 : memref<32x128xf32, #tpu.memory_space<vmem>>) dst(%dma_wait3A_332 : memref<10240x128xf32, #tpu.memory_space<vmem_shared>>)
          tpu.yield
        }) : () -> ()
        %add3A_282 = arith.constant 8 : i32
        %add3A_283 = arith.addi %add3A_269, %add3A_282 : i32
        %lt3A_284 = arith.constant 16 : i32
        %lt3A_285 = arith.cmpi slt, %add3A_283, %lt3A_284 : i32
        %convert_element_type3A_286 = arith.extui %lt3A_285 : i1 to i32
        %cond3A_287 = arith.constant 0 : i32
        %cond3A_288 = arith.cmpi ne, %convert_element_type3A_286, %cond3A_287 : i32
        scf.if %cond3A_288 {
          %add3A_312 = arith.constant 8 : i32
          %add3A_313 = arith.addi %add3A_269, %add3A_312 : i32
          %dma_start3A_314 = arith.constant 6 : i32
          %dma_start3A_315 = arith.constant 0 : i32
          %dma_start3A_316 = arith.constant 0 : i32
          %dma_start3A_317 = tpu.memref_slice %arg8[%dma_start3A_314, %dma_start3A_315, %dma_start3A_316] : memref<8x32x128xf32, #tpu.memory_space<vmem>> -> memref<1x32x128xf32, #tpu.memory_space<vmem>>
          %dma_start3A_318 = tpu.memref_squeeze %dma_start3A_317 : memref<1x32x128xf32, #tpu.memory_space<vmem>> -> memref<32x128xf32, #tpu.memory_space<vmem>>
          %dma_start3A_319 = arith.constant 0 : i32
          %dma_start3A_320 = tpu.memref_slice %arg6[%add3A_313, %dma_start3A_319] : memref<16x32xi32, #tpu.memory_space<vmem>> -> memref<1x32xi32, #tpu.memory_space<vmem>>
          %dma_start3A_321 = tpu.memref_squeeze %dma_start3A_320 : memref<1x32xi32, #tpu.memory_space<vmem>> -> memref<32xi32, #tpu.memory_space<vmem>>
          %dma_start3A_322 = arith.constant 0 : i32
          %dma_start3A_323 = arith.constant 0 : i32
          %dma_start3A_324 = tpu.memref_slice %arg2[%dma_start3A_322, %dma_start3A_323] : memref<10240x128xf32, #tpu.memory_space<hbm>> -> memref<10240x128xf32, #tpu.memory_space<hbm>>
          tpu.enqueue_indirect_dma source(%dma_start3A_324 : memref<10240x128xf32, #tpu.memory_space<hbm>>) target(%dma_start3A_318 : memref<32x128xf32, #tpu.memory_space<vmem>>) offsets(%dma_start3A_321 : memref<32xi32, #tpu.memory_space<vmem>>) semaphore(%arg16 : memref<!tpu.dma_semaphore, #tpu.memory_space<semaphore_mem>>)
        } else {
        }
        %mul3A_289 = arith.constant 8 : i32
        %mul3A_290 = arith.muli %scan3A_132, %mul3A_289 : i32
        %add3A_291 = arith.constant 7 : i32
        %add3A_292 = arith.addi %mul3A_290, %add3A_291 : i32
        %dma_wait3A_293 = arith.constant 7 : i32
        %dma_wait3A_294 = arith.constant 0 : i32
        %dma_wait3A_295 = arith.constant 0 : i32
        %dma_wait3A_296 = tpu.memref_slice %arg8[%dma_wait3A_293, %dma_wait3A_294, %dma_wait3A_295] : memref<8x32x128xf32, #tpu.memory_space<vmem>> -> memref<1x32x128xf32, #tpu.memory_space<vmem>>
        %dma_wait3A_297 = tpu.memref_squeeze %dma_wait3A_296 : memref<1x32x128xf32, #tpu.memory_space<vmem>> -> memref<32x128xf32, #tpu.memory_space<vmem>>
        %dma_wait3A_298 = arith.constant 0 : i32
        %dma_wait3A_299 = tpu.memref_slice %arg6[%add3A_292, %dma_wait3A_298] : memref<16x32xi32, #tpu.memory_space<vmem>> -> memref<1x32xi32, #tpu.memory_space<vmem>>
        %dma_wait3A_300 = tpu.memref_squeeze %dma_wait3A_299 : memref<1x32xi32, #tpu.memory_space<vmem>> -> memref<32xi32, #tpu.memory_space<vmem>>
        %dma_wait3A_301 = arith.constant 0 : i32
        %dma_wait3A_302 = arith.constant 0 : i32
        %dma_wait3A_303 = tpu.memref_slice %arg2[%dma_wait3A_301, %dma_wait3A_302] : memref<10240x128xf32, #tpu.memory_space<hbm>> -> memref<10240x128xf32, #tpu.memory_space<hbm>>
        tpu.wait_indirect_dma semaphore(%arg17 : memref<!tpu.dma_semaphore, #tpu.memory_space<semaphore_mem>>) src(%dma_wait3A_303 : memref<10240x128xf32, #tpu.memory_space<hbm>>) dst(%dma_wait3A_297 : memref<32x128xf32, #tpu.memory_space<vmem>>)
        %run_scoped3A_304 = arith.constant 7 : i32
        "tpu.region"() ({
          %run_scoped3A_312 = tpu.sem_alloc : memref<!tpu.dma_semaphore, #tpu.memory_space<semaphore_mem>>
          %dma_start3A_313 = arith.constant 0 : i32
          %dma_start3A_314 = arith.constant 0 : i32
          %dma_start3A_315 = tpu.memref_slice %arg8[%run_scoped3A_304, %dma_start3A_313, %dma_start3A_314] : memref<8x32x128xf32, #tpu.memory_space<vmem>> -> memref<1x32x128xf32, #tpu.memory_space<vmem>>
          %dma_start3A_316 = tpu.memref_squeeze %dma_start3A_315 : memref<1x32x128xf32, #tpu.memory_space<vmem>> -> memref<32x128xf32, #tpu.memory_space<vmem>>
          %dma_start3A_317 = arith.constant 0 : i32
          %dma_start3A_318 = tpu.memref_slice %arg7[%add3A_292, %dma_start3A_317] : memref<16x32xi32, #tpu.memory_space<vmem>> -> memref<1x32xi32, #tpu.memory_space<vmem>>
          %dma_start3A_319 = tpu.memref_squeeze %dma_start3A_318 : memref<1x32xi32, #tpu.memory_space<vmem>> -> memref<32xi32, #tpu.memory_space<vmem>>
          %dma_start3A_320 = arith.constant 0 : i32
          %dma_start3A_321 = arith.constant 0 : i32
          %dma_start3A_322 = tpu.memref_slice %arg9[%dma_start3A_320, %dma_start3A_321] : memref<10240x128xf32, #tpu.memory_space<vmem_shared>> -> memref<10240x128xf32, #tpu.memory_space<vmem_shared>>
          tpu.enqueue_indirect_dma source(%dma_start3A_316 : memref<32x128xf32, #tpu.memory_space<vmem>>) target(%dma_start3A_322 : memref<10240x128xf32, #tpu.memory_space<vmem_shared>>) offsets(%dma_start3A_319 : memref<32xi32, #tpu.memory_space<vmem>>) semaphore(%run_scoped3A_312 : memref<!tpu.dma_semaphore, #tpu.memory_space<semaphore_mem>>) {add = true}
          %dma_wait3A_323 = arith.constant 0 : i32
          %dma_wait3A_324 = arith.constant 0 : i32
          %dma_wait3A_325 = tpu.memref_slice %arg8[%run_scoped3A_304, %dma_wait3A_323, %dma_wait3A_324] : memref<8x32x128xf32, #tpu.memory_space<vmem>> -> memref<1x32x128xf32, #tpu.memory_space<vmem>>
          %dma_wait3A_326 = tpu.memref_squeeze %dma_wait3A_325 : memref<1x32x128xf32, #tpu.memory_space<vmem>> -> memref<32x128xf32, #tpu.memory_space<vmem>>
          %dma_wait3A_327 = arith.constant 0 : i32
          %dma_wait3A_328 = tpu.memref_slice %arg7[%add3A_292, %dma_wait3A_327] : memref<16x32xi32, #tpu.memory_space<vmem>> -> memref<1x32xi32, #tpu.memory_space<vmem>>
          %dma_wait3A_329 = tpu.memref_squeeze %dma_wait3A_328 : memref<1x32xi32, #tpu.memory_space<vmem>> -> memref<32xi32, #tpu.memory_space<vmem>>
          %dma_wait3A_330 = arith.constant 0 : i32
          %dma_wait3A_331 = arith.constant 0 : i32
          %dma_wait3A_332 = tpu.memref_slice %arg9[%dma_wait3A_330, %dma_wait3A_331] : memref<10240x128xf32, #tpu.memory_space<vmem_shared>> -> memref<10240x128xf32, #tpu.memory_space<vmem_shared>>
          tpu.wait_indirect_dma semaphore(%run_scoped3A_312 : memref<!tpu.dma_semaphore, #tpu.memory_space<semaphore_mem>>) src(%dma_wait3A_326 : memref<32x128xf32, #tpu.memory_space<vmem>>) dst(%dma_wait3A_332 : memref<10240x128xf32, #tpu.memory_space<vmem_shared>>)
          tpu.yield
        }) : () -> ()
        %add3A_305 = arith.constant 8 : i32
        %add3A_306 = arith.addi %add3A_292, %add3A_305 : i32
        %lt3A_307 = arith.constant 16 : i32
        %lt3A_308 = arith.cmpi slt, %add3A_306, %lt3A_307 : i32
        %convert_element_type3A_309 = arith.extui %lt3A_308 : i1 to i32
        %cond3A_310 = arith.constant 0 : i32
        %cond3A_311 = arith.cmpi ne, %convert_element_type3A_309, %cond3A_310 : i32
        scf.if %cond3A_311 {
          %add3A_312 = arith.constant 8 : i32
          %add3A_313 = arith.addi %add3A_292, %add3A_312 : i32
          %dma_start3A_314 = arith.constant 7 : i32
          %dma_start3A_315 = arith.constant 0 : i32
          %dma_start3A_316 = arith.constant 0 : i32
          %dma_start3A_317 = tpu.memref_slice %arg8[%dma_start3A_314, %dma_start3A_315, %dma_start3A_316] : memref<8x32x128xf32, #tpu.memory_space<vmem>> -> memref<1x32x128xf32, #tpu.memory_space<vmem>>
          %dma_start3A_318 = tpu.memref_squeeze %dma_start3A_317 : memref<1x32x128xf32, #tpu.memory_space<vmem>> -> memref<32x128xf32, #tpu.memory_space<vmem>>
          %dma_start3A_319 = arith.constant 0 : i32
          %dma_start3A_320 = tpu.memref_slice %arg6[%add3A_313, %dma_start3A_319] : memref<16x32xi32, #tpu.memory_space<vmem>> -> memref<1x32xi32, #tpu.memory_space<vmem>>
          %dma_start3A_321 = tpu.memref_squeeze %dma_start3A_320 : memref<1x32xi32, #tpu.memory_space<vmem>> -> memref<32xi32, #tpu.memory_space<vmem>>
          %dma_start3A_322 = arith.constant 0 : i32
          %dma_start3A_323 = arith.constant 0 : i32
          %dma_start3A_324 = tpu.memref_slice %arg2[%dma_start3A_322, %dma_start3A_323] : memref<10240x128xf32, #tpu.memory_space<hbm>> -> memref<10240x128xf32, #tpu.memory_space<hbm>>
          tpu.enqueue_indirect_dma source(%dma_start3A_324 : memref<10240x128xf32, #tpu.memory_space<hbm>>) target(%dma_start3A_318 : memref<32x128xf32, #tpu.memory_space<vmem>>) offsets(%dma_start3A_321 : memref<32xi32, #tpu.memory_space<vmem>>) semaphore(%arg17 : memref<!tpu.dma_semaphore, #tpu.memory_space<semaphore_mem>>)
        } else {
        }
      }
      %scan3A_131 = arith.constant 2 : i32
    }
    %scan3A_16 = arith.constant 20 : i32
    %barrier3A_17 = arith.constant 0 : index
    tpu.barrier barrier_id(%barrier3A_17)
    %scan3A_18 = arith.constant 0 : i32
    %scan3A_19 = arith.constant 0 : i32
    %scan3A_20 = arith.constant 20 : i32
    %scan3A_21 = arith.addi %scan3A_19, %scan3A_20 : i32
    %scan3A_22 = arith.constant 1 : i32
    scf.for %scan3A_24 = %scan3A_19 to %scan3A_21 step %scan3A_22  : i32 {
      %mul3A = arith.constant 640 : i32
      %mul3A_25 = arith.muli %arg1, %mul3A : i32
      %mul3A_26 = arith.constant 32 : i32
      %mul3A_27 = arith.muli %scan3A_24, %mul3A_26 : i32
      %add3A = arith.addi %mul3A_25, %mul3A_27 : i32
      %mul3A_28 = arith.constant 10240 : i32
      %mul3A_29 = arith.muli %arg0, %mul3A_28 : i32
      %add3A_30 = arith.addi %mul3A_29, %add3A : i32
      "tpu.region"() ({
        %run_scoped3A = tpu.sem_alloc : memref<!tpu.dma_semaphore, #tpu.memory_space<semaphore_mem>>
        %dma_start3A = arith.constant 0 : i32
        %dma_start3A_31 = tpu.memref_slice %arg5[%add3A_30, %dma_start3A] : memref<20480x128xf32, #tpu.memory_space<hbm>> -> memref<32x128xf32, #tpu.memory_space<hbm>>
        %dma_start3A_32 = arith.constant 0 : i32
        %dma_start3A_33 = tpu.memref_slice %arg9[%add3A, %dma_start3A_32] : memref<10240x128xf32, #tpu.memory_space<vmem_shared>> -> memref<32x128xf32, #tpu.memory_space<vmem_shared>>
        tpu.enqueue_dma source(%dma_start3A_33 : memref<32x128xf32, #tpu.memory_space<vmem_shared>>) target(%dma_start3A_31 : memref<32x128xf32, #tpu.memory_space<hbm>>) target_semaphore(%run_scoped3A : memref<!tpu.dma_semaphore, #tpu.memory_space<semaphore_mem>>)
        %dma_wait3A = arith.constant 0 : i32
        %dma_wait3A_34 = tpu.memref_slice %arg5[%add3A_30, %dma_wait3A] : memref<20480x128xf32, #tpu.memory_space<hbm>> -> memref<32x128xf32, #tpu.memory_space<hbm>>
        %dma_wait3A_35 = arith.constant 0 : i32
        %dma_wait3A_36 = tpu.memref_slice %arg9[%add3A, %dma_wait3A_35] : memref<10240x128xf32, #tpu.memory_space<vmem_shared>> -> memref<32x128xf32, #tpu.memory_space<vmem_shared>>
        tpu.wait_dma2 semaphore(%run_scoped3A : memref<!tpu.dma_semaphore, #tpu.memory_space<semaphore_mem>>) src(%dma_wait3A_36 : memref<32x128xf32, #tpu.memory_space<vmem_shared>>) dst(%dma_wait3A_34 : memref<32x128xf32, #tpu.memory_space<hbm>>)
        tpu.yield
      }) : () -> ()
    }
    %scan3A_23 = arith.constant 20 : i32
    return
  }
}

#map = affine_map<(d0, d1) -> (0, 0)>
module attributes {stable_mosaic.version = 14 : i64} {
  func.func @k(%arg0: i32, %arg1: i32, %arg2: memref<10240x128xf32, #tpu.memory_space<hbm>>, %arg3: memref<10240x32xi32, #tpu.memory_space<hbm>>, %arg4: memref<10240x32xi32, #tpu.memory_space<hbm>>, %arg5: memref<20480x128xf32, #tpu.memory_space<hbm>>, %arg6: memref<16x32xi32, #tpu.memory_space<vmem>>, %arg7: memref<16x32xi32, #tpu.memory_space<vmem>>, %arg8: memref<8x32x128xf32, #tpu.memory_space<vmem>>, %arg9: memref<10240x128xf32, #tpu.memory_space<vmem_shared>>, %arg10: memref<!tpu.dma_semaphore, #tpu.memory_space<semaphore_mem>>, %arg11: memref<!tpu.dma_semaphore, #tpu.memory_space<semaphore_mem>>, %arg12: memref<!tpu.dma_semaphore, #tpu.memory_space<semaphore_mem>>, %arg13: memref<!tpu.dma_semaphore, #tpu.memory_space<semaphore_mem>>, %arg14: memref<!tpu.dma_semaphore, #tpu.memory_space<semaphore_mem>>, %arg15: memref<!tpu.dma_semaphore, #tpu.memory_space<semaphore_mem>>, %arg16: memref<!tpu.dma_semaphore, #tpu.memory_space<semaphore_mem>>, %arg17: memref<!tpu.dma_semaphore, #tpu.memory_space<semaphore_mem>>) attributes {dimension_semantics = [#tpu.dimension_semantics<core_parallel>, #tpu.dimension_semantics<subcore_parallel>], iteration_bounds = array<i64: 2, 16>, scalar_prefetch = 0 : i64, scratch_operands = 12 : i64, tpu.core_type = #tpu.core_type<sc_vector_subcore>, window_params = [{transform_indices = #map}, {transform_indices = #map}, {transform_indices = #map}, {transform_indices = #map}]} {
    %scan3A = arith.constant 0 : i32
    %scan3A_0 = arith.constant 0 : i32
    %scan3A_1 = arith.constant 32 : i32
    %scan3A_2 = arith.addi %scan3A_0, %scan3A_1 : i32
    %scan3A_3 = arith.constant 1 : i32
    scf.for %scan3A_24 = %scan3A_0 to %scan3A_2 step %scan3A_3  : i32 {
      %broadcast_in_dim3A = arith.constant 0.000000e+00 : f32
      %broadcast_in_dim3A_25 = vector.broadcast %broadcast_in_dim3A : f32 to vector<16xf32>
      %swap3A = arith.constant 0 : i32
      %swap3A_26 = arith.index_cast %swap3A : i32 to index
      %swap3A_27 = arith.index_cast %scan3A_24 : i32 to index
      %swap3A_28 = arith.constant 0 : index
      %swap3A_29 = tpu.vector_load %arg8[%swap3A_26, %swap3A_27, %swap3A_28] {strides = array<i32>} : memref<8x32x128xf32, #tpu.memory_space<vmem>>, vector<1x1x16xf32>,
      %swap3A_30 = vector.shape_cast %swap3A_29 : vector<1x1x16xf32> to vector<16xf32>
      %swap3A_31 = vector.shape_cast %broadcast_in_dim3A_25 : vector<16xf32> to vector<1x1x16xf32>
      tpu.vector_store %arg8[%swap3A_26, %swap3A_27, %swap3A_28], %swap3A_31 {strides = array<i32>} : memref<8x32x128xf32, #tpu.memory_space<vmem>>, vector<1x1x16xf32>,
      %broadcast_in_dim3A_32 = arith.constant 0.000000e+00 : f32
      %broadcast_in_dim3A_33 = vector.broadcast %broadcast_in_dim3A_32 : f32 to vector<16xf32>
      %swap3A_34 = arith.constant 0 : i32
      %swap3A_35 = arith.index_cast %swap3A_34 : i32 to index
      %swap3A_36 = arith.index_cast %scan3A_24 : i32 to index
      %swap3A_37 = arith.constant 16 : index
      %swap3A_38 = tpu.vector_load %arg8[%swap3A_35, %swap3A_36, %swap3A_37] {strides = array<i32>} : memref<8x32x128xf32, #tpu.memory_space<vmem>>, vector<1x1x16xf32>,
      %swap3A_39 = vector.shape_cast %swap3A_38 : vector<1x1x16xf32> to vector<16xf32>
      %swap3A_40 = vector.shape_cast %broadcast_in_dim3A_33 : vector<16xf32> to vector<1x1x16xf32>
      tpu.vector_store %arg8[%swap3A_35, %swap3A_36, %swap3A_37], %swap3A_40 {strides = array<i32>} : memref<8x32x128xf32, #tpu.memory_space<vmem>>, vector<1x1x16xf32>,
      %broadcast_in_dim3A_41 = arith.constant 0.000000e+00 : f32
      %broadcast_in_dim3A_42 = vector.broadcast %broadcast_in_dim3A_41 : f32 to vector<16xf32>
      %swap3A_43 = arith.constant 0 : i32
      %swap3A_44 = arith.index_cast %swap3A_43 : i32 to index
      %swap3A_45 = arith.index_cast %scan3A_24 : i32 to index
      %swap3A_46 = arith.constant 32 : index
      %swap3A_47 = tpu.vector_load %arg8[%swap3A_44, %swap3A_45, %swap3A_46] {strides = array<i32>} : memref<8x32x128xf32, #tpu.memory_space<vmem>>, vector<1x1x16xf32>,
      %swap3A_48 = vector.shape_cast %swap3A_47 : vector<1x1x16xf32> to vector<16xf32>
      %swap3A_49 = vector.shape_cast %broadcast_in_dim3A_42 : vector<16xf32> to vector<1x1x16xf32>
      tpu.vector_store %arg8[%swap3A_44, %swap3A_45, %swap3A_46], %swap3A_49 {strides = array<i32>} : memref<8x32x128xf32, #tpu.memory_space<vmem>>, vector<1x1x16xf32>,
      %broadcast_in_dim3A_50 = arith.constant 0.000000e+00 : f32
      %broadcast_in_dim3A_51 = vector.broadcast %broadcast_in_dim3A_50 : f32 to vector<16xf32>
      %swap3A_52 = arith.constant 0 : i32
      %swap3A_53 = arith.index_cast %swap3A_52 : i32 to index
      %swap3A_54 = arith.index_cast %scan3A_24 : i32 to index
      %swap3A_55 = arith.constant 48 : index
      %swap3A_56 = tpu.vector_load %arg8[%swap3A_53, %swap3A_54, %swap3A_55] {strides = array<i32>} : memref<8x32x128xf32, #tpu.memory_space<vmem>>, vector<1x1x16xf32>,
      %swap3A_57 = vector.shape_cast %swap3A_56 : vector<1x1x16xf32> to vector<16xf32>
      %swap3A_58 = vector.shape_cast %broadcast_in_dim3A_51 : vector<16xf32> to vector<1x1x16xf32>
      tpu.vector_store %arg8[%swap3A_53, %swap3A_54, %swap3A_55], %swap3A_58 {strides = array<i32>} : memref<8x32x128xf32, #tpu.memory_space<vmem>>, vector<1x1x16xf32>,
      %broadcast_in_dim3A_59 = arith.constant 0.000000e+00 : f32
      %broadcast_in_dim3A_60 = vector.broadcast %broadcast_in_dim3A_59 : f32 to vector<16xf32>
      %swap3A_61 = arith.constant 0 : i32
      %swap3A_62 = arith.index_cast %swap3A_61 : i32 to index
      %swap3A_63 = arith.index_cast %scan3A_24 : i32 to index
      %swap3A_64 = arith.constant 64 : index
      %swap3A_65 = tpu.vector_load %arg8[%swap3A_62, %swap3A_63, %swap3A_64] {strides = array<i32>} : memref<8x32x128xf32, #tpu.memory_space<vmem>>, vector<1x1x16xf32>,
      %swap3A_66 = vector.shape_cast %swap3A_65 : vector<1x1x16xf32> to vector<16xf32>
      %swap3A_67 = vector.shape_cast %broadcast_in_dim3A_60 : vector<16xf32> to vector<1x1x16xf32>
      tpu.vector_store %arg8[%swap3A_62, %swap3A_63, %swap3A_64], %swap3A_67 {strides = array<i32>} : memref<8x32x128xf32, #tpu.memory_space<vmem>>, vector<1x1x16xf32>,
      %broadcast_in_dim3A_68 = arith.constant 0.000000e+00 : f32
      %broadcast_in_dim3A_69 = vector.broadcast %broadcast_in_dim3A_68 : f32 to vector<16xf32>
      %swap3A_70 = arith.constant 0 : i32
      %swap3A_71 = arith.index_cast %swap3A_70 : i32 to index
      %swap3A_72 = arith.index_cast %scan3A_24 : i32 to index
      %swap3A_73 = arith.constant 80 : index
      %swap3A_74 = tpu.vector_load %arg8[%swap3A_71, %swap3A_72, %swap3A_73] {strides = array<i32>} : memref<8x32x128xf32, #tpu.memory_space<vmem>>, vector<1x1x16xf32>,
      %swap3A_75 = vector.shape_cast %swap3A_74 : vector<1x1x16xf32> to vector<16xf32>
      %swap3A_76 = vector.shape_cast %broadcast_in_dim3A_69 : vector<16xf32> to vector<1x1x16xf32>
      tpu.vector_store %arg8[%swap3A_71, %swap3A_72, %swap3A_73], %swap3A_76 {strides = array<i32>} : memref<8x32x128xf32, #tpu.memory_space<vmem>>, vector<1x1x16xf32>,
      %broadcast_in_dim3A_77 = arith.constant 0.000000e+00 : f32
      %broadcast_in_dim3A_78 = vector.broadcast %broadcast_in_dim3A_77 : f32 to vector<16xf32>
      %swap3A_79 = arith.constant 0 : i32
      %swap3A_80 = arith.index_cast %swap3A_79 : i32 to index
      %swap3A_81 = arith.index_cast %scan3A_24 : i32 to index
      %swap3A_82 = arith.constant 96 : index
      %swap3A_83 = tpu.vector_load %arg8[%swap3A_80, %swap3A_81, %swap3A_82] {strides = array<i32>} : memref<8x32x128xf32, #tpu.memory_space<vmem>>, vector<1x1x16xf32>,
      %swap3A_84 = vector.shape_cast %swap3A_83 : vector<1x1x16xf32> to vector<16xf32>
      %swap3A_85 = vector.shape_cast %broadcast_in_dim3A_78 : vector<16xf32> to vector<1x1x16xf32>
      tpu.vector_store %arg8[%swap3A_80, %swap3A_81, %swap3A_82], %swap3A_85 {strides = array<i32>} : memref<8x32x128xf32, #tpu.memory_space<vmem>>, vector<1x1x16xf32>,
      %broadcast_in_dim3A_86 = arith.constant 0.000000e+00 : f32
      %broadcast_in_dim3A_87 = vector.broadcast %broadcast_in_dim3A_86 : f32 to vector<16xf32>
      %swap3A_88 = arith.constant 0 : i32
      %swap3A_89 = arith.index_cast %swap3A_88 : i32 to index
      %swap3A_90 = arith.index_cast %scan3A_24 : i32 to index
      %swap3A_91 = arith.constant 112 : index
      %swap3A_92 = tpu.vector_load %arg8[%swap3A_89, %swap3A_90, %swap3A_91] {strides = array<i32>} : memref<8x32x128xf32, #tpu.memory_space<vmem>>, vector<1x1x16xf32>,
      %swap3A_93 = vector.shape_cast %swap3A_92 : vector<1x1x16xf32> to vector<16xf32>
      %swap3A_94 = vector.shape_cast %broadcast_in_dim3A_87 : vector<16xf32> to vector<1x1x16xf32>
      tpu.vector_store %arg8[%swap3A_89, %swap3A_90, %swap3A_91], %swap3A_94 {strides = array<i32>} : memref<8x32x128xf32, #tpu.memory_space<vmem>>, vector<1x1x16xf32>,
    }
    %scan3A_4 = arith.constant 32 : i32
    %scan3A_5 = arith.constant 0 : i32
    %scan3A_6 = arith.constant 0 : i32
    %scan3A_7 = arith.constant 20 : i32
    %scan3A_8 = arith.addi %scan3A_6, %scan3A_7 : i32
    %scan3A_9 = arith.constant 1 : i32
    scf.for %scan3A_24 = %scan3A_6 to %scan3A_8 step %scan3A_9  : i32 {
      %mul3A = arith.constant 640 : i32
      %mul3A_25 = arith.muli %arg1, %mul3A : i32
      %mul3A_26 = arith.constant 32 : i32
      %mul3A_27 = arith.muli %scan3A_24, %mul3A_26 : i32
      %add3A = arith.addi %mul3A_25, %mul3A_27 : i32
      %run_scoped3A = arith.constant 0 : i32
      "tpu.region"() ({
        %run_scoped3A_28 = tpu.sem_alloc : memref<!tpu.dma_semaphore, #tpu.memory_space<semaphore_mem>>
        %dma_start3A = arith.constant 0 : i32
        %dma_start3A_29 = arith.constant 0 : i32
        %dma_start3A_30 = tpu.memref_slice %arg8[%run_scoped3A, %dma_start3A, %dma_start3A_29] : memref<8x32x128xf32, #tpu.memory_space<vmem>> -> memref<1x32x128xf32, #tpu.memory_space<vmem>>
        %dma_start3A_31 = tpu.memref_squeeze %dma_start3A_30 : memref<1x32x128xf32, #tpu.memory_space<vmem>> -> memref<32x128xf32, #tpu.memory_space<vmem>>
        %dma_start3A_32 = arith.constant 0 : i32
        %dma_start3A_33 = tpu.memref_slice %arg9[%add3A, %dma_start3A_32] : memref<10240x128xf32, #tpu.memory_space<vmem_shared>> -> memref<32x128xf32, #tpu.memory_space<vmem_shared>>
        %dma_start3A_34 = arith.constant 0 : i32
        %dma_start3A_35 = tpu.memref_slice %arg9[%add3A, %dma_start3A_34] : memref<10240x128xf32, #tpu.memory_space<vmem_shared>> -> memref<32x128xf32, #tpu.memory_space<vmem_shared>>
        %dma_start3A_36 = arith.constant 0 : i32
        %dma_start3A_37 = arith.constant 0 : i32
        %dma_start3A_38 = tpu.memref_slice %arg8[%run_scoped3A, %dma_start3A_36, %dma_start3A_37] : memref<8x32x128xf32, #tpu.memory_space<vmem>> -> memref<1x32x128xf32, #tpu.memory_space<vmem>>
        %dma_start3A_39 = tpu.memref_squeeze %dma_start3A_38 : memref<1x32x128xf32, #tpu.memory_space<vmem>> -> memref<32x128xf32, #tpu.memory_space<vmem>>
        tpu.enqueue_dma source(%dma_start3A_39 : memref<32x128xf32, #tpu.memory_space<vmem>>) target(%dma_start3A_35 : memref<32x128xf32, #tpu.memory_space<vmem_shared>>) target_semaphore(%run_scoped3A_28 : memref<!tpu.dma_semaphore, #tpu.memory_space<semaphore_mem>>)
        %dma_wait3A = arith.constant 0 : i32
        %dma_wait3A_40 = arith.constant 0 : i32
        %dma_wait3A_41 = tpu.memref_slice %arg8[%run_scoped3A, %dma_wait3A, %dma_wait3A_40] : memref<8x32x128xf32, #tpu.memory_space<vmem>> -> memref<1x32x128xf32, #tpu.memory_space<vmem>>
        %dma_wait3A_42 = tpu.memref_squeeze %dma_wait3A_41 : memref<1x32x128xf32, #tpu.memory_space<vmem>> -> memref<32x128xf32, #tpu.memory_space<vmem>>
        %dma_wait3A_43 = arith.constant 0 : i32
        %dma_wait3A_44 = tpu.memref_slice %arg9[%add3A, %dma_wait3A_43] : memref<10240x128xf32, #tpu.memory_space<vmem_shared>> -> memref<32x128xf32, #tpu.memory_space<vmem_shared>>
        %dma_wait3A_45 = arith.constant 0 : i32
        %dma_wait3A_46 = tpu.memref_slice %arg9[%add3A, %dma_wait3A_45] : memref<10240x128xf32, #tpu.memory_space<vmem_shared>> -> memref<32x128xf32, #tpu.memory_space<vmem_shared>>
        %dma_wait3A_47 = arith.constant 0 : i32
        %dma_wait3A_48 = arith.constant 0 : i32
        %dma_wait3A_49 = tpu.memref_slice %arg8[%run_scoped3A, %dma_wait3A_47, %dma_wait3A_48] : memref<8x32x128xf32, #tpu.memory_space<vmem>> -> memref<1x32x128xf32, #tpu.memory_space<vmem>>
        %dma_wait3A_50 = tpu.memref_squeeze %dma_wait3A_49 : memref<1x32x128xf32, #tpu.memory_space<vmem>> -> memref<32x128xf32, #tpu.memory_space<vmem>>
        tpu.wait_dma2 semaphore(%run_scoped3A_28 : memref<!tpu.dma_semaphore, #tpu.memory_space<semaphore_mem>>) src(%dma_wait3A_50 : memref<32x128xf32, #tpu.memory_space<vmem>>) dst(%dma_wait3A_46 : memref<32x128xf32, #tpu.memory_space<vmem_shared>>)
        tpu.yield
      }) : () -> ()
    }
    %scan3A_10 = arith.constant 20 : i32
    %barrier3A = arith.constant 0 : index
    tpu.barrier barrier_id(%barrier3A)
    %scan3A_11 = arith.constant 0 : i32
    %scan3A_12 = arith.constant 0 : i32
    %scan3A_13 = arith.constant 20 : i32
    %scan3A_14 = arith.addi %scan3A_12, %scan3A_13 : i32
    %scan3A_15 = arith.constant 1 : i32
    scf.for %scan3A_24 = %scan3A_12 to %scan3A_14 step %scan3A_15  : i32 {
      %mul3A = arith.constant 16 : i32
      %mul3A_25 = arith.muli %arg0, %mul3A : i32
      %add3A = arith.addi %mul3A_25, %arg1 : i32
      %mul3A_26 = arith.constant 320 : i32
      %mul3A_27 = arith.muli %add3A, %mul3A_26 : i32
      %mul3A_28 = arith.constant 16 : i32
      %mul3A_29 = arith.muli %scan3A_24, %mul3A_28 : i32
      %add3A_30 = arith.addi %mul3A_27, %mul3A_29 : i32
      "tpu.region"() ({
        %run_scoped3A = tpu.sem_alloc : memref<!tpu.dma_semaphore, #tpu.memory_space<semaphore_mem>>
        %dma_start3A_132 = arith.constant 0 : i32
        %dma_start3A_133 = tpu.memref_slice %arg3[%add3A_30, %dma_start3A_132] : memref<10240x32xi32, #tpu.memory_space<hbm>> -> memref<16x32xi32, #tpu.memory_space<hbm>>
        %dma_start3A_134 = arith.constant 0 : i32
        %dma_start3A_135 = tpu.memref_slice %arg3[%add3A_30, %dma_start3A_134] : memref<10240x32xi32, #tpu.memory_space<hbm>> -> memref<16x32xi32, #tpu.memory_space<hbm>>
        tpu.enqueue_dma source(%dma_start3A_135 : memref<16x32xi32, #tpu.memory_space<hbm>>) target(%arg6 : memref<16x32xi32, #tpu.memory_space<vmem>>) target_semaphore(%run_scoped3A : memref<!tpu.dma_semaphore, #tpu.memory_space<semaphore_mem>>)
        %dma_wait3A = arith.constant 0 : i32
        %dma_wait3A_136 = tpu.memref_slice %arg3[%add3A_30, %dma_wait3A] : memref<10240x32xi32, #tpu.memory_space<hbm>> -> memref<16x32xi32, #tpu.memory_space<hbm>>
        %dma_wait3A_137 = arith.constant 0 : i32
        %dma_wait3A_138 = tpu.memref_slice %arg3[%add3A_30, %dma_wait3A_137] : memref<10240x32xi32, #tpu.memory_space<hbm>> -> memref<16x32xi32, #tpu.memory_space<hbm>>
        tpu.wait_dma2 semaphore(%run_scoped3A : memref<!tpu.dma_semaphore, #tpu.memory_space<semaphore_mem>>) src(%dma_wait3A_138 : memref<16x32xi32, #tpu.memory_space<hbm>>) dst(%arg6 : memref<16x32xi32, #tpu.memory_space<vmem>>)
        tpu.yield
      }) : () -> ()
      "tpu.region"() ({
        %run_scoped3A = tpu.sem_alloc : memref<!tpu.dma_semaphore, #tpu.memory_space<semaphore_mem>>
        %dma_start3A_132 = arith.constant 0 : i32
        %dma_start3A_133 = tpu.memref_slice %arg4[%add3A_30, %dma_start3A_132] : memref<10240x32xi32, #tpu.memory_space<hbm>> -> memref<16x32xi32, #tpu.memory_space<hbm>>
        %dma_start3A_134 = arith.constant 0 : i32
        %dma_start3A_135 = tpu.memref_slice %arg4[%add3A_30, %dma_start3A_134] : memref<10240x32xi32, #tpu.memory_space<hbm>> -> memref<16x32xi32, #tpu.memory_space<hbm>>
        tpu.enqueue_dma source(%dma_start3A_135 : memref<16x32xi32, #tpu.memory_space<hbm>>) target(%arg7 : memref<16x32xi32, #tpu.memory_space<vmem>>) target_semaphore(%run_scoped3A : memref<!tpu.dma_semaphore, #tpu.memory_space<semaphore_mem>>)
        %dma_wait3A = arith.constant 0 : i32
        %dma_wait3A_136 = tpu.memref_slice %arg4[%add3A_30, %dma_wait3A] : memref<10240x32xi32, #tpu.memory_space<hbm>> -> memref<16x32xi32, #tpu.memory_space<hbm>>
        %dma_wait3A_137 = arith.constant 0 : i32
        %dma_wait3A_138 = tpu.memref_slice %arg4[%add3A_30, %dma_wait3A_137] : memref<10240x32xi32, #tpu.memory_space<hbm>> -> memref<16x32xi32, #tpu.memory_space<hbm>>
        tpu.wait_dma2 semaphore(%run_scoped3A : memref<!tpu.dma_semaphore, #tpu.memory_space<semaphore_mem>>) src(%dma_wait3A_138 : memref<16x32xi32, #tpu.memory_space<hbm>>) dst(%arg7 : memref<16x32xi32, #tpu.memory_space<vmem>>)
        tpu.yield
      }) : () -> ()
      %dma_start3A = arith.constant 0 : i32
      %dma_start3A_31 = arith.constant 0 : i32
      %dma_start3A_32 = arith.constant 0 : i32
      %dma_start3A_33 = arith.constant 0 : i32
      %dma_start3A_34 = tpu.memref_slice %arg8[%dma_start3A_31, %dma_start3A_32, %dma_start3A_33] : memref<8x32x128xf32, #tpu.memory_space<vmem>> -> memref<1x32x128xf32, #tpu.memory_space<vmem>>
      %dma_start3A_35 = tpu.memref_squeeze %dma_start3A_34 : memref<1x32x128xf32, #tpu.memory_space<vmem>> -> memref<32x128xf32, #tpu.memory_space<vmem>>
      %dma_start3A_36 = arith.constant 0 : i32
      %dma_start3A_37 = tpu.memref_slice %arg6[%dma_start3A, %dma_start3A_36] : memref<16x32xi32, #tpu.memory_space<vmem>> -> memref<1x32xi32, #tpu.memory_space<vmem>>
      %dma_start3A_38 = tpu.memref_squeeze %dma_start3A_37 : memref<1x32xi32, #tpu.memory_space<vmem>> -> memref<32xi32, #tpu.memory_space<vmem>>
      %dma_start3A_39 = arith.constant 0 : i32
      %dma_start3A_40 = arith.constant 0 : i32
      %dma_start3A_41 = tpu.memref_slice %arg2[%dma_start3A_39, %dma_start3A_40] : memref<10240x128xf32, #tpu.memory_space<hbm>> -> memref<10240x128xf32, #tpu.memory_space<hbm>>
      tpu.enqueue_indirect_dma source(%dma_start3A_41 : memref<10240x128xf32, #tpu.memory_space<hbm>>) target(%dma_start3A_35 : memref<32x128xf32, #tpu.memory_space<vmem>>) offsets(%dma_start3A_38 : memref<32xi32, #tpu.memory_space<vmem>>) semaphore(%arg10 : memref<!tpu.dma_semaphore, #tpu.memory_space<semaphore_mem>>)
      %dma_start3A_42 = arith.constant 1 : i32
      %dma_start3A_43 = arith.constant 1 : i32
      %dma_start3A_44 = arith.constant 0 : i32
      %dma_start3A_45 = arith.constant 0 : i32
      %dma_start3A_46 = tpu.memref_slice %arg8[%dma_start3A_43, %dma_start3A_44, %dma_start3A_45] : memref<8x32x128xf32, #tpu.memory_space<vmem>> -> memref<1x32x128xf32, #tpu.memory_space<vmem>>
      %dma_start3A_47 = tpu.memref_squeeze %dma_start3A_46 : memref<1x32x128xf32, #tpu.memory_space<vmem>> -> memref<32x128xf32, #tpu.memory_space<vmem>>
      %dma_start3A_48 = arith.constant 0 : i32
      %dma_start3A_49 = tpu.memref_slice %arg6[%dma_start3A_42, %dma_start3A_48] : memref<16x32xi32, #tpu.memory_space<vmem>> -> memref<1x32xi32, #tpu.memory_space<vmem>>
      %dma_start3A_50 = tpu.memref_squeeze %dma_start3A_49 : memref<1x32xi32, #tpu.memory_space<vmem>> -> memref<32xi32, #tpu.memory_space<vmem>>
      %dma_start3A_51 = arith.constant 0 : i32
      %dma_start3A_52 = arith.constant 0 : i32
      %dma_start3A_53 = tpu.memref_slice %arg2[%dma_start3A_51, %dma_start3A_52] : memref<10240x128xf32, #tpu.memory_space<hbm>> -> memref<10240x128xf32, #tpu.memory_space<hbm>>
      tpu.enqueue_indirect_dma source(%dma_start3A_53 : memref<10240x128xf32, #tpu.memory_space<hbm>>) target(%dma_start3A_47 : memref<32x128xf32, #tpu.memory_space<vmem>>) offsets(%dma_start3A_50 : memref<32xi32, #tpu.memory_space<vmem>>) semaphore(%arg11 : memref<!tpu.dma_semaphore, #tpu.memory_space<semaphore_mem>>)
      %dma_start3A_54 = arith.constant 2 : i32
      %dma_start3A_55 = arith.constant 2 : i32
      %dma_start3A_56 = arith.constant 0 : i32
      %dma_start3A_57 = arith.constant 0 : i32
      %dma_start3A_58 = tpu.memref_slice %arg8[%dma_start3A_55, %dma_start3A_56, %dma_start3A_57] : memref<8x32x128xf32, #tpu.memory_space<vmem>> -> memref<1x32x128xf32, #tpu.memory_space<vmem>>
      %dma_start3A_59 = tpu.memref_squeeze %dma_start3A_58 : memref<1x32x128xf32, #tpu.memory_space<vmem>> -> memref<32x128xf32, #tpu.memory_space<vmem>>
      %dma_start3A_60 = arith.constant 0 : i32
      %dma_start3A_61 = tpu.memref_slice %arg6[%dma_start3A_54, %dma_start3A_60] : memref<16x32xi32, #tpu.memory_space<vmem>> -> memref<1x32xi32, #tpu.memory_space<vmem>>
      %dma_start3A_62 = tpu.memref_squeeze %dma_start3A_61 : memref<1x32xi32, #tpu.memory_space<vmem>> -> memref<32xi32, #tpu.memory_space<vmem>>
      %dma_start3A_63 = arith.constant 0 : i32
      %dma_start3A_64 = arith.constant 0 : i32
      %dma_start3A_65 = tpu.memref_slice %arg2[%dma_start3A_63, %dma_start3A_64] : memref<10240x128xf32, #tpu.memory_space<hbm>> -> memref<10240x128xf32, #tpu.memory_space<hbm>>
      tpu.enqueue_indirect_dma source(%dma_start3A_65 : memref<10240x128xf32, #tpu.memory_space<hbm>>) target(%dma_start3A_59 : memref<32x128xf32, #tpu.memory_space<vmem>>) offsets(%dma_start3A_62 : memref<32xi32, #tpu.memory_space<vmem>>) semaphore(%arg12 : memref<!tpu.dma_semaphore, #tpu.memory_space<semaphore_mem>>)
      %dma_start3A_66 = arith.constant 3 : i32
      %dma_start3A_67 = arith.constant 3 : i32
      %dma_start3A_68 = arith.constant 0 : i32
      %dma_start3A_69 = arith.constant 0 : i32
      %dma_start3A_70 = tpu.memref_slice %arg8[%dma_start3A_67, %dma_start3A_68, %dma_start3A_69] : memref<8x32x128xf32, #tpu.memory_space<vmem>> -> memref<1x32x128xf32, #tpu.memory_space<vmem>>
      %dma_start3A_71 = tpu.memref_squeeze %dma_start3A_70 : memref<1x32x128xf32, #tpu.memory_space<vmem>> -> memref<32x128xf32, #tpu.memory_space<vmem>>
      %dma_start3A_72 = arith.constant 0 : i32
      %dma_start3A_73 = tpu.memref_slice %arg6[%dma_start3A_66, %dma_start3A_72] : memref<16x32xi32, #tpu.memory_space<vmem>> -> memref<1x32xi32, #tpu.memory_space<vmem>>
      %dma_start3A_74 = tpu.memref_squeeze %dma_start3A_73 : memref<1x32xi32, #tpu.memory_space<vmem>> -> memref<32xi32, #tpu.memory_space<vmem>>
      %dma_start3A_75 = arith.constant 0 : i32
      %dma_start3A_76 = arith.constant 0 : i32
      %dma_start3A_77 = tpu.memref_slice %arg2[%dma_start3A_75, %dma_start3A_76] : memref<10240x128xf32, #tpu.memory_space<hbm>> -> memref<10240x128xf32, #tpu.memory_space<hbm>>
      tpu.enqueue_indirect_dma source(%dma_start3A_77 : memref<10240x128xf32, #tpu.memory_space<hbm>>) target(%dma_start3A_71 : memref<32x128xf32, #tpu.memory_space<vmem>>) offsets(%dma_start3A_74 : memref<32xi32, #tpu.memory_space<vmem>>) semaphore(%arg13 : memref<!tpu.dma_semaphore, #tpu.memory_space<semaphore_mem>>)
      %dma_start3A_78 = arith.constant 4 : i32
      %dma_start3A_79 = arith.constant 4 : i32
      %dma_start3A_80 = arith.constant 0 : i32
      %dma_start3A_81 = arith.constant 0 : i32
      %dma_start3A_82 = tpu.memref_slice %arg8[%dma_start3A_79, %dma_start3A_80, %dma_start3A_81] : memref<8x32x128xf32, #tpu.memory_space<vmem>> -> memref<1x32x128xf32, #tpu.memory_space<vmem>>
      %dma_start3A_83 = tpu.memref_squeeze %dma_start3A_82 : memref<1x32x128xf32, #tpu.memory_space<vmem>> -> memref<32x128xf32, #tpu.memory_space<vmem>>
      %dma_start3A_84 = arith.constant 0 : i32
      %dma_start3A_85 = tpu.memref_slice %arg6[%dma_start3A_78, %dma_start3A_84] : memref<16x32xi32, #tpu.memory_space<vmem>> -> memref<1x32xi32, #tpu.memory_space<vmem>>
      %dma_start3A_86 = tpu.memref_squeeze %dma_start3A_85 : memref<1x32xi32, #tpu.memory_space<vmem>> -> memref<32xi32, #tpu.memory_space<vmem>>
      %dma_start3A_87 = arith.constant 0 : i32
      %dma_start3A_88 = arith.constant 0 : i32
      %dma_start3A_89 = tpu.memref_slice %arg2[%dma_start3A_87, %dma_start3A_88] : memref<10240x128xf32, #tpu.memory_space<hbm>> -> memref<10240x128xf32, #tpu.memory_space<hbm>>
      tpu.enqueue_indirect_dma source(%dma_start3A_89 : memref<10240x128xf32, #tpu.memory_space<hbm>>) target(%dma_start3A_83 : memref<32x128xf32, #tpu.memory_space<vmem>>) offsets(%dma_start3A_86 : memref<32xi32, #tpu.memory_space<vmem>>) semaphore(%arg14 : memref<!tpu.dma_semaphore, #tpu.memory_space<semaphore_mem>>)
      %dma_start3A_90 = arith.constant 5 : i32
      %dma_start3A_91 = arith.constant 5 : i32
      %dma_start3A_92 = arith.constant 0 : i32
      %dma_start3A_93 = arith.constant 0 : i32
      %dma_start3A_94 = tpu.memref_slice %arg8[%dma_start3A_91, %dma_start3A_92, %dma_start3A_93] : memref<8x32x128xf32, #tpu.memory_space<vmem>> -> memref<1x32x128xf32, #tpu.memory_space<vmem>>
      %dma_start3A_95 = tpu.memref_squeeze %dma_start3A_94 : memref<1x32x128xf32, #tpu.memory_space<vmem>> -> memref<32x128xf32, #tpu.memory_space<vmem>>
      %dma_start3A_96 = arith.constant 0 : i32
      %dma_start3A_97 = tpu.memref_slice %arg6[%dma_start3A_90, %dma_start3A_96] : memref<16x32xi32, #tpu.memory_space<vmem>> -> memref<1x32xi32, #tpu.memory_space<vmem>>
      %dma_start3A_98 = tpu.memref_squeeze %dma_start3A_97 : memref<1x32xi32, #tpu.memory_space<vmem>> -> memref<32xi32, #tpu.memory_space<vmem>>
      %dma_start3A_99 = arith.constant 0 : i32
      %dma_start3A_100 = arith.constant 0 : i32
      %dma_start3A_101 = tpu.memref_slice %arg2[%dma_start3A_99, %dma_start3A_100] : memref<10240x128xf32, #tpu.memory_space<hbm>> -> memref<10240x128xf32, #tpu.memory_space<hbm>>
      tpu.enqueue_indirect_dma source(%dma_start3A_101 : memref<10240x128xf32, #tpu.memory_space<hbm>>) target(%dma_start3A_95 : memref<32x128xf32, #tpu.memory_space<vmem>>) offsets(%dma_start3A_98 : memref<32xi32, #tpu.memory_space<vmem>>) semaphore(%arg15 : memref<!tpu.dma_semaphore, #tpu.memory_space<semaphore_mem>>)
      %dma_start3A_102 = arith.constant 6 : i32
      %dma_start3A_103 = arith.constant 6 : i32
      %dma_start3A_104 = arith.constant 0 : i32
      %dma_start3A_105 = arith.constant 0 : i32
      %dma_start3A_106 = tpu.memref_slice %arg8[%dma_start3A_103, %dma_start3A_104, %dma_start3A_105] : memref<8x32x128xf32, #tpu.memory_space<vmem>> -> memref<1x32x128xf32, #tpu.memory_space<vmem>>
      %dma_start3A_107 = tpu.memref_squeeze %dma_start3A_106 : memref<1x32x128xf32, #tpu.memory_space<vmem>> -> memref<32x128xf32, #tpu.memory_space<vmem>>
      %dma_start3A_108 = arith.constant 0 : i32
      %dma_start3A_109 = tpu.memref_slice %arg6[%dma_start3A_102, %dma_start3A_108] : memref<16x32xi32, #tpu.memory_space<vmem>> -> memref<1x32xi32, #tpu.memory_space<vmem>>
      %dma_start3A_110 = tpu.memref_squeeze %dma_start3A_109 : memref<1x32xi32, #tpu.memory_space<vmem>> -> memref<32xi32, #tpu.memory_space<vmem>>
      %dma_start3A_111 = arith.constant 0 : i32
      %dma_start3A_112 = arith.constant 0 : i32
      %dma_start3A_113 = tpu.memref_slice %arg2[%dma_start3A_111, %dma_start3A_112] : memref<10240x128xf32, #tpu.memory_space<hbm>> -> memref<10240x128xf32, #tpu.memory_space<hbm>>
      tpu.enqueue_indirect_dma source(%dma_start3A_113 : memref<10240x128xf32, #tpu.memory_space<hbm>>) target(%dma_start3A_107 : memref<32x128xf32, #tpu.memory_space<vmem>>) offsets(%dma_start3A_110 : memref<32xi32, #tpu.memory_space<vmem>>) semaphore(%arg16 : memref<!tpu.dma_semaphore, #tpu.memory_space<semaphore_mem>>)
      %dma_start3A_114 = arith.constant 7 : i32
      %dma_start3A_115 = arith.constant 7 : i32
      %dma_start3A_116 = arith.constant 0 : i32
      %dma_start3A_117 = arith.constant 0 : i32
      %dma_start3A_118 = tpu.memref_slice %arg8[%dma_start3A_115, %dma_start3A_116, %dma_start3A_117] : memref<8x32x128xf32, #tpu.memory_space<vmem>> -> memref<1x32x128xf32, #tpu.memory_space<vmem>>
      %dma_start3A_119 = tpu.memref_squeeze %dma_start3A_118 : memref<1x32x128xf32, #tpu.memory_space<vmem>> -> memref<32x128xf32, #tpu.memory_space<vmem>>
      %dma_start3A_120 = arith.constant 0 : i32
      %dma_start3A_121 = tpu.memref_slice %arg6[%dma_start3A_114, %dma_start3A_120] : memref<16x32xi32, #tpu.memory_space<vmem>> -> memref<1x32xi32, #tpu.memory_space<vmem>>
      %dma_start3A_122 = tpu.memref_squeeze %dma_start3A_121 : memref<1x32xi32, #tpu.memory_space<vmem>> -> memref<32xi32, #tpu.memory_space<vmem>>
      %dma_start3A_123 = arith.constant 0 : i32
      %dma_start3A_124 = arith.constant 0 : i32
      %dma_start3A_125 = tpu.memref_slice %arg2[%dma_start3A_123, %dma_start3A_124] : memref<10240x128xf32, #tpu.memory_space<hbm>> -> memref<10240x128xf32, #tpu.memory_space<hbm>>
      tpu.enqueue_indirect_dma source(%dma_start3A_125 : memref<10240x128xf32, #tpu.memory_space<hbm>>) target(%dma_start3A_119 : memref<32x128xf32, #tpu.memory_space<vmem>>) offsets(%dma_start3A_122 : memref<32xi32, #tpu.memory_space<vmem>>) semaphore(%arg17 : memref<!tpu.dma_semaphore, #tpu.memory_space<semaphore_mem>>)
      %scan3A_126 = arith.constant 0 : i32
      %scan3A_127 = arith.constant 0 : i32
      %scan3A_128 = arith.constant 2 : i32
      %scan3A_129 = arith.addi %scan3A_127, %scan3A_128 : i32
      %scan3A_130 = arith.constant 1 : i32
      scf.for %scan3A_132 = %scan3A_127 to %scan3A_129 step %scan3A_130  : i32 {
        %mul3A_133 = arith.constant 8 : i32
        %mul3A_134 = arith.muli %scan3A_132, %mul3A_133 : i32
        %add3A_135 = arith.constant 0 : i32
        %add3A_136 = arith.addi %mul3A_134, %add3A_135 : i32
        %dma_wait3A = arith.constant 0 : i32
        %dma_wait3A_137 = arith.constant 0 : i32
        %dma_wait3A_138 = arith.constant 0 : i32
        %dma_wait3A_139 = tpu.memref_slice %arg8[%dma_wait3A, %dma_wait3A_137, %dma_wait3A_138] : memref<8x32x128xf32, #tpu.memory_space<vmem>> -> memref<1x32x128xf32, #tpu.memory_space<vmem>>
        %dma_wait3A_140 = tpu.memref_squeeze %dma_wait3A_139 : memref<1x32x128xf32, #tpu.memory_space<vmem>> -> memref<32x128xf32, #tpu.memory_space<vmem>>
        %dma_wait3A_141 = arith.constant 0 : i32
        %dma_wait3A_142 = tpu.memref_slice %arg6[%add3A_136, %dma_wait3A_141] : memref<16x32xi32, #tpu.memory_space<vmem>> -> memref<1x32xi32, #tpu.memory_space<vmem>>
        %dma_wait3A_143 = tpu.memref_squeeze %dma_wait3A_142 : memref<1x32xi32, #tpu.memory_space<vmem>> -> memref<32xi32, #tpu.memory_space<vmem>>
        %dma_wait3A_144 = arith.constant 0 : i32
        %dma_wait3A_145 = arith.constant 0 : i32
        %dma_wait3A_146 = tpu.memref_slice %arg2[%dma_wait3A_144, %dma_wait3A_145] : memref<10240x128xf32, #tpu.memory_space<hbm>> -> memref<10240x128xf32, #tpu.memory_space<hbm>>
        tpu.wait_indirect_dma semaphore(%arg10 : memref<!tpu.dma_semaphore, #tpu.memory_space<semaphore_mem>>) src(%dma_wait3A_146 : memref<10240x128xf32, #tpu.memory_space<hbm>>) dst(%dma_wait3A_140 : memref<32x128xf32, #tpu.memory_space<vmem>>)
        %run_scoped3A = arith.constant 0 : i32
        "tpu.region"() ({
          %run_scoped3A_312 = tpu.sem_alloc : memref<!tpu.dma_semaphore, #tpu.memory_space<semaphore_mem>>
          %dma_start3A_313 = arith.constant 0 : i32
          %dma_start3A_314 = arith.constant 0 : i32
          %dma_start3A_315 = tpu.memref_slice %arg8[%run_scoped3A, %dma_start3A_313, %dma_start3A_314] : memref<8x32x128xf32, #tpu.memory_space<vmem>> -> memref<1x32x128xf32, #tpu.memory_space<vmem>>
          %dma_start3A_316 = tpu.memref_squeeze %dma_start3A_315 : memref<1x32x128xf32, #tpu.memory_space<vmem>> -> memref<32x128xf32, #tpu.memory_space<vmem>>
          %dma_start3A_317 = arith.constant 0 : i32
          %dma_start3A_318 = tpu.memref_slice %arg7[%add3A_136, %dma_start3A_317] : memref<16x32xi32, #tpu.memory_space<vmem>> -> memref<1x32xi32, #tpu.memory_space<vmem>>
          %dma_start3A_319 = tpu.memref_squeeze %dma_start3A_318 : memref<1x32xi32, #tpu.memory_space<vmem>> -> memref<32xi32, #tpu.memory_space<vmem>>
          %dma_start3A_320 = arith.constant 0 : i32
          %dma_start3A_321 = arith.constant 0 : i32
          %dma_start3A_322 = tpu.memref_slice %arg9[%dma_start3A_320, %dma_start3A_321] : memref<10240x128xf32, #tpu.memory_space<vmem_shared>> -> memref<10240x128xf32, #tpu.memory_space<vmem_shared>>
          tpu.enqueue_indirect_dma source(%dma_start3A_316 : memref<32x128xf32, #tpu.memory_space<vmem>>) target(%dma_start3A_322 : memref<10240x128xf32, #tpu.memory_space<vmem_shared>>) offsets(%dma_start3A_319 : memref<32xi32, #tpu.memory_space<vmem>>) semaphore(%run_scoped3A_312 : memref<!tpu.dma_semaphore, #tpu.memory_space<semaphore_mem>>) {add = true}
          %dma_wait3A_323 = arith.constant 0 : i32
          %dma_wait3A_324 = arith.constant 0 : i32
          %dma_wait3A_325 = tpu.memref_slice %arg8[%run_scoped3A, %dma_wait3A_323, %dma_wait3A_324] : memref<8x32x128xf32, #tpu.memory_space<vmem>> -> memref<1x32x128xf32, #tpu.memory_space<vmem>>
          %dma_wait3A_326 = tpu.memref_squeeze %dma_wait3A_325 : memref<1x32x128xf32, #tpu.memory_space<vmem>> -> memref<32x128xf32, #tpu.memory_space<vmem>>
          %dma_wait3A_327 = arith.constant 0 : i32
          %dma_wait3A_328 = tpu.memref_slice %arg7[%add3A_136, %dma_wait3A_327] : memref<16x32xi32, #tpu.memory_space<vmem>> -> memref<1x32xi32, #tpu.memory_space<vmem>>
          %dma_wait3A_329 = tpu.memref_squeeze %dma_wait3A_328 : memref<1x32xi32, #tpu.memory_space<vmem>> -> memref<32xi32, #tpu.memory_space<vmem>>
          %dma_wait3A_330 = arith.constant 0 : i32
          %dma_wait3A_331 = arith.constant 0 : i32
          %dma_wait3A_332 = tpu.memref_slice %arg9[%dma_wait3A_330, %dma_wait3A_331] : memref<10240x128xf32, #tpu.memory_space<vmem_shared>> -> memref<10240x128xf32, #tpu.memory_space<vmem_shared>>
          tpu.wait_indirect_dma semaphore(%run_scoped3A_312 : memref<!tpu.dma_semaphore, #tpu.memory_space<semaphore_mem>>) src(%dma_wait3A_326 : memref<32x128xf32, #tpu.memory_space<vmem>>) dst(%dma_wait3A_332 : memref<10240x128xf32, #tpu.memory_space<vmem_shared>>)
          tpu.yield
        }) : () -> ()
        %add3A_147 = arith.constant 8 : i32
        %add3A_148 = arith.addi %add3A_136, %add3A_147 : i32
        %lt3A = arith.constant 16 : i32
        %lt3A_149 = arith.cmpi slt, %add3A_148, %lt3A : i32
        %convert_element_type3A = arith.extui %lt3A_149 : i1 to i32
        %cond3A = arith.constant 0 : i32
        %cond3A_150 = arith.cmpi ne, %convert_element_type3A, %cond3A : i32
        scf.if %cond3A_150 {
          %add3A_312 = arith.constant 8 : i32
          %add3A_313 = arith.addi %add3A_136, %add3A_312 : i32
          %dma_start3A_314 = arith.constant 0 : i32
          %dma_start3A_315 = arith.constant 0 : i32
          %dma_start3A_316 = arith.constant 0 : i32
          %dma_start3A_317 = tpu.memref_slice %arg8[%dma_start3A_314, %dma_start3A_315, %dma_start3A_316] : memref<8x32x128xf32, #tpu.memory_space<vmem>> -> memref<1x32x128xf32, #tpu.memory_space<vmem>>
          %dma_start3A_318 = tpu.memref_squeeze %dma_start3A_317 : memref<1x32x128xf32, #tpu.memory_space<vmem>> -> memref<32x128xf32, #tpu.memory_space<vmem>>
          %dma_start3A_319 = arith.constant 0 : i32
          %dma_start3A_320 = tpu.memref_slice %arg6[%add3A_313, %dma_start3A_319] : memref<16x32xi32, #tpu.memory_space<vmem>> -> memref<1x32xi32, #tpu.memory_space<vmem>>
          %dma_start3A_321 = tpu.memref_squeeze %dma_start3A_320 : memref<1x32xi32, #tpu.memory_space<vmem>> -> memref<32xi32, #tpu.memory_space<vmem>>
          %dma_start3A_322 = arith.constant 0 : i32
          %dma_start3A_323 = arith.constant 0 : i32
          %dma_start3A_324 = tpu.memref_slice %arg2[%dma_start3A_322, %dma_start3A_323] : memref<10240x128xf32, #tpu.memory_space<hbm>> -> memref<10240x128xf32, #tpu.memory_space<hbm>>
          tpu.enqueue_indirect_dma source(%dma_start3A_324 : memref<10240x128xf32, #tpu.memory_space<hbm>>) target(%dma_start3A_318 : memref<32x128xf32, #tpu.memory_space<vmem>>) offsets(%dma_start3A_321 : memref<32xi32, #tpu.memory_space<vmem>>) semaphore(%arg10 : memref<!tpu.dma_semaphore, #tpu.memory_space<semaphore_mem>>)
        } else {
        }
        %mul3A_151 = arith.constant 8 : i32
        %mul3A_152 = arith.muli %scan3A_132, %mul3A_151 : i32
        %add3A_153 = arith.constant 1 : i32
        %add3A_154 = arith.addi %mul3A_152, %add3A_153 : i32
        %dma_wait3A_155 = arith.constant 1 : i32
        %dma_wait3A_156 = arith.constant 0 : i32
        %dma_wait3A_157 = arith.constant 0 : i32
        %dma_wait3A_158 = tpu.memref_slice %arg8[%dma_wait3A_155, %dma_wait3A_156, %dma_wait3A_157] : memref<8x32x128xf32, #tpu.memory_space<vmem>> -> memref<1x32x128xf32, #tpu.memory_space<vmem>>
        %dma_wait3A_159 = tpu.memref_squeeze %dma_wait3A_158 : memref<1x32x128xf32, #tpu.memory_space<vmem>> -> memref<32x128xf32, #tpu.memory_space<vmem>>
        %dma_wait3A_160 = arith.constant 0 : i32
        %dma_wait3A_161 = tpu.memref_slice %arg6[%add3A_154, %dma_wait3A_160] : memref<16x32xi32, #tpu.memory_space<vmem>> -> memref<1x32xi32, #tpu.memory_space<vmem>>
        %dma_wait3A_162 = tpu.memref_squeeze %dma_wait3A_161 : memref<1x32xi32, #tpu.memory_space<vmem>> -> memref<32xi32, #tpu.memory_space<vmem>>
        %dma_wait3A_163 = arith.constant 0 : i32
        %dma_wait3A_164 = arith.constant 0 : i32
        %dma_wait3A_165 = tpu.memref_slice %arg2[%dma_wait3A_163, %dma_wait3A_164] : memref<10240x128xf32, #tpu.memory_space<hbm>> -> memref<10240x128xf32, #tpu.memory_space<hbm>>
        tpu.wait_indirect_dma semaphore(%arg11 : memref<!tpu.dma_semaphore, #tpu.memory_space<semaphore_mem>>) src(%dma_wait3A_165 : memref<10240x128xf32, #tpu.memory_space<hbm>>) dst(%dma_wait3A_159 : memref<32x128xf32, #tpu.memory_space<vmem>>)
        %run_scoped3A_166 = arith.constant 1 : i32
        "tpu.region"() ({
          %run_scoped3A_312 = tpu.sem_alloc : memref<!tpu.dma_semaphore, #tpu.memory_space<semaphore_mem>>
          %dma_start3A_313 = arith.constant 0 : i32
          %dma_start3A_314 = arith.constant 0 : i32
          %dma_start3A_315 = tpu.memref_slice %arg8[%run_scoped3A_166, %dma_start3A_313, %dma_start3A_314] : memref<8x32x128xf32, #tpu.memory_space<vmem>> -> memref<1x32x128xf32, #tpu.memory_space<vmem>>
          %dma_start3A_316 = tpu.memref_squeeze %dma_start3A_315 : memref<1x32x128xf32, #tpu.memory_space<vmem>> -> memref<32x128xf32, #tpu.memory_space<vmem>>
          %dma_start3A_317 = arith.constant 0 : i32
          %dma_start3A_318 = tpu.memref_slice %arg7[%add3A_154, %dma_start3A_317] : memref<16x32xi32, #tpu.memory_space<vmem>> -> memref<1x32xi32, #tpu.memory_space<vmem>>
          %dma_start3A_319 = tpu.memref_squeeze %dma_start3A_318 : memref<1x32xi32, #tpu.memory_space<vmem>> -> memref<32xi32, #tpu.memory_space<vmem>>
          %dma_start3A_320 = arith.constant 0 : i32
          %dma_start3A_321 = arith.constant 0 : i32
          %dma_start3A_322 = tpu.memref_slice %arg9[%dma_start3A_320, %dma_start3A_321] : memref<10240x128xf32, #tpu.memory_space<vmem_shared>> -> memref<10240x128xf32, #tpu.memory_space<vmem_shared>>
          tpu.enqueue_indirect_dma source(%dma_start3A_316 : memref<32x128xf32, #tpu.memory_space<vmem>>) target(%dma_start3A_322 : memref<10240x128xf32, #tpu.memory_space<vmem_shared>>) offsets(%dma_start3A_319 : memref<32xi32, #tpu.memory_space<vmem>>) semaphore(%run_scoped3A_312 : memref<!tpu.dma_semaphore, #tpu.memory_space<semaphore_mem>>) {add = true}
          %dma_wait3A_323 = arith.constant 0 : i32
          %dma_wait3A_324 = arith.constant 0 : i32
          %dma_wait3A_325 = tpu.memref_slice %arg8[%run_scoped3A_166, %dma_wait3A_323, %dma_wait3A_324] : memref<8x32x128xf32, #tpu.memory_space<vmem>> -> memref<1x32x128xf32, #tpu.memory_space<vmem>>
          %dma_wait3A_326 = tpu.memref_squeeze %dma_wait3A_325 : memref<1x32x128xf32, #tpu.memory_space<vmem>> -> memref<32x128xf32, #tpu.memory_space<vmem>>
          %dma_wait3A_327 = arith.constant 0 : i32
          %dma_wait3A_328 = tpu.memref_slice %arg7[%add3A_154, %dma_wait3A_327] : memref<16x32xi32, #tpu.memory_space<vmem>> -> memref<1x32xi32, #tpu.memory_space<vmem>>
          %dma_wait3A_329 = tpu.memref_squeeze %dma_wait3A_328 : memref<1x32xi32, #tpu.memory_space<vmem>> -> memref<32xi32, #tpu.memory_space<vmem>>
          %dma_wait3A_330 = arith.constant 0 : i32
          %dma_wait3A_331 = arith.constant 0 : i32
          %dma_wait3A_332 = tpu.memref_slice %arg9[%dma_wait3A_330, %dma_wait3A_331] : memref<10240x128xf32, #tpu.memory_space<vmem_shared>> -> memref<10240x128xf32, #tpu.memory_space<vmem_shared>>
          tpu.wait_indirect_dma semaphore(%run_scoped3A_312 : memref<!tpu.dma_semaphore, #tpu.memory_space<semaphore_mem>>) src(%dma_wait3A_326 : memref<32x128xf32, #tpu.memory_space<vmem>>) dst(%dma_wait3A_332 : memref<10240x128xf32, #tpu.memory_space<vmem_shared>>)
          tpu.yield
        }) : () -> ()
        %add3A_167 = arith.constant 8 : i32
        %add3A_168 = arith.addi %add3A_154, %add3A_167 : i32
        %lt3A_169 = arith.constant 16 : i32
        %lt3A_170 = arith.cmpi slt, %add3A_168, %lt3A_169 : i32
        %convert_element_type3A_171 = arith.extui %lt3A_170 : i1 to i32
        %cond3A_172 = arith.constant 0 : i32
        %cond3A_173 = arith.cmpi ne, %convert_element_type3A_171, %cond3A_172 : i32
        scf.if %cond3A_173 {
          %add3A_312 = arith.constant 8 : i32
          %add3A_313 = arith.addi %add3A_154, %add3A_312 : i32
          %dma_start3A_314 = arith.constant 1 : i32
          %dma_start3A_315 = arith.constant 0 : i32
          %dma_start3A_316 = arith.constant 0 : i32
          %dma_start3A_317 = tpu.memref_slice %arg8[%dma_start3A_314, %dma_start3A_315, %dma_start3A_316] : memref<8x32x128xf32, #tpu.memory_space<vmem>> -> memref<1x32x128xf32, #tpu.memory_space<vmem>>
          %dma_start3A_318 = tpu.memref_squeeze %dma_start3A_317 : memref<1x32x128xf32, #tpu.memory_space<vmem>> -> memref<32x128xf32, #tpu.memory_space<vmem>>
          %dma_start3A_319 = arith.constant 0 : i32
          %dma_start3A_320 = tpu.memref_slice %arg6[%add3A_313, %dma_start3A_319] : memref<16x32xi32, #tpu.memory_space<vmem>> -> memref<1x32xi32, #tpu.memory_space<vmem>>
          %dma_start3A_321 = tpu.memref_squeeze %dma_start3A_320 : memref<1x32xi32, #tpu.memory_space<vmem>> -> memref<32xi32, #tpu.memory_space<vmem>>
          %dma_start3A_322 = arith.constant 0 : i32
          %dma_start3A_323 = arith.constant 0 : i32
          %dma_start3A_324 = tpu.memref_slice %arg2[%dma_start3A_322, %dma_start3A_323] : memref<10240x128xf32, #tpu.memory_space<hbm>> -> memref<10240x128xf32, #tpu.memory_space<hbm>>
          tpu.enqueue_indirect_dma source(%dma_start3A_324 : memref<10240x128xf32, #tpu.memory_space<hbm>>) target(%dma_start3A_318 : memref<32x128xf32, #tpu.memory_space<vmem>>) offsets(%dma_start3A_321 : memref<32xi32, #tpu.memory_space<vmem>>) semaphore(%arg11 : memref<!tpu.dma_semaphore, #tpu.memory_space<semaphore_mem>>)
        } else {
        }
        %mul3A_174 = arith.constant 8 : i32
        %mul3A_175 = arith.muli %scan3A_132, %mul3A_174 : i32
        %add3A_176 = arith.constant 2 : i32
        %add3A_177 = arith.addi %mul3A_175, %add3A_176 : i32
        %dma_wait3A_178 = arith.constant 2 : i32
        %dma_wait3A_179 = arith.constant 0 : i32
        %dma_wait3A_180 = arith.constant 0 : i32
        %dma_wait3A_181 = tpu.memref_slice %arg8[%dma_wait3A_178, %dma_wait3A_179, %dma_wait3A_180] : memref<8x32x128xf32, #tpu.memory_space<vmem>> -> memref<1x32x128xf32, #tpu.memory_space<vmem>>
        %dma_wait3A_182 = tpu.memref_squeeze %dma_wait3A_181 : memref<1x32x128xf32, #tpu.memory_space<vmem>> -> memref<32x128xf32, #tpu.memory_space<vmem>>
        %dma_wait3A_183 = arith.constant 0 : i32
        %dma_wait3A_184 = tpu.memref_slice %arg6[%add3A_177, %dma_wait3A_183] : memref<16x32xi32, #tpu.memory_space<vmem>> -> memref<1x32xi32, #tpu.memory_space<vmem>>
        %dma_wait3A_185 = tpu.memref_squeeze %dma_wait3A_184 : memref<1x32xi32, #tpu.memory_space<vmem>> -> memref<32xi32, #tpu.memory_space<vmem>>
        %dma_wait3A_186 = arith.constant 0 : i32
        %dma_wait3A_187 = arith.constant 0 : i32
        %dma_wait3A_188 = tpu.memref_slice %arg2[%dma_wait3A_186, %dma_wait3A_187] : memref<10240x128xf32, #tpu.memory_space<hbm>> -> memref<10240x128xf32, #tpu.memory_space<hbm>>
        tpu.wait_indirect_dma semaphore(%arg12 : memref<!tpu.dma_semaphore, #tpu.memory_space<semaphore_mem>>) src(%dma_wait3A_188 : memref<10240x128xf32, #tpu.memory_space<hbm>>) dst(%dma_wait3A_182 : memref<32x128xf32, #tpu.memory_space<vmem>>)
        %run_scoped3A_189 = arith.constant 2 : i32
        "tpu.region"() ({
          %run_scoped3A_312 = tpu.sem_alloc : memref<!tpu.dma_semaphore, #tpu.memory_space<semaphore_mem>>
          %dma_start3A_313 = arith.constant 0 : i32
          %dma_start3A_314 = arith.constant 0 : i32
          %dma_start3A_315 = tpu.memref_slice %arg8[%run_scoped3A_189, %dma_start3A_313, %dma_start3A_314] : memref<8x32x128xf32, #tpu.memory_space<vmem>> -> memref<1x32x128xf32, #tpu.memory_space<vmem>>
          %dma_start3A_316 = tpu.memref_squeeze %dma_start3A_315 : memref<1x32x128xf32, #tpu.memory_space<vmem>> -> memref<32x128xf32, #tpu.memory_space<vmem>>
          %dma_start3A_317 = arith.constant 0 : i32
          %dma_start3A_318 = tpu.memref_slice %arg7[%add3A_177, %dma_start3A_317] : memref<16x32xi32, #tpu.memory_space<vmem>> -> memref<1x32xi32, #tpu.memory_space<vmem>>
          %dma_start3A_319 = tpu.memref_squeeze %dma_start3A_318 : memref<1x32xi32, #tpu.memory_space<vmem>> -> memref<32xi32, #tpu.memory_space<vmem>>
          %dma_start3A_320 = arith.constant 0 : i32
          %dma_start3A_321 = arith.constant 0 : i32
          %dma_start3A_322 = tpu.memref_slice %arg9[%dma_start3A_320, %dma_start3A_321] : memref<10240x128xf32, #tpu.memory_space<vmem_shared>> -> memref<10240x128xf32, #tpu.memory_space<vmem_shared>>
          tpu.enqueue_indirect_dma source(%dma_start3A_316 : memref<32x128xf32, #tpu.memory_space<vmem>>) target(%dma_start3A_322 : memref<10240x128xf32, #tpu.memory_space<vmem_shared>>) offsets(%dma_start3A_319 : memref<32xi32, #tpu.memory_space<vmem>>) semaphore(%run_scoped3A_312 : memref<!tpu.dma_semaphore, #tpu.memory_space<semaphore_mem>>) {add = true}
          %dma_wait3A_323 = arith.constant 0 : i32
          %dma_wait3A_324 = arith.constant 0 : i32
          %dma_wait3A_325 = tpu.memref_slice %arg8[%run_scoped3A_189, %dma_wait3A_323, %dma_wait3A_324] : memref<8x32x128xf32, #tpu.memory_space<vmem>> -> memref<1x32x128xf32, #tpu.memory_space<vmem>>
          %dma_wait3A_326 = tpu.memref_squeeze %dma_wait3A_325 : memref<1x32x128xf32, #tpu.memory_space<vmem>> -> memref<32x128xf32, #tpu.memory_space<vmem>>
          %dma_wait3A_327 = arith.constant 0 : i32
          %dma_wait3A_328 = tpu.memref_slice %arg7[%add3A_177, %dma_wait3A_327] : memref<16x32xi32, #tpu.memory_space<vmem>> -> memref<1x32xi32, #tpu.memory_space<vmem>>
          %dma_wait3A_329 = tpu.memref_squeeze %dma_wait3A_328 : memref<1x32xi32, #tpu.memory_space<vmem>> -> memref<32xi32, #tpu.memory_space<vmem>>
          %dma_wait3A_330 = arith.constant 0 : i32
          %dma_wait3A_331 = arith.constant 0 : i32
          %dma_wait3A_332 = tpu.memref_slice %arg9[%dma_wait3A_330, %dma_wait3A_331] : memref<10240x128xf32, #tpu.memory_space<vmem_shared>> -> memref<10240x128xf32, #tpu.memory_space<vmem_shared>>
          tpu.wait_indirect_dma semaphore(%run_scoped3A_312 : memref<!tpu.dma_semaphore, #tpu.memory_space<semaphore_mem>>) src(%dma_wait3A_326 : memref<32x128xf32, #tpu.memory_space<vmem>>) dst(%dma_wait3A_332 : memref<10240x128xf32, #tpu.memory_space<vmem_shared>>)
          tpu.yield
        }) : () -> ()
        %add3A_190 = arith.constant 8 : i32
        %add3A_191 = arith.addi %add3A_177, %add3A_190 : i32
        %lt3A_192 = arith.constant 16 : i32
        %lt3A_193 = arith.cmpi slt, %add3A_191, %lt3A_192 : i32
        %convert_element_type3A_194 = arith.extui %lt3A_193 : i1 to i32
        %cond3A_195 = arith.constant 0 : i32
        %cond3A_196 = arith.cmpi ne, %convert_element_type3A_194, %cond3A_195 : i32
        scf.if %cond3A_196 {
          %add3A_312 = arith.constant 8 : i32
          %add3A_313 = arith.addi %add3A_177, %add3A_312 : i32
          %dma_start3A_314 = arith.constant 2 : i32
          %dma_start3A_315 = arith.constant 0 : i32
          %dma_start3A_316 = arith.constant 0 : i32
          %dma_start3A_317 = tpu.memref_slice %arg8[%dma_start3A_314, %dma_start3A_315, %dma_start3A_316] : memref<8x32x128xf32, #tpu.memory_space<vmem>> -> memref<1x32x128xf32, #tpu.memory_space<vmem>>
          %dma_start3A_318 = tpu.memref_squeeze %dma_start3A_317 : memref<1x32x128xf32, #tpu.memory_space<vmem>> -> memref<32x128xf32, #tpu.memory_space<vmem>>
          %dma_start3A_319 = arith.constant 0 : i32
          %dma_start3A_320 = tpu.memref_slice %arg6[%add3A_313, %dma_start3A_319] : memref<16x32xi32, #tpu.memory_space<vmem>> -> memref<1x32xi32, #tpu.memory_space<vmem>>
          %dma_start3A_321 = tpu.memref_squeeze %dma_start3A_320 : memref<1x32xi32, #tpu.memory_space<vmem>> -> memref<32xi32, #tpu.memory_space<vmem>>
          %dma_start3A_322 = arith.constant 0 : i32
          %dma_start3A_323 = arith.constant 0 : i32
          %dma_start3A_324 = tpu.memref_slice %arg2[%dma_start3A_322, %dma_start3A_323] : memref<10240x128xf32, #tpu.memory_space<hbm>> -> memref<10240x128xf32, #tpu.memory_space<hbm>>
          tpu.enqueue_indirect_dma source(%dma_start3A_324 : memref<10240x128xf32, #tpu.memory_space<hbm>>) target(%dma_start3A_318 : memref<32x128xf32, #tpu.memory_space<vmem>>) offsets(%dma_start3A_321 : memref<32xi32, #tpu.memory_space<vmem>>) semaphore(%arg12 : memref<!tpu.dma_semaphore, #tpu.memory_space<semaphore_mem>>)
        } else {
        }
        %mul3A_197 = arith.constant 8 : i32
        %mul3A_198 = arith.muli %scan3A_132, %mul3A_197 : i32
        %add3A_199 = arith.constant 3 : i32
        %add3A_200 = arith.addi %mul3A_198, %add3A_199 : i32
        %dma_wait3A_201 = arith.constant 3 : i32
        %dma_wait3A_202 = arith.constant 0 : i32
        %dma_wait3A_203 = arith.constant 0 : i32
        %dma_wait3A_204 = tpu.memref_slice %arg8[%dma_wait3A_201, %dma_wait3A_202, %dma_wait3A_203] : memref<8x32x128xf32, #tpu.memory_space<vmem>> -> memref<1x32x128xf32, #tpu.memory_space<vmem>>
        %dma_wait3A_205 = tpu.memref_squeeze %dma_wait3A_204 : memref<1x32x128xf32, #tpu.memory_space<vmem>> -> memref<32x128xf32, #tpu.memory_space<vmem>>
        %dma_wait3A_206 = arith.constant 0 : i32
        %dma_wait3A_207 = tpu.memref_slice %arg6[%add3A_200, %dma_wait3A_206] : memref<16x32xi32, #tpu.memory_space<vmem>> -> memref<1x32xi32, #tpu.memory_space<vmem>>
        %dma_wait3A_208 = tpu.memref_squeeze %dma_wait3A_207 : memref<1x32xi32, #tpu.memory_space<vmem>> -> memref<32xi32, #tpu.memory_space<vmem>>
        %dma_wait3A_209 = arith.constant 0 : i32
        %dma_wait3A_210 = arith.constant 0 : i32
        %dma_wait3A_211 = tpu.memref_slice %arg2[%dma_wait3A_209, %dma_wait3A_210] : memref<10240x128xf32, #tpu.memory_space<hbm>> -> memref<10240x128xf32, #tpu.memory_space<hbm>>
        tpu.wait_indirect_dma semaphore(%arg13 : memref<!tpu.dma_semaphore, #tpu.memory_space<semaphore_mem>>) src(%dma_wait3A_211 : memref<10240x128xf32, #tpu.memory_space<hbm>>) dst(%dma_wait3A_205 : memref<32x128xf32, #tpu.memory_space<vmem>>)
        %run_scoped3A_212 = arith.constant 3 : i32
        "tpu.region"() ({
          %run_scoped3A_312 = tpu.sem_alloc : memref<!tpu.dma_semaphore, #tpu.memory_space<semaphore_mem>>
          %dma_start3A_313 = arith.constant 0 : i32
          %dma_start3A_314 = arith.constant 0 : i32
          %dma_start3A_315 = tpu.memref_slice %arg8[%run_scoped3A_212, %dma_start3A_313, %dma_start3A_314] : memref<8x32x128xf32, #tpu.memory_space<vmem>> -> memref<1x32x128xf32, #tpu.memory_space<vmem>>
          %dma_start3A_316 = tpu.memref_squeeze %dma_start3A_315 : memref<1x32x128xf32, #tpu.memory_space<vmem>> -> memref<32x128xf32, #tpu.memory_space<vmem>>
          %dma_start3A_317 = arith.constant 0 : i32
          %dma_start3A_318 = tpu.memref_slice %arg7[%add3A_200, %dma_start3A_317] : memref<16x32xi32, #tpu.memory_space<vmem>> -> memref<1x32xi32, #tpu.memory_space<vmem>>
          %dma_start3A_319 = tpu.memref_squeeze %dma_start3A_318 : memref<1x32xi32, #tpu.memory_space<vmem>> -> memref<32xi32, #tpu.memory_space<vmem>>
          %dma_start3A_320 = arith.constant 0 : i32
          %dma_start3A_321 = arith.constant 0 : i32
          %dma_start3A_322 = tpu.memref_slice %arg9[%dma_start3A_320, %dma_start3A_321] : memref<10240x128xf32, #tpu.memory_space<vmem_shared>> -> memref<10240x128xf32, #tpu.memory_space<vmem_shared>>
          tpu.enqueue_indirect_dma source(%dma_start3A_316 : memref<32x128xf32, #tpu.memory_space<vmem>>) target(%dma_start3A_322 : memref<10240x128xf32, #tpu.memory_space<vmem_shared>>) offsets(%dma_start3A_319 : memref<32xi32, #tpu.memory_space<vmem>>) semaphore(%run_scoped3A_312 : memref<!tpu.dma_semaphore, #tpu.memory_space<semaphore_mem>>) {add = true}
          %dma_wait3A_323 = arith.constant 0 : i32
          %dma_wait3A_324 = arith.constant 0 : i32
          %dma_wait3A_325 = tpu.memref_slice %arg8[%run_scoped3A_212, %dma_wait3A_323, %dma_wait3A_324] : memref<8x32x128xf32, #tpu.memory_space<vmem>> -> memref<1x32x128xf32, #tpu.memory_space<vmem>>
          %dma_wait3A_326 = tpu.memref_squeeze %dma_wait3A_325 : memref<1x32x128xf32, #tpu.memory_space<vmem>> -> memref<32x128xf32, #tpu.memory_space<vmem>>
          %dma_wait3A_327 = arith.constant 0 : i32
          %dma_wait3A_328 = tpu.memref_slice %arg7[%add3A_200, %dma_wait3A_327] : memref<16x32xi32, #tpu.memory_space<vmem>> -> memref<1x32xi32, #tpu.memory_space<vmem>>
          %dma_wait3A_329 = tpu.memref_squeeze %dma_wait3A_328 : memref<1x32xi32, #tpu.memory_space<vmem>> -> memref<32xi32, #tpu.memory_space<vmem>>
          %dma_wait3A_330 = arith.constant 0 : i32
          %dma_wait3A_331 = arith.constant 0 : i32
          %dma_wait3A_332 = tpu.memref_slice %arg9[%dma_wait3A_330, %dma_wait3A_331] : memref<10240x128xf32, #tpu.memory_space<vmem_shared>> -> memref<10240x128xf32, #tpu.memory_space<vmem_shared>>
          tpu.wait_indirect_dma semaphore(%run_scoped3A_312 : memref<!tpu.dma_semaphore, #tpu.memory_space<semaphore_mem>>) src(%dma_wait3A_326 : memref<32x128xf32, #tpu.memory_space<vmem>>) dst(%dma_wait3A_332 : memref<10240x128xf32, #tpu.memory_space<vmem_shared>>)
          tpu.yield
        }) : () -> ()
        %add3A_213 = arith.constant 8 : i32
        %add3A_214 = arith.addi %add3A_200, %add3A_213 : i32
        %lt3A_215 = arith.constant 16 : i32
        %lt3A_216 = arith.cmpi slt, %add3A_214, %lt3A_215 : i32
        %convert_element_type3A_217 = arith.extui %lt3A_216 : i1 to i32
        %cond3A_218 = arith.constant 0 : i32
        %cond3A_219 = arith.cmpi ne, %convert_element_type3A_217, %cond3A_218 : i32
        scf.if %cond3A_219 {
          %add3A_312 = arith.constant 8 : i32
          %add3A_313 = arith.addi %add3A_200, %add3A_312 : i32
          %dma_start3A_314 = arith.constant 3 : i32
          %dma_start3A_315 = arith.constant 0 : i32
          %dma_start3A_316 = arith.constant 0 : i32
          %dma_start3A_317 = tpu.memref_slice %arg8[%dma_start3A_314, %dma_start3A_315, %dma_start3A_316] : memref<8x32x128xf32, #tpu.memory_space<vmem>> -> memref<1x32x128xf32, #tpu.memory_space<vmem>>
          %dma_start3A_318 = tpu.memref_squeeze %dma_start3A_317 : memref<1x32x128xf32, #tpu.memory_space<vmem>> -> memref<32x128xf32, #tpu.memory_space<vmem>>
          %dma_start3A_319 = arith.constant 0 : i32
          %dma_start3A_320 = tpu.memref_slice %arg6[%add3A_313, %dma_start3A_319] : memref<16x32xi32, #tpu.memory_space<vmem>> -> memref<1x32xi32, #tpu.memory_space<vmem>>
          %dma_start3A_321 = tpu.memref_squeeze %dma_start3A_320 : memref<1x32xi32, #tpu.memory_space<vmem>> -> memref<32xi32, #tpu.memory_space<vmem>>
          %dma_start3A_322 = arith.constant 0 : i32
          %dma_start3A_323 = arith.constant 0 : i32
          %dma_start3A_324 = tpu.memref_slice %arg2[%dma_start3A_322, %dma_start3A_323] : memref<10240x128xf32, #tpu.memory_space<hbm>> -> memref<10240x128xf32, #tpu.memory_space<hbm>>
          tpu.enqueue_indirect_dma source(%dma_start3A_324 : memref<10240x128xf32, #tpu.memory_space<hbm>>) target(%dma_start3A_318 : memref<32x128xf32, #tpu.memory_space<vmem>>) offsets(%dma_start3A_321 : memref<32xi32, #tpu.memory_space<vmem>>) semaphore(%arg13 : memref<!tpu.dma_semaphore, #tpu.memory_space<semaphore_mem>>)
        } else {
        }
        %mul3A_220 = arith.constant 8 : i32
        %mul3A_221 = arith.muli %scan3A_132, %mul3A_220 : i32
        %add3A_222 = arith.constant 4 : i32
        %add3A_223 = arith.addi %mul3A_221, %add3A_222 : i32
        %dma_wait3A_224 = arith.constant 4 : i32
        %dma_wait3A_225 = arith.constant 0 : i32
        %dma_wait3A_226 = arith.constant 0 : i32
        %dma_wait3A_227 = tpu.memref_slice %arg8[%dma_wait3A_224, %dma_wait3A_225, %dma_wait3A_226] : memref<8x32x128xf32, #tpu.memory_space<vmem>> -> memref<1x32x128xf32, #tpu.memory_space<vmem>>
        %dma_wait3A_228 = tpu.memref_squeeze %dma_wait3A_227 : memref<1x32x128xf32, #tpu.memory_space<vmem>> -> memref<32x128xf32, #tpu.memory_space<vmem>>
        %dma_wait3A_229 = arith.constant 0 : i32
        %dma_wait3A_230 = tpu.memref_slice %arg6[%add3A_223, %dma_wait3A_229] : memref<16x32xi32, #tpu.memory_space<vmem>> -> memref<1x32xi32, #tpu.memory_space<vmem>>
        %dma_wait3A_231 = tpu.memref_squeeze %dma_wait3A_230 : memref<1x32xi32, #tpu.memory_space<vmem>> -> memref<32xi32, #tpu.memory_space<vmem>>
        %dma_wait3A_232 = arith.constant 0 : i32
        %dma_wait3A_233 = arith.constant 0 : i32
        %dma_wait3A_234 = tpu.memref_slice %arg2[%dma_wait3A_232, %dma_wait3A_233] : memref<10240x128xf32, #tpu.memory_space<hbm>> -> memref<10240x128xf32, #tpu.memory_space<hbm>>
        tpu.wait_indirect_dma semaphore(%arg14 : memref<!tpu.dma_semaphore, #tpu.memory_space<semaphore_mem>>) src(%dma_wait3A_234 : memref<10240x128xf32, #tpu.memory_space<hbm>>) dst(%dma_wait3A_228 : memref<32x128xf32, #tpu.memory_space<vmem>>)
        %run_scoped3A_235 = arith.constant 4 : i32
        "tpu.region"() ({
          %run_scoped3A_312 = tpu.sem_alloc : memref<!tpu.dma_semaphore, #tpu.memory_space<semaphore_mem>>
          %dma_start3A_313 = arith.constant 0 : i32
          %dma_start3A_314 = arith.constant 0 : i32
          %dma_start3A_315 = tpu.memref_slice %arg8[%run_scoped3A_235, %dma_start3A_313, %dma_start3A_314] : memref<8x32x128xf32, #tpu.memory_space<vmem>> -> memref<1x32x128xf32, #tpu.memory_space<vmem>>
          %dma_start3A_316 = tpu.memref_squeeze %dma_start3A_315 : memref<1x32x128xf32, #tpu.memory_space<vmem>> -> memref<32x128xf32, #tpu.memory_space<vmem>>
          %dma_start3A_317 = arith.constant 0 : i32
          %dma_start3A_318 = tpu.memref_slice %arg7[%add3A_223, %dma_start3A_317] : memref<16x32xi32, #tpu.memory_space<vmem>> -> memref<1x32xi32, #tpu.memory_space<vmem>>
          %dma_start3A_319 = tpu.memref_squeeze %dma_start3A_318 : memref<1x32xi32, #tpu.memory_space<vmem>> -> memref<32xi32, #tpu.memory_space<vmem>>
          %dma_start3A_320 = arith.constant 0 : i32
          %dma_start3A_321 = arith.constant 0 : i32
          %dma_start3A_322 = tpu.memref_slice %arg9[%dma_start3A_320, %dma_start3A_321] : memref<10240x128xf32, #tpu.memory_space<vmem_shared>> -> memref<10240x128xf32, #tpu.memory_space<vmem_shared>>
          tpu.enqueue_indirect_dma source(%dma_start3A_316 : memref<32x128xf32, #tpu.memory_space<vmem>>) target(%dma_start3A_322 : memref<10240x128xf32, #tpu.memory_space<vmem_shared>>) offsets(%dma_start3A_319 : memref<32xi32, #tpu.memory_space<vmem>>) semaphore(%run_scoped3A_312 : memref<!tpu.dma_semaphore, #tpu.memory_space<semaphore_mem>>) {add = true}
          %dma_wait3A_323 = arith.constant 0 : i32
          %dma_wait3A_324 = arith.constant 0 : i32
          %dma_wait3A_325 = tpu.memref_slice %arg8[%run_scoped3A_235, %dma_wait3A_323, %dma_wait3A_324] : memref<8x32x128xf32, #tpu.memory_space<vmem>> -> memref<1x32x128xf32, #tpu.memory_space<vmem>>
          %dma_wait3A_326 = tpu.memref_squeeze %dma_wait3A_325 : memref<1x32x128xf32, #tpu.memory_space<vmem>> -> memref<32x128xf32, #tpu.memory_space<vmem>>
          %dma_wait3A_327 = arith.constant 0 : i32
          %dma_wait3A_328 = tpu.memref_slice %arg7[%add3A_223, %dma_wait3A_327] : memref<16x32xi32, #tpu.memory_space<vmem>> -> memref<1x32xi32, #tpu.memory_space<vmem>>
          %dma_wait3A_329 = tpu.memref_squeeze %dma_wait3A_328 : memref<1x32xi32, #tpu.memory_space<vmem>> -> memref<32xi32, #tpu.memory_space<vmem>>
          %dma_wait3A_330 = arith.constant 0 : i32
          %dma_wait3A_331 = arith.constant 0 : i32
          %dma_wait3A_332 = tpu.memref_slice %arg9[%dma_wait3A_330, %dma_wait3A_331] : memref<10240x128xf32, #tpu.memory_space<vmem_shared>> -> memref<10240x128xf32, #tpu.memory_space<vmem_shared>>
          tpu.wait_indirect_dma semaphore(%run_scoped3A_312 : memref<!tpu.dma_semaphore, #tpu.memory_space<semaphore_mem>>) src(%dma_wait3A_326 : memref<32x128xf32, #tpu.memory_space<vmem>>) dst(%dma_wait3A_332 : memref<10240x128xf32, #tpu.memory_space<vmem_shared>>)
          tpu.yield
        }) : () -> ()
        %add3A_236 = arith.constant 8 : i32
        %add3A_237 = arith.addi %add3A_223, %add3A_236 : i32
        %lt3A_238 = arith.constant 16 : i32
        %lt3A_239 = arith.cmpi slt, %add3A_237, %lt3A_238 : i32
        %convert_element_type3A_240 = arith.extui %lt3A_239 : i1 to i32
        %cond3A_241 = arith.constant 0 : i32
        %cond3A_242 = arith.cmpi ne, %convert_element_type3A_240, %cond3A_241 : i32
        scf.if %cond3A_242 {
          %add3A_312 = arith.constant 8 : i32
          %add3A_313 = arith.addi %add3A_223, %add3A_312 : i32
          %dma_start3A_314 = arith.constant 4 : i32
          %dma_start3A_315 = arith.constant 0 : i32
          %dma_start3A_316 = arith.constant 0 : i32
          %dma_start3A_317 = tpu.memref_slice %arg8[%dma_start3A_314, %dma_start3A_315, %dma_start3A_316] : memref<8x32x128xf32, #tpu.memory_space<vmem>> -> memref<1x32x128xf32, #tpu.memory_space<vmem>>
          %dma_start3A_318 = tpu.memref_squeeze %dma_start3A_317 : memref<1x32x128xf32, #tpu.memory_space<vmem>> -> memref<32x128xf32, #tpu.memory_space<vmem>>
          %dma_start3A_319 = arith.constant 0 : i32
          %dma_start3A_320 = tpu.memref_slice %arg6[%add3A_313, %dma_start3A_319] : memref<16x32xi32, #tpu.memory_space<vmem>> -> memref<1x32xi32, #tpu.memory_space<vmem>>
          %dma_start3A_321 = tpu.memref_squeeze %dma_start3A_320 : memref<1x32xi32, #tpu.memory_space<vmem>> -> memref<32xi32, #tpu.memory_space<vmem>>
          %dma_start3A_322 = arith.constant 0 : i32
          %dma_start3A_323 = arith.constant 0 : i32
          %dma_start3A_324 = tpu.memref_slice %arg2[%dma_start3A_322, %dma_start3A_323] : memref<10240x128xf32, #tpu.memory_space<hbm>> -> memref<10240x128xf32, #tpu.memory_space<hbm>>
          tpu.enqueue_indirect_dma source(%dma_start3A_324 : memref<10240x128xf32, #tpu.memory_space<hbm>>) target(%dma_start3A_318 : memref<32x128xf32, #tpu.memory_space<vmem>>) offsets(%dma_start3A_321 : memref<32xi32, #tpu.memory_space<vmem>>) semaphore(%arg14 : memref<!tpu.dma_semaphore, #tpu.memory_space<semaphore_mem>>)
        } else {
        }
        %mul3A_243 = arith.constant 8 : i32
        %mul3A_244 = arith.muli %scan3A_132, %mul3A_243 : i32
        %add3A_245 = arith.constant 5 : i32
        %add3A_246 = arith.addi %mul3A_244, %add3A_245 : i32
        %dma_wait3A_247 = arith.constant 5 : i32
        %dma_wait3A_248 = arith.constant 0 : i32
        %dma_wait3A_249 = arith.constant 0 : i32
        %dma_wait3A_250 = tpu.memref_slice %arg8[%dma_wait3A_247, %dma_wait3A_248, %dma_wait3A_249] : memref<8x32x128xf32, #tpu.memory_space<vmem>> -> memref<1x32x128xf32, #tpu.memory_space<vmem>>
        %dma_wait3A_251 = tpu.memref_squeeze %dma_wait3A_250 : memref<1x32x128xf32, #tpu.memory_space<vmem>> -> memref<32x128xf32, #tpu.memory_space<vmem>>
        %dma_wait3A_252 = arith.constant 0 : i32
        %dma_wait3A_253 = tpu.memref_slice %arg6[%add3A_246, %dma_wait3A_252] : memref<16x32xi32, #tpu.memory_space<vmem>> -> memref<1x32xi32, #tpu.memory_space<vmem>>
        %dma_wait3A_254 = tpu.memref_squeeze %dma_wait3A_253 : memref<1x32xi32, #tpu.memory_space<vmem>> -> memref<32xi32, #tpu.memory_space<vmem>>
        %dma_wait3A_255 = arith.constant 0 : i32
        %dma_wait3A_256 = arith.constant 0 : i32
        %dma_wait3A_257 = tpu.memref_slice %arg2[%dma_wait3A_255, %dma_wait3A_256] : memref<10240x128xf32, #tpu.memory_space<hbm>> -> memref<10240x128xf32, #tpu.memory_space<hbm>>
        tpu.wait_indirect_dma semaphore(%arg15 : memref<!tpu.dma_semaphore, #tpu.memory_space<semaphore_mem>>) src(%dma_wait3A_257 : memref<10240x128xf32, #tpu.memory_space<hbm>>) dst(%dma_wait3A_251 : memref<32x128xf32, #tpu.memory_space<vmem>>)
        %run_scoped3A_258 = arith.constant 5 : i32
        "tpu.region"() ({
          %run_scoped3A_312 = tpu.sem_alloc : memref<!tpu.dma_semaphore, #tpu.memory_space<semaphore_mem>>
          %dma_start3A_313 = arith.constant 0 : i32
          %dma_start3A_314 = arith.constant 0 : i32
          %dma_start3A_315 = tpu.memref_slice %arg8[%run_scoped3A_258, %dma_start3A_313, %dma_start3A_314] : memref<8x32x128xf32, #tpu.memory_space<vmem>> -> memref<1x32x128xf32, #tpu.memory_space<vmem>>
          %dma_start3A_316 = tpu.memref_squeeze %dma_start3A_315 : memref<1x32x128xf32, #tpu.memory_space<vmem>> -> memref<32x128xf32, #tpu.memory_space<vmem>>
          %dma_start3A_317 = arith.constant 0 : i32
          %dma_start3A_318 = tpu.memref_slice %arg7[%add3A_246, %dma_start3A_317] : memref<16x32xi32, #tpu.memory_space<vmem>> -> memref<1x32xi32, #tpu.memory_space<vmem>>
          %dma_start3A_319 = tpu.memref_squeeze %dma_start3A_318 : memref<1x32xi32, #tpu.memory_space<vmem>> -> memref<32xi32, #tpu.memory_space<vmem>>
          %dma_start3A_320 = arith.constant 0 : i32
          %dma_start3A_321 = arith.constant 0 : i32
          %dma_start3A_322 = tpu.memref_slice %arg9[%dma_start3A_320, %dma_start3A_321] : memref<10240x128xf32, #tpu.memory_space<vmem_shared>> -> memref<10240x128xf32, #tpu.memory_space<vmem_shared>>
          tpu.enqueue_indirect_dma source(%dma_start3A_316 : memref<32x128xf32, #tpu.memory_space<vmem>>) target(%dma_start3A_322 : memref<10240x128xf32, #tpu.memory_space<vmem_shared>>) offsets(%dma_start3A_319 : memref<32xi32, #tpu.memory_space<vmem>>) semaphore(%run_scoped3A_312 : memref<!tpu.dma_semaphore, #tpu.memory_space<semaphore_mem>>) {add = true}
          %dma_wait3A_323 = arith.constant 0 : i32
          %dma_wait3A_324 = arith.constant 0 : i32
          %dma_wait3A_325 = tpu.memref_slice %arg8[%run_scoped3A_258, %dma_wait3A_323, %dma_wait3A_324] : memref<8x32x128xf32, #tpu.memory_space<vmem>> -> memref<1x32x128xf32, #tpu.memory_space<vmem>>
          %dma_wait3A_326 = tpu.memref_squeeze %dma_wait3A_325 : memref<1x32x128xf32, #tpu.memory_space<vmem>> -> memref<32x128xf32, #tpu.memory_space<vmem>>
          %dma_wait3A_327 = arith.constant 0 : i32
          %dma_wait3A_328 = tpu.memref_slice %arg7[%add3A_246, %dma_wait3A_327] : memref<16x32xi32, #tpu.memory_space<vmem>> -> memref<1x32xi32, #tpu.memory_space<vmem>>
          %dma_wait3A_329 = tpu.memref_squeeze %dma_wait3A_328 : memref<1x32xi32, #tpu.memory_space<vmem>> -> memref<32xi32, #tpu.memory_space<vmem>>
          %dma_wait3A_330 = arith.constant 0 : i32
          %dma_wait3A_331 = arith.constant 0 : i32
          %dma_wait3A_332 = tpu.memref_slice %arg9[%dma_wait3A_330, %dma_wait3A_331] : memref<10240x128xf32, #tpu.memory_space<vmem_shared>> -> memref<10240x128xf32, #tpu.memory_space<vmem_shared>>
          tpu.wait_indirect_dma semaphore(%run_scoped3A_312 : memref<!tpu.dma_semaphore, #tpu.memory_space<semaphore_mem>>) src(%dma_wait3A_326 : memref<32x128xf32, #tpu.memory_space<vmem>>) dst(%dma_wait3A_332 : memref<10240x128xf32, #tpu.memory_space<vmem_shared>>)
          tpu.yield
        }) : () -> ()
        %add3A_259 = arith.constant 8 : i32
        %add3A_260 = arith.addi %add3A_246, %add3A_259 : i32
        %lt3A_261 = arith.constant 16 : i32
        %lt3A_262 = arith.cmpi slt, %add3A_260, %lt3A_261 : i32
        %convert_element_type3A_263 = arith.extui %lt3A_262 : i1 to i32
        %cond3A_264 = arith.constant 0 : i32
        %cond3A_265 = arith.cmpi ne, %convert_element_type3A_263, %cond3A_264 : i32
        scf.if %cond3A_265 {
          %add3A_312 = arith.constant 8 : i32
          %add3A_313 = arith.addi %add3A_246, %add3A_312 : i32
          %dma_start3A_314 = arith.constant 5 : i32
          %dma_start3A_315 = arith.constant 0 : i32
          %dma_start3A_316 = arith.constant 0 : i32
          %dma_start3A_317 = tpu.memref_slice %arg8[%dma_start3A_314, %dma_start3A_315, %dma_start3A_316] : memref<8x32x128xf32, #tpu.memory_space<vmem>> -> memref<1x32x128xf32, #tpu.memory_space<vmem>>
          %dma_start3A_318 = tpu.memref_squeeze %dma_start3A_317 : memref<1x32x128xf32, #tpu.memory_space<vmem>> -> memref<32x128xf32, #tpu.memory_space<vmem>>
          %dma_start3A_319 = arith.constant 0 : i32
          %dma_start3A_320 = tpu.memref_slice %arg6[%add3A_313, %dma_start3A_319] : memref<16x32xi32, #tpu.memory_space<vmem>> -> memref<1x32xi32, #tpu.memory_space<vmem>>
          %dma_start3A_321 = tpu.memref_squeeze %dma_start3A_320 : memref<1x32xi32, #tpu.memory_space<vmem>> -> memref<32xi32, #tpu.memory_space<vmem>>
          %dma_start3A_322 = arith.constant 0 : i32
          %dma_start3A_323 = arith.constant 0 : i32
          %dma_start3A_324 = tpu.memref_slice %arg2[%dma_start3A_322, %dma_start3A_323] : memref<10240x128xf32, #tpu.memory_space<hbm>> -> memref<10240x128xf32, #tpu.memory_space<hbm>>
          tpu.enqueue_indirect_dma source(%dma_start3A_324 : memref<10240x128xf32, #tpu.memory_space<hbm>>) target(%dma_start3A_318 : memref<32x128xf32, #tpu.memory_space<vmem>>) offsets(%dma_start3A_321 : memref<32xi32, #tpu.memory_space<vmem>>) semaphore(%arg15 : memref<!tpu.dma_semaphore, #tpu.memory_space<semaphore_mem>>)
        } else {
        }
        %mul3A_266 = arith.constant 8 : i32
        %mul3A_267 = arith.muli %scan3A_132, %mul3A_266 : i32
        %add3A_268 = arith.constant 6 : i32
        %add3A_269 = arith.addi %mul3A_267, %add3A_268 : i32
        %dma_wait3A_270 = arith.constant 6 : i32
        %dma_wait3A_271 = arith.constant 0 : i32
        %dma_wait3A_272 = arith.constant 0 : i32
        %dma_wait3A_273 = tpu.memref_slice %arg8[%dma_wait3A_270, %dma_wait3A_271, %dma_wait3A_272] : memref<8x32x128xf32, #tpu.memory_space<vmem>> -> memref<1x32x128xf32, #tpu.memory_space<vmem>>
        %dma_wait3A_274 = tpu.memref_squeeze %dma_wait3A_273 : memref<1x32x128xf32, #tpu.memory_space<vmem>> -> memref<32x128xf32, #tpu.memory_space<vmem>>
        %dma_wait3A_275 = arith.constant 0 : i32
        %dma_wait3A_276 = tpu.memref_slice %arg6[%add3A_269, %dma_wait3A_275] : memref<16x32xi32, #tpu.memory_space<vmem>> -> memref<1x32xi32, #tpu.memory_space<vmem>>
        %dma_wait3A_277 = tpu.memref_squeeze %dma_wait3A_276 : memref<1x32xi32, #tpu.memory_space<vmem>> -> memref<32xi32, #tpu.memory_space<vmem>>
        %dma_wait3A_278 = arith.constant 0 : i32
        %dma_wait3A_279 = arith.constant 0 : i32
        %dma_wait3A_280 = tpu.memref_slice %arg2[%dma_wait3A_278, %dma_wait3A_279] : memref<10240x128xf32, #tpu.memory_space<hbm>> -> memref<10240x128xf32, #tpu.memory_space<hbm>>
        tpu.wait_indirect_dma semaphore(%arg16 : memref<!tpu.dma_semaphore, #tpu.memory_space<semaphore_mem>>) src(%dma_wait3A_280 : memref<10240x128xf32, #tpu.memory_space<hbm>>) dst(%dma_wait3A_274 : memref<32x128xf32, #tpu.memory_space<vmem>>)
        %run_scoped3A_281 = arith.constant 6 : i32
        "tpu.region"() ({
          %run_scoped3A_312 = tpu.sem_alloc : memref<!tpu.dma_semaphore, #tpu.memory_space<semaphore_mem>>
          %dma_start3A_313 = arith.constant 0 : i32
          %dma_start3A_314 = arith.constant 0 : i32
          %dma_start3A_315 = tpu.memref_slice %arg8[%run_scoped3A_281, %dma_start3A_313, %dma_start3A_314] : memref<8x32x128xf32, #tpu.memory_space<vmem>> -> memref<1x32x128xf32, #tpu.memory_space<vmem>>
          %dma_start3A_316 = tpu.memref_squeeze %dma_start3A_315 : memref<1x32x128xf32, #tpu.memory_space<vmem>> -> memref<32x128xf32, #tpu.memory_space<vmem>>
          %dma_start3A_317 = arith.constant 0 : i32
          %dma_start3A_318 = tpu.memref_slice %arg7[%add3A_269, %dma_start3A_317] : memref<16x32xi32, #tpu.memory_space<vmem>> -> memref<1x32xi32, #tpu.memory_space<vmem>>
          %dma_start3A_319 = tpu.memref_squeeze %dma_start3A_318 : memref<1x32xi32, #tpu.memory_space<vmem>> -> memref<32xi32, #tpu.memory_space<vmem>>
          %dma_start3A_320 = arith.constant 0 : i32
          %dma_start3A_321 = arith.constant 0 : i32
          %dma_start3A_322 = tpu.memref_slice %arg9[%dma_start3A_320, %dma_start3A_321] : memref<10240x128xf32, #tpu.memory_space<vmem_shared>> -> memref<10240x128xf32, #tpu.memory_space<vmem_shared>>
          tpu.enqueue_indirect_dma source(%dma_start3A_316 : memref<32x128xf32, #tpu.memory_space<vmem>>) target(%dma_start3A_322 : memref<10240x128xf32, #tpu.memory_space<vmem_shared>>) offsets(%dma_start3A_319 : memref<32xi32, #tpu.memory_space<vmem>>) semaphore(%run_scoped3A_312 : memref<!tpu.dma_semaphore, #tpu.memory_space<semaphore_mem>>) {add = true}
          %dma_wait3A_323 = arith.constant 0 : i32
          %dma_wait3A_324 = arith.constant 0 : i32
          %dma_wait3A_325 = tpu.memref_slice %arg8[%run_scoped3A_281, %dma_wait3A_323, %dma_wait3A_324] : memref<8x32x128xf32, #tpu.memory_space<vmem>> -> memref<1x32x128xf32, #tpu.memory_space<vmem>>
          %dma_wait3A_326 = tpu.memref_squeeze %dma_wait3A_325 : memref<1x32x128xf32, #tpu.memory_space<vmem>> -> memref<32x128xf32, #tpu.memory_space<vmem>>
          %dma_wait3A_327 = arith.constant 0 : i32
          %dma_wait3A_328 = tpu.memref_slice %arg7[%add3A_269, %dma_wait3A_327] : memref<16x32xi32, #tpu.memory_space<vmem>> -> memref<1x32xi32, #tpu.memory_space<vmem>>
          %dma_wait3A_329 = tpu.memref_squeeze %dma_wait3A_328 : memref<1x32xi32, #tpu.memory_space<vmem>> -> memref<32xi32, #tpu.memory_space<vmem>>
          %dma_wait3A_330 = arith.constant 0 : i32
          %dma_wait3A_331 = arith.constant 0 : i32
          %dma_wait3A_332 = tpu.memref_slice %arg9[%dma_wait3A_330, %dma_wait3A_331] : memref<10240x128xf32, #tpu.memory_space<vmem_shared>> -> memref<10240x128xf32, #tpu.memory_space<vmem_shared>>
          tpu.wait_indirect_dma semaphore(%run_scoped3A_312 : memref<!tpu.dma_semaphore, #tpu.memory_space<semaphore_mem>>) src(%dma_wait3A_326 : memref<32x128xf32, #tpu.memory_space<vmem>>) dst(%dma_wait3A_332 : memref<10240x128xf32, #tpu.memory_space<vmem_shared>>)
          tpu.yield
        }) : () -> ()
        %add3A_282 = arith.constant 8 : i32
        %add3A_283 = arith.addi %add3A_269, %add3A_282 : i32
        %lt3A_284 = arith.constant 16 : i32
        %lt3A_285 = arith.cmpi slt, %add3A_283, %lt3A_284 : i32
        %convert_element_type3A_286 = arith.extui %lt3A_285 : i1 to i32
        %cond3A_287 = arith.constant 0 : i32
        %cond3A_288 = arith.cmpi ne, %convert_element_type3A_286, %cond3A_287 : i32
        scf.if %cond3A_288 {
          %add3A_312 = arith.constant 8 : i32
          %add3A_313 = arith.addi %add3A_269, %add3A_312 : i32
          %dma_start3A_314 = arith.constant 6 : i32
          %dma_start3A_315 = arith.constant 0 : i32
          %dma_start3A_316 = arith.constant 0 : i32
          %dma_start3A_317 = tpu.memref_slice %arg8[%dma_start3A_314, %dma_start3A_315, %dma_start3A_316] : memref<8x32x128xf32, #tpu.memory_space<vmem>> -> memref<1x32x128xf32, #tpu.memory_space<vmem>>
          %dma_start3A_318 = tpu.memref_squeeze %dma_start3A_317 : memref<1x32x128xf32, #tpu.memory_space<vmem>> -> memref<32x128xf32, #tpu.memory_space<vmem>>
          %dma_start3A_319 = arith.constant 0 : i32
          %dma_start3A_320 = tpu.memref_slice %arg6[%add3A_313, %dma_start3A_319] : memref<16x32xi32, #tpu.memory_space<vmem>> -> memref<1x32xi32, #tpu.memory_space<vmem>>
          %dma_start3A_321 = tpu.memref_squeeze %dma_start3A_320 : memref<1x32xi32, #tpu.memory_space<vmem>> -> memref<32xi32, #tpu.memory_space<vmem>>
          %dma_start3A_322 = arith.constant 0 : i32
          %dma_start3A_323 = arith.constant 0 : i32
          %dma_start3A_324 = tpu.memref_slice %arg2[%dma_start3A_322, %dma_start3A_323] : memref<10240x128xf32, #tpu.memory_space<hbm>> -> memref<10240x128xf32, #tpu.memory_space<hbm>>
          tpu.enqueue_indirect_dma source(%dma_start3A_324 : memref<10240x128xf32, #tpu.memory_space<hbm>>) target(%dma_start3A_318 : memref<32x128xf32, #tpu.memory_space<vmem>>) offsets(%dma_start3A_321 : memref<32xi32, #tpu.memory_space<vmem>>) semaphore(%arg16 : memref<!tpu.dma_semaphore, #tpu.memory_space<semaphore_mem>>)
        } else {
        }
        %mul3A_289 = arith.constant 8 : i32
        %mul3A_290 = arith.muli %scan3A_132, %mul3A_289 : i32
        %add3A_291 = arith.constant 7 : i32
        %add3A_292 = arith.addi %mul3A_290, %add3A_291 : i32
        %dma_wait3A_293 = arith.constant 7 : i32
        %dma_wait3A_294 = arith.constant 0 : i32
        %dma_wait3A_295 = arith.constant 0 : i32
        %dma_wait3A_296 = tpu.memref_slice %arg8[%dma_wait3A_293, %dma_wait3A_294, %dma_wait3A_295] : memref<8x32x128xf32, #tpu.memory_space<vmem>> -> memref<1x32x128xf32, #tpu.memory_space<vmem>>
        %dma_wait3A_297 = tpu.memref_squeeze %dma_wait3A_296 : memref<1x32x128xf32, #tpu.memory_space<vmem>> -> memref<32x128xf32, #tpu.memory_space<vmem>>
        %dma_wait3A_298 = arith.constant 0 : i32
        %dma_wait3A_299 = tpu.memref_slice %arg6[%add3A_292, %dma_wait3A_298] : memref<16x32xi32, #tpu.memory_space<vmem>> -> memref<1x32xi32, #tpu.memory_space<vmem>>
        %dma_wait3A_300 = tpu.memref_squeeze %dma_wait3A_299 : memref<1x32xi32, #tpu.memory_space<vmem>> -> memref<32xi32, #tpu.memory_space<vmem>>
        %dma_wait3A_301 = arith.constant 0 : i32
        %dma_wait3A_302 = arith.constant 0 : i32
        %dma_wait3A_303 = tpu.memref_slice %arg2[%dma_wait3A_301, %dma_wait3A_302] : memref<10240x128xf32, #tpu.memory_space<hbm>> -> memref<10240x128xf32, #tpu.memory_space<hbm>>
        tpu.wait_indirect_dma semaphore(%arg17 : memref<!tpu.dma_semaphore, #tpu.memory_space<semaphore_mem>>) src(%dma_wait3A_303 : memref<10240x128xf32, #tpu.memory_space<hbm>>) dst(%dma_wait3A_297 : memref<32x128xf32, #tpu.memory_space<vmem>>)
        %run_scoped3A_304 = arith.constant 7 : i32
        "tpu.region"() ({
          %run_scoped3A_312 = tpu.sem_alloc : memref<!tpu.dma_semaphore, #tpu.memory_space<semaphore_mem>>
          %dma_start3A_313 = arith.constant 0 : i32
          %dma_start3A_314 = arith.constant 0 : i32
          %dma_start3A_315 = tpu.memref_slice %arg8[%run_scoped3A_304, %dma_start3A_313, %dma_start3A_314] : memref<8x32x128xf32, #tpu.memory_space<vmem>> -> memref<1x32x128xf32, #tpu.memory_space<vmem>>
          %dma_start3A_316 = tpu.memref_squeeze %dma_start3A_315 : memref<1x32x128xf32, #tpu.memory_space<vmem>> -> memref<32x128xf32, #tpu.memory_space<vmem>>
          %dma_start3A_317 = arith.constant 0 : i32
          %dma_start3A_318 = tpu.memref_slice %arg7[%add3A_292, %dma_start3A_317] : memref<16x32xi32, #tpu.memory_space<vmem>> -> memref<1x32xi32, #tpu.memory_space<vmem>>
          %dma_start3A_319 = tpu.memref_squeeze %dma_start3A_318 : memref<1x32xi32, #tpu.memory_space<vmem>> -> memref<32xi32, #tpu.memory_space<vmem>>
          %dma_start3A_320 = arith.constant 0 : i32
          %dma_start3A_321 = arith.constant 0 : i32
          %dma_start3A_322 = tpu.memref_slice %arg9[%dma_start3A_320, %dma_start3A_321] : memref<10240x128xf32, #tpu.memory_space<vmem_shared>> -> memref<10240x128xf32, #tpu.memory_space<vmem_shared>>
          tpu.enqueue_indirect_dma source(%dma_start3A_316 : memref<32x128xf32, #tpu.memory_space<vmem>>) target(%dma_start3A_322 : memref<10240x128xf32, #tpu.memory_space<vmem_shared>>) offsets(%dma_start3A_319 : memref<32xi32, #tpu.memory_space<vmem>>) semaphore(%run_scoped3A_312 : memref<!tpu.dma_semaphore, #tpu.memory_space<semaphore_mem>>) {add = true}
          %dma_wait3A_323 = arith.constant 0 : i32
          %dma_wait3A_324 = arith.constant 0 : i32
          %dma_wait3A_325 = tpu.memref_slice %arg8[%run_scoped3A_304, %dma_wait3A_323, %dma_wait3A_324] : memref<8x32x128xf32, #tpu.memory_space<vmem>> -> memref<1x32x128xf32, #tpu.memory_space<vmem>>
          %dma_wait3A_326 = tpu.memref_squeeze %dma_wait3A_325 : memref<1x32x128xf32, #tpu.memory_space<vmem>> -> memref<32x128xf32, #tpu.memory_space<vmem>>
          %dma_wait3A_327 = arith.constant 0 : i32
          %dma_wait3A_328 = tpu.memref_slice %arg7[%add3A_292, %dma_wait3A_327] : memref<16x32xi32, #tpu.memory_space<vmem>> -> memref<1x32xi32, #tpu.memory_space<vmem>>
          %dma_wait3A_329 = tpu.memref_squeeze %dma_wait3A_328 : memref<1x32xi32, #tpu.memory_space<vmem>> -> memref<32xi32, #tpu.memory_space<vmem>>
          %dma_wait3A_330 = arith.constant 0 : i32
          %dma_wait3A_331 = arith.constant 0 : i32
          %dma_wait3A_332 = tpu.memref_slice %arg9[%dma_wait3A_330, %dma_wait3A_331] : memref<10240x128xf32, #tpu.memory_space<vmem_shared>> -> memref<10240x128xf32, #tpu.memory_space<vmem_shared>>
          tpu.wait_indirect_dma semaphore(%run_scoped3A_312 : memref<!tpu.dma_semaphore, #tpu.memory_space<semaphore_mem>>) src(%dma_wait3A_326 : memref<32x128xf32, #tpu.memory_space<vmem>>) dst(%dma_wait3A_332 : memref<10240x128xf32, #tpu.memory_space<vmem_shared>>)
          tpu.yield
        }) : () -> ()
        %add3A_305 = arith.constant 8 : i32
        %add3A_306 = arith.addi %add3A_292, %add3A_305 : i32
        %lt3A_307 = arith.constant 16 : i32
        %lt3A_308 = arith.cmpi slt, %add3A_306, %lt3A_307 : i32
        %convert_element_type3A_309 = arith.extui %lt3A_308 : i1 to i32
        %cond3A_310 = arith.constant 0 : i32
        %cond3A_311 = arith.cmpi ne, %convert_element_type3A_309, %cond3A_310 : i32
        scf.if %cond3A_311 {
          %add3A_312 = arith.constant 8 : i32
          %add3A_313 = arith.addi %add3A_292, %add3A_312 : i32
          %dma_start3A_314 = arith.constant 7 : i32
          %dma_start3A_315 = arith.constant 0 : i32
          %dma_start3A_316 = arith.constant 0 : i32
          %dma_start3A_317 = tpu.memref_slice %arg8[%dma_start3A_314, %dma_start3A_315, %dma_start3A_316] : memref<8x32x128xf32, #tpu.memory_space<vmem>> -> memref<1x32x128xf32, #tpu.memory_space<vmem>>
          %dma_start3A_318 = tpu.memref_squeeze %dma_start3A_317 : memref<1x32x128xf32, #tpu.memory_space<vmem>> -> memref<32x128xf32, #tpu.memory_space<vmem>>
          %dma_start3A_319 = arith.constant 0 : i32
          %dma_start3A_320 = tpu.memref_slice %arg6[%add3A_313, %dma_start3A_319] : memref<16x32xi32, #tpu.memory_space<vmem>> -> memref<1x32xi32, #tpu.memory_space<vmem>>
          %dma_start3A_321 = tpu.memref_squeeze %dma_start3A_320 : memref<1x32xi32, #tpu.memory_space<vmem>> -> memref<32xi32, #tpu.memory_space<vmem>>
          %dma_start3A_322 = arith.constant 0 : i32
          %dma_start3A_323 = arith.constant 0 : i32
          %dma_start3A_324 = tpu.memref_slice %arg2[%dma_start3A_322, %dma_start3A_323] : memref<10240x128xf32, #tpu.memory_space<hbm>> -> memref<10240x128xf32, #tpu.memory_space<hbm>>
          tpu.enqueue_indirect_dma source(%dma_start3A_324 : memref<10240x128xf32, #tpu.memory_space<hbm>>) target(%dma_start3A_318 : memref<32x128xf32, #tpu.memory_space<vmem>>) offsets(%dma_start3A_321 : memref<32xi32, #tpu.memory_space<vmem>>) semaphore(%arg17 : memref<!tpu.dma_semaphore, #tpu.memory_space<semaphore_mem>>)
        } else {
        }
      }
      %scan3A_131 = arith.constant 2 : i32
    }
    %scan3A_16 = arith.constant 20 : i32
    %barrier3A_17 = arith.constant 0 : index
    tpu.barrier barrier_id(%barrier3A_17)
    %scan3A_18 = arith.constant 0 : i32
    %scan3A_19 = arith.constant 0 : i32
    %scan3A_20 = arith.constant 20 : i32
    %scan3A_21 = arith.addi %scan3A_19, %scan3A_20 : i32
    %scan3A_22 = arith.constant 1 : i32
    scf.for %scan3A_24 = %scan3A_19 to %scan3A_21 step %scan3A_22  : i32 {
      %mul3A = arith.constant 640 : i32
      %mul3A_25 = arith.muli %arg1, %mul3A : i32
      %mul3A_26 = arith.constant 32 : i32
      %mul3A_27 = arith.muli %scan3A_24, %mul3A_26 : i32
      %add3A = arith.addi %mul3A_25, %mul3A_27 : i32
      %mul3A_28 = arith.constant 10240 : i32
      %mul3A_29 = arith.muli %arg0, %mul3A_28 : i32
      %add3A_30 = arith.addi %mul3A_29, %add3A : i32
      "tpu.region"() ({
        %run_scoped3A = tpu.sem_alloc : memref<!tpu.dma_semaphore, #tpu.memory_space<semaphore_mem>>
        %dma_start3A = arith.constant 0 : i32
        %dma_start3A_31 = tpu.memref_slice %arg5[%add3A_30, %dma_start3A] : memref<20480x128xf32, #tpu.memory_space<hbm>> -> memref<32x128xf32, #tpu.memory_space<hbm>>
        %dma_start3A_32 = arith.constant 0 : i32
        %dma_start3A_33 = tpu.memref_slice %arg9[%add3A, %dma_start3A_32] : memref<10240x128xf32, #tpu.memory_space<vmem_shared>> -> memref<32x128xf32, #tpu.memory_space<vmem_shared>>
        tpu.enqueue_dma source(%dma_start3A_33 : memref<32x128xf32, #tpu.memory_space<vmem_shared>>) target(%dma_start3A_31 : memref<32x128xf32, #tpu.memory_space<hbm>>) target_semaphore(%run_scoped3A : memref<!tpu.dma_semaphore, #tpu.memory_space<semaphore_mem>>)
        %dma_wait3A = arith.constant 0 : i32
        %dma_wait3A_34 = tpu.memref_slice %arg5[%add3A_30, %dma_wait3A] : memref<20480x128xf32, #tpu.memory_space<hbm>> -> memref<32x128xf32, #tpu.memory_space<hbm>>
        %dma_wait3A_35 = arith.constant 0 : i32
        %dma_wait3A_36 = tpu.memref_slice %arg9[%add3A, %dma_wait3A_35] : memref<10240x128xf32, #tpu.memory_space<vmem_shared>> -> memref<32x128xf32, #tpu.memory_space<vmem_shared>>
        tpu.wait_dma2 semaphore(%run_scoped3A : memref<!tpu.dma_semaphore, #tpu.memory_space<semaphore_mem>>) src(%dma_wait3A_36 : memref<32x128xf32, #tpu.memory_space<vmem_shared>>) dst(%dma_wait3A_34 : memref<32x128xf32, #tpu.memory_space<hbm>>)
        tpu.yield
      }) : () -> ()
    }
    %scan3A_23 = arith.constant 20 : i32
    return
  }
}

module attributes {stable_mosaic.version = 14 : i64} {
  func.func @body(%arg0: i32, %arg1: memref<512x128xf32, #tpu.memory_space<vmem>>, %arg2: memref<128x128xf32, #tpu.memory_space<vmem>>, %arg3: memref<128x128xf32, #tpu.memory_space<vmem>>, %arg4: memref<1x128xf32, #tpu.memory_space<vmem>>, %arg5: memref<512x128xf32, #tpu.memory_space<vmem>>, %arg6: memref<512x128xf32, #tpu.memory_space<vmem>>) attributes {dimension_semantics = [#tpu.dimension_semantics<arbitrary>], iteration_bounds = array<i64: 20>, scalar_prefetch = 0 : i64, scratch_operands = 0 : i64, tpu.core_type = #tpu.core_type<tc>, window_params = [{transform_indices = @transform_0, window_bounds = array<i64: 512, 128>}, {pipeline_mode = #tpu.pipeline_mode<synchronous>, transform_indices = @transform_1, window_bounds = array<i64: 128, 128>}, {pipeline_mode = #tpu.pipeline_mode<synchronous>, transform_indices = @transform_2, window_bounds = array<i64: 128, 128>}, {pipeline_mode = #tpu.pipeline_mode<synchronous>, transform_indices = @transform_3, window_bounds = array<i64: 1, 128>}, {transform_indices = @transform_4, window_bounds = array<i64: 512, 128>}, {transform_indices = @transform_5, window_bounds = array<i64: 512, 128>}]} {
    %get3A = arith.constant 0 : index
    %get3A_0 = arith.constant 0 : index
    %get3A_1 = vector.load %arg1[%get3A, %get3A_0] : memref<512x128xf32, #tpu.memory_space<vmem>>, vector<512x128xf32>
    %get3A_2 = arith.constant 0 : index
    %get3A_3 = arith.constant 0 : index
    %get3A_4 = vector.load %arg2[%get3A_2, %get3A_3] : memref<128x128xf32, #tpu.memory_space<vmem>>, vector<128x128xf32>
    %dot_general3A = arith.constant dense<0.000000e+00> : vector<512x128xf32>
    %dot_general3A_5 = tpu.matmul %get3A_1, %get3A_4, %dot_general3A {dimension_numbers = #tpu.dot_dimension_numbers<[1], [0], [0], [1], [0, 0, 1, 1], [], []>, transpose_lhs_hint = false} : vector<512x128xf32>, vector<128x128xf32>, vector<512x128xf32> -> vector<512x128xf32>
    %iota3A = tpu.iota {dimensions = array<i32: 1>} : vector<512x128xi32>
    %eq3A = arith.constant 88 : i32
    %eq3A_6 = vector.broadcast %eq3A : i32 to vector<512x128xi32>
    %eq3A_7 = arith.cmpi eq, %iota3A, %eq3A_6 : vector<512x128xi32>
    %jit3A = arith.constant 1.000000e+00 : f32
    %broadcast_in_dim3A = vector.broadcast %jit3A : f32 to vector<512x128xf32>
    %select_n3A = arith.select %eq3A_7, %broadcast_in_dim3A, %dot_general3A_5 : vector<512x128xi1>, vector<512x128xf32>
    %swap3A = arith.constant 0 : index
    %swap3A_8 = arith.constant 0 : index
    %swap3A_9 = vector.load %arg5[%swap3A, %swap3A_8] : memref<512x128xf32, #tpu.memory_space<vmem>>, vector<512x128xf32>
    tpu.vector_store %arg5[%swap3A, %swap3A_8], %select_n3A {strides = array<i32>} : memref<512x128xf32, #tpu.memory_space<vmem>>, vector<512x128xf32>,
    %get3A_10 = arith.constant 0 : index
    %get3A_11 = arith.constant 0 : index
    %get3A_12 = vector.load %arg3[%get3A_10, %get3A_11] : memref<128x128xf32, #tpu.memory_space<vmem>>, vector<128x128xf32>
    %dot_general3A_13 = arith.constant dense<0.000000e+00> : vector<512x128xf32>
    %dot_general3A_14 = tpu.matmul %get3A_1, %get3A_12, %dot_general3A_13 {dimension_numbers = #tpu.dot_dimension_numbers<[1], [0], [0], [1], [0, 0, 1, 1], [], []>, transpose_lhs_hint = false} : vector<512x128xf32>, vector<128x128xf32>, vector<512x128xf32> -> vector<512x128xf32>
    %get3A_15 = arith.constant 0 : index
    %get3A_16 = arith.constant 0 : index
    %get3A_17 = vector.load %arg4[%get3A_15, %get3A_16] : memref<1x128xf32, #tpu.memory_space<vmem>>, vector<1x128xf32>
    %add3A = vector.broadcast %get3A_17 : vector<1x128xf32> to vector<512x128xf32>
    %add3A_18 = arith.addf %dot_general3A_14, %add3A : vector<512x128xf32>
    %swap3A_19 = arith.constant 0 : index
    %swap3A_20 = arith.constant 0 : index
    %swap3A_21 = vector.load %arg6[%swap3A_19, %swap3A_20] : memref<512x128xf32, #tpu.memory_space<vmem>>, vector<512x128xf32>
    tpu.vector_store %arg6[%swap3A_19, %swap3A_20], %add3A_18 {strides = array<i32>} : memref<512x128xf32, #tpu.memory_space<vmem>>, vector<512x128xf32>,
    return
  }
  func.func @transform_0(%arg0: i32) -> (i32, i32) {
    %c0_i32 = arith.constant 0 : i32
    %c0_i32_0 = arith.constant 0 : i32
    return %arg0, %c0_i32 : i32, i32
  }
  func.func @transform_1(%arg0: i32) -> (i32, i32) {
    %c0_i32 = arith.constant 0 : i32
    %c0_i32_0 = arith.constant 0 : i32
    %c0_i32_1 = arith.constant 0 : i32
    return %c0_i32, %c0_i32_0 : i32, i32
  }
  func.func @transform_2(%arg0: i32) -> (i32, i32) {
    %c0_i32 = arith.constant 0 : i32
    %c0_i32_0 = arith.constant 0 : i32
    %c0_i32_1 = arith.constant 0 : i32
    return %c0_i32, %c0_i32_0 : i32, i32
  }
  func.func @transform_3(%arg0: i32) -> (i32, i32) {
    %c0_i32 = arith.constant 0 : i32
    %c0_i32_0 = arith.constant 0 : i32
    %c0_i32_1 = arith.constant 0 : i32
    return %c0_i32, %c0_i32_0 : i32, i32
  }
  func.func @transform_4(%arg0: i32) -> (i32, i32) {
    %c0_i32 = arith.constant 0 : i32
    %c0_i32_0 = arith.constant 0 : i32
    return %arg0, %c0_i32 : i32, i32
  }
  func.func @transform_5(%arg0: i32) -> (i32, i32) {
    %c0_i32 = arith.constant 0 : i32
    %c0_i32_0 = arith.constant 0 : i32
    return %arg0, %c0_i32 : i32, i32
  }
}

module attributes {stable_mosaic.version = 14 : i64} {
  func.func @body(%arg0: i32, %arg1: memref<2x512x128xf32, #tpu.memory_space<vmem>>, %arg2: memref<512x128xf32, #tpu.memory_space<vmem>>, %arg3: memref<1x512xi32, #tpu.memory_space<vmem>>, %arg4: memref<128x100xf32, #tpu.memory_space<vmem>>, %arg5: memref<1x100xf32, #tpu.memory_space<vmem>>, %arg6: memref<64x100xf32, #tpu.memory_space<vmem>>, %arg7: memref<64x128xf32, #tpu.memory_space<vmem>>) attributes {dimension_semantics = [#tpu.dimension_semantics<arbitrary>], iteration_bounds = array<i64: 20>, scalar_prefetch = 0 : i64, scratch_operands = 1 : i64, tpu.core_type = #tpu.core_type<tc>, window_params = [{transform_indices = @transform_0, window_bounds = array<i64: 2, 512, 128>}, {transform_indices = @transform_1, window_bounds = array<i64: 512, 128>}, {transform_indices = @transform_2, window_bounds = array<i64: 1, 512>}, {pipeline_mode = #tpu.pipeline_mode<synchronous>, transform_indices = @transform_3, window_bounds = array<i64: 128, 100>}, {pipeline_mode = #tpu.pipeline_mode<synchronous>, transform_indices = @transform_4, window_bounds = array<i64: 1, 100>}, {pipeline_mode = #tpu.pipeline_mode<synchronous>, transform_indices = @transform_5, window_bounds = array<i64: 64, 100>}]} {
    %get3A = arith.constant 0 : index
    %get3A_0 = arith.constant 0 : index
    %get3A_1 = arith.constant 0 : index
    %get3A_2 = vector.load %arg1[%get3A, %get3A_0, %get3A_1] : memref<2x512x128xf32, #tpu.memory_space<vmem>>, vector<1x512x128xf32>
    %get3A_3 = vector.shape_cast %get3A_2 : vector<1x512x128xf32> to vector<512x128xf32>
    %get3A_4 = arith.constant 1 : index
    %get3A_5 = arith.constant 0 : index
    %get3A_6 = arith.constant 0 : index
    %get3A_7 = vector.load %arg1[%get3A_4, %get3A_5, %get3A_6] : memref<2x512x128xf32, #tpu.memory_space<vmem>>, vector<1x512x128xf32>
    %get3A_8 = vector.shape_cast %get3A_7 : vector<1x512x128xf32> to vector<512x128xf32>
    %add3A = arith.addf %get3A_3, %get3A_8 : vector<512x128xf32>
    %iota3A = tpu.iota {dimensions = array<i32: 1>} : vector<512x128xi32>
    %eq3A = arith.constant 88 : i32
    %eq3A_9 = vector.broadcast %eq3A : i32 to vector<512x128xi32>
    %eq3A_10 = arith.cmpi eq, %iota3A, %eq3A_9 : vector<512x128xi32>
    %jit3A = arith.constant 0.000000e+00 : f32
    %broadcast_in_dim3A = vector.broadcast %jit3A : f32 to vector<512x128xf32>
    %select_n3A = arith.select %eq3A_10, %add3A, %broadcast_in_dim3A : vector<512x128xi1>, vector<512x128xf32>
    %reduce_sum3A = arith.constant dense<0.000000e+00> : vector<512xf32>
    %reduce_sum3A_11 = vector.multi_reduction <add>, %select_n3A, %reduce_sum3A [1] : vector<512x128xf32> to vector<512xf32>
    %broadcast_in_dim3A_12 = vector.shape_cast %reduce_sum3A_11 : vector<512xf32> to vector<512x1xf32>
    %max3A = arith.constant 1.000000e+00 : f32
    %max3A_13 = vector.broadcast %max3A : f32 to vector<512x1xf32>
    %max3A_14 = arith.maximumf %broadcast_in_dim3A_12, %max3A_13 : vector<512x1xf32>
    %div3A = vector.broadcast %max3A_14 : vector<512x1xf32> to vector<512x128xf32>
    %div3A_15 = arith.divf %add3A, %div3A : vector<512x128xf32>
    %get3A_16 = arith.constant 0 : index
    %get3A_17 = arith.constant 0 : index
    %get3A_18 = vector.load %arg2[%get3A_16, %get3A_17] : memref<512x128xf32, #tpu.memory_space<vmem>>, vector<512x128xf32>
    %add3A_19 = arith.addf %div3A_15, %get3A_18 : vector<512x128xf32>
    %max3A_20 = arith.constant 0.000000e+00 : f32
    %max3A_21 = vector.broadcast %max3A_20 : f32 to vector<512x128xf32>
    %max3A_22 = arith.maximumf %add3A_19, %max3A_21 : vector<512x128xf32>
    %get3A_23 = arith.constant 0 : index
    %get3A_24 = arith.constant 0 : index
    %get3A_25 = vector.load %arg3[%get3A_23, %get3A_24] : memref<1x512xi32, #tpu.memory_space<vmem>>, vector<1x512xi32>
    %iota3A_26 = tpu.iota {dimensions = array<i32: 0>} : vector<64x512xi32>
    %eq3A_27 = vector.broadcast %get3A_25 : vector<1x512xi32> to vector<64x512xi32>
    %eq3A_28 = arith.cmpi eq, %eq3A_27, %iota3A_26 : vector<64x512xi32>
    %convert_element_type3A = arith.extui %eq3A_28 : vector<64x512xi1> to vector<64x512xi32>
    %convert_element_type3A_29 = arith.sitofp %convert_element_type3A : vector<64x512xi32> to vector<64x512xf32>
    %dot_general3A = arith.constant dense<0.000000e+00> : vector<64x128xf32>
    %dot_general3A_30 = tpu.matmul %convert_element_type3A_29, %max3A_22, %dot_general3A {dimension_numbers = #tpu.dot_dimension_numbers<[1], [0], [0], [1], [0, 0, 1, 1], [], []>, transpose_lhs_hint = false} : vector<64x512xf32>, vector<512x128xf32>, vector<64x128xf32> -> vector<64x128xf32>
    %eq3A_31 = arith.constant 0 : i32
    %eq3A_32 = arith.cmpi eq, %arg0, %eq3A_31 : i32
    %convert_element_type3A_33 = arith.extui %eq3A_32 : i1 to i32
    %cond3A = arith.constant 0 : i32
    %cond3A_34 = arith.cmpi ne, %convert_element_type3A_33, %cond3A : i32
    scf.if %cond3A_34 {
      %broadcast_in_dim3A_46 = arith.constant 0.000000e+00 : f32
      %broadcast_in_dim3A_47 = vector.broadcast %broadcast_in_dim3A_46 : f32 to vector<64x128xf32>
      %swap3A_48 = arith.constant 0 : index
      %swap3A_49 = arith.constant 0 : index
      %swap3A_50 = vector.load %arg7[%swap3A_48, %swap3A_49] : memref<64x128xf32, #tpu.memory_space<vmem>>, vector<64x128xf32>
      tpu.vector_store %arg7[%swap3A_48, %swap3A_49], %broadcast_in_dim3A_47 {strides = array<i32>} : memref<64x128xf32, #tpu.memory_space<vmem>>, vector<64x128xf32>,
    } else {
    }
    %get3A_35 = arith.constant 0 : index
    %get3A_36 = arith.constant 0 : index
    %get3A_37 = vector.load %arg7[%get3A_35, %get3A_36] : memref<64x128xf32, #tpu.memory_space<vmem>>, vector<64x128xf32>
    %add3A_38 = arith.addf %get3A_37, %dot_general3A_30 : vector<64x128xf32>
    %swap3A = arith.constant 0 : index
    %swap3A_39 = arith.constant 0 : index
    %swap3A_40 = vector.load %arg7[%swap3A, %swap3A_39] : memref<64x128xf32, #tpu.memory_space<vmem>>, vector<64x128xf32>
    tpu.vector_store %arg7[%swap3A, %swap3A_39], %add3A_38 {strides = array<i32>} : memref<64x128xf32, #tpu.memory_space<vmem>>, vector<64x128xf32>,
    %eq3A_41 = arith.constant 19 : i32
    %eq3A_42 = arith.cmpi eq, %arg0, %eq3A_41 : i32
    %convert_element_type3A_43 = arith.extui %eq3A_42 : i1 to i32
    %cond3A_44 = arith.constant 0 : i32
    %cond3A_45 = arith.cmpi ne, %convert_element_type3A_43, %cond3A_44 : i32
    scf.if %cond3A_45 {
      %get3A_46 = arith.constant 0 : index
      %get3A_47 = arith.constant 0 : index
      %get3A_48 = vector.load %arg7[%get3A_46, %get3A_47] : memref<64x128xf32, #tpu.memory_space<vmem>>, vector<64x128xf32>
      %get3A_49 = arith.constant 0 : index
      %get3A_50 = arith.constant 0 : index
      %get3A_51 = vector.load %arg4[%get3A_49, %get3A_50] : memref<128x100xf32, #tpu.memory_space<vmem>>, vector<128x100xf32>
      %dot_general3A_52 = arith.constant dense<0.000000e+00> : vector<64x100xf32>
      %dot_general3A_53 = tpu.matmul %get3A_48, %get3A_51, %dot_general3A_52 {dimension_numbers = #tpu.dot_dimension_numbers<[1], [0], [0], [1], [0, 0, 1, 1], [], []>, transpose_lhs_hint = false} : vector<64x128xf32>, vector<128x100xf32>, vector<64x100xf32> -> vector<64x100xf32>
      %get3A_54 = arith.constant 0 : index
      %get3A_55 = arith.constant 0 : index
      %get3A_56 = vector.load %arg5[%get3A_54, %get3A_55] : memref<1x100xf32, #tpu.memory_space<vmem>>, vector<1x100xf32>
      %add3A_57 = vector.broadcast %get3A_56 : vector<1x100xf32> to vector<64x100xf32>
      %add3A_58 = arith.addf %dot_general3A_53, %add3A_57 : vector<64x100xf32>
      %swap3A_59 = arith.constant 0 : index
      %swap3A_60 = arith.constant 0 : index
      %swap3A_61 = vector.load %arg6[%swap3A_59, %swap3A_60] : memref<64x100xf32, #tpu.memory_space<vmem>>, vector<64x100xf32>
      tpu.vector_store %arg6[%swap3A_59, %swap3A_60], %add3A_58 {strides = array<i32>} : memref<64x100xf32, #tpu.memory_space<vmem>>, vector<64x100xf32>,
    } else {
    }
    return
  }
  func.func @transform_0(%arg0: i32) -> (i32, i32, i32) {
    %c0_i32 = arith.constant 0 : i32
    %c0_i32_0 = arith.constant 0 : i32
    %c0_i32_1 = arith.constant 0 : i32
    return %c0_i32, %arg0, %c0_i32_0 : i32, i32, i32
  }
  func.func @transform_1(%arg0: i32) -> (i32, i32) {
    %c0_i32 = arith.constant 0 : i32
    %c0_i32_0 = arith.constant 0 : i32
    return %arg0, %c0_i32 : i32, i32
  }
  func.func @transform_2(%arg0: i32) -> (i32, i32) {
    %c0_i32 = arith.constant 0 : i32
    %c0_i32_0 = arith.constant 0 : i32
    return %c0_i32, %arg0 : i32, i32
  }
  func.func @transform_3(%arg0: i32) -> (i32, i32) {
    %c0_i32 = arith.constant 0 : i32
    %c0_i32_0 = arith.constant 0 : i32
    %c0_i32_1 = arith.constant 0 : i32
    return %c0_i32, %c0_i32_0 : i32, i32
  }
  func.func @transform_4(%arg0: i32) -> (i32, i32) {
    %c0_i32 = arith.constant 0 : i32
    %c0_i32_0 = arith.constant 0 : i32
    %c0_i32_1 = arith.constant 0 : i32
    return %c0_i32, %c0_i32_0 : i32, i32
  }
  func.func @transform_5(%arg0: i32) -> (i32, i32) {
    %c0_i32 = arith.constant 0 : i32
    %c0_i32_0 = arith.constant 0 : i32
    %c0_i32_1 = arith.constant 0 : i32
    return %c0_i32, %c0_i32_0 : i32, i32
  }
}

module attributes {stable_mosaic.version = 14 : i64} {
  func.func @body(%arg0: i32, %arg1: memref<2x512x128xf32, #tpu.memory_space<vmem>>, %arg2: memref<512x128xf32, #tpu.memory_space<vmem>>, %arg3: memref<128x128xf32, #tpu.memory_space<vmem>>, %arg4: memref<128x128xf32, #tpu.memory_space<vmem>>, %arg5: memref<1x128xf32, #tpu.memory_space<vmem>>, %arg6: memref<512x128xf32, #tpu.memory_space<vmem>>, %arg7: memref<512x128xf32, #tpu.memory_space<vmem>>) attributes {dimension_semantics = [#tpu.dimension_semantics<arbitrary>], iteration_bounds = array<i64: 20>, scalar_prefetch = 0 : i64, scratch_operands = 0 : i64, tpu.core_type = #tpu.core_type<tc>, window_params = [{transform_indices = @transform_0, window_bounds = array<i64: 2, 512, 128>}, {transform_indices = @transform_1, window_bounds = array<i64: 512, 128>}, {pipeline_mode = #tpu.pipeline_mode<synchronous>, transform_indices = @transform_2, window_bounds = array<i64: 128, 128>}, {pipeline_mode = #tpu.pipeline_mode<synchronous>, transform_indices = @transform_3, window_bounds = array<i64: 128, 128>}, {pipeline_mode = #tpu.pipeline_mode<synchronous>, transform_indices = @transform_4, window_bounds = array<i64: 1, 128>}, {transform_indices = @transform_5, window_bounds = array<i64: 512, 128>}, {transform_indices = @transform_6, window_bounds = array<i64: 512, 128>}]} {
    %get3A = arith.constant 0 : index
    %get3A_0 = arith.constant 0 : index
    %get3A_1 = arith.constant 0 : index
    %get3A_2 = vector.load %arg1[%get3A, %get3A_0, %get3A_1] : memref<2x512x128xf32, #tpu.memory_space<vmem>>, vector<1x512x128xf32>
    %get3A_3 = vector.shape_cast %get3A_2 : vector<1x512x128xf32> to vector<512x128xf32>
    %get3A_4 = arith.constant 1 : index
    %get3A_5 = arith.constant 0 : index
    %get3A_6 = arith.constant 0 : index
    %get3A_7 = vector.load %arg1[%get3A_4, %get3A_5, %get3A_6] : memref<2x512x128xf32, #tpu.memory_space<vmem>>, vector<1x512x128xf32>
    %get3A_8 = vector.shape_cast %get3A_7 : vector<1x512x128xf32> to vector<512x128xf32>
    %add3A = arith.addf %get3A_3, %get3A_8 : vector<512x128xf32>
    %iota3A = tpu.iota {dimensions = array<i32: 1>} : vector<512x128xi32>
    %eq3A = arith.constant 88 : i32
    %eq3A_9 = vector.broadcast %eq3A : i32 to vector<512x128xi32>
    %eq3A_10 = arith.cmpi eq, %iota3A, %eq3A_9 : vector<512x128xi32>
    %jit3A = arith.constant 0.000000e+00 : f32
    %broadcast_in_dim3A = vector.broadcast %jit3A : f32 to vector<512x128xf32>
    %select_n3A = arith.select %eq3A_10, %add3A, %broadcast_in_dim3A : vector<512x128xi1>, vector<512x128xf32>
    %reduce_sum3A = arith.constant dense<0.000000e+00> : vector<512xf32>
    %reduce_sum3A_11 = vector.multi_reduction <add>, %select_n3A, %reduce_sum3A [1] : vector<512x128xf32> to vector<512xf32>
    %broadcast_in_dim3A_12 = vector.shape_cast %reduce_sum3A_11 : vector<512xf32> to vector<512x1xf32>
    %max3A = arith.constant 1.000000e+00 : f32
    %max3A_13 = vector.broadcast %max3A : f32 to vector<512x1xf32>
    %max3A_14 = arith.maximumf %broadcast_in_dim3A_12, %max3A_13 : vector<512x1xf32>
    %div3A = vector.broadcast %max3A_14 : vector<512x1xf32> to vector<512x128xf32>
    %div3A_15 = arith.divf %add3A, %div3A : vector<512x128xf32>
    %get3A_16 = arith.constant 0 : index
    %get3A_17 = arith.constant 0 : index
    %get3A_18 = vector.load %arg2[%get3A_16, %get3A_17] : memref<512x128xf32, #tpu.memory_space<vmem>>, vector<512x128xf32>
    %add3A_19 = arith.addf %div3A_15, %get3A_18 : vector<512x128xf32>
    %max3A_20 = arith.constant 0.000000e+00 : f32
    %max3A_21 = vector.broadcast %max3A_20 : f32 to vector<512x128xf32>
    %max3A_22 = arith.maximumf %add3A_19, %max3A_21 : vector<512x128xf32>
    %get3A_23 = arith.constant 0 : index
    %get3A_24 = arith.constant 0 : index
    %get3A_25 = vector.load %arg3[%get3A_23, %get3A_24] : memref<128x128xf32, #tpu.memory_space<vmem>>, vector<128x128xf32>
    %dot_general3A = arith.constant dense<0.000000e+00> : vector<512x128xf32>
    %dot_general3A_26 = tpu.matmul %max3A_22, %get3A_25, %dot_general3A {dimension_numbers = #tpu.dot_dimension_numbers<[1], [0], [0], [1], [0, 0, 1, 1], [], []>, transpose_lhs_hint = false} : vector<512x128xf32>, vector<128x128xf32>, vector<512x128xf32> -> vector<512x128xf32>
    %iota3A_27 = tpu.iota {dimensions = array<i32: 1>} : vector<512x128xi32>
    %eq3A_28 = arith.constant 88 : i32
    %eq3A_29 = vector.broadcast %eq3A_28 : i32 to vector<512x128xi32>
    %eq3A_30 = arith.cmpi eq, %iota3A_27, %eq3A_29 : vector<512x128xi32>
    %jit3A_31 = arith.constant 1.000000e+00 : f32
    %broadcast_in_dim3A_32 = vector.broadcast %jit3A_31 : f32 to vector<512x128xf32>
    %select_n3A_33 = arith.select %eq3A_30, %broadcast_in_dim3A_32, %dot_general3A_26 : vector<512x128xi1>, vector<512x128xf32>
    %swap3A = arith.constant 0 : index
    %swap3A_34 = arith.constant 0 : index
    %swap3A_35 = vector.load %arg6[%swap3A, %swap3A_34] : memref<512x128xf32, #tpu.memory_space<vmem>>, vector<512x128xf32>
    tpu.vector_store %arg6[%swap3A, %swap3A_34], %select_n3A_33 {strides = array<i32>} : memref<512x128xf32, #tpu.memory_space<vmem>>, vector<512x128xf32>,
    %get3A_36 = arith.constant 0 : index
    %get3A_37 = arith.constant 0 : index
    %get3A_38 = vector.load %arg4[%get3A_36, %get3A_37] : memref<128x128xf32, #tpu.memory_space<vmem>>, vector<128x128xf32>
    %dot_general3A_39 = arith.constant dense<0.000000e+00> : vector<512x128xf32>
    %dot_general3A_40 = tpu.matmul %max3A_22, %get3A_38, %dot_general3A_39 {dimension_numbers = #tpu.dot_dimension_numbers<[1], [0], [0], [1], [0, 0, 1, 1], [], []>, transpose_lhs_hint = false} : vector<512x128xf32>, vector<128x128xf32>, vector<512x128xf32> -> vector<512x128xf32>
    %get3A_41 = arith.constant 0 : index
    %get3A_42 = arith.constant 0 : index
    %get3A_43 = vector.load %arg5[%get3A_41, %get3A_42] : memref<1x128xf32, #tpu.memory_space<vmem>>, vector<1x128xf32>
    %add3A_44 = vector.broadcast %get3A_43 : vector<1x128xf32> to vector<512x128xf32>
    %add3A_45 = arith.addf %dot_general3A_40, %add3A_44 : vector<512x128xf32>
    %swap3A_46 = arith.constant 0 : index
    %swap3A_47 = arith.constant 0 : index
    %swap3A_48 = vector.load %arg7[%swap3A_46, %swap3A_47] : memref<512x128xf32, #tpu.memory_space<vmem>>, vector<512x128xf32>
    tpu.vector_store %arg7[%swap3A_46, %swap3A_47], %add3A_45 {strides = array<i32>} : memref<512x128xf32, #tpu.memory_space<vmem>>, vector<512x128xf32>,
    return
  }
  func.func @transform_0(%arg0: i32) -> (i32, i32, i32) {
    %c0_i32 = arith.constant 0 : i32
    %c0_i32_0 = arith.constant 0 : i32
    %c0_i32_1 = arith.constant 0 : i32
    return %c0_i32, %arg0, %c0_i32_0 : i32, i32, i32
  }
  func.func @transform_1(%arg0: i32) -> (i32, i32) {
    %c0_i32 = arith.constant 0 : i32
    %c0_i32_0 = arith.constant 0 : i32
    return %arg0, %c0_i32 : i32, i32
  }
  func.func @transform_2(%arg0: i32) -> (i32, i32) {
    %c0_i32 = arith.constant 0 : i32
    %c0_i32_0 = arith.constant 0 : i32
    %c0_i32_1 = arith.constant 0 : i32
    return %c0_i32, %c0_i32_0 : i32, i32
  }
  func.func @transform_3(%arg0: i32) -> (i32, i32) {
    %c0_i32 = arith.constant 0 : i32
    %c0_i32_0 = arith.constant 0 : i32
    %c0_i32_1 = arith.constant 0 : i32
    return %c0_i32, %c0_i32_0 : i32, i32
  }
  func.func @transform_4(%arg0: i32) -> (i32, i32) {
    %c0_i32 = arith.constant 0 : i32
    %c0_i32_0 = arith.constant 0 : i32
    %c0_i32_1 = arith.constant 0 : i32
    return %c0_i32, %c0_i32_0 : i32, i32
  }
  func.func @transform_5(%arg0: i32) -> (i32, i32) {
    %c0_i32 = arith.constant 0 : i32
    %c0_i32_0 = arith.constant 0 : i32
    return %arg0, %c0_i32 : i32, i32
  }
  func.func @transform_6(%arg0: i32) -> (i32, i32) {
    %c0_i32 = arith.constant 0 : i32
    %c0_i32_0 = arith.constant 0 : i32
    return %arg0, %c0_i32 : i32, i32
  }
}

</mosaic_0001>

<sc_bundles>
// kernel: kernel.12.cloned.1.call-start
scs
__scs_entry_jumppad:
0x0: {  	(pc) =	sbr.rel $0x88, $3  }
0x1: {  	(tag) =	ssettag $0x0;
	lr =	simm.s32 $0x1  }
0x2: {  	[smem:$0x3F93] =	sst lr;
	_ =	strace $0xD0000000  }
0x3: {  	_ = 	snop  }
0x4: {  	_ = 	snop  }
0x5: {  	_ = 	snop  }
0x6: {  	_ = 	snop  }
0x7: {  	_ = 	snop  }
__scs_overlays_trampoline_lowered:
0x8: {  	[smem:$0x3FA2] =	sst s0  }
0x9: {  	[smem:$0x3FA3] =	sst s1  }
0xa: {  	[smem:$0x3FA4] =	sst s2  }
0xb: {  	[smem:$0x3FA5] =	sst s3  }
0xc: {  	[smem:$0x3FA6] =	sst s4  }
0xd: {  	[smem:$0x3FA7] =	sst s5  }
0xe: {  	[smem:$0x3FA8] =	sst s6  }
0xf: {  	[smem:$0x3FA9] =	sst s7  }
0x10: {  	[smem:$0x3FAA] =	sst s8  }
0x11: {  	[smem:$0x3FAB] =	sst s9;
	s0 =	simm.s32 @!p0 $0x0  }
0x12: {  	s1 =	sld [smem:$0x3F91];
	s0 =	simm.s32 @p0 $0x1  }
0x13: {  	[smem:$0x3FAC] =	sst s0;
	s0 =	simm.s32 @!p1 $0x0  }
0x14: {  	s2 =	sld [smem:$0x3F90];
	s0 =	simm.s32 @p1 $0x1  }
0x15: {  	[smem:$0x3FAD] =	sst s0;
	s0 =	simm.s32 @!p2 $0x0  }
0x16: {  	s3 =	sld [smem:$0x3FDB];
	s0 =	simm.s32 @p2 $0x1  }
0x17: {  	s4 =	simm.s32 $0x1BF5;
	[smem:$0x3FAF] =	sst s0  }
0x18: {  	s0 =	sld [smem:$0x3F92];
	_ =	swait.ge [sflag:s4], $0x0  }
0x19: {  	s7 =	sld [smem:$0x3F93]  }
0x1a: {  	s8 =	sadd.s32 $0xFFFFE003, lr  }
0x1b: {  	s9 =	sadd.s32 $0xFFFFFEF7, lr;
	s5 =	simm.s32 $0xFFFFFFFF;
	p2 =	slt.u32 s8, $0xFFFFF086  }
0x1c: {  	p1 =	slt.u32 s9, $0xF7A;
	s5 =	simm.s32 @!p2 $0x0  }
0x1d: {  	s5 =	simm.s32 @p1 $0x1;
	p0 =	seq.s32 s7, s2  }
0x1e: {  	s7 =	smul.u32 @!p0 $0xF7A, s2;
	p2 =	seq.s32 @!p0 s5, $0x0  }
0x1f: {  	s9 =	smul.u32 $0xF7A, s1;
	s8 =	simm.s32 @!p0 $0x1BF5;
	p2 =	por !p2, p0  }
0x20: {  	[sflag:s8] =	ssyncset.s32 @!p0 $0xFFFFF086;
	s6 =	sadd.s32 @!p0 s3, s7;
	s7 =	simm.s32 @!p0 $0x108  }
0x21: {  	s3 =	sadd.s32 s3, s9;
	s6 =	sadd.s32 @!p0 $0x88, s6;
	s7 =	simm.s32 @p2 $0x1082  }
0x22: {  	[simem:s7], [sflag:s8] =	dma.local @!p0 [hbm:s6], $0xF7A  }
0x23: {  	s9 =	sor.u32 $0xD0000000, s2;
	s6 =	simm.s32 $0x108;
	_ =	swait.ge @!p0 [sflag:s8], $0x0  }
0x24: {  	s3 =	sadd.s32 $0x88, s3;
	s6 =	simm.s32 @!p1 $0x1082;
	[sflag:s4] =	ssyncset.s32 $0xFFFFF086  }
0x25: {  	[simem:s6], [sflag:s4] =	dma.local [hbm:s3], $0xF7A  }
0x26: {  	[smem:$0x3F93] =	sst s1;
	(tag) =	ssettag s2;
	_ =	strace s9  }
0x27: {  	s1 =	sld [smem:$0x3FA3]  }
0x28: {  	s2 =	sld [smem:$0x3FA4]  }
0x29: {  	s4 =	sld [smem:$0x3FA6]  }
0x2a: {  	p0 =	seq.s32 s5, $0x0;
	s5 =	sld [smem:$0x3FA7]  }
0x2b: {  	s6 =	sld [smem:$0x3FA8]  }
0x2c: {  	s7 =	sld [smem:$0x3FA9]  }
0x2d: {  	s3 =	simm.s32 $0x108;
	s8 =	sld [smem:$0x3FAA]  }
0x2e: {  	s3 =	simm.s32 @!p0 $0x1082;
	s9 =	sld [smem:$0x3FAB]  }
0x2f: {  	lr =	sadd.s32 s0, s3;
	s0 =	sld [smem:$0x3FA2]  }
0x30: {  	s3 =	sld [smem:$0x3FA5]  }
0x31: {  	[smem:$0x3FAE] =	sst s10  }
0x32: {  	s10 =	sld [smem:$0x3FAC];
	_ =	sdelay $0x3  }
0x33: {  	p0 =	seq.s32 s10, $0x1;
	s10 =	sld [smem:$0x3FAE];
	_ =	sdelay $0x3  }
0x34: {  	[smem:$0x3FAE] =	sst s10  }
0x35: {  	s10 =	sld [smem:$0x3FAD];
	_ =	sdelay $0x3  }
0x36: {  	p1 =	seq.s32 s10, $0x1;
	s10 =	sld [smem:$0x3FAE];
	_ =	sdelay $0x3  }
0x37: {  	[smem:$0x3FAE] =	sst s10  }
0x38: {  	s10 =	sld [smem:$0x3FAF]  }
0x39: {  	_ = 	snop;
	(pc) =	sbr.ind lr, $3  }
0x3a: {  	_ = 	snop  }
0x3b: {  	_ = 	snop  }
0x3c: {  	p2 =	seq.s32 s10, $0x1;
	s10 =	sld [smem:$0x3FAE]  }
0x3d: {  	_ =	shalt  }
0x3e: {  	_ =	shalt  }
0x3f: {  	_ =	shalt  }
0x40: {  	_ =	shalt  }
0x41: {  	_ =	shalt  }
0x42: {  	_ =	shalt  }
0x43: {  	_ =	shalt  }
0x44: {  	_ =	shalt  }
0x45: {  	_ =	shalt  }
0x46: {  	_ =	shalt  }
0x47: {  	_ =	shalt  }
0x48: {  	_ =	shalt  }
0x49: {  	_ =	shalt  }
0x4a: {  	_ =	shalt  }
0x4b: {  	_ =	shalt  }
0x4c: {  	_ =	shalt  }
0x4d: {  	_ =	shalt  }
0x4e: {  	_ =	shalt  }
0x4f: {  	_ =	shalt  }
0x50: {  	_ =	shalt  }
0x51: {  	_ =	shalt  }
0x52: {  	_ =	shalt  }
0x53: {  	_ =	shalt  }
0x54: {  	_ =	shalt  }
0x55: {  	_ =	shalt  }
0x56: {  	_ =	shalt  }
0x57: {  	_ =	shalt  }
0x58: {  	_ =	shalt  }
0x59: {  	_ =	shalt  }
0x5a: {  	_ =	shalt  }
0x5b: {  	_ =	shalt  }
0x5c: {  	_ =	shalt  }
0x5d: {  	_ =	shalt  }
0x5e: {  	_ =	shalt  }
0x5f: {  	_ =	shalt  }
0x60: {  	_ =	shalt  }
0x61: {  	_ =	shalt  }
0x62: {  	_ =	shalt  }
0x63: {  	_ =	shalt  }
0x64: {  	_ =	shalt  }
0x65: {  	_ =	shalt  }
0x66: {  	_ =	shalt  }
0x67: {  	_ =	shalt  }
0x68: {  	_ =	shalt  }
0x69: {  	_ =	shalt  }
0x6a: {  	_ =	shalt  }
0x6b: {  	_ =	shalt  }
0x6c: {  	_ =	shalt  }
0x6d: {  	_ =	shalt  }
0x6e: {  	_ =	shalt  }
0x6f: {  	_ =	shalt  }
0x70: {  	_ =	shalt  }
0x71: {  	_ =	shalt  }
0x72: {  	_ =	shalt  }
0x73: {  	_ =	shalt  }
0x74: {  	_ =	shalt  }
0x75: {  	_ =	shalt  }
0x76: {  	_ =	shalt  }
0x77: {  	_ =	shalt  }
0x78: {  	_ =	shalt  }
0x79: {  	_ =	shalt  }
0x7a: {  	_ =	shalt  }
0x7b: {  	_ =	shalt  }
0x7c: {  	_ =	shalt  }
0x7d: {  	_ =	shalt  }
0x7e: {  	_ =	shalt  }
0x7f: {  	_ =	shalt  }
0x80: {  	_ =	shalt  }
0x81: {  	_ =	shalt  }
0x82: {  	_ =	shalt  }
0x83: {  	_ =	shalt  }
0x84: {  	_ =	shalt  }
0x85: {  	_ =	shalt  }
0x86: {  	_ =	shalt  }
0x87: {  	_ =	shalt  }
.Lfunc_end0:
.L_simem_size_0:
called_computation.1_lowered:
.L_overlay_start_0:
0x88: {  	s2 =	sld [smem:$0x3FD9]  }
0x89: {  	s3 =	sld [smem:$0x3FFE];
	_ =	sdelay $0x1  }
0x8a: {  	s1 =	srdreg.scid  }
0x8b: {  	s0 =	sand.u32 $0x1, s1  }
0x8c: {  	s16 =	sshll.u32 s0, $0xA;
	s2 =	sadd.s32 s3, s2  }
0x8d: {  	s2 =	sadd.s32 s2, s16  }
0x8e: {  	[smem:$0x3FBA] =	sst s2  }
0x8f: {  	_ = 	snop  }
0x90: {  	(tm) =	ssettm $0x1  }
0x91: {  	s17 =	sld [smem:$0x3FFB];
	_ =	sdelay $0x3  }
0x92: {  	_ =	strace s17  }
0x93: {  	s2 =	sld [smem:$0x3FFC];
	_ =	sdelay $0x3  }
0x94: {  	_ =	strace s2  }
0x95: {  	s2 =	sld [smem:$0x3FFD];
	_ =	sdelay $0x3  }
0x96: {  	_ =	strace s2  }
0x97: {  	_ =	strace $0x8FFFFFFF  }
0x98: {  	s18 =	sld [smem:$0x3FDB];
	_ =	sdelay $0x1  }
0x99: {  	s19 =	simm.s32 $_scs_section_size  }
0x9a: {  	s4 =	simm.s32 $_size__tile_overlayer_lowered;
	s5 =	simm.s32 $_tile_overlayer_lowered  }
0x9b: {  	s22 =	simm.s32 $0x1BFF;
	s21 =	sshll.u32 s5, $0x1;
	s2 =	sadd.s32 s19, s18  }
0x9c: {  	s6 =	simm.s32 $0x0;
	s20 =	sshll.u32 s4, $0x1;
	s4 =	sadd.s32 s21, s2  }
0x9d: {  	[timem:s6], [sflag:s22] =	dma.local [hbm:s4], s20  }
0x9e: {  	_ =	swait.ge [sflag:s22], s20  }
0x9f: {  	s3 =	ssub.s32 $0x0, s20;
	[sflag:s22] =	ssyncset.done $0x0  }
0xa0: {  	[sflag:s22] =	ssyncadd.s32 s3;
	_ =	sdelay $0x1  }
0xa1: {  	s23 =	simm.s32 $0x1B8B  }
0xa2: {  	_ =	swait.ge [sflag:s23], $0x1  }
0xa3: {  	[sflag:s23] =	ssyncset.done $0x0  }
0xa4: {  	s25 =	simm.s32 $0x1B8E;
	s24 =	sld [smem:$0x3FFE];
	[sflag:s23] =	ssyncadd.s32 $0xFFFFFFFF  }
0xa5: {  	s26 =	simm.s32 $execute0_lowered;
	[smem:$0x3FD2] =	sst s25  }
0xa6: {  	s4 =	sshll.u32 s26, $0x1;
	_ =	strace $0x80000049;
	[dreg:$0x1] =	wrdreg $0xFFFFFFFF  }
0xa7: {  	s28 =	simm.s32 $_size_execute0_lowered;
	s2 =	sadd.s32 s2, s4;
	[dreg:$0x0] =	wrdreg $0x0  }
0xa8: {  	s4 =	sshll.u32 s28, $0x1;
	[dreg:$0x2] =	wrdreg s2  }
0xa9: {  	[dreg:$0x3] =	wrdreg s4  }
0xaa: {  	[dreg:$0x4] =	wrdreg $0xC0  }
0xab: {  	_ =	task [dreg:s6], $0x5FFFF  }
0xac: {  	[dreg:$0x1] =	wrdreg $0xFFFFFFFF  }
0xad: {  	[dreg:$0x0] =	wrdreg $0x60  }
0xae: {  	[dreg:$0x2] =	wrdreg s24  }
0xaf: {  	[dreg:$0x3] =	wrdreg $0x90000  }
0xb0: {  	[dreg:$0x4] =	wrdreg $0x9  }
0xb1: {  	_ =	task.clear_ibuf [dreg:s6], $0x5FFFF;
	_ =	strace $0x90000049  }
0xb2: {  	s29 =	simm.s32 $0x9;
	_ =	strace $0x8000004B  }
0xb3: {  	_ =	swait.ge [sflag:s29], $0x1  }
0xb4: {  	[sflag:s29] =	ssyncadd.s32 $0xFFFFFFFF  }
0xb5: {  	_ =	strace $0x9000004B  }
0xb6: {  	_ =	sfence  }
0xb7: {  	s30 =	sld [smem:$0x0];
	_ =	sdelay $0x2  }
0xb8: {  	s31 =	sshll.u32 s1, $0xD;
	s1 =	sshrl.u32 s1, $0x2  }
0xb9: {  	s3 =	sand.u32 $0x4000, s31;
	s1 =	sadd.s32 s1, s30  }
0xba: {  	s0 =	sor.u32 s3, s0;
	s1 =	sshll.u32 s1, $0x11  }
0xbb: {  	s0 =	sor.u32 s1, s0  }
0xbc: {  	s0 =	sadd.s32 $0x8F2B, s0  }
0xbd: {  	[sflag:s0] =	ssyncadd.remote.s32 $0x1  }
0xbe: {  	_ =	sfence.sel $0xFFFF  }
0xbf: {  	[dreg:$0x0] =	wrdreg $0xFFFFFFFF;
	(pc) =	sbr.abs _section_cstart, $3  }
0xc0: {  	[dreg:$0x1] =	wrdreg $0xFFFFFFFF  }
0xc1: {  	_ =	task.clear_ibuf [dreg:s6], $0x2FFFF;
	_ =	strace $0x9FFFFFFF  }
0xc2: {  	(tm) =	ssettm $0x7FFFFFFF  }
0xc3: {  	_ =	shalt  }
tec
execute0_lowered:
.L_overlay_start_1:
0x0: {  	(tag) =	ssettag $0x1  }
0x1: {  	s0 =	srdreg.scid;
	s8 =	stileid.u32  }
0x2: {  	s1 =	sand.u32 $0x1, s0;
	s3 =	smul.u32 $0xA000, s8  }
0x3: {  	s5 =	rddreg [dreg:$0x0];
	s0 =	smul.u32 $0xA0000, s1  }
0x4: {  	s2 =	rddreg [dreg:$0x1]  }
0x5: {  	s16 =	simm.s32 $0x80;
	s0 =	sadd.s32 s3, s0;
	s3 =	simm.s32 $0x0  }
0x6: {  	s18 =	simm.s32 $0x100;
	s20 =	simm.s32 $0x180;
	[smem:$0x7FF] =	sst s3  }
0x7: {  	s21 =	simm.s32 $0x200;
	_ =	strace $0x8000004A;
	[dreg:$0x5] =	wrdreg s16  }
0x8: {  	s14 =	smul.u32 $0x28000, s1;
	s1 =	ssub.s32 $0x2, s1;
	[dreg:$0x6] =	wrdreg s18  }
0x9: {  	s23 =	simm.s32 $0x280;
	s17 =	sshrl.u32 s1, $0x1;
	[dreg:$0x7] =	wrdreg s20  }
0xa: {  	s19 =	smul.u32 $0x50000, s8;
	s1 =	ssub.s32 s1, s17;
	[dreg:$0x8] =	wrdreg s21  }
0xb: {  	s1 =	smax.u32 s1, $0x1;
	[dreg:$0x9] =	wrdreg s23  }
0xc: {  	s24 =	simm.s32 $0x300;
	s22 =	sshrl.u32 s19, $0x2;
	[dreg:$0x1f] =	wrdreg s1  }
0xd: {  	s25 =	simm.s32 $0x380;
	s26 =	sadd.s32 s22, s2;
	[dreg:$0xa] =	wrdreg s24  }
0xe: {  	s9 =	sadd.s32 $0x2000, s26;
	[dreg:$0xb] =	wrdreg s25  }
0xf: {  	s11 =	sadd.s32 $0x3000, s26;
	[smem:$0x7EC] =	sst s9  }
0x10: {  	s10 =	simm.s32 $0x880;
	[smem:$0x7ED] =	sst s11  }
0x11: {  	s13 =	sadd.s32 $0x4000, s26;
	[dreg:$0xd] =	wrdreg s10  }
0x12: {  	s12 =	simm.s32 $0x480;
	[smem:$0x7EE] =	sst s13  }
0x13: {  	s17 =	sadd.s32 $0x6000, s26;
	[dreg:$0xe] =	wrdreg s12  }
0x14: {  	s19 =	sadd.s32 $0x7000, s26;
	[smem:$0x7F0] =	sst s17  }
0x15: {  	s22 =	simm.s32 $0xA00;
	s0 =	sshrl.u32 s0, $0x3;
	[smem:$0x7F1] =	sst s19  }
0x16: {  	s6 =	sadd.s32 s0, s5;
	[dreg:$0x13] =	wrdreg s22  }
0x17: {  	s0 =	sadd.s32 s14, s5;
	s14 =	simm.s32 $0x900;
	[dreg:$0x1e] =	wrdreg s26  }
0x18: {  	s16 =	simm.s32 $0x500;
	[dreg:$0xf] =	wrdreg s14  }
0x19: {  	s18 =	simm.s32 $0x980;
	[dreg:$0x10] =	wrdreg s16  }
0x1a: {  	s21 =	sadd.s32 $0x8000, s26;
	[dreg:$0x11] =	wrdreg s18  }
0x1b: {  	s20 =	simm.s32 $0x580;
	[smem:$0x7F2] =	sst s21  }
0x1c: {  	s23 =	sadd.s32 $0x9000, s26;
	[dreg:$0x12] =	wrdreg s20  }
0x1d: {  	s25 =	sadd.s32 $0xA000, s26;
	[smem:$0x7F3] =	sst s23  }
0x1e: {  	s28 =	simm.s32 $0x1000;
	s24 =	simm.s32 $0x600;
	[smem:$0x7F4] =	sst s25  }
0x1f: {  	s29 =	simm.s32 $0x9;
	s10 =	sadd.s32 $0xC000, s26;
	[dreg:$0x14] =	wrdreg s24  }
0x20: {  	s30 =	simm.s32 $0x800;
	s9 =	simm.s32 $0x680;
	[smem:$0x7F6] =	sst s10  }
0x21: {  	s31 =	simm.s32 $0x20;
	s12 =	sadd.s32 $0xD000, s26;
	[dreg:$0x16] =	wrdreg s9  }
0x22: {  	s4 =	sadd.s32 $0x53200, s5;
	s11 =	simm.s32 $0xB00;
	[smem:$0x7F7] =	sst s12  }
0x23: {  	s13 =	simm.s32 $0x700;
	s17 =	simm.s32 $0x780;
	[dreg:$0x17] =	wrdreg s11  }
0x24: {  	s19 =	simm.s32 $0xC00;
	s22 =	sadd.s32 $0x11000, s26;
	[dreg:$0x18] =	wrdreg s13  }
0x25: {  	s1 =	simm.s32 $0x2000;
	s7 =	sadd.s32 $0x2B200, s6;
	[dreg:$0x1a] =	wrdreg s17  }
0x26: {  	s15 =	sadd.s32 $0x3200, s6;
	s6 =	sadd.s32 $0x1000, s26;
	[dreg:$0x1b] =	wrdreg s19  }
0x27: {  	s14 =	sadd.s32 $0xE000, s26;
	s16 =	sadd.s32 $0xF000, s26;
	[smem:$0x7FB] =	sst s22  }
0x28: {  	s18 =	smul.u32 $0x2800, s8;
	s20 =	simm.s32 $0xC80;
	[dreg:$0x3] =	wrdreg s7  }
0x29: {  	s21 =	simm.s32 $0xD00;
	s23 =	sadd.s32 $0x12000, s26;
	[dreg:$0x4] =	wrdreg s15  }
0x2a: {  	s24 =	sadd.s32 $0x13000, s26;
	s8 =	simm.s32 $0x5000;
	[smem:$0x7EB] =	sst s6  }
0x2b: {  	s9 =	simm.s32 $0x6000;
	s10 =	simm.s32 $0x7000;
	[smem:$0x7F8] =	sst s14  }
0x2c: {  	s11 =	simm.s32 $0x8000;
	s12 =	simm.s32 $0x1;
	[smem:$0x7F9] =	sst s16  }
0x2d: {  	s13 =	simm.s32 $0x2;
	s17 =	simm.s32 $0x6;
	[dreg:$0x1c] =	wrdreg s20  }
0x2e: {  	s19 =	simm.s32 $0x8;
	s22 =	simm.s32 $0xE80;
	[dreg:$0x1d] =	wrdreg s21  }
0x2f: {  	s7 =	simm.s32 $0x400;
	s15 =	sadd.s32 $0x5000, s26;
	[smem:$0x7FC] =	sst s23  }
0x30: {  	s6 =	simm.s32 $0xA80;
	[smem:$0x7FD] =	sst s24;
	s14 =	simm.s32 $0x3  }
0x31: {  	s16 =	simm.s32 $0x5;
	s20 =	simm.s32 $0xD80;
	[dreg:$0xc] =	wrdreg s7  }
0x32: {  	s21 =	simm.s32 $0xE00;
	s23 =	simm.s32 $0xF00;
	[smem:$0x7EF] =	sst s15  }
0x33: {  	s24 =	simm.s32 $0xF80;
	s7 =	sadd.s32 $0xB000, s26;
	[dreg:$0x15] =	wrdreg s6  }
0x34: {  	s15 =	simm.s32 $0xB80;
	s6 =	sadd.s32 $0x10000, s26;
	[smem:$0x7F5] =	sst s7  }
0x35: {  	s0 =	sadd.s32 s18, s0;
	s18 =	simm.s32 $0x7;
	[dreg:$0x19] =	wrdreg s15  }
0x36: {  	[smem:$0x7FA] =	sst s6;
	s25 =	sadd.s32 $0x7B200, s0;
	s0 =	simm.s32 $0x3000  }
0x37: {  	v0 =	vimm.f32 $0.0e+00;
	s6 =	simm.s32 $0x4000;
	s15 =	simm.s32 $0x4;
	s7 =	simm.s32 $0x0  }
.LBB2_1:
0x38: {  	[smem:$0x7EA] =	sst s7;
	s5 =	simm.s32 $0x0;
	s7 =	simm.s32 $0x200  }
.LBB2_2:
0x39: {  	p0 =	sne.s32 s7, $0x3E00;
	[tilespmem:s5+$0x1070] =	vst v0  }
0x3a: {  	[tilespmem:s5+$0x1000] =	vst v0  }
0x3b: {  	[tilespmem:s5+$0x1010] =	vst v0  }
.Ltmp0:
0x3c: {  	[tilespmem:s5+$0x1020] =	vst v0;
	(pc) =	sbr.rel @p0 .LBB2_2-.Ltmp0, $4  }
0x3d: {  	[tilespmem:s5+$0x1030] =	vst v0  }
0x3e: {  	[tilespmem:s5+$0x1040] =	vst v0  }
0x3f: {  	[tilespmem:s5+$0x1050] =	vst v0  }
0x40: {  	[tilespmem:s5+$0x1060] =	vst v0;
	s5 =	sshra.s32 s7, $0x2;
	s7 =	sadd.s32 $0x200, s7  }
0x41: {  	[tilespmem:s5+$0x1070] =	vst v0  }
0x42: {  	[tilespmem:s5+$0x1000] =	vst v0  }
0x43: {  	[tilespmem:s5+$0x1010] =	vst v0  }
0x44: {  	[tilespmem:s5+$0x1020] =	vst v0  }
0x45: {  	[tilespmem:s5+$0x1030] =	vst v0  }
0x46: {  	[tilespmem:s5+$0x1040] =	vst v0  }
0x47: {  	[tilespmem:s5+$0x1050] =	vst v0  }
0x48: {  	[tilespmem:s5+$0x1060] =	vst v0  }
0x49: {  	[spmem:s26] =	stream.linear.scatter [tilespmem:s28], [sflag:$0x9], $0x1000, $0x38;
	[tilespmem:$0x1D000] =	vst v63  }
0x4a: {  	_ =	swait.ge [sflag:s29], $0x1000  }
0x4b: {  	s7 =	sld [smem:$0x7EB]  }
0x4c: {  	[sflag:s29] =	ssyncset.done $0x0  }
0x4d: {  	[sflag:s29] =	ssyncadd.s32 $0xFFFFF000  }
0x4e: {  	[spmem:s7] =	stream.linear.scatter [tilespmem:s28], [sflag:$0x9], $0x1000, $0x38;
	[tilespmem:$0x1D000] =	vst v63  }
0x4f: {  	_ =	swait.ge [sflag:s29], $0x1000  }
0x50: {  	s26 =	sld [smem:$0x7EC]  }
0x51: {  	[sflag:s29] =	ssyncset.done $0x0  }
0x52: {  	[sflag:s29] =	ssyncadd.s32 $0xFFFFF000  }
0x53: {  	[spmem:s26] =	stream.linear.scatter [tilespmem:s28], [sflag:$0x9], $0x1000, $0x38;
	[tilespmem:$0x1D000] =	vst v63  }
0x54: {  	_ =	swait.ge [sflag:s29], $0x1000  }
0x55: {  	s7 =	sld [smem:$0x7ED]  }
0x56: {  	[sflag:s29] =	ssyncset.done $0x0  }
0x57: {  	[sflag:s29] =	ssyncadd.s32 $0xFFFFF000  }
0x58: {  	[spmem:s7] =	stream.linear.scatter [tilespmem:s28], [sflag:$0x9], $0x1000, $0x38;
	[tilespmem:$0x1D000] =	vst v63  }
0x59: {  	_ =	swait.ge [sflag:s29], $0x1000  }
0x5a: {  	s26 =	sld [smem:$0x7EE]  }
0x5b: {  	[sflag:s29] =	ssyncset.done $0x0  }
0x5c: {  	[sflag:s29] =	ssyncadd.s32 $0xFFFFF000  }
0x5d: {  	[spmem:s26] =	stream.linear.scatter [tilespmem:s28], [sflag:$0x9], $0x1000, $0x38;
	[tilespmem:$0x1D000] =	vst v63  }
0x5e: {  	_ =	swait.ge [sflag:s29], $0x1000  }
0x5f: {  	s7 =	sld [smem:$0x7EF]  }
0x60: {  	[sflag:s29] =	ssyncset.done $0x0  }
0x61: {  	[sflag:s29] =	ssyncadd.s32 $0xFFFFF000  }
0x62: {  	[spmem:s7] =	stream.linear.scatter [tilespmem:s28], [sflag:$0x9], $0x1000, $0x38;
	[tilespmem:$0x1D000] =	vst v63  }
0x63: {  	_ =	swait.ge [sflag:s29], $0x1000  }
0x64: {  	s26 =	sld [smem:$0x7F0]  }
0x65: {  	[sflag:s29] =	ssyncset.done $0x0  }
0x66: {  	[sflag:s29] =	ssyncadd.s32 $0xFFFFF000  }
0x67: {  	[spmem:s26] =	stream.linear.scatter [tilespmem:s28], [sflag:$0x9], $0x1000, $0x38;
	[tilespmem:$0x1D000] =	vst v63  }
0x68: {  	_ =	swait.ge [sflag:s29], $0x1000  }
0x69: {  	s7 =	sld [smem:$0x7F1]  }
0x6a: {  	[sflag:s29] =	ssyncset.done $0x0  }
0x6b: {  	[sflag:s29] =	ssyncadd.s32 $0xFFFFF000  }
0x6c: {  	[spmem:s7] =	stream.linear.scatter [tilespmem:s28], [sflag:$0x9], $0x1000, $0x38;
	[tilespmem:$0x1D000] =	vst v63  }
0x6d: {  	_ =	swait.ge [sflag:s29], $0x1000  }
0x6e: {  	s26 =	sld [smem:$0x7F2]  }
0x6f: {  	[sflag:s29] =	ssyncset.done $0x0  }
0x70: {  	[sflag:s29] =	ssyncadd.s32 $0xFFFFF000  }
0x71: {  	[spmem:s26] =	stream.linear.scatter [tilespmem:s28], [sflag:$0x9], $0x1000, $0x38;
	[tilespmem:$0x1D000] =	vst v63  }
0x72: {  	_ =	swait.ge [sflag:s29], $0x1000  }
0x73: {  	s7 =	sld [smem:$0x7F3]  }
0x74: {  	[sflag:s29] =	ssyncset.done $0x0  }
0x75: {  	[sflag:s29] =	ssyncadd.s32 $0xFFFFF000  }
0x76: {  	[spmem:s7] =	stream.linear.scatter [tilespmem:s28], [sflag:$0x9], $0x1000, $0x38;
	[tilespmem:$0x1D000] =	vst v63  }
0x77: {  	_ =	swait.ge [sflag:s29], $0x1000  }
0x78: {  	s26 =	sld [smem:$0x7F4]  }
0x79: {  	[sflag:s29] =	ssyncset.done $0x0  }
0x7a: {  	[sflag:s29] =	ssyncadd.s32 $0xFFFFF000  }
0x7b: {  	[spmem:s26] =	stream.linear.scatter [tilespmem:s28], [sflag:$0x9], $0x1000, $0x38;
	[tilespmem:$0x1D000] =	vst v63  }
0x7c: {  	_ =	swait.ge [sflag:s29], $0x1000  }
0x7d: {  	s7 =	sld [smem:$0x7F5]  }
0x7e: {  	[sflag:s29] =	ssyncset.done $0x0  }
0x7f: {  	[sflag:s29] =	ssyncadd.s32 $0xFFFFF000  }
0x80: {  	[spmem:s7] =	stream.linear.scatter [tilespmem:s28], [sflag:$0x9], $0x1000, $0x38;
	[tilespmem:$0x1D000] =	vst v63  }
0x81: {  	_ =	swait.ge [sflag:s29], $0x1000  }
0x82: {  	s26 =	sld [smem:$0x7F6]  }
0x83: {  	[sflag:s29] =	ssyncset.done $0x0  }
0x84: {  	[sflag:s29] =	ssyncadd.s32 $0xFFFFF000  }
0x85: {  	[spmem:s26] =	stream.linear.scatter [tilespmem:s28], [sflag:$0x9], $0x1000, $0x38;
	[tilespmem:$0x1D000] =	vst v63  }
0x86: {  	_ =	swait.ge [sflag:s29], $0x1000  }
0x87: {  	s7 =	sld [smem:$0x7F7]  }
0x88: {  	[sflag:s29] =	ssyncset.done $0x0  }
0x89: {  	[sflag:s29] =	ssyncadd.s32 $0xFFFFF000  }
0x8a: {  	[spmem:s7] =	stream.linear.scatter [tilespmem:s28], [sflag:$0x9], $0x1000, $0x38;
	[tilespmem:$0x1D000] =	vst v63  }
0x8b: {  	_ =	swait.ge [sflag:s29], $0x1000  }
0x8c: {  	s26 =	sld [smem:$0x7F8]  }
0x8d: {  	[sflag:s29] =	ssyncset.done $0x0  }
0x8e: {  	[sflag:s29] =	ssyncadd.s32 $0xFFFFF000  }
0x8f: {  	[spmem:s26] =	stream.linear.scatter [tilespmem:s28], [sflag:$0x9], $0x1000, $0x38;
	[tilespmem:$0x1D000] =	vst v63  }
0x90: {  	_ =	swait.ge [sflag:s29], $0x1000  }
0x91: {  	s7 =	sld [smem:$0x7F9]  }
0x92: {  	[sflag:s29] =	ssyncset.done $0x0  }
0x93: {  	[sflag:s29] =	ssyncadd.s32 $0xFFFFF000  }
0x94: {  	[spmem:s7] =	stream.linear.scatter [tilespmem:s28], [sflag:$0x9], $0x1000, $0x38;
	[tilespmem:$0x1D000] =	vst v63  }
0x95: {  	_ =	swait.ge [sflag:s29], $0x1000  }
0x96: {  	s26 =	sld [smem:$0x7FA]  }
0x97: {  	[sflag:s29] =	ssyncset.done $0x0  }
0x98: {  	[sflag:s29] =	ssyncadd.s32 $0xFFFFF000  }
0x99: {  	[spmem:s26] =	stream.linear.scatter [tilespmem:s28], [sflag:$0x9], $0x1000, $0x38;
	[tilespmem:$0x1D000] =	vst v63  }
0x9a: {  	_ =	swait.ge [sflag:s29], $0x1000  }
0x9b: {  	s7 =	sld [smem:$0x7FB]  }
0x9c: {  	[sflag:s29] =	ssyncset.done $0x0  }
0x9d: {  	[sflag:s29] =	ssyncadd.s32 $0xFFFFF000  }
0x9e: {  	[spmem:s7] =	stream.linear.scatter [tilespmem:s28], [sflag:$0x9], $0x1000, $0x38;
	[tilespmem:$0x1D000] =	vst v63  }
0x9f: {  	_ =	swait.ge [sflag:s29], $0x1000  }
0xa0: {  	s26 =	sld [smem:$0x7FC]  }
0xa1: {  	[sflag:s29] =	ssyncset.done $0x0  }
0xa2: {  	[sflag:s29] =	ssyncadd.s32 $0xFFFFF000  }
0xa3: {  	[spmem:s26] =	stream.linear.scatter [tilespmem:s28], [sflag:$0x9], $0x1000, $0x38;
	[tilespmem:$0x1D000] =	vst v63  }
0xa4: {  	_ =	swait.ge [sflag:s29], $0x1000  }
0xa5: {  	s7 =	sld [smem:$0x7FD]  }
0xa6: {  	[sflag:s29] =	ssyncset.done $0x0  }
0xa7: {  	[sflag:s29] =	ssyncadd.s32 $0xFFFFF000  }
0xa8: {  	[spmem:s7] =	stream.linear.scatter [tilespmem:s28], [sflag:$0x9], $0x1000, $0x38;
	[tilespmem:$0x1D000] =	vst v63  }
0xa9: {  	_ =	swait.ge [sflag:s29], $0x1000  }
0xaa: {  	[sflag:s29] =	ssyncset.done $0x0  }
0xab: {  	[sflag:s29] =	ssyncadd.s32 $0xFFFFF000  }
0xac: {  	[bflag:$0x0] =	sbarrier.arrive $0xFFFF  }
0xad: {  	s26 =	rddreg [dreg:$0x4]  }
0xae: {  	s5 =	sadd.s32 $0x0, s26  }
0xaf: {  	[tilespmem:s3], [sflag:$0x9] =	stream.linear.gather [hbm4b:s5+s3], $0x800, $0x38;
	[tilespmem:$0x1D000] =	vst v63  }
0xb0: {  	_ =	swait.ge [sflag:s29], $0x800  }
0xb1: {  	s7 =	rddreg [dreg:$0x3];
	[sflag:s29] =	ssyncset.done $0x0  }
0xb2: {  	[sflag:s29] =	ssyncadd.s32 $0xFFFFF800;
	s5 =	sadd.s32 $0x0, s7  }
0xb3: {  	[tilespmem:s30], [sflag:$0x9] =	stream.linear.gather [hbm4b:s5+s3], $0x800, $0x38;
	[tilespmem:$0x1D000] =	vst v63  }
0xb4: {  	_ =	swait.ge [sflag:s29], $0x800  }
0xb5: {  	[sflag:s29] =	ssyncset.done $0x0  }
0xb6: {  	[sflag:s29] =	ssyncadd.s32 $0xFFFFF800  }
0xb7: {  	[tilespmem:s28], [sflag:$0x1] =	stream.indirect.gather [hbm4b:s4+s31], $0x80, s3, s31, $0xb8;
	[tilespmem:$0x1D000] =	vst v63  }
0xb8: {  	s26 =	rddreg [dreg:$0x5]  }
0xb9: {  	[tilespmem:s1], [sflag:$0x2] =	stream.indirect.gather [hbm4b:s4+s31], $0x80, s26, s31, $0xb8;
	[tilespmem:$0x1D000] =	vst v63  }
0xba: {  	s7 =	rddreg [dreg:$0x6]  }
0xbb: {  	[tilespmem:s0], [sflag:$0x3] =	stream.indirect.gather [hbm4b:s4+s31], $0x80, s7, s31, $0xb8;
	[tilespmem:$0x1D000] =	vst v63  }
0xbc: {  	s26 =	rddreg [dreg:$0x7]  }
0xbd: {  	[tilespmem:s6], [sflag:$0x4] =	stream.indirect.gather [hbm4b:s4+s31], $0x80, s26, s31, $0xb8;
	[tilespmem:$0x1D000] =	vst v63  }
0xbe: {  	s7 =	rddreg [dreg:$0x8]  }
0xbf: {  	[tilespmem:s8], [sflag:$0x5] =	stream.indirect.gather [hbm4b:s4+s31], $0x80, s7, s31, $0xb8;
	[tilespmem:$0x1D000] =	vst v63  }
0xc0: {  	s26 =	rddreg [dreg:$0x9]  }
0xc1: {  	[tilespmem:s9], [sflag:$0x6] =	stream.indirect.gather [hbm4b:s4+s31], $0x80, s26, s31, $0xb8;
	[tilespmem:$0x1D000] =	vst v63  }
0xc2: {  	s7 =	rddreg [dreg:$0xa]  }
0xc3: {  	[tilespmem:s10], [sflag:$0x7] =	stream.indirect.gather [hbm4b:s4+s31], $0x80, s7, s31, $0xb8;
	[tilespmem:$0x1D000] =	vst v63  }
0xc4: {  	s26 =	rddreg [dreg:$0xb]  }
0xc5: {  	[tilespmem:s11], [sflag:$0x8] =	stream.indirect.gather [hbm4b:s4+s31], $0x80, s26, s31, $0xb8;
	[tilespmem:$0x1D000] =	vst v63  }
0xc6: {  	_ =	swait.ge [sflag:s12], $0x1000  }
0xc7: {  	[sflag:s12] =	ssyncset.done $0x0  }
0xc8: {  	[sflag:s12] =	ssyncadd.s32 $0xFFFFF000  }
0xc9: {  	[spmem:s2] =	stream.indirect.scatter.add.f32 [tilespmem:s28], [sflag:$0x9], $0x80, s30, s31, $0xb8;
	[tilespmem:$0x1D000] =	vst v63  }
0xca: {  	_ =	swait.ge [sflag:s29], $0x1000  }
0xcb: {  	[sflag:s29] =	ssyncset.done $0x0  }
0xcc: {  	s7 =	rddreg [dreg:$0xc];
	[sflag:s29] =	ssyncadd.s32 $0xFFFFF000  }
0xcd: {  	[tilespmem:s28], [sflag:$0x1] =	stream.indirect.gather [hbm4b:s4+s31], $0x80, s7, s31, $0xb8;
	[tilespmem:$0x1D000] =	vst v63  }
0xce: {  	_ =	swait.ge [sflag:s13], $0x1000  }
0xcf: {  	[sflag:s13] =	ssyncset.done $0x0  }
0xd0: {  	s26 =	rddreg [dreg:$0xd];
	[sflag:s13] =	ssyncadd.s32 $0xFFFFF000  }
0xd1: {  	[spmem:s2] =	stream.indirect.scatter.add.f32 [tilespmem:s1], [sflag:$0x9], $0x80, s26, s31, $0xb8;
	[tilespmem:$0x1D000] =	vst v63  }
0xd2: {  	_ =	swait.ge [sflag:s29], $0x1000  }
0xd3: {  	[sflag:s29] =	ssyncset.done $0x0  }
0xd4: {  	s7 =	rddreg [dreg:$0xe];
	[sflag:s29] =	ssyncadd.s32 $0xFFFFF000  }
0xd5: {  	[tilespmem:s1], [sflag:$0x2] =	stream.indirect.gather [hbm4b:s4+s31], $0x80, s7, s31, $0xb8;
	[tilespmem:$0x1D000] =	vst v63  }
0xd6: {  	_ =	swait.ge [sflag:s14], $0x1000  }
0xd7: {  	[sflag:s14] =	ssyncset.done $0x0  }
0xd8: {  	s26 =	rddreg [dreg:$0xf];
	[sflag:s14] =	ssyncadd.s32 $0xFFFFF000  }
0xd9: {  	[spmem:s2] =	stream.indirect.scatter.add.f32 [tilespmem:s0], [sflag:$0x9], $0x80, s26, s31, $0xb8;
	[tilespmem:$0x1D000] =	vst v63  }
0xda: {  	_ =	swait.ge [sflag:s29], $0x1000  }
0xdb: {  	[sflag:s29] =	ssyncset.done $0x0  }
0xdc: {  	s7 =	rddreg [dreg:$0x10];
	[sflag:s29] =	ssyncadd.s32 $0xFFFFF000  }
0xdd: {  	[tilespmem:s0], [sflag:$0x3] =	stream.indirect.gather [hbm4b:s4+s31], $0x80, s7, s31, $0xb8;
	[tilespmem:$0x1D000] =	vst v63  }
0xde: {  	_ =	swait.ge [sflag:s15], $0x1000  }
0xdf: {  	[sflag:s15] =	ssyncset.done $0x0  }
0xe0: {  	s26 =	rddreg [dreg:$0x11];
	[sflag:s15] =	ssyncadd.s32 $0xFFFFF000  }
0xe1: {  	[spmem:s2] =	stream.indirect.scatter.add.f32 [tilespmem:s6], [sflag:$0x9], $0x80, s26, s31, $0xb8;
	[tilespmem:$0x1D000] =	vst v63  }
0xe2: {  	_ =	swait.ge [sflag:s29], $0x1000  }
0xe3: {  	[sflag:s29] =	ssyncset.done $0x0  }
0xe4: {  	s7 =	rddreg [dreg:$0x12];
	[sflag:s29] =	ssyncadd.s32 $0xFFFFF000  }
0xe5: {  	[tilespmem:s6], [sflag:$0x4] =	stream.indirect.gather [hbm4b:s4+s31], $0x80, s7, s31, $0xb8;
	[tilespmem:$0x1D000] =	vst v63  }
0xe6: {  	_ =	swait.ge [sflag:s16], $0x1000  }
0xe7: {  	[sflag:s16] =	ssyncset.done $0x0  }
0xe8: {  	s26 =	rddreg [dreg:$0x13];
	[sflag:s16] =	ssyncadd.s32 $0xFFFFF000  }
0xe9: {  	[spmem:s2] =	stream.indirect.scatter.add.f32 [tilespmem:s8], [sflag:$0x9], $0x80, s26, s31, $0xb8;
	[tilespmem:$0x1D000] =	vst v63  }
0xea: {  	_ =	swait.ge [sflag:s29], $0x1000  }
0xeb: {  	[sflag:s29] =	ssyncset.done $0x0  }
0xec: {  	s7 =	rddreg [dreg:$0x14];
	[sflag:s29] =	ssyncadd.s32 $0xFFFFF000  }
0xed: {  	[tilespmem:s8], [sflag:$0x5] =	stream.indirect.gather [hbm4b:s4+s31], $0x80, s7, s31, $0xb8;
	[tilespmem:$0x1D000] =	vst v63  }
0xee: {  	_ =	swait.ge [sflag:s17], $0x1000  }
0xef: {  	[sflag:s17] =	ssyncset.done $0x0  }
0xf0: {  	s26 =	rddreg [dreg:$0x15];
	[sflag:s17] =	ssyncadd.s32 $0xFFFFF000  }
0xf1: {  	[spmem:s2] =	stream.indirect.scatter.add.f32 [tilespmem:s9], [sflag:$0x9], $0x80, s26, s31, $0xb8;
	[tilespmem:$0x1D000] =	vst v63  }
0xf2: {  	_ =	swait.ge [sflag:s29], $0x1000  }
0xf3: {  	[sflag:s29] =	ssyncset.done $0x0  }
0xf4: {  	s7 =	rddreg [dreg:$0x16];
	[sflag:s29] =	ssyncadd.s32 $0xFFFFF000  }
0xf5: {  	[tilespmem:s9], [sflag:$0x6] =	stream.indirect.gather [hbm4b:s4+s31], $0x80, s7, s31, $0xb8;
	[tilespmem:$0x1D000] =	vst v63  }
0xf6: {  	_ =	swait.ge [sflag:s18], $0x1000  }
0xf7: {  	[sflag:s18] =	ssyncset.done $0x0  }
0xf8: {  	s26 =	rddreg [dreg:$0x17];
	[sflag:s18] =	ssyncadd.s32 $0xFFFFF000  }
0xf9: {  	[spmem:s2] =	stream.indirect.scatter.add.f32 [tilespmem:s10], [sflag:$0x9], $0x80, s26, s31, $0xb8;
	[tilespmem:$0x1D000] =	vst v63  }
0xfa: {  	_ =	swait.ge [sflag:s29], $0x1000  }
0xfb: {  	[sflag:s29] =	ssyncset.done $0x0  }
0xfc: {  	s7 =	rddreg [dreg:$0x18];
	[sflag:s29] =	ssyncadd.s32 $0xFFFFF000  }
0xfd: {  	[tilespmem:s10], [sflag:$0x7] =	stream.indirect.gather [hbm4b:s4+s31], $0x80, s7, s31, $0xb8;
	[tilespmem:$0x1D000] =	vst v63  }
0xfe: {  	_ =	swait.ge [sflag:s19], $0x1000  }
0xff: {  	[sflag:s19] =	ssyncset.done $0x0  }
0x100: {  	s26 =	rddreg [dreg:$0x19];
	[sflag:s19] =	ssyncadd.s32 $0xFFFFF000  }
0x101: {  	[spmem:s2] =	stream.indirect.scatter.add.f32 [tilespmem:s11], [sflag:$0x9], $0x80, s26, s31, $0xb8;
	[tilespmem:$0x1D000] =	vst v63  }
0x102: {  	_ =	swait.ge [sflag:s29], $0x1000  }
0x103: {  	[sflag:s29] =	ssyncset.done $0x0  }
0x104: {  	s7 =	rddreg [dreg:$0x1a];
	[sflag:s29] =	ssyncadd.s32 $0xFFFFF000  }
0x105: {  	[tilespmem:s11], [sflag:$0x8] =	stream.indirect.gather [hbm4b:s4+s31], $0x80, s7, s31, $0xb8;
	[tilespmem:$0x1D000] =	vst v63  }
0x106: {  	_ =	swait.ge [sflag:s12], $0x1000  }
0x107: {  	[sflag:s12] =	ssyncset.done $0x0  }
0x108: {  	s26 =	rddreg [dreg:$0x1b];
	[sflag:s12] =	ssyncadd.s32 $0xFFFFF000  }
0x109: {  	[spmem:s2] =	stream.indirect.scatter.add.f32 [tilespmem:s28], [sflag:$0x9], $0x80, s26, s31, $0xb8;
	[tilespmem:$0x1D000] =	vst v63  }
0x10a: {  	_ =	swait.ge [sflag:s29], $0x1000  }
0x10b: {  	[sflag:s29] =	ssyncset.done $0x0  }
0x10c: {  	[sflag:s29] =	ssyncadd.s32 $0xFFFFF000  }
0x10d: {  	_ =	swait.ge [sflag:s13], $0x1000  }
0x10e: {  	[sflag:s13] =	ssyncset.done $0x0  }
0x10f: {  	s7 =	rddreg [dreg:$0x1c];
	[sflag:s13] =	ssyncadd.s32 $0xFFFFF000  }
0x110: {  	[spmem:s2] =	stream.indirect.scatter.add.f32 [tilespmem:s1], [sflag:$0x9], $0x80, s7, s31, $0xb8;
	[tilespmem:$0x1D000] =	vst v63  }
0x111: {  	_ =	swait.ge [sflag:s29], $0x1000  }
0x112: {  	[sflag:s29] =	ssyncset.done $0x0  }
0x113: {  	[sflag:s29] =	ssyncadd.s32 $0xFFFFF000  }
0x114: {  	_ =	swait.ge [sflag:s14], $0x1000  }
0x115: {  	[sflag:s14] =	ssyncset.done $0x0  }
0x116: {  	s26 =	rddreg [dreg:$0x1d];
	[sflag:s14] =	ssyncadd.s32 $0xFFFFF000  }
0x117: {  	[spmem:s2] =	stream.indirect.scatter.add.f32 [tilespmem:s0], [sflag:$0x9], $0x80, s26, s31, $0xb8;
	[tilespmem:$0x1D000] =	vst v63  }
0x118: {  	_ =	swait.ge [sflag:s29], $0x1000  }
0x119: {  	[sflag:s29] =	ssyncset.done $0x0  }
0x11a: {  	[sflag:s29] =	ssyncadd.s32 $0xFFFFF000  }
0x11b: {  	_ =	swait.ge [sflag:s15], $0x1000  }
0x11c: {  	[sflag:s15] =	ssyncset.done $0x0  }
0x11d: {  	[sflag:s15] =	ssyncadd.s32 $0xFFFFF000  }
0x11e: {  	[spmem:s2] =	stream.indirect.scatter.add.f32 [tilespmem:s6], [sflag:$0x9], $0x80, s20, s31, $0xb8;
	[tilespmem:$0x1D000] =	vst v63  }
0x11f: {  	_ =	swait.ge [sflag:s29], $0x1000  }
0x120: {  	[sflag:s29] =	ssyncset.done $0x0  }
0x121: {  	[sflag:s29] =	ssyncadd.s32 $0xFFFFF000  }
0x122: {  	_ =	swait.ge [sflag:s16], $0x1000  }
0x123: {  	[sflag:s16] =	ssyncset.done $0x0  }
0x124: {  	[sflag:s16] =	ssyncadd.s32 $0xFFFFF000  }
0x125: {  	[spmem:s2] =	stream.indirect.scatter.add.f32 [tilespmem:s8], [sflag:$0x9], $0x80, s21, s31, $0xb8;
	[tilespmem:$0x1D000] =	vst v63  }
0x126: {  	_ =	swait.ge [sflag:s29], $0x1000  }
0x127: {  	[sflag:s29] =	ssyncset.done $0x0  }
0x128: {  	[sflag:s29] =	ssyncadd.s32 $0xFFFFF000  }
0x129: {  	_ =	swait.ge [sflag:s17], $0x1000  }
0x12a: {  	[sflag:s17] =	ssyncset.done $0x0  }
0x12b: {  	[sflag:s17] =	ssyncadd.s32 $0xFFFFF000  }
0x12c: {  	[spmem:s2] =	stream.indirect.scatter.add.f32 [tilespmem:s9], [sflag:$0x9], $0x80, s22, s31, $0xb8;
	[tilespmem:$0x1D000] =	vst v63  }
0x12d: {  	_ =	swait.ge [sflag:s29], $0x1000  }
0x12e: {  	[sflag:s29] =	ssyncset.done $0x0  }
0x12f: {  	[sflag:s29] =	ssyncadd.s32 $0xFFFFF000  }
0x130: {  	_ =	swait.ge [sflag:s18], $0x1000  }
0x131: {  	[sflag:s18] =	ssyncset.done $0x0  }
0x132: {  	[sflag:s18] =	ssyncadd.s32 $0xFFFFF000  }
0x133: {  	[spmem:s2] =	stream.indirect.scatter.add.f32 [tilespmem:s10], [sflag:$0x9], $0x80, s23, s31, $0xb8;
	[tilespmem:$0x1D000] =	vst v63  }
0x134: {  	_ =	swait.ge [sflag:s29], $0x1000  }
0x135: {  	[sflag:s29] =	ssyncset.done $0x0  }
0x136: {  	[sflag:s29] =	ssyncadd.s32 $0xFFFFF000  }
0x137: {  	_ =	swait.ge [sflag:s19], $0x1000  }
0x138: {  	[sflag:s19] =	ssyncset.done $0x0  }
0x139: {  	[sflag:s19] =	ssyncadd.s32 $0xFFFFF000  }
0x13a: {  	[spmem:s2] =	stream.indirect.scatter.add.f32 [tilespmem:s11], [sflag:$0x9], $0x80, s24, s31, $0xb8;
	[tilespmem:$0x1D000] =	vst v63  }
0x13b: {  	s5 =	simm.s32 $0x200;
	s7 =	simm.s32 $0x100;
	_ =	swait.ge [sflag:s29], $0x1000  }
0x13c: {  	s21 =	simm.s32 $0xE00;
	s26 =	rddreg [dreg:$0x4];
	[sflag:s29] =	ssyncset.done $0x0  }
.LBB2_4:
0x13d: {  	[sflag:s29] =	ssyncadd.s32 $0xFFFFF000;
	s26 =	sadd.s32 s7, s26  }
0x13e: {  	[tilespmem:s3], [sflag:$0x9] =	stream.linear.gather [hbm4b:s26+s3], $0x800, $0x38;
	[tilespmem:$0x1D000] =	vst v63  }
0x13f: {  	_ =	swait.ge [sflag:s29], $0x800  }
0x140: {  	s26 =	rddreg [dreg:$0x3];
	[sflag:s29] =	ssyncset.done $0x0  }
0x141: {  	[sflag:s29] =	ssyncadd.s32 $0xFFFFF800;
	s26 =	sadd.s32 s7, s26  }
0x142: {  	[tilespmem:s30], [sflag:$0x9] =	stream.linear.gather [hbm4b:s26+s3], $0x800, $0x38;
	[tilespmem:$0x1D000] =	vst v63  }
0x143: {  	_ =	swait.ge [sflag:s29], $0x800  }
0x144: {  	[sflag:s29] =	ssyncset.done $0x0  }
0x145: {  	s20 =	smov.u32 s5;
	[sflag:s29] =	ssyncadd.s32 $0xFFFFF800  }
0x146: {  	[tilespmem:s28], [sflag:$0x1] =	stream.indirect.gather [hbm4b:s4+s31], $0x80, s3, s31, $0xb8;
	[tilespmem:$0x1D000] =	vst v63  }
0x147: {  	s7 =	smov.u32 s20;
	s20 =	rddreg [dreg:$0x5]  }
0x148: {  	[tilespmem:s1], [sflag:$0x2] =	stream.indirect.gather [hbm4b:s4+s31], $0x80, s20, s31, $0xb8;
	[tilespmem:$0x1D000] =	vst v63  }
0x149: {  	s26 =	rddreg [dreg:$0x6]  }
0x14a: {  	[tilespmem:s0], [sflag:$0x3] =	stream.indirect.gather [hbm4b:s4+s31], $0x80, s26, s31, $0xb8;
	[tilespmem:$0x1D000] =	vst v63  }
0x14b: {  	s20 =	rddreg [dreg:$0x7]  }
0x14c: {  	[tilespmem:s6], [sflag:$0x4] =	stream.indirect.gather [hbm4b:s4+s31], $0x80, s20, s31, $0xb8;
	[tilespmem:$0x1D000] =	vst v63  }
0x14d: {  	s26 =	rddreg [dreg:$0x8]  }
0x14e: {  	[tilespmem:s8], [sflag:$0x5] =	stream.indirect.gather [hbm4b:s4+s31], $0x80, s26, s31, $0xb8;
	[tilespmem:$0x1D000] =	vst v63  }
0x14f: {  	s20 =	rddreg [dreg:$0x9]  }
0x150: {  	[tilespmem:s9], [sflag:$0x6] =	stream.indirect.gather [hbm4b:s4+s31], $0x80, s20, s31, $0xb8;
	[tilespmem:$0x1D000] =	vst v63  }
0x151: {  	s26 =	rddreg [dreg:$0xa]  }
0x152: {  	[tilespmem:s10], [sflag:$0x7] =	stream.indirect.gather [hbm4b:s4+s31], $0x80, s26, s31, $0xb8;
	[tilespmem:$0x1D000] =	vst v63  }
0x153: {  	s20 =	rddreg [dreg:$0xb]  }
0x154: {  	[tilespmem:s11], [sflag:$0x8] =	stream.indirect.gather [hbm4b:s4+s31], $0x80, s20, s31, $0xb8;
	[tilespmem:$0x1D000] =	vst v63  }
0x155: {  	_ =	swait.ge [sflag:s12], $0x1000  }
0x156: {  	[sflag:s12] =	ssyncset.done $0x0  }
0x157: {  	[sflag:s12] =	ssyncadd.s32 $0xFFFFF000  }
0x158: {  	[spmem:s2] =	stream.indirect.scatter.add.f32 [tilespmem:s28], [sflag:$0x9], $0x80, s30, s31, $0xb8;
	[tilespmem:$0x1D000] =	vst v63  }
0x159: {  	_ =	swait.ge [sflag:s29], $0x1000  }
0x15a: {  	[sflag:s29] =	ssyncset.done $0x0  }
0x15b: {  	s26 =	rddreg [dreg:$0xc];
	[sflag:s29] =	ssyncadd.s32 $0xFFFFF000  }
0x15c: {  	[tilespmem:s28], [sflag:$0x1] =	stream.indirect.gather [hbm4b:s4+s31], $0x80, s26, s31, $0xb8;
	[tilespmem:$0x1D000] =	vst v63  }
0x15d: {  	_ =	swait.ge [sflag:s13], $0x1000  }
0x15e: {  	[sflag:s13] =	ssyncset.done $0x0  }
0x15f: {  	s26 =	rddreg [dreg:$0xd];
	[sflag:s13] =	ssyncadd.s32 $0xFFFFF000  }
0x160: {  	[spmem:s2] =	stream.indirect.scatter.add.f32 [tilespmem:s1], [sflag:$0x9], $0x80, s26, s31, $0xb8;
	[tilespmem:$0x1D000] =	vst v63  }
0x161: {  	_ =	swait.ge [sflag:s29], $0x1000  }
0x162: {  	[sflag:s29] =	ssyncset.done $0x0  }
0x163: {  	s26 =	rddreg [dreg:$0xe];
	[sflag:s29] =	ssyncadd.s32 $0xFFFFF000  }
0x164: {  	[tilespmem:s1], [sflag:$0x2] =	stream.indirect.gather [hbm4b:s4+s31], $0x80, s26, s31, $0xb8;
	[tilespmem:$0x1D000] =	vst v63  }
0x165: {  	_ =	swait.ge [sflag:s14], $0x1000  }
0x166: {  	[sflag:s14] =	ssyncset.done $0x0  }
0x167: {  	s26 =	rddreg [dreg:$0xf];
	[sflag:s14] =	ssyncadd.s32 $0xFFFFF000  }
0x168: {  	[spmem:s2] =	stream.indirect.scatter.add.f32 [tilespmem:s0], [sflag:$0x9], $0x80, s26, s31, $0xb8;
	[tilespmem:$0x1D000] =	vst v63  }
0x169: {  	_ =	swait.ge [sflag:s29], $0x1000  }
0x16a: {  	[sflag:s29] =	ssyncset.done $0x0  }
0x16b: {  	s26 =	rddreg [dreg:$0x10];
	[sflag:s29] =	ssyncadd.s32 $0xFFFFF000  }
0x16c: {  	[tilespmem:s0], [sflag:$0x3] =	stream.indirect.gather [hbm4b:s4+s31], $0x80, s26, s31, $0xb8;
	[tilespmem:$0x1D000] =	vst v63  }
0x16d: {  	_ =	swait.ge [sflag:s15], $0x1000  }
0x16e: {  	[sflag:s15] =	ssyncset.done $0x0  }
0x16f: {  	s26 =	rddreg [dreg:$0x11];
	[sflag:s15] =	ssyncadd.s32 $0xFFFFF000  }
0x170: {  	[spmem:s2] =	stream.indirect.scatter.add.f32 [tilespmem:s6], [sflag:$0x9], $0x80, s26, s31, $0xb8;
	[tilespmem:$0x1D000] =	vst v63  }
0x171: {  	_ =	swait.ge [sflag:s29], $0x1000  }
0x172: {  	[sflag:s29] =	ssyncset.done $0x0  }
0x173: {  	s26 =	rddreg [dreg:$0x12];
	[sflag:s29] =	ssyncadd.s32 $0xFFFFF000  }
0x174: {  	[tilespmem:s6], [sflag:$0x4] =	stream.indirect.gather [hbm4b:s4+s31], $0x80, s26, s31, $0xb8;
	[tilespmem:$0x1D000] =	vst v63  }
0x175: {  	_ =	swait.ge [sflag:s16], $0x1000  }
0x176: {  	[sflag:s16] =	ssyncset.done $0x0  }
0x177: {  	s26 =	rddreg [dreg:$0x13];
	[sflag:s16] =	ssyncadd.s32 $0xFFFFF000  }
0x178: {  	[spmem:s2] =	stream.indirect.scatter.add.f32 [tilespmem:s8], [sflag:$0x9], $0x80, s26, s31, $0xb8;
	[tilespmem:$0x1D000] =	vst v63  }
0x179: {  	_ =	swait.ge [sflag:s29], $0x1000  }
0x17a: {  	[sflag:s29] =	ssyncset.done $0x0  }
0x17b: {  	s26 =	rddreg [dreg:$0x14];
	[sflag:s29] =	ssyncadd.s32 $0xFFFFF000  }
0x17c: {  	[tilespmem:s8], [sflag:$0x5] =	stream.indirect.gather [hbm4b:s4+s31], $0x80, s26, s31, $0xb8;
	[tilespmem:$0x1D000] =	vst v63  }
0x17d: {  	_ =	swait.ge [sflag:s17], $0x1000  }
0x17e: {  	[sflag:s17] =	ssyncset.done $0x0  }
0x17f: {  	s26 =	rddreg [dreg:$0x15];
	[sflag:s17] =	ssyncadd.s32 $0xFFFFF000  }
0x180: {  	[spmem:s2] =	stream.indirect.scatter.add.f32 [tilespmem:s9], [sflag:$0x9], $0x80, s26, s31, $0xb8;
	[tilespmem:$0x1D000] =	vst v63  }
0x181: {  	_ =	swait.ge [sflag:s29], $0x1000  }
0x182: {  	[sflag:s29] =	ssyncset.done $0x0  }
0x183: {  	s26 =	rddreg [dreg:$0x16];
	[sflag:s29] =	ssyncadd.s32 $0xFFFFF000  }
0x184: {  	[tilespmem:s9], [sflag:$0x6] =	stream.indirect.gather [hbm4b:s4+s31], $0x80, s26, s31, $0xb8;
	[tilespmem:$0x1D000] =	vst v63  }
0x185: {  	_ =	swait.ge [sflag:s18], $0x1000  }
0x186: {  	[sflag:s18] =	ssyncset.done $0x0  }
0x187: {  	s26 =	rddreg [dreg:$0x17];
	[sflag:s18] =	ssyncadd.s32 $0xFFFFF000  }
0x188: {  	[spmem:s2] =	stream.indirect.scatter.add.f32 [tilespmem:s10], [sflag:$0x9], $0x80, s26, s31, $0xb8;
	[tilespmem:$0x1D000] =	vst v63  }
0x189: {  	_ =	swait.ge [sflag:s29], $0x1000  }
0x18a: {  	[sflag:s29] =	ssyncset.done $0x0  }
0x18b: {  	s26 =	rddreg [dreg:$0x18];
	[sflag:s29] =	ssyncadd.s32 $0xFFFFF000  }
0x18c: {  	[tilespmem:s10], [sflag:$0x7] =	stream.indirect.gather [hbm4b:s4+s31], $0x80, s26, s31, $0xb8;
	[tilespmem:$0x1D000] =	vst v63  }
0x18d: {  	_ =	swait.ge [sflag:s19], $0x1000  }
0x18e: {  	[sflag:s19] =	ssyncset.done $0x0  }
0x18f: {  	s26 =	rddreg [dreg:$0x19];
	[sflag:s19] =	ssyncadd.s32 $0xFFFFF000  }
0x190: {  	[spmem:s2] =	stream.indirect.scatter.add.f32 [tilespmem:s11], [sflag:$0x9], $0x80, s26, s31, $0xb8;
	[tilespmem:$0x1D000] =	vst v63  }
0x191: {  	_ =	swait.ge [sflag:s29], $0x1000  }
0x192: {  	[sflag:s29] =	ssyncset.done $0x0  }
0x193: {  	s26 =	rddreg [dreg:$0x1a];
	[sflag:s29] =	ssyncadd.s32 $0xFFFFF000  }
0x194: {  	[tilespmem:s11], [sflag:$0x8] =	stream.indirect.gather [hbm4b:s4+s31], $0x80, s26, s31, $0xb8;
	[tilespmem:$0x1D000] =	vst v63  }
0x195: {  	_ =	swait.ge [sflag:s12], $0x1000  }
0x196: {  	[sflag:s12] =	ssyncset.done $0x0  }
0x197: {  	s26 =	rddreg [dreg:$0x1b];
	[sflag:s12] =	ssyncadd.s32 $0xFFFFF000  }
0x198: {  	[spmem:s2] =	stream.indirect.scatter.add.f32 [tilespmem:s28], [sflag:$0x9], $0x80, s26, s31, $0xb8;
	[tilespmem:$0x1D000] =	vst v63  }
0x199: {  	_ =	swait.ge [sflag:s29], $0x1000  }
0x19a: {  	[sflag:s29] =	ssyncset.done $0x0  }
0x19b: {  	[sflag:s29] =	ssyncadd.s32 $0xFFFFF000  }
0x19c: {  	_ =	swait.ge [sflag:s13], $0x1000  }
0x19d: {  	[sflag:s13] =	ssyncset.done $0x0  }
0x19e: {  	s26 =	rddreg [dreg:$0x1c];
	[sflag:s13] =	ssyncadd.s32 $0xFFFFF000  }
0x19f: {  	[spmem:s2] =	stream.indirect.scatter.add.f32 [tilespmem:s1], [sflag:$0x9], $0x80, s26, s31, $0xb8;
	[tilespmem:$0x1D000] =	vst v63  }
0x1a0: {  	_ =	swait.ge [sflag:s29], $0x1000  }
0x1a1: {  	[sflag:s29] =	ssyncset.done $0x0  }
0x1a2: {  	[sflag:s29] =	ssyncadd.s32 $0xFFFFF000  }
0x1a3: {  	_ =	swait.ge [sflag:s14], $0x1000  }
0x1a4: {  	[sflag:s14] =	ssyncset.done $0x0  }
0x1a5: {  	s26 =	rddreg [dreg:$0x1d];
	[sflag:s14] =	ssyncadd.s32 $0xFFFFF000  }
0x1a6: {  	[spmem:s2] =	stream.indirect.scatter.add.f32 [tilespmem:s0], [sflag:$0x9], $0x80, s26, s31, $0xb8;
	[tilespmem:$0x1D000] =	vst v63  }
0x1a7: {  	_ =	swait.ge [sflag:s29], $0x1000  }
0x1a8: {  	[sflag:s29] =	ssyncset.done $0x0  }
0x1a9: {  	[sflag:s29] =	ssyncadd.s32 $0xFFFFF000  }
0x1aa: {  	_ =	swait.ge [sflag:s15], $0x1000  }
0x1ab: {  	[sflag:s15] =	ssyncset.done $0x0  }
0x1ac: {  	s20 =	simm.s32 $0xD80;
	[sflag:s15] =	ssyncadd.s32 $0xFFFFF000  }
0x1ad: {  	[spmem:s2] =	stream.indirect.scatter.add.f32 [tilespmem:s6], [sflag:$0x9], $0x80, s20, s31, $0xb8;
	[tilespmem:$0x1D000] =	vst v63  }
0x1ae: {  	_ =	swait.ge [sflag:s29], $0x1000  }
0x1af: {  	[sflag:s29] =	ssyncset.done $0x0  }
0x1b0: {  	[sflag:s29] =	ssyncadd.s32 $0xFFFFF000  }
0x1b1: {  	_ =	swait.ge [sflag:s16], $0x1000  }
0x1b2: {  	[sflag:s16] =	ssyncset.done $0x0  }
0x1b3: {  	[sflag:s16] =	ssyncadd.s32 $0xFFFFF000  }
0x1b4: {  	[spmem:s2] =	stream.indirect.scatter.add.f32 [tilespmem:s8], [sflag:$0x9], $0x80, s21, s31, $0xb8;
	[tilespmem:$0x1D000] =	vst v63  }
0x1b5: {  	_ =	swait.ge [sflag:s29], $0x1000  }
0x1b6: {  	[sflag:s29] =	ssyncset.done $0x0  }
0x1b7: {  	[sflag:s29] =	ssyncadd.s32 $0xFFFFF000  }
0x1b8: {  	_ =	swait.ge [sflag:s17], $0x1000  }
0x1b9: {  	[sflag:s17] =	ssyncset.done $0x0  }
0x1ba: {  	[sflag:s17] =	ssyncadd.s32 $0xFFFFF000  }
0x1bb: {  	[spmem:s2] =	stream.indirect.scatter.add.f32 [tilespmem:s9], [sflag:$0x9], $0x80, s22, s31, $0xb8;
	[tilespmem:$0x1D000] =	vst v63  }
0x1bc: {  	_ =	swait.ge [sflag:s29], $0x1000  }
0x1bd: {  	[sflag:s29] =	ssyncset.done $0x0  }
0x1be: {  	[sflag:s29] =	ssyncadd.s32 $0xFFFFF000  }
0x1bf: {  	_ =	swait.ge [sflag:s18], $0x1000  }
0x1c0: {  	[sflag:s18] =	ssyncset.done $0x0  }
0x1c1: {  	[sflag:s18] =	ssyncadd.s32 $0xFFFFF000  }
0x1c2: {  	[spmem:s2] =	stream.indirect.scatter.add.f32 [tilespmem:s10], [sflag:$0x9], $0x80, s23, s31, $0xb8;
	[tilespmem:$0x1D000] =	vst v63  }
0x1c3: {  	_ =	swait.ge [sflag:s29], $0x1000  }
0x1c4: {  	[sflag:s29] =	ssyncset.done $0x0  }
0x1c5: {  	[sflag:s29] =	ssyncadd.s32 $0xFFFFF000  }
0x1c6: {  	p0 =	sne.s32 s5, $0x1300;
	_ =	swait.ge [sflag:s19], $0x1000  }
.Ltmp1:
0x1c7: {  	[sflag:s19] =	ssyncset.done $0x0;
	(pc) =	sbr.rel @p0 .LBB2_4-.Ltmp1, $4  }
0x1c8: {  	[sflag:s19] =	ssyncadd.s32 $0xFFFFF000  }
0x1c9: {  	[spmem:s2] =	stream.indirect.scatter.add.f32 [tilespmem:s11], [sflag:$0x9], $0x80, s24, s31, $0xb8;
	[tilespmem:$0x1D000] =	vst v63  }
0x1ca: {  	_ =	swait.ge [sflag:s29], $0x1000  }
0x1cb: {  	s5 =	sadd.s32 $0x100, s5;
	s26 =	rddreg [dreg:$0x4];
	[sflag:s29] =	ssyncset.done $0x0  }
0x1cc: {  	[sflag:s29] =	ssyncadd.s32 $0xFFFFF000;
	s5 =	sadd.s32 s7, s26  }
0x1cd: {  	[tilespmem:s3], [sflag:$0x9] =	stream.linear.gather [hbm4b:s5+s3], $0x800, $0x38;
	[tilespmem:$0x1D000] =	vst v63  }
0x1ce: {  	_ =	swait.ge [sflag:s29], $0x800  }
0x1cf: {  	s26 =	rddreg [dreg:$0x3];
	[sflag:s29] =	ssyncset.done $0x0  }
0x1d0: {  	[sflag:s29] =	ssyncadd.s32 $0xFFFFF800;
	s5 =	sadd.s32 s7, s26  }
0x1d1: {  	[tilespmem:s30], [sflag:$0x9] =	stream.linear.gather [hbm4b:s5+s3], $0x800, $0x38;
	[tilespmem:$0x1D000] =	vst v63  }
0x1d2: {  	_ =	swait.ge [sflag:s29], $0x800  }
0x1d3: {  	[sflag:s29] =	ssyncset.done $0x0  }
0x1d4: {  	[sflag:s29] =	ssyncadd.s32 $0xFFFFF800  }
0x1d5: {  	[tilespmem:s28], [sflag:$0x1] =	stream.indirect.gather [hbm4b:s4+s31], $0x80, s3, s31, $0xb8;
	[tilespmem:$0x1D000] =	vst v63  }
0x1d6: {  	s26 =	rddreg [dreg:$0x5]  }
0x1d7: {  	[tilespmem:s1], [sflag:$0x2] =	stream.indirect.gather [hbm4b:s4+s31], $0x80, s26, s31, $0xb8;
	[tilespmem:$0x1D000] =	vst v63  }
0x1d8: {  	s7 =	rddreg [dreg:$0x6]  }
0x1d9: {  	[tilespmem:s0], [sflag:$0x3] =	stream.indirect.gather [hbm4b:s4+s31], $0x80, s7, s31, $0xb8;
	[tilespmem:$0x1D000] =	vst v63  }
0x1da: {  	s26 =	rddreg [dreg:$0x7]  }
0x1db: {  	[tilespmem:s6], [sflag:$0x4] =	stream.indirect.gather [hbm4b:s4+s31], $0x80, s26, s31, $0xb8;
	[tilespmem:$0x1D000] =	vst v63  }
0x1dc: {  	s7 =	rddreg [dreg:$0x8]  }
0x1dd: {  	[tilespmem:s8], [sflag:$0x5] =	stream.indirect.gather [hbm4b:s4+s31], $0x80, s7, s31, $0xb8;
	[tilespmem:$0x1D000] =	vst v63  }
0x1de: {  	s26 =	rddreg [dreg:$0x9]  }
0x1df: {  	[tilespmem:s9], [sflag:$0x6] =	stream.indirect.gather [hbm4b:s4+s31], $0x80, s26, s31, $0xb8;
	[tilespmem:$0x1D000] =	vst v63  }
0x1e0: {  	s7 =	rddreg [dreg:$0xa]  }
0x1e1: {  	[tilespmem:s10], [sflag:$0x7] =	stream.indirect.gather [hbm4b:s4+s31], $0x80, s7, s31, $0xb8;
	[tilespmem:$0x1D000] =	vst v63  }
0x1e2: {  	s26 =	rddreg [dreg:$0xb]  }
0x1e3: {  	[tilespmem:s11], [sflag:$0x8] =	stream.indirect.gather [hbm4b:s4+s31], $0x80, s26, s31, $0xb8;
	[tilespmem:$0x1D000] =	vst v63  }
0x1e4: {  	_ =	swait.ge [sflag:s12], $0x1000  }
0x1e5: {  	[sflag:s12] =	ssyncset.done $0x0  }
0x1e6: {  	[sflag:s12] =	ssyncadd.s32 $0xFFFFF000  }
0x1e7: {  	[spmem:s2] =	stream.indirect.scatter.add.f32 [tilespmem:s28], [sflag:$0x9], $0x80, s30, s31, $0xb8;
	[tilespmem:$0x1D000] =	vst v63  }
0x1e8: {  	_ =	swait.ge [sflag:s29], $0x1000  }
0x1e9: {  	[sflag:s29] =	ssyncset.done $0x0  }
0x1ea: {  	s26 =	rddreg [dreg:$0xc];
	[sflag:s29] =	ssyncadd.s32 $0xFFFFF000  }
0x1eb: {  	[tilespmem:s28], [sflag:$0x1] =	stream.indirect.gather [hbm4b:s4+s31], $0x80, s26, s31, $0xb8;
	[tilespmem:$0x1D000] =	vst v63  }
0x1ec: {  	_ =	swait.ge [sflag:s13], $0x1000  }
0x1ed: {  	[sflag:s13] =	ssyncset.done $0x0  }
0x1ee: {  	s7 =	rddreg [dreg:$0xd];
	[sflag:s13] =	ssyncadd.s32 $0xFFFFF000  }
0x1ef: {  	[spmem:s2] =	stream.indirect.scatter.add.f32 [tilespmem:s1], [sflag:$0x9], $0x80, s7, s31, $0xb8;
	[tilespmem:$0x1D000] =	vst v63  }
0x1f0: {  	_ =	swait.ge [sflag:s29], $0x1000  }
0x1f1: {  	[sflag:s29] =	ssyncset.done $0x0  }
0x1f2: {  	s26 =	rddreg [dreg:$0xe];
	[sflag:s29] =	ssyncadd.s32 $0xFFFFF000  }
0x1f3: {  	[tilespmem:s1], [sflag:$0x2] =	stream.indirect.gather [hbm4b:s4+s31], $0x80, s26, s31, $0xb8;
	[tilespmem:$0x1D000] =	vst v63  }
0x1f4: {  	_ =	swait.ge [sflag:s14], $0x1000  }
0x1f5: {  	[sflag:s14] =	ssyncset.done $0x0  }
0x1f6: {  	s7 =	rddreg [dreg:$0xf];
	[sflag:s14] =	ssyncadd.s32 $0xFFFFF000  }
0x1f7: {  	[spmem:s2] =	stream.indirect.scatter.add.f32 [tilespmem:s0], [sflag:$0x9], $0x80, s7, s31, $0xb8;
	[tilespmem:$0x1D000] =	vst v63  }
0x1f8: {  	_ =	swait.ge [sflag:s29], $0x1000  }
0x1f9: {  	[sflag:s29] =	ssyncset.done $0x0  }
0x1fa: {  	s26 =	rddreg [dreg:$0x10];
	[sflag:s29] =	ssyncadd.s32 $0xFFFFF000  }
0x1fb: {  	[tilespmem:s0], [sflag:$0x3] =	stream.indirect.gather [hbm4b:s4+s31], $0x80, s26, s31, $0xb8;
	[tilespmem:$0x1D000] =	vst v63  }
0x1fc: {  	_ =	swait.ge [sflag:s15], $0x1000  }
0x1fd: {  	[sflag:s15] =	ssyncset.done $0x0  }
0x1fe: {  	s7 =	rddreg [dreg:$0x11];
	[sflag:s15] =	ssyncadd.s32 $0xFFFFF000  }
0x1ff: {  	[spmem:s2] =	stream.indirect.scatter.add.f32 [tilespmem:s6], [sflag:$0x9], $0x80, s7, s31, $0xb8;
	[tilespmem:$0x1D000] =	vst v63  }
0x200: {  	_ =	swait.ge [sflag:s29], $0x1000  }
0x201: {  	[sflag:s29] =	ssyncset.done $0x0  }
0x202: {  	s26 =	rddreg [dreg:$0x12];
	[sflag:s29] =	ssyncadd.s32 $0xFFFFF000  }
0x203: {  	[tilespmem:s6], [sflag:$0x4] =	stream.indirect.gather [hbm4b:s4+s31], $0x80, s26, s31, $0xb8;
	[tilespmem:$0x1D000] =	vst v63  }
0x204: {  	_ =	swait.ge [sflag:s16], $0x1000  }
0x205: {  	[sflag:s16] =	ssyncset.done $0x0  }
0x206: {  	s7 =	rddreg [dreg:$0x13];
	[sflag:s16] =	ssyncadd.s32 $0xFFFFF000  }
0x207: {  	[spmem:s2] =	stream.indirect.scatter.add.f32 [tilespmem:s8], [sflag:$0x9], $0x80, s7, s31, $0xb8;
	[tilespmem:$0x1D000] =	vst v63  }
0x208: {  	_ =	swait.ge [sflag:s29], $0x1000  }
0x209: {  	[sflag:s29] =	ssyncset.done $0x0  }
0x20a: {  	s26 =	rddreg [dreg:$0x14];
	[sflag:s29] =	ssyncadd.s32 $0xFFFFF000  }
0x20b: {  	[tilespmem:s8], [sflag:$0x5] =	stream.indirect.gather [hbm4b:s4+s31], $0x80, s26, s31, $0xb8;
	[tilespmem:$0x1D000] =	vst v63  }
0x20c: {  	_ =	swait.ge [sflag:s17], $0x1000  }
0x20d: {  	[sflag:s17] =	ssyncset.done $0x0  }
0x20e: {  	s7 =	rddreg [dreg:$0x15];
	[sflag:s17] =	ssyncadd.s32 $0xFFFFF000  }
0x20f: {  	[spmem:s2] =	stream.indirect.scatter.add.f32 [tilespmem:s9], [sflag:$0x9], $0x80, s7, s31, $0xb8;
	[tilespmem:$0x1D000] =	vst v63  }
0x210: {  	_ =	swait.ge [sflag:s29], $0x1000  }
0x211: {  	[sflag:s29] =	ssyncset.done $0x0  }
0x212: {  	s26 =	rddreg [dreg:$0x16];
	[sflag:s29] =	ssyncadd.s32 $0xFFFFF000  }
0x213: {  	[tilespmem:s9], [sflag:$0x6] =	stream.indirect.gather [hbm4b:s4+s31], $0x80, s26, s31, $0xb8;
	[tilespmem:$0x1D000] =	vst v63  }
0x214: {  	_ =	swait.ge [sflag:s18], $0x1000  }
0x215: {  	[sflag:s18] =	ssyncset.done $0x0  }
0x216: {  	s7 =	rddreg [dreg:$0x17];
	[sflag:s18] =	ssyncadd.s32 $0xFFFFF000  }
0x217: {  	[spmem:s2] =	stream.indirect.scatter.add.f32 [tilespmem:s10], [sflag:$0x9], $0x80, s7, s31, $0xb8;
	[tilespmem:$0x1D000] =	vst v63  }
0x218: {  	_ =	swait.ge [sflag:s29], $0x1000  }
0x219: {  	[sflag:s29] =	ssyncset.done $0x0  }
0x21a: {  	s26 =	rddreg [dreg:$0x18];
	[sflag:s29] =	ssyncadd.s32 $0xFFFFF000  }
0x21b: {  	[tilespmem:s10], [sflag:$0x7] =	stream.indirect.gather [hbm4b:s4+s31], $0x80, s26, s31, $0xb8;
	[tilespmem:$0x1D000] =	vst v63  }
0x21c: {  	_ =	swait.ge [sflag:s19], $0x1000  }
0x21d: {  	[sflag:s19] =	ssyncset.done $0x0  }
0x21e: {  	s7 =	rddreg [dreg:$0x19];
	[sflag:s19] =	ssyncadd.s32 $0xFFFFF000  }
0x21f: {  	[spmem:s2] =	stream.indirect.scatter.add.f32 [tilespmem:s11], [sflag:$0x9], $0x80, s7, s31, $0xb8;
	[tilespmem:$0x1D000] =	vst v63  }
0x220: {  	_ =	swait.ge [sflag:s29], $0x1000  }
0x221: {  	[sflag:s29] =	ssyncset.done $0x0  }
0x222: {  	s26 =	rddreg [dreg:$0x1a];
	[sflag:s29] =	ssyncadd.s32 $0xFFFFF000  }
0x223: {  	[tilespmem:s11], [sflag:$0x8] =	stream.indirect.gather [hbm4b:s4+s31], $0x80, s26, s31, $0xb8;
	[tilespmem:$0x1D000] =	vst v63  }
0x224: {  	_ =	swait.ge [sflag:s12], $0x1000  }
0x225: {  	[sflag:s12] =	ssyncset.done $0x0  }
0x226: {  	s7 =	rddreg [dreg:$0x1b];
	[sflag:s12] =	ssyncadd.s32 $0xFFFFF000  }
0x227: {  	[spmem:s2] =	stream.indirect.scatter.add.f32 [tilespmem:s28], [sflag:$0x9], $0x80, s7, s31, $0xb8;
	[tilespmem:$0x1D000] =	vst v63  }
0x228: {  	_ =	swait.ge [sflag:s29], $0x1000  }
0x229: {  	[sflag:s29] =	ssyncset.done $0x0  }
0x22a: {  	[sflag:s29] =	ssyncadd.s32 $0xFFFFF000  }
0x22b: {  	_ =	swait.ge [sflag:s13], $0x1000  }
0x22c: {  	[sflag:s13] =	ssyncset.done $0x0  }
0x22d: {  	s26 =	rddreg [dreg:$0x1c];
	[sflag:s13] =	ssyncadd.s32 $0xFFFFF000  }
0x22e: {  	[spmem:s2] =	stream.indirect.scatter.add.f32 [tilespmem:s1], [sflag:$0x9], $0x80, s26, s31, $0xb8;
	[tilespmem:$0x1D000] =	vst v63  }
0x22f: {  	_ =	swait.ge [sflag:s29], $0x1000  }
0x230: {  	[sflag:s29] =	ssyncset.done $0x0  }
0x231: {  	[sflag:s29] =	ssyncadd.s32 $0xFFFFF000  }
0x232: {  	_ =	swait.ge [sflag:s14], $0x1000  }
0x233: {  	[sflag:s14] =	ssyncset.done $0x0  }
0x234: {  	s7 =	rddreg [dreg:$0x1d];
	[sflag:s14] =	ssyncadd.s32 $0xFFFFF000  }
0x235: {  	[spmem:s2] =	stream.indirect.scatter.add.f32 [tilespmem:s0], [sflag:$0x9], $0x80, s7, s31, $0xb8;
	[tilespmem:$0x1D000] =	vst v63  }
0x236: {  	_ =	swait.ge [sflag:s29], $0x1000  }
0x237: {  	[sflag:s29] =	ssyncset.done $0x0  }
0x238: {  	[sflag:s29] =	ssyncadd.s32 $0xFFFFF000  }
0x239: {  	_ =	swait.ge [sflag:s15], $0x1000  }
0x23a: {  	[sflag:s15] =	ssyncset.done $0x0  }
0x23b: {  	[sflag:s15] =	ssyncadd.s32 $0xFFFFF000  }
0x23c: {  	[spmem:s2] =	stream.indirect.scatter.add.f32 [tilespmem:s6], [sflag:$0x9], $0x80, s20, s31, $0xb8;
	[tilespmem:$0x1D000] =	vst v63  }
0x23d: {  	_ =	swait.ge [sflag:s29], $0x1000  }
0x23e: {  	[sflag:s29] =	ssyncset.done $0x0  }
0x23f: {  	[sflag:s29] =	ssyncadd.s32 $0xFFFFF000  }
0x240: {  	_ =	swait.ge [sflag:s16], $0x1000  }
0x241: {  	[sflag:s16] =	ssyncset.done $0x0  }
0x242: {  	[sflag:s16] =	ssyncadd.s32 $0xFFFFF000  }
0x243: {  	[spmem:s2] =	stream.indirect.scatter.add.f32 [tilespmem:s8], [sflag:$0x9], $0x80, s21, s31, $0xb8;
	[tilespmem:$0x1D000] =	vst v63  }
0x244: {  	_ =	swait.ge [sflag:s29], $0x1000  }
0x245: {  	[sflag:s29] =	ssyncset.done $0x0  }
0x246: {  	[sflag:s29] =	ssyncadd.s32 $0xFFFFF000  }
0x247: {  	_ =	swait.ge [sflag:s17], $0x1000  }
0x248: {  	[sflag:s17] =	ssyncset.done $0x0  }
0x249: {  	[sflag:s17] =	ssyncadd.s32 $0xFFFFF000  }
0x24a: {  	[spmem:s2] =	stream.indirect.scatter.add.f32 [tilespmem:s9], [sflag:$0x9], $0x80, s22, s31, $0xb8;
	[tilespmem:$0x1D000] =	vst v63  }
0x24b: {  	_ =	swait.ge [sflag:s29], $0x1000  }
0x24c: {  	[sflag:s29] =	ssyncset.done $0x0  }
0x24d: {  	[sflag:s29] =	ssyncadd.s32 $0xFFFFF000  }
0x24e: {  	_ =	swait.ge [sflag:s18], $0x1000  }
0x24f: {  	[sflag:s18] =	ssyncset.done $0x0  }
0x250: {  	[sflag:s18] =	ssyncadd.s32 $0xFFFFF000  }
0x251: {  	[spmem:s2] =	stream.indirect.scatter.add.f32 [tilespmem:s10], [sflag:$0x9], $0x80, s23, s31, $0xb8;
	[tilespmem:$0x1D000] =	vst v63  }
0x252: {  	_ =	swait.ge [sflag:s29], $0x1000  }
0x253: {  	[sflag:s29] =	ssyncset.done $0x0  }
0x254: {  	[sflag:s29] =	ssyncadd.s32 $0xFFFFF000  }
0x255: {  	_ =	swait.ge [sflag:s19], $0x1000  }
0x256: {  	[sflag:s19] =	ssyncset.done $0x0  }
0x257: {  	[sflag:s19] =	ssyncadd.s32 $0xFFFFF000  }
0x258: {  	[spmem:s2] =	stream.indirect.scatter.add.f32 [tilespmem:s11], [sflag:$0x9], $0x80, s24, s31, $0xb8;
	[tilespmem:$0x1D000] =	vst v63  }
0x259: {  	_ =	swait.ge [sflag:s29], $0x1000  }
0x25a: {  	[sflag:s29] =	ssyncset.done $0x0  }
0x25b: {  	[sflag:s29] =	ssyncadd.s32 $0xFFFFF000  }
0x25c: {  	s20 =	stileid.u32;
	[bflag:$0x0] =	sbarrier.arrive $0xFFFF  }
0x25d: {  	s5 =	sshll.u32 s20, $0x6;
	s26 =	rddreg [dreg:$0x1e]  }
0x25e: {  	s5 =	sor.u32 $0x1C09, s5;
	s21 =	sadd.s32 $0x0, s25;
	s20 =	sshrl.u32 s26, $0x3  }
0x25f: {  	[hbm:s21], [sflag:s5] =	dma.local [spmem:s20], $0x200  }
0x260: {  	_ =	swait.ge [sflag:s29], $0x200  }
0x261: {  	s26 =	sld [smem:$0x7EB]  }
0x262: {  	s7 =	simm.s32 $0x200  }
.LBB2_6:
0x263: {  	s20 =	sadd.s32 s7, s25;
	[sflag:s29] =	ssyncset.done $0x0;
	p0 =	sne.s32 s7, $0x2600  }
.Ltmp2:
0x264: {  	s21 =	sshrl.u32 s26, $0x3;
	[sflag:s29] =	ssyncadd.s32 $0xFFFFFE00;
	(pc) =	sbr.rel @p0 .LBB2_6-.Ltmp2, $3  }
0x265: {  	[hbm:s20], [sflag:s5] =	dma.local [spmem:s21], $0x200  }
0x266: {  	s7 =	sadd.s32 $0x200, s7;
	_ =	sdelay $0x1  }
0x267: {  	s26 =	sadd.s32 $0x1000, s26;
	_ =	swait.ge [sflag:s29], $0x200  }
0x268: {  	s7 =	sld [smem:$0x7EA];
	_ =	sdelay $0x2  }
0x269: {  	s5 =	rddreg [dreg:$0x1f];
	s7 =	sadd.s32 $0x1, s7  }
0x26a: {  	p0 =	sne.s32 s7, s5  }
.Ltmp3:
0x26b: {  	_ = 	snop;
	(pc) =	sbr.rel @p0 .LBB2_1-.Ltmp3, $3  }
0x26c: {  	_ =	sdelay $0x1  }
0x26d: {  	[sflag:s29] =	ssyncset.done $0x0;
	s26 =	rddreg [dreg:$0x1e]  }
0x26e: {  	s20 =	simm.s32 $0xD80;
	s21 =	simm.s32 $0xE00;
	[sflag:s29] =	ssyncadd.s32 $0xFFFFFE00  }
0x26f: {  	_ =	sfence.sel $0x180000  }
0x270: {  	[bflag:$0x0] =	sbarrier.arrive $0xFFFF  }
0x271: {  	_ =	strace $0x9000004A  }
0x272: {  	s0 =	stileid.u32;
	[bflag:$0x2] =	sbarrier.arrive $0xFFFF  }
0x273: {  	p0 =	sne.s32 s0, $0x0;
	s0 =	rddreg [dreg:$0x2]  }
0x274: {  	s0 =	sadd.s32 @!p0 $0x100000, s0  }
0x275: {  	[sflag:s0] =	ssyncadd.tile.s32 @!p0 $0x1;
	_ =	shalt  }
.Lfunc_end2:
_tile_overlayer_lowered:
.L_overlay_start_2:
0x276: {  	(tag) =	ssettag $0x2  }
0x277: {  	s0 =	rddreg [dreg:$0x0];
	s2 =	stileid.u32  }
0x278: {  	s1 =	rddreg [dreg:$0x1];
	p0 =	sne.s32 s2, $0x0  }
0x279: {  	s3 =	rddreg [dreg:$0x2];
	[bflag:$0x3] =	sbarrier.arrive $0xFFFF;
	s2 =	simm.s32 @!p0 $0x1C09  }
0x27a: {  	[timem:s3], [sflag:s2] =	dma.local @!p0 [hbm:s0], s1  }
0x27b: {  	s0 =	simm.s32 @!p0 $0x9  }
0x27c: {  	_ =	swait.ge @!p0 [sflag:s0], s1  }
0x27d: {  	s1 =	ssub.s32 @!p0 $0x0, s1;
	[sflag:s0] =	ssyncset.done @!p0 $0x0  }
0x27e: {  	[sflag:s0] =	ssyncadd.s32 @!p0 s1  }
0x27f: {  	[bflag:$0x3] =	sbarrier.arrive $0xFFFF  }
0x280: {  	_ =	shalt  }

// kernel: kernel.15.cloned.1.call-start
scs
__scs_entry_jumppad:
0x0: {  	(pc) =	sbr.rel $0x88, $3  }
0x1: {  	(tag) =	ssettag $0x0;
	lr =	simm.s32 $0x1  }
0x2: {  	[smem:$0x3F93] =	sst lr;
	_ =	strace $0xD0000000  }
0x3: {  	_ = 	snop  }
0x4: {  	_ = 	snop  }
0x5: {  	_ = 	snop  }
0x6: {  	_ = 	snop  }
0x7: {  	_ = 	snop  }
__scs_overlays_trampoline_lowered:
0x8: {  	[smem:$0x3FA2] =	sst s0  }
0x9: {  	[smem:$0x3FA3] =	sst s1  }
0xa: {  	[smem:$0x3FA4] =	sst s2  }
0xb: {  	[smem:$0x3FA5] =	sst s3  }
0xc: {  	[smem:$0x3FA6] =	sst s4  }
0xd: {  	[smem:$0x3FA7] =	sst s5  }
0xe: {  	[smem:$0x3FA8] =	sst s6  }
0xf: {  	[smem:$0x3FA9] =	sst s7  }
0x10: {  	[smem:$0x3FAA] =	sst s8  }
0x11: {  	[smem:$0x3FAB] =	sst s9;
	s0 =	simm.s32 @!p0 $0x0  }
0x12: {  	s1 =	sld [smem:$0x3F91];
	s0 =	simm.s32 @p0 $0x1  }
0x13: {  	[smem:$0x3FAC] =	sst s0;
	s0 =	simm.s32 @!p1 $0x0  }
0x14: {  	s2 =	sld [smem:$0x3F90];
	s0 =	simm.s32 @p1 $0x1  }
0x15: {  	[smem:$0x3FAD] =	sst s0;
	s0 =	simm.s32 @!p2 $0x0  }
0x16: {  	s3 =	sld [smem:$0x3FDB];
	s0 =	simm.s32 @p2 $0x1  }
0x17: {  	s4 =	simm.s32 $0x1BF5;
	[smem:$0x3FAF] =	sst s0  }
0x18: {  	s0 =	sld [smem:$0x3F92];
	_ =	swait.ge [sflag:s4], $0x0  }
0x19: {  	s7 =	sld [smem:$0x3F93]  }
0x1a: {  	s8 =	sadd.s32 $0xFFFFE003, lr  }
0x1b: {  	s9 =	sadd.s32 $0xFFFFFEF7, lr;
	s5 =	simm.s32 $0xFFFFFFFF;
	p2 =	slt.u32 s8, $0xFFFFF086  }
0x1c: {  	p1 =	slt.u32 s9, $0xF7A;
	s5 =	simm.s32 @!p2 $0x0  }
0x1d: {  	s5 =	simm.s32 @p1 $0x1;
	p0 =	seq.s32 s7, s2  }
0x1e: {  	s7 =	smul.u32 @!p0 $0xF7A, s2;
	p2 =	seq.s32 @!p0 s5, $0x0  }
0x1f: {  	s9 =	smul.u32 $0xF7A, s1;
	s8 =	simm.s32 @!p0 $0x1BF5;
	p2 =	por !p2, p0  }
0x20: {  	[sflag:s8] =	ssyncset.s32 @!p0 $0xFFFFF086;
	s6 =	sadd.s32 @!p0 s3, s7;
	s7 =	simm.s32 @!p0 $0x108  }
0x21: {  	s3 =	sadd.s32 s3, s9;
	s6 =	sadd.s32 @!p0 $0x88, s6;
	s7 =	simm.s32 @p2 $0x1082  }
0x22: {  	[simem:s7], [sflag:s8] =	dma.local @!p0 [hbm:s6], $0xF7A  }
0x23: {  	s9 =	sor.u32 $0xD0000000, s2;
	s6 =	simm.s32 $0x108;
	_ =	swait.ge @!p0 [sflag:s8], $0x0  }
0x24: {  	s3 =	sadd.s32 $0x88, s3;
	s6 =	simm.s32 @!p1 $0x1082;
	[sflag:s4] =	ssyncset.s32 $0xFFFFF086  }
0x25: {  	[simem:s6], [sflag:s4] =	dma.local [hbm:s3], $0xF7A  }
0x26: {  	[smem:$0x3F93] =	sst s1;
	(tag) =	ssettag s2;
	_ =	strace s9  }
0x27: {  	s1 =	sld [smem:$0x3FA3]  }
0x28: {  	s2 =	sld [smem:$0x3FA4]  }
0x29: {  	s4 =	sld [smem:$0x3FA6]  }
0x2a: {  	p0 =	seq.s32 s5, $0x0;
	s5 =	sld [smem:$0x3FA7]  }
0x2b: {  	s6 =	sld [smem:$0x3FA8]  }
0x2c: {  	s7 =	sld [smem:$0x3FA9]  }
0x2d: {  	s3 =	simm.s32 $0x108;
	s8 =	sld [smem:$0x3FAA]  }
0x2e: {  	s3 =	simm.s32 @!p0 $0x1082;
	s9 =	sld [smem:$0x3FAB]  }
0x2f: {  	lr =	sadd.s32 s0, s3;
	s0 =	sld [smem:$0x3FA2]  }
0x30: {  	s3 =	sld [smem:$0x3FA5]  }
0x31: {  	[smem:$0x3FAE] =	sst s10  }
0x32: {  	s10 =	sld [smem:$0x3FAC];
	_ =	sdelay $0x3  }
0x33: {  	p0 =	seq.s32 s10, $0x1;
	s10 =	sld [smem:$0x3FAE];
	_ =	sdelay $0x3  }
0x34: {  	[smem:$0x3FAE] =	sst s10  }
0x35: {  	s10 =	sld [smem:$0x3FAD];
	_ =	sdelay $0x3  }
0x36: {  	p1 =	seq.s32 s10, $0x1;
	s10 =	sld [smem:$0x3FAE];
	_ =	sdelay $0x3  }
0x37: {  	[smem:$0x3FAE] =	sst s10  }
0x38: {  	s10 =	sld [smem:$0x3FAF]  }
0x39: {  	_ = 	snop;
	(pc) =	sbr.ind lr, $3  }
0x3a: {  	_ = 	snop  }
0x3b: {  	_ = 	snop  }
0x3c: {  	p2 =	seq.s32 s10, $0x1;
	s10 =	sld [smem:$0x3FAE]  }
0x3d: {  	_ =	shalt  }
0x3e: {  	_ =	shalt  }
0x3f: {  	_ =	shalt  }
0x40: {  	_ =	shalt  }
0x41: {  	_ =	shalt  }
0x42: {  	_ =	shalt  }
0x43: {  	_ =	shalt  }
0x44: {  	_ =	shalt  }
0x45: {  	_ =	shalt  }
0x46: {  	_ =	shalt  }
0x47: {  	_ =	shalt  }
0x48: {  	_ =	shalt  }
0x49: {  	_ =	shalt  }
0x4a: {  	_ =	shalt  }
0x4b: {  	_ =	shalt  }
0x4c: {  	_ =	shalt  }
0x4d: {  	_ =	shalt  }
0x4e: {  	_ =	shalt  }
0x4f: {  	_ =	shalt  }
0x50: {  	_ =	shalt  }
0x51: {  	_ =	shalt  }
0x52: {  	_ =	shalt  }
0x53: {  	_ =	shalt  }
0x54: {  	_ =	shalt  }
0x55: {  	_ =	shalt  }
0x56: {  	_ =	shalt  }
0x57: {  	_ =	shalt  }
0x58: {  	_ =	shalt  }
0x59: {  	_ =	shalt  }
0x5a: {  	_ =	shalt  }
0x5b: {  	_ =	shalt  }
0x5c: {  	_ =	shalt  }
0x5d: {  	_ =	shalt  }
0x5e: {  	_ =	shalt  }
0x5f: {  	_ =	shalt  }
0x60: {  	_ =	shalt  }
0x61: {  	_ =	shalt  }
0x62: {  	_ =	shalt  }
0x63: {  	_ =	shalt  }
0x64: {  	_ =	shalt  }
0x65: {  	_ =	shalt  }
0x66: {  	_ =	shalt  }
0x67: {  	_ =	shalt  }
0x68: {  	_ =	shalt  }
0x69: {  	_ =	shalt  }
0x6a: {  	_ =	shalt  }
0x6b: {  	_ =	shalt  }
0x6c: {  	_ =	shalt  }
0x6d: {  	_ =	shalt  }
0x6e: {  	_ =	shalt  }
0x6f: {  	_ =	shalt  }
0x70: {  	_ =	shalt  }
0x71: {  	_ =	shalt  }
0x72: {  	_ =	shalt  }
0x73: {  	_ =	shalt  }
0x74: {  	_ =	shalt  }
0x75: {  	_ =	shalt  }
0x76: {  	_ =	shalt  }
0x77: {  	_ =	shalt  }
0x78: {  	_ =	shalt  }
0x79: {  	_ =	shalt  }
0x7a: {  	_ =	shalt  }
0x7b: {  	_ =	shalt  }
0x7c: {  	_ =	shalt  }
0x7d: {  	_ =	shalt  }
0x7e: {  	_ =	shalt  }
0x7f: {  	_ =	shalt  }
0x80: {  	_ =	shalt  }
0x81: {  	_ =	shalt  }
0x82: {  	_ =	shalt  }
0x83: {  	_ =	shalt  }
0x84: {  	_ =	shalt  }
0x85: {  	_ =	shalt  }
0x86: {  	_ =	shalt  }
0x87: {  	_ =	shalt  }
.Lfunc_end0:
.L_simem_size_0:
called_computation.2_lowered:
.L_overlay_start_0:
0x88: {  	s2 =	sld [smem:$0x3FD9]  }
0x89: {  	s3 =	sld [smem:$0x3FFE];
	_ =	sdelay $0x1  }
0x8a: {  	s1 =	srdreg.scid  }
0x8b: {  	s0 =	sand.u32 $0x1, s1  }
0x8c: {  	s16 =	sshll.u32 s0, $0xA;
	s2 =	sadd.s32 s3, s2  }
0x8d: {  	s2 =	sadd.s32 s2, s16  }
0x8e: {  	[smem:$0x3FBA] =	sst s2  }
0x8f: {  	_ = 	snop  }
0x90: {  	(tm) =	ssettm $0x1  }
0x91: {  	s17 =	sld [smem:$0x3FFB];
	_ =	sdelay $0x3  }
0x92: {  	_ =	strace s17  }
0x93: {  	s2 =	sld [smem:$0x3FFC];
	_ =	sdelay $0x3  }
0x94: {  	_ =	strace s2  }
0x95: {  	s2 =	sld [smem:$0x3FFD];
	_ =	sdelay $0x3  }
0x96: {  	_ =	strace s2  }
0x97: {  	_ =	strace $0x8FFFFFFF  }
0x98: {  	s18 =	sld [smem:$0x3FDB];
	_ =	sdelay $0x1  }
0x99: {  	s19 =	simm.s32 $_scs_section_size  }
0x9a: {  	s4 =	simm.s32 $_size__tile_overlayer_lowered;
	s5 =	simm.s32 $_tile_overlayer_lowered  }
0x9b: {  	s22 =	simm.s32 $0x1BFF;
	s21 =	sshll.u32 s5, $0x1;
	s2 =	sadd.s32 s19, s18  }
0x9c: {  	s6 =	simm.s32 $0x0;
	s20 =	sshll.u32 s4, $0x1;
	s4 =	sadd.s32 s21, s2  }
0x9d: {  	[timem:s6], [sflag:s22] =	dma.local [hbm:s4], s20  }
0x9e: {  	_ =	swait.ge [sflag:s22], s20  }
0x9f: {  	s3 =	ssub.s32 $0x0, s20;
	[sflag:s22] =	ssyncset.done $0x0  }
0xa0: {  	[sflag:s22] =	ssyncadd.s32 s3;
	_ =	sdelay $0x1  }
0xa1: {  	s23 =	simm.s32 $0x1B8B  }
0xa2: {  	_ =	swait.ge [sflag:s23], $0x1  }
0xa3: {  	[sflag:s23] =	ssyncset.done $0x0  }
0xa4: {  	s25 =	simm.s32 $0x1B8E;
	s24 =	sld [smem:$0x3FFE];
	[sflag:s23] =	ssyncadd.s32 $0xFFFFFFFF  }
0xa5: {  	s26 =	simm.s32 $execute0_lowered;
	[smem:$0x3FD2] =	sst s25  }
0xa6: {  	s4 =	sshll.u32 s26, $0x1;
	_ =	strace $0x8000004C;
	[dreg:$0x1] =	wrdreg $0xFFFFFFFF  }
0xa7: {  	s28 =	simm.s32 $_size_execute0_lowered;
	s2 =	sadd.s32 s2, s4;
	[dreg:$0x0] =	wrdreg $0x0  }
0xa8: {  	s4 =	sshll.u32 s28, $0x1;
	[dreg:$0x2] =	wrdreg s2  }
0xa9: {  	[dreg:$0x3] =	wrdreg s4  }
0xaa: {  	[dreg:$0x4] =	wrdreg $0xC0  }
0xab: {  	_ =	task [dreg:s6], $0x5FFFF  }
0xac: {  	[dreg:$0x1] =	wrdreg $0xFFFFFFFF  }
0xad: {  	[dreg:$0x0] =	wrdreg $0x60  }
0xae: {  	[dreg:$0x2] =	wrdreg s24  }
0xaf: {  	[dreg:$0x3] =	wrdreg $0x90000  }
0xb0: {  	[dreg:$0x4] =	wrdreg $0x9  }
0xb1: {  	_ =	task.clear_ibuf [dreg:s6], $0x5FFFF;
	_ =	strace $0x9000004C  }
0xb2: {  	s29 =	simm.s32 $0x9;
	_ =	strace $0x8000004E  }
0xb3: {  	_ =	swait.ge [sflag:s29], $0x1  }
0xb4: {  	[sflag:s29] =	ssyncadd.s32 $0xFFFFFFFF  }
0xb5: {  	_ =	strace $0x9000004E  }
0xb6: {  	_ =	sfence  }
0xb7: {  	s30 =	sld [smem:$0x0];
	_ =	sdelay $0x2  }
0xb8: {  	s31 =	sshll.u32 s1, $0xD;
	s1 =	sshrl.u32 s1, $0x2  }
0xb9: {  	s3 =	sand.u32 $0x4000, s31;
	s1 =	sadd.s32 s1, s30  }
0xba: {  	s0 =	sor.u32 s3, s0;
	s1 =	sshll.u32 s1, $0x11  }
0xbb: {  	s0 =	sor.u32 s1, s0  }
0xbc: {  	s0 =	sadd.s32 $0x8F2B, s0  }
0xbd: {  	[sflag:s0] =	ssyncadd.remote.s32 $0x1  }
0xbe: {  	_ =	sfence.sel $0xFFFF  }
0xbf: {  	[dreg:$0x0] =	wrdreg $0xFFFFFFFF;
	(pc) =	sbr.abs _section_cstart, $3  }
0xc0: {  	[dreg:$0x1] =	wrdreg $0xFFFFFFFF  }
0xc1: {  	_ =	task.clear_ibuf [dreg:s6], $0x2FFFF;
	_ =	strace $0x9FFFFFFF  }
0xc2: {  	(tm) =	ssettm $0x7FFFFFFF  }
0xc3: {  	_ =	shalt  }
tec
execute0_lowered:
.L_overlay_start_1:
0x0: {  	(tag) =	ssettag $0x1  }
0x1: {  	s0 =	srdreg.scid;
	s8 =	stileid.u32  }
0x2: {  	s1 =	sand.u32 $0x1, s0;
	s3 =	smul.u32 $0xA000, s8  }
0x3: {  	s5 =	rddreg [dreg:$0x0];
	s0 =	smul.u32 $0xA0000, s1  }
0x4: {  	s2 =	rddreg [dreg:$0x1]  }
0x5: {  	s16 =	simm.s32 $0x80;
	s0 =	sadd.s32 s3, s0;
	s3 =	simm.s32 $0x0  }
0x6: {  	s18 =	simm.s32 $0x100;
	s20 =	simm.s32 $0x180;
	[smem:$0x7FF] =	sst s3  }
0x7: {  	s21 =	simm.s32 $0x200;
	_ =	strace $0x8000004D;
	[dreg:$0x5] =	wrdreg s16  }
0x8: {  	s14 =	smul.u32 $0x28000, s1;
	s1 =	ssub.s32 $0x2, s1;
	[dreg:$0x6] =	wrdreg s18  }
0x9: {  	s23 =	simm.s32 $0x280;
	s17 =	sshrl.u32 s1, $0x1;
	[dreg:$0x7] =	wrdreg s20  }
0xa: {  	s19 =	smul.u32 $0x50000, s8;
	s1 =	ssub.s32 s1, s17;
	[dreg:$0x8] =	wrdreg s21  }
0xb: {  	s1 =	smax.u32 s1, $0x1;
	[dreg:$0x9] =	wrdreg s23  }
0xc: {  	s24 =	simm.s32 $0x300;
	s22 =	sshrl.u32 s19, $0x2;
	[dreg:$0x1f] =	wrdreg s1  }
0xd: {  	s25 =	simm.s32 $0x380;
	s26 =	sadd.s32 s22, s2;
	[dreg:$0xa] =	wrdreg s24  }
0xe: {  	s9 =	sadd.s32 $0x2000, s26;
	[dreg:$0xb] =	wrdreg s25  }
0xf: {  	s11 =	sadd.s32 $0x3000, s26;
	[smem:$0x7EC] =	sst s9  }
0x10: {  	s10 =	simm.s32 $0x880;
	[smem:$0x7ED] =	sst s11  }
0x11: {  	s13 =	sadd.s32 $0x4000, s26;
	[dreg:$0xd] =	wrdreg s10  }
0x12: {  	s12 =	simm.s32 $0x480;
	[smem:$0x7EE] =	sst s13  }
0x13: {  	s17 =	sadd.s32 $0x6000, s26;
	[dreg:$0xe] =	wrdreg s12  }
0x14: {  	s19 =	sadd.s32 $0x7000, s26;
	[smem:$0x7F0] =	sst s17  }
0x15: {  	s22 =	simm.s32 $0xA00;
	s0 =	sshrl.u32 s0, $0x3;
	[smem:$0x7F1] =	sst s19  }
0x16: {  	s6 =	sadd.s32 s0, s5;
	[dreg:$0x13] =	wrdreg s22  }
0x17: {  	s0 =	sadd.s32 s14, s5;
	s14 =	simm.s32 $0x900;
	[dreg:$0x1e] =	wrdreg s26  }
0x18: {  	s16 =	simm.s32 $0x500;
	[dreg:$0xf] =	wrdreg s14  }
0x19: {  	s18 =	simm.s32 $0x980;
	[dreg:$0x10] =	wrdreg s16  }
0x1a: {  	s21 =	sadd.s32 $0x8000, s26;
	[dreg:$0x11] =	wrdreg s18  }
0x1b: {  	s20 =	simm.s32 $0x580;
	[smem:$0x7F2] =	sst s21  }
0x1c: {  	s23 =	sadd.s32 $0x9000, s26;
	[dreg:$0x12] =	wrdreg s20  }
0x1d: {  	s25 =	sadd.s32 $0xA000, s26;
	[smem:$0x7F3] =	sst s23  }
0x1e: {  	s28 =	simm.s32 $0x1000;
	s24 =	simm.s32 $0x600;
	[smem:$0x7F4] =	sst s25  }
0x1f: {  	s29 =	simm.s32 $0x9;
	s10 =	sadd.s32 $0xC000, s26;
	[dreg:$0x14] =	wrdreg s24  }
0x20: {  	s30 =	simm.s32 $0x800;
	s9 =	simm.s32 $0x680;
	[smem:$0x7F6] =	sst s10  }
0x21: {  	s31 =	simm.s32 $0x20;
	s12 =	sadd.s32 $0xD000, s26;
	[dreg:$0x16] =	wrdreg s9  }
0x22: {  	s4 =	sadd.s32 $0x53200, s5;
	s11 =	simm.s32 $0xB00;
	[smem:$0x7F7] =	sst s12  }
0x23: {  	s13 =	simm.s32 $0x700;
	s17 =	simm.s32 $0x780;
	[dreg:$0x17] =	wrdreg s11  }
0x24: {  	s19 =	simm.s32 $0xC00;
	s22 =	sadd.s32 $0x11000, s26;
	[dreg:$0x18] =	wrdreg s13  }
0x25: {  	s1 =	simm.s32 $0x2000;
	s7 =	sadd.s32 $0x2B200, s6;
	[dreg:$0x1a] =	wrdreg s17  }
0x26: {  	s15 =	sadd.s32 $0x3200, s6;
	s6 =	sadd.s32 $0x1000, s26;
	[dreg:$0x1b] =	wrdreg s19  }
0x27: {  	s14 =	sadd.s32 $0xE000, s26;
	s16 =	sadd.s32 $0xF000, s26;
	[smem:$0x7FB] =	sst s22  }
0x28: {  	s18 =	smul.u32 $0x2800, s8;
	s20 =	simm.s32 $0xC80;
	[dreg:$0x3] =	wrdreg s7  }
0x29: {  	s21 =	simm.s32 $0xD00;
	s23 =	sadd.s32 $0x12000, s26;
	[dreg:$0x4] =	wrdreg s15  }
0x2a: {  	s24 =	sadd.s32 $0x13000, s26;
	s8 =	simm.s32 $0x5000;
	[smem:$0x7EB] =	sst s6  }
0x2b: {  	s9 =	simm.s32 $0x6000;
	s10 =	simm.s32 $0x7000;
	[smem:$0x7F8] =	sst s14  }
0x2c: {  	s11 =	simm.s32 $0x8000;
	s12 =	simm.s32 $0x1;
	[smem:$0x7F9] =	sst s16  }
0x2d: {  	s13 =	simm.s32 $0x2;
	s17 =	simm.s32 $0x6;
	[dreg:$0x1c] =	wrdreg s20  }
0x2e: {  	s19 =	simm.s32 $0x8;
	s22 =	simm.s32 $0xE80;
	[dreg:$0x1d] =	wrdreg s21  }
0x2f: {  	s7 =	simm.s32 $0x400;
	s15 =	sadd.s32 $0x5000, s26;
	[smem:$0x7FC] =	sst s23  }
0x30: {  	s6 =	simm.s32 $0xA80;
	[smem:$0x7FD] =	sst s24;
	s14 =	simm.s32 $0x3  }
0x31: {  	s16 =	simm.s32 $0x5;
	s20 =	simm.s32 $0xD80;
	[dreg:$0xc] =	wrdreg s7  }
0x32: {  	s21 =	simm.s32 $0xE00;
	s23 =	simm.s32 $0xF00;
	[smem:$0x7EF] =	sst s15  }
0x33: {  	s24 =	simm.s32 $0xF80;
	s7 =	sadd.s32 $0xB000, s26;
	[dreg:$0x15] =	wrdreg s6  }
0x34: {  	s15 =	simm.s32 $0xB80;
	s6 =	sadd.s32 $0x10000, s26;
	[smem:$0x7F5] =	sst s7  }
0x35: {  	s0 =	sadd.s32 s18, s0;
	s18 =	simm.s32 $0x7;
	[dreg:$0x19] =	wrdreg s15  }
0x36: {  	[smem:$0x7FA] =	sst s6;
	s25 =	sadd.s32 $0x7B200, s0;
	s0 =	simm.s32 $0x3000  }
0x37: {  	v0 =	vimm.f32 $0.0e+00;
	s6 =	simm.s32 $0x4000;
	s15 =	simm.s32 $0x4;
	s7 =	simm.s32 $0x0  }
.LBB2_1:
0x38: {  	[smem:$0x7EA] =	sst s7;
	s5 =	simm.s32 $0x0;
	s7 =	simm.s32 $0x200  }
.LBB2_2:
0x39: {  	p0 =	sne.s32 s7, $0x3E00;
	[tilespmem:s5+$0x1070] =	vst v0  }
0x3a: {  	[tilespmem:s5+$0x1000] =	vst v0  }
0x3b: {  	[tilespmem:s5+$0x1010] =	vst v0  }
.Ltmp0:
0x3c: {  	[tilespmem:s5+$0x1020] =	vst v0;
	(pc) =	sbr.rel @p0 .LBB2_2-.Ltmp0, $4  }
0x3d: {  	[tilespmem:s5+$0x1030] =	vst v0  }
0x3e: {  	[tilespmem:s5+$0x1040] =	vst v0  }
0x3f: {  	[tilespmem:s5+$0x1050] =	vst v0  }
0x40: {  	[tilespmem:s5+$0x1060] =	vst v0;
	s5 =	sshra.s32 s7, $0x2;
	s7 =	sadd.s32 $0x200, s7  }
0x41: {  	[tilespmem:s5+$0x1070] =	vst v0  }
0x42: {  	[tilespmem:s5+$0x1000] =	vst v0  }
0x43: {  	[tilespmem:s5+$0x1010] =	vst v0  }
0x44: {  	[tilespmem:s5+$0x1020] =	vst v0  }
0x45: {  	[tilespmem:s5+$0x1030] =	vst v0  }
0x46: {  	[tilespmem:s5+$0x1040] =	vst v0  }
0x47: {  	[tilespmem:s5+$0x1050] =	vst v0  }
0x48: {  	[tilespmem:s5+$0x1060] =	vst v0  }
0x49: {  	[spmem:s26] =	stream.linear.scatter [tilespmem:s28], [sflag:$0x9], $0x1000, $0x38;
	[tilespmem:$0x1D000] =	vst v63  }
0x4a: {  	_ =	swait.ge [sflag:s29], $0x1000  }
0x4b: {  	s7 =	sld [smem:$0x7EB]  }
0x4c: {  	[sflag:s29] =	ssyncset.done $0x0  }
0x4d: {  	[sflag:s29] =	ssyncadd.s32 $0xFFFFF000  }
0x4e: {  	[spmem:s7] =	stream.linear.scatter [tilespmem:s28], [sflag:$0x9], $0x1000, $0x38;
	[tilespmem:$0x1D000] =	vst v63  }
0x4f: {  	_ =	swait.ge [sflag:s29], $0x1000  }
0x50: {  	s26 =	sld [smem:$0x7EC]  }
0x51: {  	[sflag:s29] =	ssyncset.done $0x0  }
0x52: {  	[sflag:s29] =	ssyncadd.s32 $0xFFFFF000  }
0x53: {  	[spmem:s26] =	stream.linear.scatter [tilespmem:s28], [sflag:$0x9], $0x1000, $0x38;
	[tilespmem:$0x1D000] =	vst v63  }
0x54: {  	_ =	swait.ge [sflag:s29], $0x1000  }
0x55: {  	s7 =	sld [smem:$0x7ED]  }
0x56: {  	[sflag:s29] =	ssyncset.done $0x0  }
0x57: {  	[sflag:s29] =	ssyncadd.s32 $0xFFFFF000  }
0x58: {  	[spmem:s7] =	stream.linear.scatter [tilespmem:s28], [sflag:$0x9], $0x1000, $0x38;
	[tilespmem:$0x1D000] =	vst v63  }
0x59: {  	_ =	swait.ge [sflag:s29], $0x1000  }
0x5a: {  	s26 =	sld [smem:$0x7EE]  }
0x5b: {  	[sflag:s29] =	ssyncset.done $0x0  }
0x5c: {  	[sflag:s29] =	ssyncadd.s32 $0xFFFFF000  }
0x5d: {  	[spmem:s26] =	stream.linear.scatter [tilespmem:s28], [sflag:$0x9], $0x1000, $0x38;
	[tilespmem:$0x1D000] =	vst v63  }
0x5e: {  	_ =	swait.ge [sflag:s29], $0x1000  }
0x5f: {  	s7 =	sld [smem:$0x7EF]  }
0x60: {  	[sflag:s29] =	ssyncset.done $0x0  }
0x61: {  	[sflag:s29] =	ssyncadd.s32 $0xFFFFF000  }
0x62: {  	[spmem:s7] =	stream.linear.scatter [tilespmem:s28], [sflag:$0x9], $0x1000, $0x38;
	[tilespmem:$0x1D000] =	vst v63  }
0x63: {  	_ =	swait.ge [sflag:s29], $0x1000  }
0x64: {  	s26 =	sld [smem:$0x7F0]  }
0x65: {  	[sflag:s29] =	ssyncset.done $0x0  }
0x66: {  	[sflag:s29] =	ssyncadd.s32 $0xFFFFF000  }
0x67: {  	[spmem:s26] =	stream.linear.scatter [tilespmem:s28], [sflag:$0x9], $0x1000, $0x38;
	[tilespmem:$0x1D000] =	vst v63  }
0x68: {  	_ =	swait.ge [sflag:s29], $0x1000  }
0x69: {  	s7 =	sld [smem:$0x7F1]  }
0x6a: {  	[sflag:s29] =	ssyncset.done $0x0  }
0x6b: {  	[sflag:s29] =	ssyncadd.s32 $0xFFFFF000  }
0x6c: {  	[spmem:s7] =	stream.linear.scatter [tilespmem:s28], [sflag:$0x9], $0x1000, $0x38;
	[tilespmem:$0x1D000] =	vst v63  }
0x6d: {  	_ =	swait.ge [sflag:s29], $0x1000  }
0x6e: {  	s26 =	sld [smem:$0x7F2]  }
0x6f: {  	[sflag:s29] =	ssyncset.done $0x0  }
0x70: {  	[sflag:s29] =	ssyncadd.s32 $0xFFFFF000  }
0x71: {  	[spmem:s26] =	stream.linear.scatter [tilespmem:s28], [sflag:$0x9], $0x1000, $0x38;
	[tilespmem:$0x1D000] =	vst v63  }
0x72: {  	_ =	swait.ge [sflag:s29], $0x1000  }
0x73: {  	s7 =	sld [smem:$0x7F3]  }
0x74: {  	[sflag:s29] =	ssyncset.done $0x0  }
0x75: {  	[sflag:s29] =	ssyncadd.s32 $0xFFFFF000  }
0x76: {  	[spmem:s7] =	stream.linear.scatter [tilespmem:s28], [sflag:$0x9], $0x1000, $0x38;
	[tilespmem:$0x1D000] =	vst v63  }
0x77: {  	_ =	swait.ge [sflag:s29], $0x1000  }
0x78: {  	s26 =	sld [smem:$0x7F4]  }
0x79: {  	[sflag:s29] =	ssyncset.done $0x0  }
0x7a: {  	[sflag:s29] =	ssyncadd.s32 $0xFFFFF000  }
0x7b: {  	[spmem:s26] =	stream.linear.scatter [tilespmem:s28], [sflag:$0x9], $0x1000, $0x38;
	[tilespmem:$0x1D000] =	vst v63  }
0x7c: {  	_ =	swait.ge [sflag:s29], $0x1000  }
0x7d: {  	s7 =	sld [smem:$0x7F5]  }
0x7e: {  	[sflag:s29] =	ssyncset.done $0x0  }
0x7f: {  	[sflag:s29] =	ssyncadd.s32 $0xFFFFF000  }
0x80: {  	[spmem:s7] =	stream.linear.scatter [tilespmem:s28], [sflag:$0x9], $0x1000, $0x38;
	[tilespmem:$0x1D000] =	vst v63  }
0x81: {  	_ =	swait.ge [sflag:s29], $0x1000  }
0x82: {  	s26 =	sld [smem:$0x7F6]  }
0x83: {  	[sflag:s29] =	ssyncset.done $0x0  }
0x84: {  	[sflag:s29] =	ssyncadd.s32 $0xFFFFF000  }
0x85: {  	[spmem:s26] =	stream.linear.scatter [tilespmem:s28], [sflag:$0x9], $0x1000, $0x38;
	[tilespmem:$0x1D000] =	vst v63  }
0x86: {  	_ =	swait.ge [sflag:s29], $0x1000  }
0x87: {  	s7 =	sld [smem:$0x7F7]  }
0x88: {  	[sflag:s29] =	ssyncset.done $0x0  }
0x89: {  	[sflag:s29] =	ssyncadd.s32 $0xFFFFF000  }
0x8a: {  	[spmem:s7] =	stream.linear.scatter [tilespmem:s28], [sflag:$0x9], $0x1000, $0x38;
	[tilespmem:$0x1D000] =	vst v63  }
0x8b: {  	_ =	swait.ge [sflag:s29], $0x1000  }
0x8c: {  	s26 =	sld [smem:$0x7F8]  }
0x8d: {  	[sflag:s29] =	ssyncset.done $0x0  }
0x8e: {  	[sflag:s29] =	ssyncadd.s32 $0xFFFFF000  }
0x8f: {  	[spmem:s26] =	stream.linear.scatter [tilespmem:s28], [sflag:$0x9], $0x1000, $0x38;
	[tilespmem:$0x1D000] =	vst v63  }
0x90: {  	_ =	swait.ge [sflag:s29], $0x1000  }
0x91: {  	s7 =	sld [smem:$0x7F9]  }
0x92: {  	[sflag:s29] =	ssyncset.done $0x0  }
0x93: {  	[sflag:s29] =	ssyncadd.s32 $0xFFFFF000  }
0x94: {  	[spmem:s7] =	stream.linear.scatter [tilespmem:s28], [sflag:$0x9], $0x1000, $0x38;
	[tilespmem:$0x1D000] =	vst v63  }
0x95: {  	_ =	swait.ge [sflag:s29], $0x1000  }
0x96: {  	s26 =	sld [smem:$0x7FA]  }
0x97: {  	[sflag:s29] =	ssyncset.done $0x0  }
0x98: {  	[sflag:s29] =	ssyncadd.s32 $0xFFFFF000  }
0x99: {  	[spmem:s26] =	stream.linear.scatter [tilespmem:s28], [sflag:$0x9], $0x1000, $0x38;
	[tilespmem:$0x1D000] =	vst v63  }
0x9a: {  	_ =	swait.ge [sflag:s29], $0x1000  }
0x9b: {  	s7 =	sld [smem:$0x7FB]  }
0x9c: {  	[sflag:s29] =	ssyncset.done $0x0  }
0x9d: {  	[sflag:s29] =	ssyncadd.s32 $0xFFFFF000  }
0x9e: {  	[spmem:s7] =	stream.linear.scatter [tilespmem:s28], [sflag:$0x9], $0x1000, $0x38;
	[tilespmem:$0x1D000] =	vst v63  }
0x9f: {  	_ =	swait.ge [sflag:s29], $0x1000  }
0xa0: {  	s26 =	sld [smem:$0x7FC]  }
0xa1: {  	[sflag:s29] =	ssyncset.done $0x0  }
0xa2: {  	[sflag:s29] =	ssyncadd.s32 $0xFFFFF000  }
0xa3: {  	[spmem:s26] =	stream.linear.scatter [tilespmem:s28], [sflag:$0x9], $0x1000, $0x38;
	[tilespmem:$0x1D000] =	vst v63  }
0xa4: {  	_ =	swait.ge [sflag:s29], $0x1000  }
0xa5: {  	s7 =	sld [smem:$0x7FD]  }
0xa6: {  	[sflag:s29] =	ssyncset.done $0x0  }
0xa7: {  	[sflag:s29] =	ssyncadd.s32 $0xFFFFF000  }
0xa8: {  	[spmem:s7] =	stream.linear.scatter [tilespmem:s28], [sflag:$0x9], $0x1000, $0x38;
	[tilespmem:$0x1D000] =	vst v63  }
0xa9: {  	_ =	swait.ge [sflag:s29], $0x1000  }
0xaa: {  	[sflag:s29] =	ssyncset.done $0x0  }
0xab: {  	[sflag:s29] =	ssyncadd.s32 $0xFFFFF000  }
0xac: {  	[bflag:$0x0] =	sbarrier.arrive $0xFFFF  }
0xad: {  	s26 =	rddreg [dreg:$0x4]  }
0xae: {  	s5 =	sadd.s32 $0x0, s26  }
0xaf: {  	[tilespmem:s3], [sflag:$0x9] =	stream.linear.gather [hbm4b:s5+s3], $0x800, $0x38;
	[tilespmem:$0x1D000] =	vst v63  }
0xb0: {  	_ =	swait.ge [sflag:s29], $0x800  }
0xb1: {  	s7 =	rddreg [dreg:$0x3];
	[sflag:s29] =	ssyncset.done $0x0  }
0xb2: {  	[sflag:s29] =	ssyncadd.s32 $0xFFFFF800;
	s5 =	sadd.s32 $0x0, s7  }
0xb3: {  	[tilespmem:s30], [sflag:$0x9] =	stream.linear.gather [hbm4b:s5+s3], $0x800, $0x38;
	[tilespmem:$0x1D000] =	vst v63  }
0xb4: {  	_ =	swait.ge [sflag:s29], $0x800  }
0xb5: {  	[sflag:s29] =	ssyncset.done $0x0  }
0xb6: {  	[sflag:s29] =	ssyncadd.s32 $0xFFFFF800  }
0xb7: {  	[tilespmem:s28], [sflag:$0x1] =	stream.indirect.gather [hbm4b:s4+s31], $0x80, s3, s31, $0xb8;
	[tilespmem:$0x1D000] =	vst v63  }
0xb8: {  	s26 =	rddreg [dreg:$0x5]  }
0xb9: {  	[tilespmem:s1], [sflag:$0x2] =	stream.indirect.gather [hbm4b:s4+s31], $0x80, s26, s31, $0xb8;
	[tilespmem:$0x1D000] =	vst v63  }
0xba: {  	s7 =	rddreg [dreg:$0x6]  }
0xbb: {  	[tilespmem:s0], [sflag:$0x3] =	stream.indirect.gather [hbm4b:s4+s31], $0x80, s7, s31, $0xb8;
	[tilespmem:$0x1D000] =	vst v63  }
0xbc: {  	s26 =	rddreg [dreg:$0x7]  }
0xbd: {  	[tilespmem:s6], [sflag:$0x4] =	stream.indirect.gather [hbm4b:s4+s31], $0x80, s26, s31, $0xb8;
	[tilespmem:$0x1D000] =	vst v63  }
0xbe: {  	s7 =	rddreg [dreg:$0x8]  }
0xbf: {  	[tilespmem:s8], [sflag:$0x5] =	stream.indirect.gather [hbm4b:s4+s31], $0x80, s7, s31, $0xb8;
	[tilespmem:$0x1D000] =	vst v63  }
0xc0: {  	s26 =	rddreg [dreg:$0x9]  }
0xc1: {  	[tilespmem:s9], [sflag:$0x6] =	stream.indirect.gather [hbm4b:s4+s31], $0x80, s26, s31, $0xb8;
	[tilespmem:$0x1D000] =	vst v63  }
0xc2: {  	s7 =	rddreg [dreg:$0xa]  }
0xc3: {  	[tilespmem:s10], [sflag:$0x7] =	stream.indirect.gather [hbm4b:s4+s31], $0x80, s7, s31, $0xb8;
	[tilespmem:$0x1D000] =	vst v63  }
0xc4: {  	s26 =	rddreg [dreg:$0xb]  }
0xc5: {  	[tilespmem:s11], [sflag:$0x8] =	stream.indirect.gather [hbm4b:s4+s31], $0x80, s26, s31, $0xb8;
	[tilespmem:$0x1D000] =	vst v63  }
0xc6: {  	_ =	swait.ge [sflag:s12], $0x1000  }
0xc7: {  	[sflag:s12] =	ssyncset.done $0x0  }
0xc8: {  	[sflag:s12] =	ssyncadd.s32 $0xFFFFF000  }
0xc9: {  	[spmem:s2] =	stream.indirect.scatter.add.f32 [tilespmem:s28], [sflag:$0x9], $0x80, s30, s31, $0xb8;
	[tilespmem:$0x1D000] =	vst v63  }
0xca: {  	_ =	swait.ge [sflag:s29], $0x1000  }
0xcb: {  	[sflag:s29] =	ssyncset.done $0x0  }
0xcc: {  	s7 =	rddreg [dreg:$0xc];
	[sflag:s29] =	ssyncadd.s32 $0xFFFFF000  }
0xcd: {  	[tilespmem:s28], [sflag:$0x1] =	stream.indirect.gather [hbm4b:s4+s31], $0x80, s7, s31, $0xb8;
	[tilespmem:$0x1D000] =	vst v63  }
0xce: {  	_ =	swait.ge [sflag:s13], $0x1000  }
0xcf: {  	[sflag:s13] =	ssyncset.done $0x0  }
0xd0: {  	s26 =	rddreg [dreg:$0xd];
	[sflag:s13] =	ssyncadd.s32 $0xFFFFF000  }
0xd1: {  	[spmem:s2] =	stream.indirect.scatter.add.f32 [tilespmem:s1], [sflag:$0x9], $0x80, s26, s31, $0xb8;
	[tilespmem:$0x1D000] =	vst v63  }
0xd2: {  	_ =	swait.ge [sflag:s29], $0x1000  }
0xd3: {  	[sflag:s29] =	ssyncset.done $0x0  }
0xd4: {  	s7 =	rddreg [dreg:$0xe];
	[sflag:s29] =	ssyncadd.s32 $0xFFFFF000  }
0xd5: {  	[tilespmem:s1], [sflag:$0x2] =	stream.indirect.gather [hbm4b:s4+s31], $0x80, s7, s31, $0xb8;
	[tilespmem:$0x1D000] =	vst v63  }
0xd6: {  	_ =	swait.ge [sflag:s14], $0x1000  }
0xd7: {  	[sflag:s14] =	ssyncset.done $0x0  }
0xd8: {  	s26 =	rddreg [dreg:$0xf];
	[sflag:s14] =	ssyncadd.s32 $0xFFFFF000  }
0xd9: {  	[spmem:s2] =	stream.indirect.scatter.add.f32 [tilespmem:s0], [sflag:$0x9], $0x80, s26, s31, $0xb8;
	[tilespmem:$0x1D000] =	vst v63  }
0xda: {  	_ =	swait.ge [sflag:s29], $0x1000  }
0xdb: {  	[sflag:s29] =	ssyncset.done $0x0  }
0xdc: {  	s7 =	rddreg [dreg:$0x10];
	[sflag:s29] =	ssyncadd.s32 $0xFFFFF000  }
0xdd: {  	[tilespmem:s0], [sflag:$0x3] =	stream.indirect.gather [hbm4b:s4+s31], $0x80, s7, s31, $0xb8;
	[tilespmem:$0x1D000] =	vst v63  }
0xde: {  	_ =	swait.ge [sflag:s15], $0x1000  }
0xdf: {  	[sflag:s15] =	ssyncset.done $0x0  }
0xe0: {  	s26 =	rddreg [dreg:$0x11];
	[sflag:s15] =	ssyncadd.s32 $0xFFFFF000  }
0xe1: {  	[spmem:s2] =	stream.indirect.scatter.add.f32 [tilespmem:s6], [sflag:$0x9], $0x80, s26, s31, $0xb8;
	[tilespmem:$0x1D000] =	vst v63  }
0xe2: {  	_ =	swait.ge [sflag:s29], $0x1000  }
0xe3: {  	[sflag:s29] =	ssyncset.done $0x0  }
0xe4: {  	s7 =	rddreg [dreg:$0x12];
	[sflag:s29] =	ssyncadd.s32 $0xFFFFF000  }
0xe5: {  	[tilespmem:s6], [sflag:$0x4] =	stream.indirect.gather [hbm4b:s4+s31], $0x80, s7, s31, $0xb8;
	[tilespmem:$0x1D000] =	vst v63  }
0xe6: {  	_ =	swait.ge [sflag:s16], $0x1000  }
0xe7: {  	[sflag:s16] =	ssyncset.done $0x0  }
0xe8: {  	s26 =	rddreg [dreg:$0x13];
	[sflag:s16] =	ssyncadd.s32 $0xFFFFF000  }
0xe9: {  	[spmem:s2] =	stream.indirect.scatter.add.f32 [tilespmem:s8], [sflag:$0x9], $0x80, s26, s31, $0xb8;
	[tilespmem:$0x1D000] =	vst v63  }
0xea: {  	_ =	swait.ge [sflag:s29], $0x1000  }
0xeb: {  	[sflag:s29] =	ssyncset.done $0x0  }
0xec: {  	s7 =	rddreg [dreg:$0x14];
	[sflag:s29] =	ssyncadd.s32 $0xFFFFF000  }
0xed: {  	[tilespmem:s8], [sflag:$0x5] =	stream.indirect.gather [hbm4b:s4+s31], $0x80, s7, s31, $0xb8;
	[tilespmem:$0x1D000] =	vst v63  }
0xee: {  	_ =	swait.ge [sflag:s17], $0x1000  }
0xef: {  	[sflag:s17] =	ssyncset.done $0x0  }
0xf0: {  	s26 =	rddreg [dreg:$0x15];
	[sflag:s17] =	ssyncadd.s32 $0xFFFFF000  }
0xf1: {  	[spmem:s2] =	stream.indirect.scatter.add.f32 [tilespmem:s9], [sflag:$0x9], $0x80, s26, s31, $0xb8;
	[tilespmem:$0x1D000] =	vst v63  }
0xf2: {  	_ =	swait.ge [sflag:s29], $0x1000  }
0xf3: {  	[sflag:s29] =	ssyncset.done $0x0  }
0xf4: {  	s7 =	rddreg [dreg:$0x16];
	[sflag:s29] =	ssyncadd.s32 $0xFFFFF000  }
0xf5: {  	[tilespmem:s9], [sflag:$0x6] =	stream.indirect.gather [hbm4b:s4+s31], $0x80, s7, s31, $0xb8;
	[tilespmem:$0x1D000] =	vst v63  }
0xf6: {  	_ =	swait.ge [sflag:s18], $0x1000  }
0xf7: {  	[sflag:s18] =	ssyncset.done $0x0  }
0xf8: {  	s26 =	rddreg [dreg:$0x17];
	[sflag:s18] =	ssyncadd.s32 $0xFFFFF000  }
0xf9: {  	[spmem:s2] =	stream.indirect.scatter.add.f32 [tilespmem:s10], [sflag:$0x9], $0x80, s26, s31, $0xb8;
	[tilespmem:$0x1D000] =	vst v63  }
0xfa: {  	_ =	swait.ge [sflag:s29], $0x1000  }
0xfb: {  	[sflag:s29] =	ssyncset.done $0x0  }
0xfc: {  	s7 =	rddreg [dreg:$0x18];
	[sflag:s29] =	ssyncadd.s32 $0xFFFFF000  }
0xfd: {  	[tilespmem:s10], [sflag:$0x7] =	stream.indirect.gather [hbm4b:s4+s31], $0x80, s7, s31, $0xb8;
	[tilespmem:$0x1D000] =	vst v63  }
0xfe: {  	_ =	swait.ge [sflag:s19], $0x1000  }
0xff: {  	[sflag:s19] =	ssyncset.done $0x0  }
0x100: {  	s26 =	rddreg [dreg:$0x19];
	[sflag:s19] =	ssyncadd.s32 $0xFFFFF000  }
0x101: {  	[spmem:s2] =	stream.indirect.scatter.add.f32 [tilespmem:s11], [sflag:$0x9], $0x80, s26, s31, $0xb8;
	[tilespmem:$0x1D000] =	vst v63  }
0x102: {  	_ =	swait.ge [sflag:s29], $0x1000  }
0x103: {  	[sflag:s29] =	ssyncset.done $0x0  }
0x104: {  	s7 =	rddreg [dreg:$0x1a];
	[sflag:s29] =	ssyncadd.s32 $0xFFFFF000  }
0x105: {  	[tilespmem:s11], [sflag:$0x8] =	stream.indirect.gather [hbm4b:s4+s31], $0x80, s7, s31, $0xb8;
	[tilespmem:$0x1D000] =	vst v63  }
0x106: {  	_ =	swait.ge [sflag:s12], $0x1000  }
0x107: {  	[sflag:s12] =	ssyncset.done $0x0  }
0x108: {  	s26 =	rddreg [dreg:$0x1b];
	[sflag:s12] =	ssyncadd.s32 $0xFFFFF000  }
0x109: {  	[spmem:s2] =	stream.indirect.scatter.add.f32 [tilespmem:s28], [sflag:$0x9], $0x80, s26, s31, $0xb8;
	[tilespmem:$0x1D000] =	vst v63  }
0x10a: {  	_ =	swait.ge [sflag:s29], $0x1000  }
0x10b: {  	[sflag:s29] =	ssyncset.done $0x0  }
0x10c: {  	[sflag:s29] =	ssyncadd.s32 $0xFFFFF000  }
0x10d: {  	_ =	swait.ge [sflag:s13], $0x1000  }
0x10e: {  	[sflag:s13] =	ssyncset.done $0x0  }
0x10f: {  	s7 =	rddreg [dreg:$0x1c];
	[sflag:s13] =	ssyncadd.s32 $0xFFFFF000  }
0x110: {  	[spmem:s2] =	stream.indirect.scatter.add.f32 [tilespmem:s1], [sflag:$0x9], $0x80, s7, s31, $0xb8;
	[tilespmem:$0x1D000] =	vst v63  }
0x111: {  	_ =	swait.ge [sflag:s29], $0x1000  }
0x112: {  	[sflag:s29] =	ssyncset.done $0x0  }
0x113: {  	[sflag:s29] =	ssyncadd.s32 $0xFFFFF000  }
0x114: {  	_ =	swait.ge [sflag:s14], $0x1000  }
0x115: {  	[sflag:s14] =	ssyncset.done $0x0  }
0x116: {  	s26 =	rddreg [dreg:$0x1d];
	[sflag:s14] =	ssyncadd.s32 $0xFFFFF000  }
0x117: {  	[spmem:s2] =	stream.indirect.scatter.add.f32 [tilespmem:s0], [sflag:$0x9], $0x80, s26, s31, $0xb8;
	[tilespmem:$0x1D000] =	vst v63  }
0x118: {  	_ =	swait.ge [sflag:s29], $0x1000  }
0x119: {  	[sflag:s29] =	ssyncset.done $0x0  }
0x11a: {  	[sflag:s29] =	ssyncadd.s32 $0xFFFFF000  }
0x11b: {  	_ =	swait.ge [sflag:s15], $0x1000  }
0x11c: {  	[sflag:s15] =	ssyncset.done $0x0  }
0x11d: {  	[sflag:s15] =	ssyncadd.s32 $0xFFFFF000  }
0x11e: {  	[spmem:s2] =	stream.indirect.scatter.add.f32 [tilespmem:s6], [sflag:$0x9], $0x80, s20, s31, $0xb8;
	[tilespmem:$0x1D000] =	vst v63  }
0x11f: {  	_ =	swait.ge [sflag:s29], $0x1000  }
0x120: {  	[sflag:s29] =	ssyncset.done $0x0  }
0x121: {  	[sflag:s29] =	ssyncadd.s32 $0xFFFFF000  }
0x122: {  	_ =	swait.ge [sflag:s16], $0x1000  }
0x123: {  	[sflag:s16] =	ssyncset.done $0x0  }
0x124: {  	[sflag:s16] =	ssyncadd.s32 $0xFFFFF000  }
0x125: {  	[spmem:s2] =	stream.indirect.scatter.add.f32 [tilespmem:s8], [sflag:$0x9], $0x80, s21, s31, $0xb8;
	[tilespmem:$0x1D000] =	vst v63  }
0x126: {  	_ =	swait.ge [sflag:s29], $0x1000  }
0x127: {  	[sflag:s29] =	ssyncset.done $0x0  }
0x128: {  	[sflag:s29] =	ssyncadd.s32 $0xFFFFF000  }
0x129: {  	_ =	swait.ge [sflag:s17], $0x1000  }
0x12a: {  	[sflag:s17] =	ssyncset.done $0x0  }
0x12b: {  	[sflag:s17] =	ssyncadd.s32 $0xFFFFF000  }
0x12c: {  	[spmem:s2] =	stream.indirect.scatter.add.f32 [tilespmem:s9], [sflag:$0x9], $0x80, s22, s31, $0xb8;
	[tilespmem:$0x1D000] =	vst v63  }
0x12d: {  	_ =	swait.ge [sflag:s29], $0x1000  }
0x12e: {  	[sflag:s29] =	ssyncset.done $0x0  }
0x12f: {  	[sflag:s29] =	ssyncadd.s32 $0xFFFFF000  }
0x130: {  	_ =	swait.ge [sflag:s18], $0x1000  }
0x131: {  	[sflag:s18] =	ssyncset.done $0x0  }
0x132: {  	[sflag:s18] =	ssyncadd.s32 $0xFFFFF000  }
0x133: {  	[spmem:s2] =	stream.indirect.scatter.add.f32 [tilespmem:s10], [sflag:$0x9], $0x80, s23, s31, $0xb8;
	[tilespmem:$0x1D000] =	vst v63  }
0x134: {  	_ =	swait.ge [sflag:s29], $0x1000  }
0x135: {  	[sflag:s29] =	ssyncset.done $0x0  }
0x136: {  	[sflag:s29] =	ssyncadd.s32 $0xFFFFF000  }
0x137: {  	_ =	swait.ge [sflag:s19], $0x1000  }
0x138: {  	[sflag:s19] =	ssyncset.done $0x0  }
0x139: {  	[sflag:s19] =	ssyncadd.s32 $0xFFFFF000  }
0x13a: {  	[spmem:s2] =	stream.indirect.scatter.add.f32 [tilespmem:s11], [sflag:$0x9], $0x80, s24, s31, $0xb8;
	[tilespmem:$0x1D000] =	vst v63  }
0x13b: {  	s5 =	simm.s32 $0x200;
	s7 =	simm.s32 $0x100;
	_ =	swait.ge [sflag:s29], $0x1000  }
0x13c: {  	s21 =	simm.s32 $0xE00;
	s26 =	rddreg [dreg:$0x4];
	[sflag:s29] =	ssyncset.done $0x0  }
.LBB2_4:
0x13d: {  	[sflag:s29] =	ssyncadd.s32 $0xFFFFF000;
	s26 =	sadd.s32 s7, s26  }
0x13e: {  	[tilespmem:s3], [sflag:$0x9] =	stream.linear.gather [hbm4b:s26+s3], $0x800, $0x38;
	[tilespmem:$0x1D000] =	vst v63  }
0x13f: {  	_ =	swait.ge [sflag:s29], $0x800  }
0x140: {  	s26 =	rddreg [dreg:$0x3];
	[sflag:s29] =	ssyncset.done $0x0  }
0x141: {  	[sflag:s29] =	ssyncadd.s32 $0xFFFFF800;
	s26 =	sadd.s32 s7, s26  }
0x142: {  	[tilespmem:s30], [sflag:$0x9] =	stream.linear.gather [hbm4b:s26+s3], $0x800, $0x38;
	[tilespmem:$0x1D000] =	vst v63  }
0x143: {  	_ =	swait.ge [sflag:s29], $0x800  }
0x144: {  	[sflag:s29] =	ssyncset.done $0x0  }
0x145: {  	s20 =	smov.u32 s5;
	[sflag:s29] =	ssyncadd.s32 $0xFFFFF800  }
0x146: {  	[tilespmem:s28], [sflag:$0x1] =	stream.indirect.gather [hbm4b:s4+s31], $0x80, s3, s31, $0xb8;
	[tilespmem:$0x1D000] =	vst v63  }
0x147: {  	s7 =	smov.u32 s20;
	s20 =	rddreg [dreg:$0x5]  }
0x148: {  	[tilespmem:s1], [sflag:$0x2] =	stream.indirect.gather [hbm4b:s4+s31], $0x80, s20, s31, $0xb8;
	[tilespmem:$0x1D000] =	vst v63  }
0x149: {  	s26 =	rddreg [dreg:$0x6]  }
0x14a: {  	[tilespmem:s0], [sflag:$0x3] =	stream.indirect.gather [hbm4b:s4+s31], $0x80, s26, s31, $0xb8;
	[tilespmem:$0x1D000] =	vst v63  }
0x14b: {  	s20 =	rddreg [dreg:$0x7]  }
0x14c: {  	[tilespmem:s6], [sflag:$0x4] =	stream.indirect.gather [hbm4b:s4+s31], $0x80, s20, s31, $0xb8;
	[tilespmem:$0x1D000] =	vst v63  }
0x14d: {  	s26 =	rddreg [dreg:$0x8]  }
0x14e: {  	[tilespmem:s8], [sflag:$0x5] =	stream.indirect.gather [hbm4b:s4+s31], $0x80, s26, s31, $0xb8;
	[tilespmem:$0x1D000] =	vst v63  }
0x14f: {  	s20 =	rddreg [dreg:$0x9]  }
0x150: {  	[tilespmem:s9], [sflag:$0x6] =	stream.indirect.gather [hbm4b:s4+s31], $0x80, s20, s31, $0xb8;
	[tilespmem:$0x1D000] =	vst v63  }
0x151: {  	s26 =	rddreg [dreg:$0xa]  }
0x152: {  	[tilespmem:s10], [sflag:$0x7] =	stream.indirect.gather [hbm4b:s4+s31], $0x80, s26, s31, $0xb8;
	[tilespmem:$0x1D000] =	vst v63  }
0x153: {  	s20 =	rddreg [dreg:$0xb]  }
0x154: {  	[tilespmem:s11], [sflag:$0x8] =	stream.indirect.gather [hbm4b:s4+s31], $0x80, s20, s31, $0xb8;
	[tilespmem:$0x1D000] =	vst v63  }
0x155: {  	_ =	swait.ge [sflag:s12], $0x1000  }
0x156: {  	[sflag:s12] =	ssyncset.done $0x0  }
0x157: {  	[sflag:s12] =	ssyncadd.s32 $0xFFFFF000  }
0x158: {  	[spmem:s2] =	stream.indirect.scatter.add.f32 [tilespmem:s28], [sflag:$0x9], $0x80, s30, s31, $0xb8;
	[tilespmem:$0x1D000] =	vst v63  }
0x159: {  	_ =	swait.ge [sflag:s29], $0x1000  }
0x15a: {  	[sflag:s29] =	ssyncset.done $0x0  }
0x15b: {  	s26 =	rddreg [dreg:$0xc];
	[sflag:s29] =	ssyncadd.s32 $0xFFFFF000  }
0x15c: {  	[tilespmem:s28], [sflag:$0x1] =	stream.indirect.gather [hbm4b:s4+s31], $0x80, s26, s31, $0xb8;
	[tilespmem:$0x1D000] =	vst v63  }
0x15d: {  	_ =	swait.ge [sflag:s13], $0x1000  }
0x15e: {  	[sflag:s13] =	ssyncset.done $0x0  }
0x15f: {  	s26 =	rddreg [dreg:$0xd];
	[sflag:s13] =	ssyncadd.s32 $0xFFFFF000  }
0x160: {  	[spmem:s2] =	stream.indirect.scatter.add.f32 [tilespmem:s1], [sflag:$0x9], $0x80, s26, s31, $0xb8;
	[tilespmem:$0x1D000] =	vst v63  }
0x161: {  	_ =	swait.ge [sflag:s29], $0x1000  }
0x162: {  	[sflag:s29] =	ssyncset.done $0x0  }
0x163: {  	s26 =	rddreg [dreg:$0xe];
	[sflag:s29] =	ssyncadd.s32 $0xFFFFF000  }
0x164: {  	[tilespmem:s1], [sflag:$0x2] =	stream.indirect.gather [hbm4b:s4+s31], $0x80, s26, s31, $0xb8;
	[tilespmem:$0x1D000] =	vst v63  }
0x165: {  	_ =	swait.ge [sflag:s14], $0x1000  }
0x166: {  	[sflag:s14] =	ssyncset.done $0x0  }
0x167: {  	s26 =	rddreg [dreg:$0xf];
	[sflag:s14] =	ssyncadd.s32 $0xFFFFF000  }
0x168: {  	[spmem:s2] =	stream.indirect.scatter.add.f32 [tilespmem:s0], [sflag:$0x9], $0x80, s26, s31, $0xb8;
	[tilespmem:$0x1D000] =	vst v63  }
0x169: {  	_ =	swait.ge [sflag:s29], $0x1000  }
0x16a: {  	[sflag:s29] =	ssyncset.done $0x0  }
0x16b: {  	s26 =	rddreg [dreg:$0x10];
	[sflag:s29] =	ssyncadd.s32 $0xFFFFF000  }
0x16c: {  	[tilespmem:s0], [sflag:$0x3] =	stream.indirect.gather [hbm4b:s4+s31], $0x80, s26, s31, $0xb8;
	[tilespmem:$0x1D000] =	vst v63  }
0x16d: {  	_ =	swait.ge [sflag:s15], $0x1000  }
0x16e: {  	[sflag:s15] =	ssyncset.done $0x0  }
0x16f: {  	s26 =	rddreg [dreg:$0x11];
	[sflag:s15] =	ssyncadd.s32 $0xFFFFF000  }
0x170: {  	[spmem:s2] =	stream.indirect.scatter.add.f32 [tilespmem:s6], [sflag:$0x9], $0x80, s26, s31, $0xb8;
	[tilespmem:$0x1D000] =	vst v63  }
0x171: {  	_ =	swait.ge [sflag:s29], $0x1000  }
0x172: {  	[sflag:s29] =	ssyncset.done $0x0  }
0x173: {  	s26 =	rddreg [dreg:$0x12];
	[sflag:s29] =	ssyncadd.s32 $0xFFFFF000  }
0x174: {  	[tilespmem:s6], [sflag:$0x4] =	stream.indirect.gather [hbm4b:s4+s31], $0x80, s26, s31, $0xb8;
	[tilespmem:$0x1D000] =	vst v63  }
0x175: {  	_ =	swait.ge [sflag:s16], $0x1000  }
0x176: {  	[sflag:s16] =	ssyncset.done $0x0  }
0x177: {  	s26 =	rddreg [dreg:$0x13];
	[sflag:s16] =	ssyncadd.s32 $0xFFFFF000  }
0x178: {  	[spmem:s2] =	stream.indirect.scatter.add.f32 [tilespmem:s8], [sflag:$0x9], $0x80, s26, s31, $0xb8;
	[tilespmem:$0x1D000] =	vst v63  }
0x179: {  	_ =	swait.ge [sflag:s29], $0x1000  }
0x17a: {  	[sflag:s29] =	ssyncset.done $0x0  }
0x17b: {  	s26 =	rddreg [dreg:$0x14];
	[sflag:s29] =	ssyncadd.s32 $0xFFFFF000  }
0x17c: {  	[tilespmem:s8], [sflag:$0x5] =	stream.indirect.gather [hbm4b:s4+s31], $0x80, s26, s31, $0xb8;
	[tilespmem:$0x1D000] =	vst v63  }
0x17d: {  	_ =	swait.ge [sflag:s17], $0x1000  }
0x17e: {  	[sflag:s17] =	ssyncset.done $0x0  }
0x17f: {  	s26 =	rddreg [dreg:$0x15];
	[sflag:s17] =	ssyncadd.s32 $0xFFFFF000  }
0x180: {  	[spmem:s2] =	stream.indirect.scatter.add.f32 [tilespmem:s9], [sflag:$0x9], $0x80, s26, s31, $0xb8;
	[tilespmem:$0x1D000] =	vst v63  }
0x181: {  	_ =	swait.ge [sflag:s29], $0x1000  }
0x182: {  	[sflag:s29] =	ssyncset.done $0x0  }
0x183: {  	s26 =	rddreg [dreg:$0x16];
	[sflag:s29] =	ssyncadd.s32 $0xFFFFF000  }
0x184: {  	[tilespmem:s9], [sflag:$0x6] =	stream.indirect.gather [hbm4b:s4+s31], $0x80, s26, s31, $0xb8;
	[tilespmem:$0x1D000] =	vst v63  }
0x185: {  	_ =	swait.ge [sflag:s18], $0x1000  }
0x186: {  	[sflag:s18] =	ssyncset.done $0x0  }
0x187: {  	s26 =	rddreg [dreg:$0x17];
	[sflag:s18] =	ssyncadd.s32 $0xFFFFF000  }
0x188: {  	[spmem:s2] =	stream.indirect.scatter.add.f32 [tilespmem:s10], [sflag:$0x9], $0x80, s26, s31, $0xb8;
	[tilespmem:$0x1D000] =	vst v63  }
0x189: {  	_ =	swait.ge [sflag:s29], $0x1000  }
0x18a: {  	[sflag:s29] =	ssyncset.done $0x0  }
0x18b: {  	s26 =	rddreg [dreg:$0x18];
	[sflag:s29] =	ssyncadd.s32 $0xFFFFF000  }
0x18c: {  	[tilespmem:s10], [sflag:$0x7] =	stream.indirect.gather [hbm4b:s4+s31], $0x80, s26, s31, $0xb8;
	[tilespmem:$0x1D000] =	vst v63  }
0x18d: {  	_ =	swait.ge [sflag:s19], $0x1000  }
0x18e: {  	[sflag:s19] =	ssyncset.done $0x0  }
0x18f: {  	s26 =	rddreg [dreg:$0x19];
	[sflag:s19] =	ssyncadd.s32 $0xFFFFF000  }
0x190: {  	[spmem:s2] =	stream.indirect.scatter.add.f32 [tilespmem:s11], [sflag:$0x9], $0x80, s26, s31, $0xb8;
	[tilespmem:$0x1D000] =	vst v63  }
0x191: {  	_ =	swait.ge [sflag:s29], $0x1000  }
0x192: {  	[sflag:s29] =	ssyncset.done $0x0  }
0x193: {  	s26 =	rddreg [dreg:$0x1a];
	[sflag:s29] =	ssyncadd.s32 $0xFFFFF000  }
0x194: {  	[tilespmem:s11], [sflag:$0x8] =	stream.indirect.gather [hbm4b:s4+s31], $0x80, s26, s31, $0xb8;
	[tilespmem:$0x1D000] =	vst v63  }
0x195: {  	_ =	swait.ge [sflag:s12], $0x1000  }
0x196: {  	[sflag:s12] =	ssyncset.done $0x0  }
0x197: {  	s26 =	rddreg [dreg:$0x1b];
	[sflag:s12] =	ssyncadd.s32 $0xFFFFF000  }
0x198: {  	[spmem:s2] =	stream.indirect.scatter.add.f32 [tilespmem:s28], [sflag:$0x9], $0x80, s26, s31, $0xb8;
	[tilespmem:$0x1D000] =	vst v63  }
0x199: {  	_ =	swait.ge [sflag:s29], $0x1000  }
0x19a: {  	[sflag:s29] =	ssyncset.done $0x0  }
0x19b: {  	[sflag:s29] =	ssyncadd.s32 $0xFFFFF000  }
0x19c: {  	_ =	swait.ge [sflag:s13], $0x1000  }
0x19d: {  	[sflag:s13] =	ssyncset.done $0x0  }
0x19e: {  	s26 =	rddreg [dreg:$0x1c];
	[sflag:s13] =	ssyncadd.s32 $0xFFFFF000  }
0x19f: {  	[spmem:s2] =	stream.indirect.scatter.add.f32 [tilespmem:s1], [sflag:$0x9], $0x80, s26, s31, $0xb8;
	[tilespmem:$0x1D000] =	vst v63  }
0x1a0: {  	_ =	swait.ge [sflag:s29], $0x1000  }
0x1a1: {  	[sflag:s29] =	ssyncset.done $0x0  }
0x1a2: {  	[sflag:s29] =	ssyncadd.s32 $0xFFFFF000  }
0x1a3: {  	_ =	swait.ge [sflag:s14], $0x1000  }
0x1a4: {  	[sflag:s14] =	ssyncset.done $0x0  }
0x1a5: {  	s26 =	rddreg [dreg:$0x1d];
	[sflag:s14] =	ssyncadd.s32 $0xFFFFF000  }
0x1a6: {  	[spmem:s2] =	stream.indirect.scatter.add.f32 [tilespmem:s0], [sflag:$0x9], $0x80, s26, s31, $0xb8;
	[tilespmem:$0x1D000] =	vst v63  }
0x1a7: {  	_ =	swait.ge [sflag:s29], $0x1000  }
0x1a8: {  	[sflag:s29] =	ssyncset.done $0x0  }
0x1a9: {  	[sflag:s29] =	ssyncadd.s32 $0xFFFFF000  }
0x1aa: {  	_ =	swait.ge [sflag:s15], $0x1000  }
0x1ab: {  	[sflag:s15] =	ssyncset.done $0x0  }
0x1ac: {  	s20 =	simm.s32 $0xD80;
	[sflag:s15] =	ssyncadd.s32 $0xFFFFF000  }
0x1ad: {  	[spmem:s2] =	stream.indirect.scatter.add.f32 [tilespmem:s6], [sflag:$0x9], $0x80, s20, s31, $0xb8;
	[tilespmem:$0x1D000] =	vst v63  }
0x1ae: {  	_ =	swait.ge [sflag:s29], $0x1000  }
0x1af: {  	[sflag:s29] =	ssyncset.done $0x0  }
0x1b0: {  	[sflag:s29] =	ssyncadd.s32 $0xFFFFF000  }
0x1b1: {  	_ =	swait.ge [sflag:s16], $0x1000  }
0x1b2: {  	[sflag:s16] =	ssyncset.done $0x0  }
0x1b3: {  	[sflag:s16] =	ssyncadd.s32 $0xFFFFF000  }
0x1b4: {  	[spmem:s2] =	stream.indirect.scatter.add.f32 [tilespmem:s8], [sflag:$0x9], $0x80, s21, s31, $0xb8;
	[tilespmem:$0x1D000] =	vst v63  }
0x1b5: {  	_ =	swait.ge [sflag:s29], $0x1000  }
0x1b6: {  	[sflag:s29] =	ssyncset.done $0x0  }
0x1b7: {  	[sflag:s29] =	ssyncadd.s32 $0xFFFFF000  }
0x1b8: {  	_ =	swait.ge [sflag:s17], $0x1000  }
0x1b9: {  	[sflag:s17] =	ssyncset.done $0x0  }
0x1ba: {  	[sflag:s17] =	ssyncadd.s32 $0xFFFFF000  }
0x1bb: {  	[spmem:s2] =	stream.indirect.scatter.add.f32 [tilespmem:s9], [sflag:$0x9], $0x80, s22, s31, $0xb8;
	[tilespmem:$0x1D000] =	vst v63  }
0x1bc: {  	_ =	swait.ge [sflag:s29], $0x1000  }
0x1bd: {  	[sflag:s29] =	ssyncset.done $0x0  }
0x1be: {  	[sflag:s29] =	ssyncadd.s32 $0xFFFFF000  }
0x1bf: {  	_ =	swait.ge [sflag:s18], $0x1000  }
0x1c0: {  	[sflag:s18] =	ssyncset.done $0x0  }
0x1c1: {  	[sflag:s18] =	ssyncadd.s32 $0xFFFFF000  }
0x1c2: {  	[spmem:s2] =	stream.indirect.scatter.add.f32 [tilespmem:s10], [sflag:$0x9], $0x80, s23, s31, $0xb8;
	[tilespmem:$0x1D000] =	vst v63  }
0x1c3: {  	_ =	swait.ge [sflag:s29], $0x1000  }
0x1c4: {  	[sflag:s29] =	ssyncset.done $0x0  }
0x1c5: {  	[sflag:s29] =	ssyncadd.s32 $0xFFFFF000  }
0x1c6: {  	p0 =	sne.s32 s5, $0x1300;
	_ =	swait.ge [sflag:s19], $0x1000  }
.Ltmp1:
0x1c7: {  	[sflag:s19] =	ssyncset.done $0x0;
	(pc) =	sbr.rel @p0 .LBB2_4-.Ltmp1, $4  }
0x1c8: {  	[sflag:s19] =	ssyncadd.s32 $0xFFFFF000  }
0x1c9: {  	[spmem:s2] =	stream.indirect.scatter.add.f32 [tilespmem:s11], [sflag:$0x9], $0x80, s24, s31, $0xb8;
	[tilespmem:$0x1D000] =	vst v63  }
0x1ca: {  	_ =	swait.ge [sflag:s29], $0x1000  }
0x1cb: {  	s5 =	sadd.s32 $0x100, s5;
	s26 =	rddreg [dreg:$0x4];
	[sflag:s29] =	ssyncset.done $0x0  }
0x1cc: {  	[sflag:s29] =	ssyncadd.s32 $0xFFFFF000;
	s5 =	sadd.s32 s7, s26  }
0x1cd: {  	[tilespmem:s3], [sflag:$0x9] =	stream.linear.gather [hbm4b:s5+s3], $0x800, $0x38;
	[tilespmem:$0x1D000] =	vst v63  }
0x1ce: {  	_ =	swait.ge [sflag:s29], $0x800  }
0x1cf: {  	s26 =	rddreg [dreg:$0x3];
	[sflag:s29] =	ssyncset.done $0x0  }
0x1d0: {  	[sflag:s29] =	ssyncadd.s32 $0xFFFFF800;
	s5 =	sadd.s32 s7, s26  }
0x1d1: {  	[tilespmem:s30], [sflag:$0x9] =	stream.linear.gather [hbm4b:s5+s3], $0x800, $0x38;
	[tilespmem:$0x1D000] =	vst v63  }
0x1d2: {  	_ =	swait.ge [sflag:s29], $0x800  }
0x1d3: {  	[sflag:s29] =	ssyncset.done $0x0  }
0x1d4: {  	[sflag:s29] =	ssyncadd.s32 $0xFFFFF800  }
0x1d5: {  	[tilespmem:s28], [sflag:$0x1] =	stream.indirect.gather [hbm4b:s4+s31], $0x80, s3, s31, $0xb8;
	[tilespmem:$0x1D000] =	vst v63  }
0x1d6: {  	s26 =	rddreg [dreg:$0x5]  }
0x1d7: {  	[tilespmem:s1], [sflag:$0x2] =	stream.indirect.gather [hbm4b:s4+s31], $0x80, s26, s31, $0xb8;
	[tilespmem:$0x1D000] =	vst v63  }
0x1d8: {  	s7 =	rddreg [dreg:$0x6]  }
0x1d9: {  	[tilespmem:s0], [sflag:$0x3] =	stream.indirect.gather [hbm4b:s4+s31], $0x80, s7, s31, $0xb8;
	[tilespmem:$0x1D000] =	vst v63  }
0x1da: {  	s26 =	rddreg [dreg:$0x7]  }
0x1db: {  	[tilespmem:s6], [sflag:$0x4] =	stream.indirect.gather [hbm4b:s4+s31], $0x80, s26, s31, $0xb8;
	[tilespmem:$0x1D000] =	vst v63  }
0x1dc: {  	s7 =	rddreg [dreg:$0x8]  }
0x1dd: {  	[tilespmem:s8], [sflag:$0x5] =	stream.indirect.gather [hbm4b:s4+s31], $0x80, s7, s31, $0xb8;
	[tilespmem:$0x1D000] =	vst v63  }
0x1de: {  	s26 =	rddreg [dreg:$0x9]  }
0x1df: {  	[tilespmem:s9], [sflag:$0x6] =	stream.indirect.gather [hbm4b:s4+s31], $0x80, s26, s31, $0xb8;
	[tilespmem:$0x1D000] =	vst v63  }
0x1e0: {  	s7 =	rddreg [dreg:$0xa]  }
0x1e1: {  	[tilespmem:s10], [sflag:$0x7] =	stream.indirect.gather [hbm4b:s4+s31], $0x80, s7, s31, $0xb8;
	[tilespmem:$0x1D000] =	vst v63  }
0x1e2: {  	s26 =	rddreg [dreg:$0xb]  }
0x1e3: {  	[tilespmem:s11], [sflag:$0x8] =	stream.indirect.gather [hbm4b:s4+s31], $0x80, s26, s31, $0xb8;
	[tilespmem:$0x1D000] =	vst v63  }
0x1e4: {  	_ =	swait.ge [sflag:s12], $0x1000  }
0x1e5: {  	[sflag:s12] =	ssyncset.done $0x0  }
0x1e6: {  	[sflag:s12] =	ssyncadd.s32 $0xFFFFF000  }
0x1e7: {  	[spmem:s2] =	stream.indirect.scatter.add.f32 [tilespmem:s28], [sflag:$0x9], $0x80, s30, s31, $0xb8;
	[tilespmem:$0x1D000] =	vst v63  }
0x1e8: {  	_ =	swait.ge [sflag:s29], $0x1000  }
0x1e9: {  	[sflag:s29] =	ssyncset.done $0x0  }
0x1ea: {  	s26 =	rddreg [dreg:$0xc];
	[sflag:s29] =	ssyncadd.s32 $0xFFFFF000  }
0x1eb: {  	[tilespmem:s28], [sflag:$0x1] =	stream.indirect.gather [hbm4b:s4+s31], $0x80, s26, s31, $0xb8;
	[tilespmem:$0x1D000] =	vst v63  }
0x1ec: {  	_ =	swait.ge [sflag:s13], $0x1000  }
0x1ed: {  	[sflag:s13] =	ssyncset.done $0x0  }
0x1ee: {  	s7 =	rddreg [dreg:$0xd];
	[sflag:s13] =	ssyncadd.s32 $0xFFFFF000  }
0x1ef: {  	[spmem:s2] =	stream.indirect.scatter.add.f32 [tilespmem:s1], [sflag:$0x9], $0x80, s7, s31, $0xb8;
	[tilespmem:$0x1D000] =	vst v63  }
0x1f0: {  	_ =	swait.ge [sflag:s29], $0x1000  }
0x1f1: {  	[sflag:s29] =	ssyncset.done $0x0  }
0x1f2: {  	s26 =	rddreg [dreg:$0xe];
	[sflag:s29] =	ssyncadd.s32 $0xFFFFF000  }
0x1f3: {  	[tilespmem:s1], [sflag:$0x2] =	stream.indirect.gather [hbm4b:s4+s31], $0x80, s26, s31, $0xb8;
	[tilespmem:$0x1D000] =	vst v63  }
0x1f4: {  	_ =	swait.ge [sflag:s14], $0x1000  }
0x1f5: {  	[sflag:s14] =	ssyncset.done $0x0  }
0x1f6: {  	s7 =	rddreg [dreg:$0xf];
	[sflag:s14] =	ssyncadd.s32 $0xFFFFF000  }
0x1f7: {  	[spmem:s2] =	stream.indirect.scatter.add.f32 [tilespmem:s0], [sflag:$0x9], $0x80, s7, s31, $0xb8;
	[tilespmem:$0x1D000] =	vst v63  }
0x1f8: {  	_ =	swait.ge [sflag:s29], $0x1000  }
0x1f9: {  	[sflag:s29] =	ssyncset.done $0x0  }
0x1fa: {  	s26 =	rddreg [dreg:$0x10];
	[sflag:s29] =	ssyncadd.s32 $0xFFFFF000  }
0x1fb: {  	[tilespmem:s0], [sflag:$0x3] =	stream.indirect.gather [hbm4b:s4+s31], $0x80, s26, s31, $0xb8;
	[tilespmem:$0x1D000] =	vst v63  }
0x1fc: {  	_ =	swait.ge [sflag:s15], $0x1000  }
0x1fd: {  	[sflag:s15] =	ssyncset.done $0x0  }
0x1fe: {  	s7 =	rddreg [dreg:$0x11];
	[sflag:s15] =	ssyncadd.s32 $0xFFFFF000  }
0x1ff: {  	[spmem:s2] =	stream.indirect.scatter.add.f32 [tilespmem:s6], [sflag:$0x9], $0x80, s7, s31, $0xb8;
	[tilespmem:$0x1D000] =	vst v63  }
0x200: {  	_ =	swait.ge [sflag:s29], $0x1000  }
0x201: {  	[sflag:s29] =	ssyncset.done $0x0  }
0x202: {  	s26 =	rddreg [dreg:$0x12];
	[sflag:s29] =	ssyncadd.s32 $0xFFFFF000  }
0x203: {  	[tilespmem:s6], [sflag:$0x4] =	stream.indirect.gather [hbm4b:s4+s31], $0x80, s26, s31, $0xb8;
	[tilespmem:$0x1D000] =	vst v63  }
0x204: {  	_ =	swait.ge [sflag:s16], $0x1000  }
0x205: {  	[sflag:s16] =	ssyncset.done $0x0  }
0x206: {  	s7 =	rddreg [dreg:$0x13];
	[sflag:s16] =	ssyncadd.s32 $0xFFFFF000  }
0x207: {  	[spmem:s2] =	stream.indirect.scatter.add.f32 [tilespmem:s8], [sflag:$0x9], $0x80, s7, s31, $0xb8;
	[tilespmem:$0x1D000] =	vst v63  }
0x208: {  	_ =	swait.ge [sflag:s29], $0x1000  }
0x209: {  	[sflag:s29] =	ssyncset.done $0x0  }
0x20a: {  	s26 =	rddreg [dreg:$0x14];
	[sflag:s29] =	ssyncadd.s32 $0xFFFFF000  }
0x20b: {  	[tilespmem:s8], [sflag:$0x5] =	stream.indirect.gather [hbm4b:s4+s31], $0x80, s26, s31, $0xb8;
	[tilespmem:$0x1D000] =	vst v63  }
0x20c: {  	_ =	swait.ge [sflag:s17], $0x1000  }
0x20d: {  	[sflag:s17] =	ssyncset.done $0x0  }
0x20e: {  	s7 =	rddreg [dreg:$0x15];
	[sflag:s17] =	ssyncadd.s32 $0xFFFFF000  }
0x20f: {  	[spmem:s2] =	stream.indirect.scatter.add.f32 [tilespmem:s9], [sflag:$0x9], $0x80, s7, s31, $0xb8;
	[tilespmem:$0x1D000] =	vst v63  }
0x210: {  	_ =	swait.ge [sflag:s29], $0x1000  }
0x211: {  	[sflag:s29] =	ssyncset.done $0x0  }
0x212: {  	s26 =	rddreg [dreg:$0x16];
	[sflag:s29] =	ssyncadd.s32 $0xFFFFF000  }
0x213: {  	[tilespmem:s9], [sflag:$0x6] =	stream.indirect.gather [hbm4b:s4+s31], $0x80, s26, s31, $0xb8;
	[tilespmem:$0x1D000] =	vst v63  }
0x214: {  	_ =	swait.ge [sflag:s18], $0x1000  }
0x215: {  	[sflag:s18] =	ssyncset.done $0x0  }
0x216: {  	s7 =	rddreg [dreg:$0x17];
	[sflag:s18] =	ssyncadd.s32 $0xFFFFF000  }
0x217: {  	[spmem:s2] =	stream.indirect.scatter.add.f32 [tilespmem:s10], [sflag:$0x9], $0x80, s7, s31, $0xb8;
	[tilespmem:$0x1D000] =	vst v63  }
0x218: {  	_ =	swait.ge [sflag:s29], $0x1000  }
0x219: {  	[sflag:s29] =	ssyncset.done $0x0  }
0x21a: {  	s26 =	rddreg [dreg:$0x18];
	[sflag:s29] =	ssyncadd.s32 $0xFFFFF000  }
0x21b: {  	[tilespmem:s10], [sflag:$0x7] =	stream.indirect.gather [hbm4b:s4+s31], $0x80, s26, s31, $0xb8;
	[tilespmem:$0x1D000] =	vst v63  }
0x21c: {  	_ =	swait.ge [sflag:s19], $0x1000  }
0x21d: {  	[sflag:s19] =	ssyncset.done $0x0  }
0x21e: {  	s7 =	rddreg [dreg:$0x19];
	[sflag:s19] =	ssyncadd.s32 $0xFFFFF000  }
0x21f: {  	[spmem:s2] =	stream.indirect.scatter.add.f32 [tilespmem:s11], [sflag:$0x9], $0x80, s7, s31, $0xb8;
	[tilespmem:$0x1D000] =	vst v63  }
0x220: {  	_ =	swait.ge [sflag:s29], $0x1000  }
0x221: {  	[sflag:s29] =	ssyncset.done $0x0  }
0x222: {  	s26 =	rddreg [dreg:$0x1a];
	[sflag:s29] =	ssyncadd.s32 $0xFFFFF000  }
0x223: {  	[tilespmem:s11], [sflag:$0x8] =	stream.indirect.gather [hbm4b:s4+s31], $0x80, s26, s31, $0xb8;
	[tilespmem:$0x1D000] =	vst v63  }
0x224: {  	_ =	swait.ge [sflag:s12], $0x1000  }
0x225: {  	[sflag:s12] =	ssyncset.done $0x0  }
0x226: {  	s7 =	rddreg [dreg:$0x1b];
	[sflag:s12] =	ssyncadd.s32 $0xFFFFF000  }
0x227: {  	[spmem:s2] =	stream.indirect.scatter.add.f32 [tilespmem:s28], [sflag:$0x9], $0x80, s7, s31, $0xb8;
	[tilespmem:$0x1D000] =	vst v63  }
0x228: {  	_ =	swait.ge [sflag:s29], $0x1000  }
0x229: {  	[sflag:s29] =	ssyncset.done $0x0  }
0x22a: {  	[sflag:s29] =	ssyncadd.s32 $0xFFFFF000  }
0x22b: {  	_ =	swait.ge [sflag:s13], $0x1000  }
0x22c: {  	[sflag:s13] =	ssyncset.done $0x0  }
0x22d: {  	s26 =	rddreg [dreg:$0x1c];
	[sflag:s13] =	ssyncadd.s32 $0xFFFFF000  }
0x22e: {  	[spmem:s2] =	stream.indirect.scatter.add.f32 [tilespmem:s1], [sflag:$0x9], $0x80, s26, s31, $0xb8;
	[tilespmem:$0x1D000] =	vst v63  }
0x22f: {  	_ =	swait.ge [sflag:s29], $0x1000  }
0x230: {  	[sflag:s29] =	ssyncset.done $0x0  }
0x231: {  	[sflag:s29] =	ssyncadd.s32 $0xFFFFF000  }
0x232: {  	_ =	swait.ge [sflag:s14], $0x1000  }
0x233: {  	[sflag:s14] =	ssyncset.done $0x0  }
0x234: {  	s7 =	rddreg [dreg:$0x1d];
	[sflag:s14] =	ssyncadd.s32 $0xFFFFF000  }
0x235: {  	[spmem:s2] =	stream.indirect.scatter.add.f32 [tilespmem:s0], [sflag:$0x9], $0x80, s7, s31, $0xb8;
	[tilespmem:$0x1D000] =	vst v63  }
0x236: {  	_ =	swait.ge [sflag:s29], $0x1000  }
0x237: {  	[sflag:s29] =	ssyncset.done $0x0  }
0x238: {  	[sflag:s29] =	ssyncadd.s32 $0xFFFFF000  }
0x239: {  	_ =	swait.ge [sflag:s15], $0x1000  }
0x23a: {  	[sflag:s15] =	ssyncset.done $0x0  }
0x23b: {  	[sflag:s15] =	ssyncadd.s32 $0xFFFFF000  }
0x23c: {  	[spmem:s2] =	stream.indirect.scatter.add.f32 [tilespmem:s6], [sflag:$0x9], $0x80, s20, s31, $0xb8;
	[tilespmem:$0x1D000] =	vst v63  }
0x23d: {  	_ =	swait.ge [sflag:s29], $0x1000  }
0x23e: {  	[sflag:s29] =	ssyncset.done $0x0  }
0x23f: {  	[sflag:s29] =	ssyncadd.s32 $0xFFFFF000  }
0x240: {  	_ =	swait.ge [sflag:s16], $0x1000  }
0x241: {  	[sflag:s16] =	ssyncset.done $0x0  }
0x242: {  	[sflag:s16] =	ssyncadd.s32 $0xFFFFF000  }
0x243: {  	[spmem:s2] =	stream.indirect.scatter.add.f32 [tilespmem:s8], [sflag:$0x9], $0x80, s21, s31, $0xb8;
	[tilespmem:$0x1D000] =	vst v63  }
0x244: {  	_ =	swait.ge [sflag:s29], $0x1000  }
0x245: {  	[sflag:s29] =	ssyncset.done $0x0  }
0x246: {  	[sflag:s29] =	ssyncadd.s32 $0xFFFFF000  }
0x247: {  	_ =	swait.ge [sflag:s17], $0x1000  }
0x248: {  	[sflag:s17] =	ssyncset.done $0x0  }
0x249: {  	[sflag:s17] =	ssyncadd.s32 $0xFFFFF000  }
0x24a: {  	[spmem:s2] =	stream.indirect.scatter.add.f32 [tilespmem:s9], [sflag:$0x9], $0x80, s22, s31, $0xb8;
	[tilespmem:$0x1D000] =	vst v63  }
0x24b: {  	_ =	swait.ge [sflag:s29], $0x1000  }
0x24c: {  	[sflag:s29] =	ssyncset.done $0x0  }
0x24d: {  	[sflag:s29] =	ssyncadd.s32 $0xFFFFF000  }
0x24e: {  	_ =	swait.ge [sflag:s18], $0x1000  }
0x24f: {  	[sflag:s18] =	ssyncset.done $0x0  }
0x250: {  	[sflag:s18] =	ssyncadd.s32 $0xFFFFF000  }
0x251: {  	[spmem:s2] =	stream.indirect.scatter.add.f32 [tilespmem:s10], [sflag:$0x9], $0x80, s23, s31, $0xb8;
	[tilespmem:$0x1D000] =	vst v63  }
0x252: {  	_ =	swait.ge [sflag:s29], $0x1000  }
0x253: {  	[sflag:s29] =	ssyncset.done $0x0  }
0x254: {  	[sflag:s29] =	ssyncadd.s32 $0xFFFFF000  }
0x255: {  	_ =	swait.ge [sflag:s19], $0x1000  }
0x256: {  	[sflag:s19] =	ssyncset.done $0x0  }
0x257: {  	[sflag:s19] =	ssyncadd.s32 $0xFFFFF000  }
0x258: {  	[spmem:s2] =	stream.indirect.scatter.add.f32 [tilespmem:s11], [sflag:$0x9], $0x80, s24, s31, $0xb8;
	[tilespmem:$0x1D000] =	vst v63  }
0x259: {  	_ =	swait.ge [sflag:s29], $0x1000  }
0x25a: {  	[sflag:s29] =	ssyncset.done $0x0  }
0x25b: {  	[sflag:s29] =	ssyncadd.s32 $0xFFFFF000  }
0x25c: {  	s20 =	stileid.u32;
	[bflag:$0x0] =	sbarrier.arrive $0xFFFF  }
0x25d: {  	s5 =	sshll.u32 s20, $0x6;
	s26 =	rddreg [dreg:$0x1e]  }
0x25e: {  	s5 =	sor.u32 $0x1C09, s5;
	s21 =	sadd.s32 $0x0, s25;
	s20 =	sshrl.u32 s26, $0x3  }
0x25f: {  	[hbm:s21], [sflag:s5] =	dma.local [spmem:s20], $0x200  }
0x260: {  	_ =	swait.ge [sflag:s29], $0x200  }
0x261: {  	s26 =	sld [smem:$0x7EB]  }
0x262: {  	s7 =	simm.s32 $0x200  }
.LBB2_6:
0x263: {  	s20 =	sadd.s32 s7, s25;
	[sflag:s29] =	ssyncset.done $0x0;
	p0 =	sne.s32 s7, $0x2600  }
.Ltmp2:
0x264: {  	s21 =	sshrl.u32 s26, $0x3;
	[sflag:s29] =	ssyncadd.s32 $0xFFFFFE00;
	(pc) =	sbr.rel @p0 .LBB2_6-.Ltmp2, $3  }
0x265: {  	[hbm:s20], [sflag:s5] =	dma.local [spmem:s21], $0x200  }
0x266: {  	s7 =	sadd.s32 $0x200, s7;
	_ =	sdelay $0x1  }
0x267: {  	s26 =	sadd.s32 $0x1000, s26;
	_ =	swait.ge [sflag:s29], $0x200  }
0x268: {  	s7 =	sld [smem:$0x7EA];
	_ =	sdelay $0x2  }
0x269: {  	s5 =	rddreg [dreg:$0x1f];
	s7 =	sadd.s32 $0x1, s7  }
0x26a: {  	p0 =	sne.s32 s7, s5  }
.Ltmp3:
0x26b: {  	_ = 	snop;
	(pc) =	sbr.rel @p0 .LBB2_1-.Ltmp3, $3  }
0x26c: {  	_ =	sdelay $0x1  }
0x26d: {  	[sflag:s29] =	ssyncset.done $0x0;
	s26 =	rddreg [dreg:$0x1e]  }
0x26e: {  	s20 =	simm.s32 $0xD80;
	s21 =	simm.s32 $0xE00;
	[sflag:s29] =	ssyncadd.s32 $0xFFFFFE00  }
0x26f: {  	_ =	sfence.sel $0x180000  }
0x270: {  	[bflag:$0x0] =	sbarrier.arrive $0xFFFF  }
0x271: {  	_ =	strace $0x9000004D  }
0x272: {  	s0 =	stileid.u32;
	[bflag:$0x2] =	sbarrier.arrive $0xFFFF  }
0x273: {  	p0 =	sne.s32 s0, $0x0;
	s0 =	rddreg [dreg:$0x2]  }
0x274: {  	s0 =	sadd.s32 @!p0 $0x100000, s0  }
0x275: {  	[sflag:s0] =	ssyncadd.tile.s32 @!p0 $0x1;
	_ =	shalt  }
.Lfunc_end2:
_tile_overlayer_lowered:
.L_overlay_start_2:
0x276: {  	(tag) =	ssettag $0x2  }
0x277: {  	s0 =	rddreg [dreg:$0x0];
	s2 =	stileid.u32  }
0x278: {  	s1 =	rddreg [dreg:$0x1];
	p0 =	sne.s32 s2, $0x0  }
0x279: {  	s3 =	rddreg [dreg:$0x2];
	[bflag:$0x3] =	sbarrier.arrive $0xFFFF;
	s2 =	simm.s32 @!p0 $0x1C09  }
0x27a: {  	[timem:s3], [sflag:s2] =	dma.local @!p0 [hbm:s0], s1  }
0x27b: {  	s0 =	simm.s32 @!p0 $0x9  }
0x27c: {  	_ =	swait.ge @!p0 [sflag:s0], s1  }
0x27d: {  	s1 =	ssub.s32 @!p0 $0x0, s1;
	[sflag:s0] =	ssyncset.done @!p0 $0x0  }
0x27e: {  	[sflag:s0] =	ssyncadd.s32 @!p0 s1  }
0x27f: {  	[bflag:$0x3] =	sbarrier.arrive $0xFFFF  }
0x280: {  	_ =	shalt  }

// kernel: kernel.9.cloned.1.call-start
scs
__scs_entry_jumppad:
0x0: {  	(pc) =	sbr.rel $0x88, $3  }
0x1: {  	(tag) =	ssettag $0x0;
	lr =	simm.s32 $0x1  }
0x2: {  	[smem:$0x3F93] =	sst lr;
	_ =	strace $0xD0000000  }
0x3: {  	_ = 	snop  }
0x4: {  	_ = 	snop  }
0x5: {  	_ = 	snop  }
0x6: {  	_ = 	snop  }
0x7: {  	_ = 	snop  }
__scs_overlays_trampoline_lowered:
0x8: {  	[smem:$0x3FA2] =	sst s0  }
0x9: {  	[smem:$0x3FA3] =	sst s1  }
0xa: {  	[smem:$0x3FA4] =	sst s2  }
0xb: {  	[smem:$0x3FA5] =	sst s3  }
0xc: {  	[smem:$0x3FA6] =	sst s4  }
0xd: {  	[smem:$0x3FA7] =	sst s5  }
0xe: {  	[smem:$0x3FA8] =	sst s6  }
0xf: {  	[smem:$0x3FA9] =	sst s7  }
0x10: {  	[smem:$0x3FAA] =	sst s8  }
0x11: {  	[smem:$0x3FAB] =	sst s9;
	s0 =	simm.s32 @!p0 $0x0  }
0x12: {  	s1 =	sld [smem:$0x3F91];
	s0 =	simm.s32 @p0 $0x1  }
0x13: {  	[smem:$0x3FAC] =	sst s0;
	s0 =	simm.s32 @!p1 $0x0  }
0x14: {  	s2 =	sld [smem:$0x3F90];
	s0 =	simm.s32 @p1 $0x1  }
0x15: {  	[smem:$0x3FAD] =	sst s0;
	s0 =	simm.s32 @!p2 $0x0  }
0x16: {  	s3 =	sld [smem:$0x3FDB];
	s0 =	simm.s32 @p2 $0x1  }
0x17: {  	s4 =	simm.s32 $0x1BF5;
	[smem:$0x3FAF] =	sst s0  }
0x18: {  	s0 =	sld [smem:$0x3F92];
	_ =	swait.ge [sflag:s4], $0x0  }
0x19: {  	s7 =	sld [smem:$0x3F93]  }
0x1a: {  	s8 =	sadd.s32 $0xFFFFE003, lr  }
0x1b: {  	s9 =	sadd.s32 $0xFFFFFEF7, lr;
	s5 =	simm.s32 $0xFFFFFFFF;
	p2 =	slt.u32 s8, $0xFFFFF086  }
0x1c: {  	p1 =	slt.u32 s9, $0xF7A;
	s5 =	simm.s32 @!p2 $0x0  }
0x1d: {  	s5 =	simm.s32 @p1 $0x1;
	p0 =	seq.s32 s7, s2  }
0x1e: {  	s7 =	smul.u32 @!p0 $0xF7A, s2;
	p2 =	seq.s32 @!p0 s5, $0x0  }
0x1f: {  	s9 =	smul.u32 $0xF7A, s1;
	s8 =	simm.s32 @!p0 $0x1BF5;
	p2 =	por !p2, p0  }
0x20: {  	[sflag:s8] =	ssyncset.s32 @!p0 $0xFFFFF086;
	s6 =	sadd.s32 @!p0 s3, s7;
	s7 =	simm.s32 @!p0 $0x108  }
0x21: {  	s3 =	sadd.s32 s3, s9;
	s6 =	sadd.s32 @!p0 $0x88, s6;
	s7 =	simm.s32 @p2 $0x1082  }
0x22: {  	[simem:s7], [sflag:s8] =	dma.local @!p0 [hbm:s6], $0xF7A  }
0x23: {  	s9 =	sor.u32 $0xD0000000, s2;
	s6 =	simm.s32 $0x108;
	_ =	swait.ge @!p0 [sflag:s8], $0x0  }
0x24: {  	s3 =	sadd.s32 $0x88, s3;
	s6 =	simm.s32 @!p1 $0x1082;
	[sflag:s4] =	ssyncset.s32 $0xFFFFF086  }
0x25: {  	[simem:s6], [sflag:s4] =	dma.local [hbm:s3], $0xF7A  }
0x26: {  	[smem:$0x3F93] =	sst s1;
	(tag) =	ssettag s2;
	_ =	strace s9  }
0x27: {  	s1 =	sld [smem:$0x3FA3]  }
0x28: {  	s2 =	sld [smem:$0x3FA4]  }
0x29: {  	s4 =	sld [smem:$0x3FA6]  }
0x2a: {  	p0 =	seq.s32 s5, $0x0;
	s5 =	sld [smem:$0x3FA7]  }
0x2b: {  	s6 =	sld [smem:$0x3FA8]  }
0x2c: {  	s7 =	sld [smem:$0x3FA9]  }
0x2d: {  	s3 =	simm.s32 $0x108;
	s8 =	sld [smem:$0x3FAA]  }
0x2e: {  	s3 =	simm.s32 @!p0 $0x1082;
	s9 =	sld [smem:$0x3FAB]  }
0x2f: {  	lr =	sadd.s32 s0, s3;
	s0 =	sld [smem:$0x3FA2]  }
0x30: {  	s3 =	sld [smem:$0x3FA5]  }
0x31: {  	[smem:$0x3FAE] =	sst s10  }
0x32: {  	s10 =	sld [smem:$0x3FAC];
	_ =	sdelay $0x3  }
0x33: {  	p0 =	seq.s32 s10, $0x1;
	s10 =	sld [smem:$0x3FAE];
	_ =	sdelay $0x3  }
0x34: {  	[smem:$0x3FAE] =	sst s10  }
0x35: {  	s10 =	sld [smem:$0x3FAD];
	_ =	sdelay $0x3  }
0x36: {  	p1 =	seq.s32 s10, $0x1;
	s10 =	sld [smem:$0x3FAE];
	_ =	sdelay $0x3  }
0x37: {  	[smem:$0x3FAE] =	sst s10  }
0x38: {  	s10 =	sld [smem:$0x3FAF]  }
0x39: {  	_ = 	snop;
	(pc) =	sbr.ind lr, $3  }
0x3a: {  	_ = 	snop  }
0x3b: {  	_ = 	snop  }
0x3c: {  	p2 =	seq.s32 s10, $0x1;
	s10 =	sld [smem:$0x3FAE]  }
0x3d: {  	_ =	shalt  }
0x3e: {  	_ =	shalt  }
0x3f: {  	_ =	shalt  }
0x40: {  	_ =	shalt  }
0x41: {  	_ =	shalt  }
0x42: {  	_ =	shalt  }
0x43: {  	_ =	shalt  }
0x44: {  	_ =	shalt  }
0x45: {  	_ =	shalt  }
0x46: {  	_ =	shalt  }
0x47: {  	_ =	shalt  }
0x48: {  	_ =	shalt  }
0x49: {  	_ =	shalt  }
0x4a: {  	_ =	shalt  }
0x4b: {  	_ =	shalt  }
0x4c: {  	_ =	shalt  }
0x4d: {  	_ =	shalt  }
0x4e: {  	_ =	shalt  }
0x4f: {  	_ =	shalt  }
0x50: {  	_ =	shalt  }
0x51: {  	_ =	shalt  }
0x52: {  	_ =	shalt  }
0x53: {  	_ =	shalt  }
0x54: {  	_ =	shalt  }
0x55: {  	_ =	shalt  }
0x56: {  	_ =	shalt  }
0x57: {  	_ =	shalt  }
0x58: {  	_ =	shalt  }
0x59: {  	_ =	shalt  }
0x5a: {  	_ =	shalt  }
0x5b: {  	_ =	shalt  }
0x5c: {  	_ =	shalt  }
0x5d: {  	_ =	shalt  }
0x5e: {  	_ =	shalt  }
0x5f: {  	_ =	shalt  }
0x60: {  	_ =	shalt  }
0x61: {  	_ =	shalt  }
0x62: {  	_ =	shalt  }
0x63: {  	_ =	shalt  }
0x64: {  	_ =	shalt  }
0x65: {  	_ =	shalt  }
0x66: {  	_ =	shalt  }
0x67: {  	_ =	shalt  }
0x68: {  	_ =	shalt  }
0x69: {  	_ =	shalt  }
0x6a: {  	_ =	shalt  }
0x6b: {  	_ =	shalt  }
0x6c: {  	_ =	shalt  }
0x6d: {  	_ =	shalt  }
0x6e: {  	_ =	shalt  }
0x6f: {  	_ =	shalt  }
0x70: {  	_ =	shalt  }
0x71: {  	_ =	shalt  }
0x72: {  	_ =	shalt  }
0x73: {  	_ =	shalt  }
0x74: {  	_ =	shalt  }
0x75: {  	_ =	shalt  }
0x76: {  	_ =	shalt  }
0x77: {  	_ =	shalt  }
0x78: {  	_ =	shalt  }
0x79: {  	_ =	shalt  }
0x7a: {  	_ =	shalt  }
0x7b: {  	_ =	shalt  }
0x7c: {  	_ =	shalt  }
0x7d: {  	_ =	shalt  }
0x7e: {  	_ =	shalt  }
0x7f: {  	_ =	shalt  }
0x80: {  	_ =	shalt  }
0x81: {  	_ =	shalt  }
0x82: {  	_ =	shalt  }
0x83: {  	_ =	shalt  }
0x84: {  	_ =	shalt  }
0x85: {  	_ =	shalt  }
0x86: {  	_ =	shalt  }
0x87: {  	_ =	shalt  }
.Lfunc_end0:
.L_simem_size_0:
called_computation_lowered:
.L_overlay_start_0:
0x88: {  	s2 =	sld [smem:$0x3FD9]  }
0x89: {  	s3 =	sld [smem:$0x3FFE];
	_ =	sdelay $0x1  }
0x8a: {  	s1 =	srdreg.scid  }
0x8b: {  	s0 =	sand.u32 $0x1, s1  }
0x8c: {  	s16 =	sshll.u32 s0, $0xA;
	s2 =	sadd.s32 s3, s2  }
0x8d: {  	s2 =	sadd.s32 s2, s16  }
0x8e: {  	[smem:$0x3FBA] =	sst s2  }
0x8f: {  	_ = 	snop  }
0x90: {  	(tm) =	ssettm $0x1  }
0x91: {  	s17 =	sld [smem:$0x3FFB];
	_ =	sdelay $0x3  }
0x92: {  	_ =	strace s17  }
0x93: {  	s2 =	sld [smem:$0x3FFC];
	_ =	sdelay $0x3  }
0x94: {  	_ =	strace s2  }
0x95: {  	s2 =	sld [smem:$0x3FFD];
	_ =	sdelay $0x3  }
0x96: {  	_ =	strace s2  }
0x97: {  	_ =	strace $0x8FFFFFFF  }
0x98: {  	s18 =	sld [smem:$0x3FDB];
	_ =	sdelay $0x1  }
0x99: {  	s19 =	simm.s32 $_scs_section_size  }
0x9a: {  	s4 =	simm.s32 $_size__tile_overlayer_lowered;
	s5 =	simm.s32 $_tile_overlayer_lowered  }
0x9b: {  	s22 =	simm.s32 $0x1BFF;
	s21 =	sshll.u32 s5, $0x1;
	s2 =	sadd.s32 s19, s18  }
0x9c: {  	s6 =	simm.s32 $0x0;
	s20 =	sshll.u32 s4, $0x1;
	s4 =	sadd.s32 s21, s2  }
0x9d: {  	[timem:s6], [sflag:s22] =	dma.local [hbm:s4], s20  }
0x9e: {  	_ =	swait.ge [sflag:s22], s20  }
0x9f: {  	s3 =	ssub.s32 $0x0, s20;
	[sflag:s22] =	ssyncset.done $0x0  }
0xa0: {  	[sflag:s22] =	ssyncadd.s32 s3;
	_ =	sdelay $0x1  }
0xa1: {  	s23 =	simm.s32 $0x1B8B  }
0xa2: {  	_ =	swait.ge [sflag:s23], $0x1  }
0xa3: {  	[sflag:s23] =	ssyncset.done $0x0  }
0xa4: {  	s25 =	simm.s32 $0x1B8E;
	s24 =	sld [smem:$0x3FFE];
	[sflag:s23] =	ssyncadd.s32 $0xFFFFFFFF  }
0xa5: {  	s26 =	simm.s32 $execute0_lowered;
	[smem:$0x3FD2] =	sst s25  }
0xa6: {  	s4 =	sshll.u32 s26, $0x1;
	_ =	strace $0x80000046;
	[dreg:$0x1] =	wrdreg $0xFFFFFFFF  }
0xa7: {  	s28 =	simm.s32 $_size_execute0_lowered;
	s2 =	sadd.s32 s2, s4;
	[dreg:$0x0] =	wrdreg $0x0  }
0xa8: {  	s4 =	sshll.u32 s28, $0x1;
	[dreg:$0x2] =	wrdreg s2  }
0xa9: {  	[dreg:$0x3] =	wrdreg s4  }
0xaa: {  	[dreg:$0x4] =	wrdreg $0xC0  }
0xab: {  	_ =	task [dreg:s6], $0x5FFFF  }
0xac: {  	[dreg:$0x1] =	wrdreg $0xFFFFFFFF  }
0xad: {  	[dreg:$0x0] =	wrdreg $0x60  }
0xae: {  	[dreg:$0x2] =	wrdreg s24  }
0xaf: {  	[dreg:$0x3] =	wrdreg $0x90000  }
0xb0: {  	[dreg:$0x4] =	wrdreg $0x9  }
0xb1: {  	_ =	task.clear_ibuf [dreg:s6], $0x5FFFF;
	_ =	strace $0x90000046  }
0xb2: {  	s29 =	simm.s32 $0x9;
	_ =	strace $0x80000048  }
0xb3: {  	_ =	swait.ge [sflag:s29], $0x1  }
0xb4: {  	[sflag:s29] =	ssyncadd.s32 $0xFFFFFFFF  }
0xb5: {  	_ =	strace $0x90000048  }
0xb6: {  	_ =	sfence  }
0xb7: {  	s30 =	sld [smem:$0x0];
	_ =	sdelay $0x2  }
0xb8: {  	s31 =	sshll.u32 s1, $0xD;
	s1 =	sshrl.u32 s1, $0x2  }
0xb9: {  	s3 =	sand.u32 $0x4000, s31;
	s1 =	sadd.s32 s1, s30  }
0xba: {  	s0 =	sor.u32 s3, s0;
	s1 =	sshll.u32 s1, $0x11  }
0xbb: {  	s0 =	sor.u32 s1, s0  }
0xbc: {  	s0 =	sadd.s32 $0x8F2B, s0  }
0xbd: {  	[sflag:s0] =	ssyncadd.remote.s32 $0x1  }
0xbe: {  	_ =	sfence.sel $0xFFFF  }
0xbf: {  	[dreg:$0x0] =	wrdreg $0xFFFFFFFF;
	(pc) =	sbr.abs _section_cstart, $3  }
0xc0: {  	[dreg:$0x1] =	wrdreg $0xFFFFFFFF  }
0xc1: {  	_ =	task.clear_ibuf [dreg:s6], $0x2FFFF;
	_ =	strace $0x9FFFFFFF  }
0xc2: {  	(tm) =	ssettm $0x7FFFFFFF  }
0xc3: {  	_ =	shalt  }
tec
execute0_lowered:
.L_overlay_start_1:
0x0: {  	(tag) =	ssettag $0x1  }
0x1: {  	s0 =	srdreg.scid;
	s8 =	stileid.u32  }
0x2: {  	s1 =	sand.u32 $0x1, s0;
	s3 =	smul.u32 $0xA000, s8  }
0x3: {  	s5 =	rddreg [dreg:$0x0];
	s0 =	smul.u32 $0xA0000, s1  }
0x4: {  	s2 =	rddreg [dreg:$0x1]  }
0x5: {  	s16 =	simm.s32 $0x80;
	s0 =	sadd.s32 s3, s0;
	s3 =	simm.s32 $0x0  }
0x6: {  	s18 =	simm.s32 $0x100;
	s20 =	simm.s32 $0x180;
	[smem:$0x7FF] =	sst s3  }
0x7: {  	s21 =	simm.s32 $0x200;
	_ =	strace $0x80000047;
	[dreg:$0x5] =	wrdreg s16  }
0x8: {  	s14 =	smul.u32 $0x28000, s1;
	s1 =	ssub.s32 $0x2, s1;
	[dreg:$0x6] =	wrdreg s18  }
0x9: {  	s23 =	simm.s32 $0x280;
	s17 =	sshrl.u32 s1, $0x1;
	[dreg:$0x7] =	wrdreg s20  }
0xa: {  	s19 =	smul.u32 $0x50000, s8;
	s1 =	ssub.s32 s1, s17;
	[dreg:$0x8] =	wrdreg s21  }
0xb: {  	s1 =	smax.u32 s1, $0x1;
	[dreg:$0x9] =	wrdreg s23  }
0xc: {  	s24 =	simm.s32 $0x300;
	s22 =	sshrl.u32 s19, $0x2;
	[dreg:$0x1f] =	wrdreg s1  }
0xd: {  	s25 =	simm.s32 $0x380;
	s26 =	sadd.s32 s22, s2;
	[dreg:$0xa] =	wrdreg s24  }
0xe: {  	s9 =	sadd.s32 $0x2000, s26;
	[dreg:$0xb] =	wrdreg s25  }
0xf: {  	s11 =	sadd.s32 $0x3000, s26;
	[smem:$0x7EC] =	sst s9  }
0x10: {  	s10 =	simm.s32 $0x880;
	[smem:$0x7ED] =	sst s11  }
0x11: {  	s13 =	sadd.s32 $0x4000, s26;
	[dreg:$0xd] =	wrdreg s10  }
0x12: {  	s12 =	simm.s32 $0x480;
	[smem:$0x7EE] =	sst s13  }
0x13: {  	s17 =	sadd.s32 $0x6000, s26;
	[dreg:$0xe] =	wrdreg s12  }
0x14: {  	s19 =	sadd.s32 $0x7000, s26;
	[smem:$0x7F0] =	sst s17  }
0x15: {  	s22 =	simm.s32 $0xA00;
	s0 =	sshrl.u32 s0, $0x3;
	[smem:$0x7F1] =	sst s19  }
0x16: {  	s6 =	sadd.s32 s0, s5;
	[dreg:$0x13] =	wrdreg s22  }
0x17: {  	s0 =	sadd.s32 s14, s5;
	s14 =	simm.s32 $0x900;
	[dreg:$0x1e] =	wrdreg s26  }
0x18: {  	s16 =	simm.s32 $0x500;
	[dreg:$0xf] =	wrdreg s14  }
0x19: {  	s18 =	simm.s32 $0x980;
	[dreg:$0x10] =	wrdreg s16  }
0x1a: {  	s21 =	sadd.s32 $0x8000, s26;
	[dreg:$0x11] =	wrdreg s18  }
0x1b: {  	s20 =	simm.s32 $0x580;
	[smem:$0x7F2] =	sst s21  }
0x1c: {  	s23 =	sadd.s32 $0x9000, s26;
	[dreg:$0x12] =	wrdreg s20  }
0x1d: {  	s25 =	sadd.s32 $0xA000, s26;
	[smem:$0x7F3] =	sst s23  }
0x1e: {  	s28 =	simm.s32 $0x1000;
	s24 =	simm.s32 $0x600;
	[smem:$0x7F4] =	sst s25  }
0x1f: {  	s29 =	simm.s32 $0x9;
	s10 =	sadd.s32 $0xC000, s26;
	[dreg:$0x14] =	wrdreg s24  }
0x20: {  	s30 =	simm.s32 $0x800;
	s9 =	simm.s32 $0x680;
	[smem:$0x7F6] =	sst s10  }
0x21: {  	s31 =	simm.s32 $0x20;
	s12 =	sadd.s32 $0xD000, s26;
	[dreg:$0x16] =	wrdreg s9  }
0x22: {  	s4 =	sadd.s32 $0x53200, s5;
	s11 =	simm.s32 $0xB00;
	[smem:$0x7F7] =	sst s12  }
0x23: {  	s13 =	simm.s32 $0x700;
	s17 =	simm.s32 $0x780;
	[dreg:$0x17] =	wrdreg s11  }
0x24: {  	s19 =	simm.s32 $0xC00;
	s22 =	sadd.s32 $0x11000, s26;
	[dreg:$0x18] =	wrdreg s13  }
0x25: {  	s1 =	simm.s32 $0x2000;
	s7 =	sadd.s32 $0x2B200, s6;
	[dreg:$0x1a] =	wrdreg s17  }
0x26: {  	s15 =	sadd.s32 $0x3200, s6;
	s6 =	sadd.s32 $0x1000, s26;
	[dreg:$0x1b] =	wrdreg s19  }
0x27: {  	s14 =	sadd.s32 $0xE000, s26;
	s16 =	sadd.s32 $0xF000, s26;
	[smem:$0x7FB] =	sst s22  }
0x28: {  	s18 =	smul.u32 $0x2800, s8;
	s20 =	simm.s32 $0xC80;
	[dreg:$0x3] =	wrdreg s7  }
0x29: {  	s21 =	simm.s32 $0xD00;
	s23 =	sadd.s32 $0x12000, s26;
	[dreg:$0x4] =	wrdreg s15  }
0x2a: {  	s24 =	sadd.s32 $0x13000, s26;
	s8 =	simm.s32 $0x5000;
	[smem:$0x7EB] =	sst s6  }
0x2b: {  	s9 =	simm.s32 $0x6000;
	s10 =	simm.s32 $0x7000;
	[smem:$0x7F8] =	sst s14  }
0x2c: {  	s11 =	simm.s32 $0x8000;
	s12 =	simm.s32 $0x1;
	[smem:$0x7F9] =	sst s16  }
0x2d: {  	s13 =	simm.s32 $0x2;
	s17 =	simm.s32 $0x6;
	[dreg:$0x1c] =	wrdreg s20  }
0x2e: {  	s19 =	simm.s32 $0x8;
	s22 =	simm.s32 $0xE80;
	[dreg:$0x1d] =	wrdreg s21  }
0x2f: {  	s7 =	simm.s32 $0x400;
	s15 =	sadd.s32 $0x5000, s26;
	[smem:$0x7FC] =	sst s23  }
0x30: {  	s6 =	simm.s32 $0xA80;
	[smem:$0x7FD] =	sst s24;
	s14 =	simm.s32 $0x3  }
0x31: {  	s16 =	simm.s32 $0x5;
	s20 =	simm.s32 $0xD80;
	[dreg:$0xc] =	wrdreg s7  }
0x32: {  	s21 =	simm.s32 $0xE00;
	s23 =	simm.s32 $0xF00;
	[smem:$0x7EF] =	sst s15  }
0x33: {  	s24 =	simm.s32 $0xF80;
	s7 =	sadd.s32 $0xB000, s26;
	[dreg:$0x15] =	wrdreg s6  }
0x34: {  	s15 =	simm.s32 $0xB80;
	s6 =	sadd.s32 $0x10000, s26;
	[smem:$0x7F5] =	sst s7  }
0x35: {  	s0 =	sadd.s32 s18, s0;
	s18 =	simm.s32 $0x7;
	[dreg:$0x19] =	wrdreg s15  }
0x36: {  	[smem:$0x7FA] =	sst s6;
	s25 =	sadd.s32 $0x7B200, s0;
	s0 =	simm.s32 $0x3000  }
0x37: {  	v0 =	vimm.f32 $0.0e+00;
	s6 =	simm.s32 $0x4000;
	s15 =	simm.s32 $0x4;
	s7 =	simm.s32 $0x0  }
.LBB2_1:
0x38: {  	[smem:$0x7EA] =	sst s7;
	s5 =	simm.s32 $0x0;
	s7 =	simm.s32 $0x200  }
.LBB2_2:
0x39: {  	p0 =	sne.s32 s7, $0x3E00;
	[tilespmem:s5+$0x1070] =	vst v0  }
0x3a: {  	[tilespmem:s5+$0x1000] =	vst v0  }
0x3b: {  	[tilespmem:s5+$0x1010] =	vst v0  }
.Ltmp0:
0x3c: {  	[tilespmem:s5+$0x1020] =	vst v0;
	(pc) =	sbr.rel @p0 .LBB2_2-.Ltmp0, $4  }
0x3d: {  	[tilespmem:s5+$0x1030] =	vst v0  }
0x3e: {  	[tilespmem:s5+$0x1040] =	vst v0  }
0x3f: {  	[tilespmem:s5+$0x1050] =	vst v0  }
0x40: {  	[tilespmem:s5+$0x1060] =	vst v0;
	s5 =	sshra.s32 s7, $0x2;
	s7 =	sadd.s32 $0x200, s7  }
0x41: {  	[tilespmem:s5+$0x1070] =	vst v0  }
0x42: {  	[tilespmem:s5+$0x1000] =	vst v0  }
0x43: {  	[tilespmem:s5+$0x1010] =	vst v0  }
0x44: {  	[tilespmem:s5+$0x1020] =	vst v0  }
0x45: {  	[tilespmem:s5+$0x1030] =	vst v0  }
0x46: {  	[tilespmem:s5+$0x1040] =	vst v0  }
0x47: {  	[tilespmem:s5+$0x1050] =	vst v0  }
0x48: {  	[tilespmem:s5+$0x1060] =	vst v0  }
0x49: {  	[spmem:s26] =	stream.linear.scatter [tilespmem:s28], [sflag:$0x9], $0x1000, $0x38;
	[tilespmem:$0x1D000] =	vst v63  }
0x4a: {  	_ =	swait.ge [sflag:s29], $0x1000  }
0x4b: {  	s7 =	sld [smem:$0x7EB]  }
0x4c: {  	[sflag:s29] =	ssyncset.done $0x0  }
0x4d: {  	[sflag:s29] =	ssyncadd.s32 $0xFFFFF000  }
0x4e: {  	[spmem:s7] =	stream.linear.scatter [tilespmem:s28], [sflag:$0x9], $0x1000, $0x38;
	[tilespmem:$0x1D000] =	vst v63  }
0x4f: {  	_ =	swait.ge [sflag:s29], $0x1000  }
0x50: {  	s26 =	sld [smem:$0x7EC]  }
0x51: {  	[sflag:s29] =	ssyncset.done $0x0  }
0x52: {  	[sflag:s29] =	ssyncadd.s32 $0xFFFFF000  }
0x53: {  	[spmem:s26] =	stream.linear.scatter [tilespmem:s28], [sflag:$0x9], $0x1000, $0x38;
	[tilespmem:$0x1D000] =	vst v63  }
0x54: {  	_ =	swait.ge [sflag:s29], $0x1000  }
0x55: {  	s7 =	sld [smem:$0x7ED]  }
0x56: {  	[sflag:s29] =	ssyncset.done $0x0  }
0x57: {  	[sflag:s29] =	ssyncadd.s32 $0xFFFFF000  }
0x58: {  	[spmem:s7] =	stream.linear.scatter [tilespmem:s28], [sflag:$0x9], $0x1000, $0x38;
	[tilespmem:$0x1D000] =	vst v63  }
0x59: {  	_ =	swait.ge [sflag:s29], $0x1000  }
0x5a: {  	s26 =	sld [smem:$0x7EE]  }
0x5b: {  	[sflag:s29] =	ssyncset.done $0x0  }
0x5c: {  	[sflag:s29] =	ssyncadd.s32 $0xFFFFF000  }
0x5d: {  	[spmem:s26] =	stream.linear.scatter [tilespmem:s28], [sflag:$0x9], $0x1000, $0x38;
	[tilespmem:$0x1D000] =	vst v63  }
0x5e: {  	_ =	swait.ge [sflag:s29], $0x1000  }
0x5f: {  	s7 =	sld [smem:$0x7EF]  }
0x60: {  	[sflag:s29] =	ssyncset.done $0x0  }
0x61: {  	[sflag:s29] =	ssyncadd.s32 $0xFFFFF000  }
0x62: {  	[spmem:s7] =	stream.linear.scatter [tilespmem:s28], [sflag:$0x9], $0x1000, $0x38;
	[tilespmem:$0x1D000] =	vst v63  }
0x63: {  	_ =	swait.ge [sflag:s29], $0x1000  }
0x64: {  	s26 =	sld [smem:$0x7F0]  }
0x65: {  	[sflag:s29] =	ssyncset.done $0x0  }
0x66: {  	[sflag:s29] =	ssyncadd.s32 $0xFFFFF000  }
0x67: {  	[spmem:s26] =	stream.linear.scatter [tilespmem:s28], [sflag:$0x9], $0x1000, $0x38;
	[tilespmem:$0x1D000] =	vst v63  }
0x68: {  	_ =	swait.ge [sflag:s29], $0x1000  }
0x69: {  	s7 =	sld [smem:$0x7F1]  }
0x6a: {  	[sflag:s29] =	ssyncset.done $0x0  }
0x6b: {  	[sflag:s29] =	ssyncadd.s32 $0xFFFFF000  }
0x6c: {  	[spmem:s7] =	stream.linear.scatter [tilespmem:s28], [sflag:$0x9], $0x1000, $0x38;
	[tilespmem:$0x1D000] =	vst v63  }
0x6d: {  	_ =	swait.ge [sflag:s29], $0x1000  }
0x6e: {  	s26 =	sld [smem:$0x7F2]  }
0x6f: {  	[sflag:s29] =	ssyncset.done $0x0  }
0x70: {  	[sflag:s29] =	ssyncadd.s32 $0xFFFFF000  }
0x71: {  	[spmem:s26] =	stream.linear.scatter [tilespmem:s28], [sflag:$0x9], $0x1000, $0x38;
	[tilespmem:$0x1D000] =	vst v63  }
0x72: {  	_ =	swait.ge [sflag:s29], $0x1000  }
0x73: {  	s7 =	sld [smem:$0x7F3]  }
0x74: {  	[sflag:s29] =	ssyncset.done $0x0  }
0x75: {  	[sflag:s29] =	ssyncadd.s32 $0xFFFFF000  }
0x76: {  	[spmem:s7] =	stream.linear.scatter [tilespmem:s28], [sflag:$0x9], $0x1000, $0x38;
	[tilespmem:$0x1D000] =	vst v63  }
0x77: {  	_ =	swait.ge [sflag:s29], $0x1000  }
0x78: {  	s26 =	sld [smem:$0x7F4]  }
0x79: {  	[sflag:s29] =	ssyncset.done $0x0  }
0x7a: {  	[sflag:s29] =	ssyncadd.s32 $0xFFFFF000  }
0x7b: {  	[spmem:s26] =	stream.linear.scatter [tilespmem:s28], [sflag:$0x9], $0x1000, $0x38;
	[tilespmem:$0x1D000] =	vst v63  }
0x7c: {  	_ =	swait.ge [sflag:s29], $0x1000  }
0x7d: {  	s7 =	sld [smem:$0x7F5]  }
0x7e: {  	[sflag:s29] =	ssyncset.done $0x0  }
0x7f: {  	[sflag:s29] =	ssyncadd.s32 $0xFFFFF000  }
0x80: {  	[spmem:s7] =	stream.linear.scatter [tilespmem:s28], [sflag:$0x9], $0x1000, $0x38;
	[tilespmem:$0x1D000] =	vst v63  }
0x81: {  	_ =	swait.ge [sflag:s29], $0x1000  }
0x82: {  	s26 =	sld [smem:$0x7F6]  }
0x83: {  	[sflag:s29] =	ssyncset.done $0x0  }
0x84: {  	[sflag:s29] =	ssyncadd.s32 $0xFFFFF000  }
0x85: {  	[spmem:s26] =	stream.linear.scatter [tilespmem:s28], [sflag:$0x9], $0x1000, $0x38;
	[tilespmem:$0x1D000] =	vst v63  }
0x86: {  	_ =	swait.ge [sflag:s29], $0x1000  }
0x87: {  	s7 =	sld [smem:$0x7F7]  }
0x88: {  	[sflag:s29] =	ssyncset.done $0x0  }
0x89: {  	[sflag:s29] =	ssyncadd.s32 $0xFFFFF000  }
0x8a: {  	[spmem:s7] =	stream.linear.scatter [tilespmem:s28], [sflag:$0x9], $0x1000, $0x38;
	[tilespmem:$0x1D000] =	vst v63  }
0x8b: {  	_ =	swait.ge [sflag:s29], $0x1000  }
0x8c: {  	s26 =	sld [smem:$0x7F8]  }
0x8d: {  	[sflag:s29] =	ssyncset.done $0x0  }
0x8e: {  	[sflag:s29] =	ssyncadd.s32 $0xFFFFF000  }
0x8f: {  	[spmem:s26] =	stream.linear.scatter [tilespmem:s28], [sflag:$0x9], $0x1000, $0x38;
	[tilespmem:$0x1D000] =	vst v63  }
0x90: {  	_ =	swait.ge [sflag:s29], $0x1000  }
0x91: {  	s7 =	sld [smem:$0x7F9]  }
0x92: {  	[sflag:s29] =	ssyncset.done $0x0  }
0x93: {  	[sflag:s29] =	ssyncadd.s32 $0xFFFFF000  }
0x94: {  	[spmem:s7] =	stream.linear.scatter [tilespmem:s28], [sflag:$0x9], $0x1000, $0x38;
	[tilespmem:$0x1D000] =	vst v63  }
0x95: {  	_ =	swait.ge [sflag:s29], $0x1000  }
0x96: {  	s26 =	sld [smem:$0x7FA]  }
0x97: {  	[sflag:s29] =	ssyncset.done $0x0  }
0x98: {  	[sflag:s29] =	ssyncadd.s32 $0xFFFFF000  }
0x99: {  	[spmem:s26] =	stream.linear.scatter [tilespmem:s28], [sflag:$0x9], $0x1000, $0x38;
	[tilespmem:$0x1D000] =	vst v63  }
0x9a: {  	_ =	swait.ge [sflag:s29], $0x1000  }
0x9b: {  	s7 =	sld [smem:$0x7FB]  }
0x9c: {  	[sflag:s29] =	ssyncset.done $0x0  }
0x9d: {  	[sflag:s29] =	ssyncadd.s32 $0xFFFFF000  }
0x9e: {  	[spmem:s7] =	stream.linear.scatter [tilespmem:s28], [sflag:$0x9], $0x1000, $0x38;
	[tilespmem:$0x1D000] =	vst v63  }
0x9f: {  	_ =	swait.ge [sflag:s29], $0x1000  }
0xa0: {  	s26 =	sld [smem:$0x7FC]  }
0xa1: {  	[sflag:s29] =	ssyncset.done $0x0  }
0xa2: {  	[sflag:s29] =	ssyncadd.s32 $0xFFFFF000  }
0xa3: {  	[spmem:s26] =	stream.linear.scatter [tilespmem:s28], [sflag:$0x9], $0x1000, $0x38;
	[tilespmem:$0x1D000] =	vst v63  }
0xa4: {  	_ =	swait.ge [sflag:s29], $0x1000  }
0xa5: {  	s7 =	sld [smem:$0x7FD]  }
0xa6: {  	[sflag:s29] =	ssyncset.done $0x0  }
0xa7: {  	[sflag:s29] =	ssyncadd.s32 $0xFFFFF000  }
0xa8: {  	[spmem:s7] =	stream.linear.scatter [tilespmem:s28], [sflag:$0x9], $0x1000, $0x38;
	[tilespmem:$0x1D000] =	vst v63  }
0xa9: {  	_ =	swait.ge [sflag:s29], $0x1000  }
0xaa: {  	[sflag:s29] =	ssyncset.done $0x0  }
0xab: {  	[sflag:s29] =	ssyncadd.s32 $0xFFFFF000  }
0xac: {  	[bflag:$0x0] =	sbarrier.arrive $0xFFFF  }
0xad: {  	s26 =	rddreg [dreg:$0x4]  }
0xae: {  	s5 =	sadd.s32 $0x0, s26  }
0xaf: {  	[tilespmem:s3], [sflag:$0x9] =	stream.linear.gather [hbm4b:s5+s3], $0x800, $0x38;
	[tilespmem:$0x1D000] =	vst v63  }
0xb0: {  	_ =	swait.ge [sflag:s29], $0x800  }
0xb1: {  	s7 =	rddreg [dreg:$0x3];
	[sflag:s29] =	ssyncset.done $0x0  }
0xb2: {  	[sflag:s29] =	ssyncadd.s32 $0xFFFFF800;
	s5 =	sadd.s32 $0x0, s7  }
0xb3: {  	[tilespmem:s30], [sflag:$0x9] =	stream.linear.gather [hbm4b:s5+s3], $0x800, $0x38;
	[tilespmem:$0x1D000] =	vst v63  }
0xb4: {  	_ =	swait.ge [sflag:s29], $0x800  }
0xb5: {  	[sflag:s29] =	ssyncset.done $0x0  }
0xb6: {  	[sflag:s29] =	ssyncadd.s32 $0xFFFFF800  }
0xb7: {  	[tilespmem:s28], [sflag:$0x1] =	stream.indirect.gather [hbm4b:s4+s31], $0x80, s3, s31, $0xb8;
	[tilespmem:$0x1D000] =	vst v63  }
0xb8: {  	s26 =	rddreg [dreg:$0x5]  }
0xb9: {  	[tilespmem:s1], [sflag:$0x2] =	stream.indirect.gather [hbm4b:s4+s31], $0x80, s26, s31, $0xb8;
	[tilespmem:$0x1D000] =	vst v63  }
0xba: {  	s7 =	rddreg [dreg:$0x6]  }
0xbb: {  	[tilespmem:s0], [sflag:$0x3] =	stream.indirect.gather [hbm4b:s4+s31], $0x80, s7, s31, $0xb8;
	[tilespmem:$0x1D000] =	vst v63  }
0xbc: {  	s26 =	rddreg [dreg:$0x7]  }
0xbd: {  	[tilespmem:s6], [sflag:$0x4] =	stream.indirect.gather [hbm4b:s4+s31], $0x80, s26, s31, $0xb8;
	[tilespmem:$0x1D000] =	vst v63  }
0xbe: {  	s7 =	rddreg [dreg:$0x8]  }
0xbf: {  	[tilespmem:s8], [sflag:$0x5] =	stream.indirect.gather [hbm4b:s4+s31], $0x80, s7, s31, $0xb8;
	[tilespmem:$0x1D000] =	vst v63  }
0xc0: {  	s26 =	rddreg [dreg:$0x9]  }
0xc1: {  	[tilespmem:s9], [sflag:$0x6] =	stream.indirect.gather [hbm4b:s4+s31], $0x80, s26, s31, $0xb8;
	[tilespmem:$0x1D000] =	vst v63  }
0xc2: {  	s7 =	rddreg [dreg:$0xa]  }
0xc3: {  	[tilespmem:s10], [sflag:$0x7] =	stream.indirect.gather [hbm4b:s4+s31], $0x80, s7, s31, $0xb8;
	[tilespmem:$0x1D000] =	vst v63  }
0xc4: {  	s26 =	rddreg [dreg:$0xb]  }
0xc5: {  	[tilespmem:s11], [sflag:$0x8] =	stream.indirect.gather [hbm4b:s4+s31], $0x80, s26, s31, $0xb8;
	[tilespmem:$0x1D000] =	vst v63  }
0xc6: {  	_ =	swait.ge [sflag:s12], $0x1000  }
0xc7: {  	[sflag:s12] =	ssyncset.done $0x0  }
0xc8: {  	[sflag:s12] =	ssyncadd.s32 $0xFFFFF000  }
0xc9: {  	[spmem:s2] =	stream.indirect.scatter.add.f32 [tilespmem:s28], [sflag:$0x9], $0x80, s30, s31, $0xb8;
	[tilespmem:$0x1D000] =	vst v63  }
0xca: {  	_ =	swait.ge [sflag:s29], $0x1000  }
0xcb: {  	[sflag:s29] =	ssyncset.done $0x0  }
0xcc: {  	s7 =	rddreg [dreg:$0xc];
	[sflag:s29] =	ssyncadd.s32 $0xFFFFF000  }
0xcd: {  	[tilespmem:s28], [sflag:$0x1] =	stream.indirect.gather [hbm4b:s4+s31], $0x80, s7, s31, $0xb8;
	[tilespmem:$0x1D000] =	vst v63  }
0xce: {  	_ =	swait.ge [sflag:s13], $0x1000  }
0xcf: {  	[sflag:s13] =	ssyncset.done $0x0  }
0xd0: {  	s26 =	rddreg [dreg:$0xd];
	[sflag:s13] =	ssyncadd.s32 $0xFFFFF000  }
0xd1: {  	[spmem:s2] =	stream.indirect.scatter.add.f32 [tilespmem:s1], [sflag:$0x9], $0x80, s26, s31, $0xb8;
	[tilespmem:$0x1D000] =	vst v63  }
0xd2: {  	_ =	swait.ge [sflag:s29], $0x1000  }
0xd3: {  	[sflag:s29] =	ssyncset.done $0x0  }
0xd4: {  	s7 =	rddreg [dreg:$0xe];
	[sflag:s29] =	ssyncadd.s32 $0xFFFFF000  }
0xd5: {  	[tilespmem:s1], [sflag:$0x2] =	stream.indirect.gather [hbm4b:s4+s31], $0x80, s7, s31, $0xb8;
	[tilespmem:$0x1D000] =	vst v63  }
0xd6: {  	_ =	swait.ge [sflag:s14], $0x1000  }
0xd7: {  	[sflag:s14] =	ssyncset.done $0x0  }
0xd8: {  	s26 =	rddreg [dreg:$0xf];
	[sflag:s14] =	ssyncadd.s32 $0xFFFFF000  }
0xd9: {  	[spmem:s2] =	stream.indirect.scatter.add.f32 [tilespmem:s0], [sflag:$0x9], $0x80, s26, s31, $0xb8;
	[tilespmem:$0x1D000] =	vst v63  }
0xda: {  	_ =	swait.ge [sflag:s29], $0x1000  }
0xdb: {  	[sflag:s29] =	ssyncset.done $0x0  }
0xdc: {  	s7 =	rddreg [dreg:$0x10];
	[sflag:s29] =	ssyncadd.s32 $0xFFFFF000  }
0xdd: {  	[tilespmem:s0], [sflag:$0x3] =	stream.indirect.gather [hbm4b:s4+s31], $0x80, s7, s31, $0xb8;
	[tilespmem:$0x1D000] =	vst v63  }
0xde: {  	_ =	swait.ge [sflag:s15], $0x1000  }
0xdf: {  	[sflag:s15] =	ssyncset.done $0x0  }
0xe0: {  	s26 =	rddreg [dreg:$0x11];
	[sflag:s15] =	ssyncadd.s32 $0xFFFFF000  }
0xe1: {  	[spmem:s2] =	stream.indirect.scatter.add.f32 [tilespmem:s6], [sflag:$0x9], $0x80, s26, s31, $0xb8;
	[tilespmem:$0x1D000] =	vst v63  }
0xe2: {  	_ =	swait.ge [sflag:s29], $0x1000  }
0xe3: {  	[sflag:s29] =	ssyncset.done $0x0  }
0xe4: {  	s7 =	rddreg [dreg:$0x12];
	[sflag:s29] =	ssyncadd.s32 $0xFFFFF000  }
0xe5: {  	[tilespmem:s6], [sflag:$0x4] =	stream.indirect.gather [hbm4b:s4+s31], $0x80, s7, s31, $0xb8;
	[tilespmem:$0x1D000] =	vst v63  }
0xe6: {  	_ =	swait.ge [sflag:s16], $0x1000  }
0xe7: {  	[sflag:s16] =	ssyncset.done $0x0  }
0xe8: {  	s26 =	rddreg [dreg:$0x13];
	[sflag:s16] =	ssyncadd.s32 $0xFFFFF000  }
0xe9: {  	[spmem:s2] =	stream.indirect.scatter.add.f32 [tilespmem:s8], [sflag:$0x9], $0x80, s26, s31, $0xb8;
	[tilespmem:$0x1D000] =	vst v63  }
0xea: {  	_ =	swait.ge [sflag:s29], $0x1000  }
0xeb: {  	[sflag:s29] =	ssyncset.done $0x0  }
0xec: {  	s7 =	rddreg [dreg:$0x14];
	[sflag:s29] =	ssyncadd.s32 $0xFFFFF000  }
0xed: {  	[tilespmem:s8], [sflag:$0x5] =	stream.indirect.gather [hbm4b:s4+s31], $0x80, s7, s31, $0xb8;
	[tilespmem:$0x1D000] =	vst v63  }
0xee: {  	_ =	swait.ge [sflag:s17], $0x1000  }
0xef: {  	[sflag:s17] =	ssyncset.done $0x0  }
0xf0: {  	s26 =	rddreg [dreg:$0x15];
	[sflag:s17] =	ssyncadd.s32 $0xFFFFF000  }
0xf1: {  	[spmem:s2] =	stream.indirect.scatter.add.f32 [tilespmem:s9], [sflag:$0x9], $0x80, s26, s31, $0xb8;
	[tilespmem:$0x1D000] =	vst v63  }
0xf2: {  	_ =	swait.ge [sflag:s29], $0x1000  }
0xf3: {  	[sflag:s29] =	ssyncset.done $0x0  }
0xf4: {  	s7 =	rddreg [dreg:$0x16];
	[sflag:s29] =	ssyncadd.s32 $0xFFFFF000  }
0xf5: {  	[tilespmem:s9], [sflag:$0x6] =	stream.indirect.gather [hbm4b:s4+s31], $0x80, s7, s31, $0xb8;
	[tilespmem:$0x1D000] =	vst v63  }
0xf6: {  	_ =	swait.ge [sflag:s18], $0x1000  }
0xf7: {  	[sflag:s18] =	ssyncset.done $0x0  }
0xf8: {  	s26 =	rddreg [dreg:$0x17];
	[sflag:s18] =	ssyncadd.s32 $0xFFFFF000  }
0xf9: {  	[spmem:s2] =	stream.indirect.scatter.add.f32 [tilespmem:s10], [sflag:$0x9], $0x80, s26, s31, $0xb8;
	[tilespmem:$0x1D000] =	vst v63  }
0xfa: {  	_ =	swait.ge [sflag:s29], $0x1000  }
0xfb: {  	[sflag:s29] =	ssyncset.done $0x0  }
0xfc: {  	s7 =	rddreg [dreg:$0x18];
	[sflag:s29] =	ssyncadd.s32 $0xFFFFF000  }
0xfd: {  	[tilespmem:s10], [sflag:$0x7] =	stream.indirect.gather [hbm4b:s4+s31], $0x80, s7, s31, $0xb8;
	[tilespmem:$0x1D000] =	vst v63  }
0xfe: {  	_ =	swait.ge [sflag:s19], $0x1000  }
0xff: {  	[sflag:s19] =	ssyncset.done $0x0  }
0x100: {  	s26 =	rddreg [dreg:$0x19];
	[sflag:s19] =	ssyncadd.s32 $0xFFFFF000  }
0x101: {  	[spmem:s2] =	stream.indirect.scatter.add.f32 [tilespmem:s11], [sflag:$0x9], $0x80, s26, s31, $0xb8;
	[tilespmem:$0x1D000] =	vst v63  }
0x102: {  	_ =	swait.ge [sflag:s29], $0x1000  }
0x103: {  	[sflag:s29] =	ssyncset.done $0x0  }
0x104: {  	s7 =	rddreg [dreg:$0x1a];
	[sflag:s29] =	ssyncadd.s32 $0xFFFFF000  }
0x105: {  	[tilespmem:s11], [sflag:$0x8] =	stream.indirect.gather [hbm4b:s4+s31], $0x80, s7, s31, $0xb8;
	[tilespmem:$0x1D000] =	vst v63  }
0x106: {  	_ =	swait.ge [sflag:s12], $0x1000  }
0x107: {  	[sflag:s12] =	ssyncset.done $0x0  }
0x108: {  	s26 =	rddreg [dreg:$0x1b];
	[sflag:s12] =	ssyncadd.s32 $0xFFFFF000  }
0x109: {  	[spmem:s2] =	stream.indirect.scatter.add.f32 [tilespmem:s28], [sflag:$0x9], $0x80, s26, s31, $0xb8;
	[tilespmem:$0x1D000] =	vst v63  }
0x10a: {  	_ =	swait.ge [sflag:s29], $0x1000  }
0x10b: {  	[sflag:s29] =	ssyncset.done $0x0  }
0x10c: {  	[sflag:s29] =	ssyncadd.s32 $0xFFFFF000  }
0x10d: {  	_ =	swait.ge [sflag:s13], $0x1000  }
0x10e: {  	[sflag:s13] =	ssyncset.done $0x0  }
0x10f: {  	s7 =	rddreg [dreg:$0x1c];
	[sflag:s13] =	ssyncadd.s32 $0xFFFFF000  }
0x110: {  	[spmem:s2] =	stream.indirect.scatter.add.f32 [tilespmem:s1], [sflag:$0x9], $0x80, s7, s31, $0xb8;
	[tilespmem:$0x1D000] =	vst v63  }
0x111: {  	_ =	swait.ge [sflag:s29], $0x1000  }
0x112: {  	[sflag:s29] =	ssyncset.done $0x0  }
0x113: {  	[sflag:s29] =	ssyncadd.s32 $0xFFFFF000  }
0x114: {  	_ =	swait.ge [sflag:s14], $0x1000  }
0x115: {  	[sflag:s14] =	ssyncset.done $0x0  }
0x116: {  	s26 =	rddreg [dreg:$0x1d];
	[sflag:s14] =	ssyncadd.s32 $0xFFFFF000  }
0x117: {  	[spmem:s2] =	stream.indirect.scatter.add.f32 [tilespmem:s0], [sflag:$0x9], $0x80, s26, s31, $0xb8;
	[tilespmem:$0x1D000] =	vst v63  }
0x118: {  	_ =	swait.ge [sflag:s29], $0x1000  }
0x119: {  	[sflag:s29] =	ssyncset.done $0x0  }
0x11a: {  	[sflag:s29] =	ssyncadd.s32 $0xFFFFF000  }
0x11b: {  	_ =	swait.ge [sflag:s15], $0x1000  }
0x11c: {  	[sflag:s15] =	ssyncset.done $0x0  }
0x11d: {  	[sflag:s15] =	ssyncadd.s32 $0xFFFFF000  }
0x11e: {  	[spmem:s2] =	stream.indirect.scatter.add.f32 [tilespmem:s6], [sflag:$0x9], $0x80, s20, s31, $0xb8;
	[tilespmem:$0x1D000] =	vst v63  }
0x11f: {  	_ =	swait.ge [sflag:s29], $0x1000  }
0x120: {  	[sflag:s29] =	ssyncset.done $0x0  }
0x121: {  	[sflag:s29] =	ssyncadd.s32 $0xFFFFF000  }
0x122: {  	_ =	swait.ge [sflag:s16], $0x1000  }
0x123: {  	[sflag:s16] =	ssyncset.done $0x0  }
0x124: {  	[sflag:s16] =	ssyncadd.s32 $0xFFFFF000  }
0x125: {  	[spmem:s2] =	stream.indirect.scatter.add.f32 [tilespmem:s8], [sflag:$0x9], $0x80, s21, s31, $0xb8;
	[tilespmem:$0x1D000] =	vst v63  }
0x126: {  	_ =	swait.ge [sflag:s29], $0x1000  }
0x127: {  	[sflag:s29] =	ssyncset.done $0x0  }
0x128: {  	[sflag:s29] =	ssyncadd.s32 $0xFFFFF000  }
0x129: {  	_ =	swait.ge [sflag:s17], $0x1000  }
0x12a: {  	[sflag:s17] =	ssyncset.done $0x0  }
0x12b: {  	[sflag:s17] =	ssyncadd.s32 $0xFFFFF000  }
0x12c: {  	[spmem:s2] =	stream.indirect.scatter.add.f32 [tilespmem:s9], [sflag:$0x9], $0x80, s22, s31, $0xb8;
	[tilespmem:$0x1D000] =	vst v63  }
0x12d: {  	_ =	swait.ge [sflag:s29], $0x1000  }
0x12e: {  	[sflag:s29] =	ssyncset.done $0x0  }
0x12f: {  	[sflag:s29] =	ssyncadd.s32 $0xFFFFF000  }
0x130: {  	_ =	swait.ge [sflag:s18], $0x1000  }
0x131: {  	[sflag:s18] =	ssyncset.done $0x0  }
0x132: {  	[sflag:s18] =	ssyncadd.s32 $0xFFFFF000  }
0x133: {  	[spmem:s2] =	stream.indirect.scatter.add.f32 [tilespmem:s10], [sflag:$0x9], $0x80, s23, s31, $0xb8;
	[tilespmem:$0x1D000] =	vst v63  }
0x134: {  	_ =	swait.ge [sflag:s29], $0x1000  }
0x135: {  	[sflag:s29] =	ssyncset.done $0x0  }
0x136: {  	[sflag:s29] =	ssyncadd.s32 $0xFFFFF000  }
0x137: {  	_ =	swait.ge [sflag:s19], $0x1000  }
0x138: {  	[sflag:s19] =	ssyncset.done $0x0  }
0x139: {  	[sflag:s19] =	ssyncadd.s32 $0xFFFFF000  }
0x13a: {  	[spmem:s2] =	stream.indirect.scatter.add.f32 [tilespmem:s11], [sflag:$0x9], $0x80, s24, s31, $0xb8;
	[tilespmem:$0x1D000] =	vst v63  }
0x13b: {  	s5 =	simm.s32 $0x200;
	s7 =	simm.s32 $0x100;
	_ =	swait.ge [sflag:s29], $0x1000  }
0x13c: {  	s21 =	simm.s32 $0xE00;
	s26 =	rddreg [dreg:$0x4];
	[sflag:s29] =	ssyncset.done $0x0  }
.LBB2_4:
0x13d: {  	[sflag:s29] =	ssyncadd.s32 $0xFFFFF000;
	s26 =	sadd.s32 s7, s26  }
0x13e: {  	[tilespmem:s3], [sflag:$0x9] =	stream.linear.gather [hbm4b:s26+s3], $0x800, $0x38;
	[tilespmem:$0x1D000] =	vst v63  }
0x13f: {  	_ =	swait.ge [sflag:s29], $0x800  }
0x140: {  	s26 =	rddreg [dreg:$0x3];
	[sflag:s29] =	ssyncset.done $0x0  }
0x141: {  	[sflag:s29] =	ssyncadd.s32 $0xFFFFF800;
	s26 =	sadd.s32 s7, s26  }
0x142: {  	[tilespmem:s30], [sflag:$0x9] =	stream.linear.gather [hbm4b:s26+s3], $0x800, $0x38;
	[tilespmem:$0x1D000] =	vst v63  }
0x143: {  	_ =	swait.ge [sflag:s29], $0x800  }
0x144: {  	[sflag:s29] =	ssyncset.done $0x0  }
0x145: {  	s20 =	smov.u32 s5;
	[sflag:s29] =	ssyncadd.s32 $0xFFFFF800  }
0x146: {  	[tilespmem:s28], [sflag:$0x1] =	stream.indirect.gather [hbm4b:s4+s31], $0x80, s3, s31, $0xb8;
	[tilespmem:$0x1D000] =	vst v63  }
0x147: {  	s7 =	smov.u32 s20;
	s20 =	rddreg [dreg:$0x5]  }
0x148: {  	[tilespmem:s1], [sflag:$0x2] =	stream.indirect.gather [hbm4b:s4+s31], $0x80, s20, s31, $0xb8;
	[tilespmem:$0x1D000] =	vst v63  }
0x149: {  	s26 =	rddreg [dreg:$0x6]  }
0x14a: {  	[tilespmem:s0], [sflag:$0x3] =	stream.indirect.gather [hbm4b:s4+s31], $0x80, s26, s31, $0xb8;
	[tilespmem:$0x1D000] =	vst v63  }
0x14b: {  	s20 =	rddreg [dreg:$0x7]  }
0x14c: {  	[tilespmem:s6], [sflag:$0x4] =	stream.indirect.gather [hbm4b:s4+s31], $0x80, s20, s31, $0xb8;
	[tilespmem:$0x1D000] =	vst v63  }
0x14d: {  	s26 =	rddreg [dreg:$0x8]  }
0x14e: {  	[tilespmem:s8], [sflag:$0x5] =	stream.indirect.gather [hbm4b:s4+s31], $0x80, s26, s31, $0xb8;
	[tilespmem:$0x1D000] =	vst v63  }
0x14f: {  	s20 =	rddreg [dreg:$0x9]  }
0x150: {  	[tilespmem:s9], [sflag:$0x6] =	stream.indirect.gather [hbm4b:s4+s31], $0x80, s20, s31, $0xb8;
	[tilespmem:$0x1D000] =	vst v63  }
0x151: {  	s26 =	rddreg [dreg:$0xa]  }
0x152: {  	[tilespmem:s10], [sflag:$0x7] =	stream.indirect.gather [hbm4b:s4+s31], $0x80, s26, s31, $0xb8;
	[tilespmem:$0x1D000] =	vst v63  }
0x153: {  	s20 =	rddreg [dreg:$0xb]  }
0x154: {  	[tilespmem:s11], [sflag:$0x8] =	stream.indirect.gather [hbm4b:s4+s31], $0x80, s20, s31, $0xb8;
	[tilespmem:$0x1D000] =	vst v63  }
0x155: {  	_ =	swait.ge [sflag:s12], $0x1000  }
0x156: {  	[sflag:s12] =	ssyncset.done $0x0  }
0x157: {  	[sflag:s12] =	ssyncadd.s32 $0xFFFFF000  }
0x158: {  	[spmem:s2] =	stream.indirect.scatter.add.f32 [tilespmem:s28], [sflag:$0x9], $0x80, s30, s31, $0xb8;
	[tilespmem:$0x1D000] =	vst v63  }
0x159: {  	_ =	swait.ge [sflag:s29], $0x1000  }
0x15a: {  	[sflag:s29] =	ssyncset.done $0x0  }
0x15b: {  	s26 =	rddreg [dreg:$0xc];
	[sflag:s29] =	ssyncadd.s32 $0xFFFFF000  }
0x15c: {  	[tilespmem:s28], [sflag:$0x1] =	stream.indirect.gather [hbm4b:s4+s31], $0x80, s26, s31, $0xb8;
	[tilespmem:$0x1D000] =	vst v63  }
0x15d: {  	_ =	swait.ge [sflag:s13], $0x1000  }
0x15e: {  	[sflag:s13] =	ssyncset.done $0x0  }
0x15f: {  	s26 =	rddreg [dreg:$0xd];
	[sflag:s13] =	ssyncadd.s32 $0xFFFFF000  }
0x160: {  	[spmem:s2] =	stream.indirect.scatter.add.f32 [tilespmem:s1], [sflag:$0x9], $0x80, s26, s31, $0xb8;
	[tilespmem:$0x1D000] =	vst v63  }
0x161: {  	_ =	swait.ge [sflag:s29], $0x1000  }
0x162: {  	[sflag:s29] =	ssyncset.done $0x0  }
0x163: {  	s26 =	rddreg [dreg:$0xe];
	[sflag:s29] =	ssyncadd.s32 $0xFFFFF000  }
0x164: {  	[tilespmem:s1], [sflag:$0x2] =	stream.indirect.gather [hbm4b:s4+s31], $0x80, s26, s31, $0xb8;
	[tilespmem:$0x1D000] =	vst v63  }
0x165: {  	_ =	swait.ge [sflag:s14], $0x1000  }
0x166: {  	[sflag:s14] =	ssyncset.done $0x0  }
0x167: {  	s26 =	rddreg [dreg:$0xf];
	[sflag:s14] =	ssyncadd.s32 $0xFFFFF000  }
0x168: {  	[spmem:s2] =	stream.indirect.scatter.add.f32 [tilespmem:s0], [sflag:$0x9], $0x80, s26, s31, $0xb8;
	[tilespmem:$0x1D000] =	vst v63  }
0x169: {  	_ =	swait.ge [sflag:s29], $0x1000  }
0x16a: {  	[sflag:s29] =	ssyncset.done $0x0  }
0x16b: {  	s26 =	rddreg [dreg:$0x10];
	[sflag:s29] =	ssyncadd.s32 $0xFFFFF000  }
0x16c: {  	[tilespmem:s0], [sflag:$0x3] =	stream.indirect.gather [hbm4b:s4+s31], $0x80, s26, s31, $0xb8;
	[tilespmem:$0x1D000] =	vst v63  }
0x16d: {  	_ =	swait.ge [sflag:s15], $0x1000  }
0x16e: {  	[sflag:s15] =	ssyncset.done $0x0  }
0x16f: {  	s26 =	rddreg [dreg:$0x11];
	[sflag:s15] =	ssyncadd.s32 $0xFFFFF000  }
0x170: {  	[spmem:s2] =	stream.indirect.scatter.add.f32 [tilespmem:s6], [sflag:$0x9], $0x80, s26, s31, $0xb8;
	[tilespmem:$0x1D000] =	vst v63  }
0x171: {  	_ =	swait.ge [sflag:s29], $0x1000  }
0x172: {  	[sflag:s29] =	ssyncset.done $0x0  }
0x173: {  	s26 =	rddreg [dreg:$0x12];
	[sflag:s29] =	ssyncadd.s32 $0xFFFFF000  }
0x174: {  	[tilespmem:s6], [sflag:$0x4] =	stream.indirect.gather [hbm4b:s4+s31], $0x80, s26, s31, $0xb8;
	[tilespmem:$0x1D000] =	vst v63  }
0x175: {  	_ =	swait.ge [sflag:s16], $0x1000  }
0x176: {  	[sflag:s16] =	ssyncset.done $0x0  }
0x177: {  	s26 =	rddreg [dreg:$0x13];
	[sflag:s16] =	ssyncadd.s32 $0xFFFFF000  }
0x178: {  	[spmem:s2] =	stream.indirect.scatter.add.f32 [tilespmem:s8], [sflag:$0x9], $0x80, s26, s31, $0xb8;
	[tilespmem:$0x1D000] =	vst v63  }
0x179: {  	_ =	swait.ge [sflag:s29], $0x1000  }
0x17a: {  	[sflag:s29] =	ssyncset.done $0x0  }
0x17b: {  	s26 =	rddreg [dreg:$0x14];
	[sflag:s29] =	ssyncadd.s32 $0xFFFFF000  }
0x17c: {  	[tilespmem:s8], [sflag:$0x5] =	stream.indirect.gather [hbm4b:s4+s31], $0x80, s26, s31, $0xb8;
	[tilespmem:$0x1D000] =	vst v63  }
0x17d: {  	_ =	swait.ge [sflag:s17], $0x1000  }
0x17e: {  	[sflag:s17] =	ssyncset.done $0x0  }
0x17f: {  	s26 =	rddreg [dreg:$0x15];
	[sflag:s17] =	ssyncadd.s32 $0xFFFFF000  }
0x180: {  	[spmem:s2] =	stream.indirect.scatter.add.f32 [tilespmem:s9], [sflag:$0x9], $0x80, s26, s31, $0xb8;
	[tilespmem:$0x1D000] =	vst v63  }
0x181: {  	_ =	swait.ge [sflag:s29], $0x1000  }
0x182: {  	[sflag:s29] =	ssyncset.done $0x0  }
0x183: {  	s26 =	rddreg [dreg:$0x16];
	[sflag:s29] =	ssyncadd.s32 $0xFFFFF000  }
0x184: {  	[tilespmem:s9], [sflag:$0x6] =	stream.indirect.gather [hbm4b:s4+s31], $0x80, s26, s31, $0xb8;
	[tilespmem:$0x1D000] =	vst v63  }
0x185: {  	_ =	swait.ge [sflag:s18], $0x1000  }
0x186: {  	[sflag:s18] =	ssyncset.done $0x0  }
0x187: {  	s26 =	rddreg [dreg:$0x17];
	[sflag:s18] =	ssyncadd.s32 $0xFFFFF000  }
0x188: {  	[spmem:s2] =	stream.indirect.scatter.add.f32 [tilespmem:s10], [sflag:$0x9], $0x80, s26, s31, $0xb8;
	[tilespmem:$0x1D000] =	vst v63  }
0x189: {  	_ =	swait.ge [sflag:s29], $0x1000  }
0x18a: {  	[sflag:s29] =	ssyncset.done $0x0  }
0x18b: {  	s26 =	rddreg [dreg:$0x18];
	[sflag:s29] =	ssyncadd.s32 $0xFFFFF000  }
0x18c: {  	[tilespmem:s10], [sflag:$0x7] =	stream.indirect.gather [hbm4b:s4+s31], $0x80, s26, s31, $0xb8;
	[tilespmem:$0x1D000] =	vst v63  }
0x18d: {  	_ =	swait.ge [sflag:s19], $0x1000  }
0x18e: {  	[sflag:s19] =	ssyncset.done $0x0  }
0x18f: {  	s26 =	rddreg [dreg:$0x19];
	[sflag:s19] =	ssyncadd.s32 $0xFFFFF000  }
0x190: {  	[spmem:s2] =	stream.indirect.scatter.add.f32 [tilespmem:s11], [sflag:$0x9], $0x80, s26, s31, $0xb8;
	[tilespmem:$0x1D000] =	vst v63  }
0x191: {  	_ =	swait.ge [sflag:s29], $0x1000  }
0x192: {  	[sflag:s29] =	ssyncset.done $0x0  }
0x193: {  	s26 =	rddreg [dreg:$0x1a];
	[sflag:s29] =	ssyncadd.s32 $0xFFFFF000  }
0x194: {  	[tilespmem:s11], [sflag:$0x8] =	stream.indirect.gather [hbm4b:s4+s31], $0x80, s26, s31, $0xb8;
	[tilespmem:$0x1D000] =	vst v63  }
0x195: {  	_ =	swait.ge [sflag:s12], $0x1000  }
0x196: {  	[sflag:s12] =	ssyncset.done $0x0  }
0x197: {  	s26 =	rddreg [dreg:$0x1b];
	[sflag:s12] =	ssyncadd.s32 $0xFFFFF000  }
0x198: {  	[spmem:s2] =	stream.indirect.scatter.add.f32 [tilespmem:s28], [sflag:$0x9], $0x80, s26, s31, $0xb8;
	[tilespmem:$0x1D000] =	vst v63  }
0x199: {  	_ =	swait.ge [sflag:s29], $0x1000  }
0x19a: {  	[sflag:s29] =	ssyncset.done $0x0  }
0x19b: {  	[sflag:s29] =	ssyncadd.s32 $0xFFFFF000  }
0x19c: {  	_ =	swait.ge [sflag:s13], $0x1000  }
0x19d: {  	[sflag:s13] =	ssyncset.done $0x0  }
0x19e: {  	s26 =	rddreg [dreg:$0x1c];
	[sflag:s13] =	ssyncadd.s32 $0xFFFFF000  }
0x19f: {  	[spmem:s2] =	stream.indirect.scatter.add.f32 [tilespmem:s1], [sflag:$0x9], $0x80, s26, s31, $0xb8;
	[tilespmem:$0x1D000] =	vst v63  }
0x1a0: {  	_ =	swait.ge [sflag:s29], $0x1000  }
0x1a1: {  	[sflag:s29] =	ssyncset.done $0x0  }
0x1a2: {  	[sflag:s29] =	ssyncadd.s32 $0xFFFFF000  }
0x1a3: {  	_ =	swait.ge [sflag:s14], $0x1000  }
0x1a4: {  	[sflag:s14] =	ssyncset.done $0x0  }
0x1a5: {  	s26 =	rddreg [dreg:$0x1d];
	[sflag:s14] =	ssyncadd.s32 $0xFFFFF000  }
0x1a6: {  	[spmem:s2] =	stream.indirect.scatter.add.f32 [tilespmem:s0], [sflag:$0x9], $0x80, s26, s31, $0xb8;
	[tilespmem:$0x1D000] =	vst v63  }
0x1a7: {  	_ =	swait.ge [sflag:s29], $0x1000  }
0x1a8: {  	[sflag:s29] =	ssyncset.done $0x0  }
0x1a9: {  	[sflag:s29] =	ssyncadd.s32 $0xFFFFF000  }
0x1aa: {  	_ =	swait.ge [sflag:s15], $0x1000  }
0x1ab: {  	[sflag:s15] =	ssyncset.done $0x0  }
0x1ac: {  	s20 =	simm.s32 $0xD80;
	[sflag:s15] =	ssyncadd.s32 $0xFFFFF000  }
0x1ad: {  	[spmem:s2] =	stream.indirect.scatter.add.f32 [tilespmem:s6], [sflag:$0x9], $0x80, s20, s31, $0xb8;
	[tilespmem:$0x1D000] =	vst v63  }
0x1ae: {  	_ =	swait.ge [sflag:s29], $0x1000  }
0x1af: {  	[sflag:s29] =	ssyncset.done $0x0  }
0x1b0: {  	[sflag:s29] =	ssyncadd.s32 $0xFFFFF000  }
0x1b1: {  	_ =	swait.ge [sflag:s16], $0x1000  }
0x1b2: {  	[sflag:s16] =	ssyncset.done $0x0  }
0x1b3: {  	[sflag:s16] =	ssyncadd.s32 $0xFFFFF000  }
0x1b4: {  	[spmem:s2] =	stream.indirect.scatter.add.f32 [tilespmem:s8], [sflag:$0x9], $0x80, s21, s31, $0xb8;
	[tilespmem:$0x1D000] =	vst v63  }
0x1b5: {  	_ =	swait.ge [sflag:s29], $0x1000  }
0x1b6: {  	[sflag:s29] =	ssyncset.done $0x0  }
0x1b7: {  	[sflag:s29] =	ssyncadd.s32 $0xFFFFF000  }
0x1b8: {  	_ =	swait.ge [sflag:s17], $0x1000  }
0x1b9: {  	[sflag:s17] =	ssyncset.done $0x0  }
0x1ba: {  	[sflag:s17] =	ssyncadd.s32 $0xFFFFF000  }
0x1bb: {  	[spmem:s2] =	stream.indirect.scatter.add.f32 [tilespmem:s9], [sflag:$0x9], $0x80, s22, s31, $0xb8;
	[tilespmem:$0x1D000] =	vst v63  }
0x1bc: {  	_ =	swait.ge [sflag:s29], $0x1000  }
0x1bd: {  	[sflag:s29] =	ssyncset.done $0x0  }
0x1be: {  	[sflag:s29] =	ssyncadd.s32 $0xFFFFF000  }
0x1bf: {  	_ =	swait.ge [sflag:s18], $0x1000  }
0x1c0: {  	[sflag:s18] =	ssyncset.done $0x0  }
0x1c1: {  	[sflag:s18] =	ssyncadd.s32 $0xFFFFF000  }
0x1c2: {  	[spmem:s2] =	stream.indirect.scatter.add.f32 [tilespmem:s10], [sflag:$0x9], $0x80, s23, s31, $0xb8;
	[tilespmem:$0x1D000] =	vst v63  }
0x1c3: {  	_ =	swait.ge [sflag:s29], $0x1000  }
0x1c4: {  	[sflag:s29] =	ssyncset.done $0x0  }
0x1c5: {  	[sflag:s29] =	ssyncadd.s32 $0xFFFFF000  }
0x1c6: {  	p0 =	sne.s32 s5, $0x1300;
	_ =	swait.ge [sflag:s19], $0x1000  }
.Ltmp1:
0x1c7: {  	[sflag:s19] =	ssyncset.done $0x0;
	(pc) =	sbr.rel @p0 .LBB2_4-.Ltmp1, $4  }
0x1c8: {  	[sflag:s19] =	ssyncadd.s32 $0xFFFFF000  }
0x1c9: {  	[spmem:s2] =	stream.indirect.scatter.add.f32 [tilespmem:s11], [sflag:$0x9], $0x80, s24, s31, $0xb8;
	[tilespmem:$0x1D000] =	vst v63  }
0x1ca: {  	_ =	swait.ge [sflag:s29], $0x1000  }
0x1cb: {  	s5 =	sadd.s32 $0x100, s5;
	s26 =	rddreg [dreg:$0x4];
	[sflag:s29] =	ssyncset.done $0x0  }
0x1cc: {  	[sflag:s29] =	ssyncadd.s32 $0xFFFFF000;
	s5 =	sadd.s32 s7, s26  }
0x1cd: {  	[tilespmem:s3], [sflag:$0x9] =	stream.linear.gather [hbm4b:s5+s3], $0x800, $0x38;
	[tilespmem:$0x1D000] =	vst v63  }
0x1ce: {  	_ =	swait.ge [sflag:s29], $0x800  }
0x1cf: {  	s26 =	rddreg [dreg:$0x3];
	[sflag:s29] =	ssyncset.done $0x0  }
0x1d0: {  	[sflag:s29] =	ssyncadd.s32 $0xFFFFF800;
	s5 =	sadd.s32 s7, s26  }
0x1d1: {  	[tilespmem:s30], [sflag:$0x9] =	stream.linear.gather [hbm4b:s5+s3], $0x800, $0x38;
	[tilespmem:$0x1D000] =	vst v63  }
0x1d2: {  	_ =	swait.ge [sflag:s29], $0x800  }
0x1d3: {  	[sflag:s29] =	ssyncset.done $0x0  }
0x1d4: {  	[sflag:s29] =	ssyncadd.s32 $0xFFFFF800  }
0x1d5: {  	[tilespmem:s28], [sflag:$0x1] =	stream.indirect.gather [hbm4b:s4+s31], $0x80, s3, s31, $0xb8;
	[tilespmem:$0x1D000] =	vst v63  }
0x1d6: {  	s26 =	rddreg [dreg:$0x5]  }
0x1d7: {  	[tilespmem:s1], [sflag:$0x2] =	stream.indirect.gather [hbm4b:s4+s31], $0x80, s26, s31, $0xb8;
	[tilespmem:$0x1D000] =	vst v63  }
0x1d8: {  	s7 =	rddreg [dreg:$0x6]  }
0x1d9: {  	[tilespmem:s0], [sflag:$0x3] =	stream.indirect.gather [hbm4b:s4+s31], $0x80, s7, s31, $0xb8;
	[tilespmem:$0x1D000] =	vst v63  }
0x1da: {  	s26 =	rddreg [dreg:$0x7]  }
0x1db: {  	[tilespmem:s6], [sflag:$0x4] =	stream.indirect.gather [hbm4b:s4+s31], $0x80, s26, s31, $0xb8;
	[tilespmem:$0x1D000] =	vst v63  }
0x1dc: {  	s7 =	rddreg [dreg:$0x8]  }
0x1dd: {  	[tilespmem:s8], [sflag:$0x5] =	stream.indirect.gather [hbm4b:s4+s31], $0x80, s7, s31, $0xb8;
	[tilespmem:$0x1D000] =	vst v63  }
0x1de: {  	s26 =	rddreg [dreg:$0x9]  }
0x1df: {  	[tilespmem:s9], [sflag:$0x6] =	stream.indirect.gather [hbm4b:s4+s31], $0x80, s26, s31, $0xb8;
	[tilespmem:$0x1D000] =	vst v63  }
0x1e0: {  	s7 =	rddreg [dreg:$0xa]  }
0x1e1: {  	[tilespmem:s10], [sflag:$0x7] =	stream.indirect.gather [hbm4b:s4+s31], $0x80, s7, s31, $0xb8;
	[tilespmem:$0x1D000] =	vst v63  }
0x1e2: {  	s26 =	rddreg [dreg:$0xb]  }
0x1e3: {  	[tilespmem:s11], [sflag:$0x8] =	stream.indirect.gather [hbm4b:s4+s31], $0x80, s26, s31, $0xb8;
	[tilespmem:$0x1D000] =	vst v63  }
0x1e4: {  	_ =	swait.ge [sflag:s12], $0x1000  }
0x1e5: {  	[sflag:s12] =	ssyncset.done $0x0  }
0x1e6: {  	[sflag:s12] =	ssyncadd.s32 $0xFFFFF000  }
0x1e7: {  	[spmem:s2] =	stream.indirect.scatter.add.f32 [tilespmem:s28], [sflag:$0x9], $0x80, s30, s31, $0xb8;
	[tilespmem:$0x1D000] =	vst v63  }
0x1e8: {  	_ =	swait.ge [sflag:s29], $0x1000  }
0x1e9: {  	[sflag:s29] =	ssyncset.done $0x0  }
0x1ea: {  	s26 =	rddreg [dreg:$0xc];
	[sflag:s29] =	ssyncadd.s32 $0xFFFFF000  }
0x1eb: {  	[tilespmem:s28], [sflag:$0x1] =	stream.indirect.gather [hbm4b:s4+s31], $0x80, s26, s31, $0xb8;
	[tilespmem:$0x1D000] =	vst v63  }
0x1ec: {  	_ =	swait.ge [sflag:s13], $0x1000  }
0x1ed: {  	[sflag:s13] =	ssyncset.done $0x0  }
0x1ee: {  	s7 =	rddreg [dreg:$0xd];
	[sflag:s13] =	ssyncadd.s32 $0xFFFFF000  }
0x1ef: {  	[spmem:s2] =	stream.indirect.scatter.add.f32 [tilespmem:s1], [sflag:$0x9], $0x80, s7, s31, $0xb8;
	[tilespmem:$0x1D000] =	vst v63  }
0x1f0: {  	_ =	swait.ge [sflag:s29], $0x1000  }
0x1f1: {  	[sflag:s29] =	ssyncset.done $0x0  }
0x1f2: {  	s26 =	rddreg [dreg:$0xe];
	[sflag:s29] =	ssyncadd.s32 $0xFFFFF000  }
0x1f3: {  	[tilespmem:s1], [sflag:$0x2] =	stream.indirect.gather [hbm4b:s4+s31], $0x80, s26, s31, $0xb8;
	[tilespmem:$0x1D000] =	vst v63  }
0x1f4: {  	_ =	swait.ge [sflag:s14], $0x1000  }
0x1f5: {  	[sflag:s14] =	ssyncset.done $0x0  }
0x1f6: {  	s7 =	rddreg [dreg:$0xf];
	[sflag:s14] =	ssyncadd.s32 $0xFFFFF000  }
0x1f7: {  	[spmem:s2] =	stream.indirect.scatter.add.f32 [tilespmem:s0], [sflag:$0x9], $0x80, s7, s31, $0xb8;
	[tilespmem:$0x1D000] =	vst v63  }
0x1f8: {  	_ =	swait.ge [sflag:s29], $0x1000  }
0x1f9: {  	[sflag:s29] =	ssyncset.done $0x0  }
0x1fa: {  	s26 =	rddreg [dreg:$0x10];
	[sflag:s29] =	ssyncadd.s32 $0xFFFFF000  }
0x1fb: {  	[tilespmem:s0], [sflag:$0x3] =	stream.indirect.gather [hbm4b:s4+s31], $0x80, s26, s31, $0xb8;
	[tilespmem:$0x1D000] =	vst v63  }
0x1fc: {  	_ =	swait.ge [sflag:s15], $0x1000  }
0x1fd: {  	[sflag:s15] =	ssyncset.done $0x0  }
0x1fe: {  	s7 =	rddreg [dreg:$0x11];
	[sflag:s15] =	ssyncadd.s32 $0xFFFFF000  }
0x1ff: {  	[spmem:s2] =	stream.indirect.scatter.add.f32 [tilespmem:s6], [sflag:$0x9], $0x80, s7, s31, $0xb8;
	[tilespmem:$0x1D000] =	vst v63  }
0x200: {  	_ =	swait.ge [sflag:s29], $0x1000  }
0x201: {  	[sflag:s29] =	ssyncset.done $0x0  }
0x202: {  	s26 =	rddreg [dreg:$0x12];
	[sflag:s29] =	ssyncadd.s32 $0xFFFFF000  }
0x203: {  	[tilespmem:s6], [sflag:$0x4] =	stream.indirect.gather [hbm4b:s4+s31], $0x80, s26, s31, $0xb8;
	[tilespmem:$0x1D000] =	vst v63  }
0x204: {  	_ =	swait.ge [sflag:s16], $0x1000  }
0x205: {  	[sflag:s16] =	ssyncset.done $0x0  }
0x206: {  	s7 =	rddreg [dreg:$0x13];
	[sflag:s16] =	ssyncadd.s32 $0xFFFFF000  }
0x207: {  	[spmem:s2] =	stream.indirect.scatter.add.f32 [tilespmem:s8], [sflag:$0x9], $0x80, s7, s31, $0xb8;
	[tilespmem:$0x1D000] =	vst v63  }
0x208: {  	_ =	swait.ge [sflag:s29], $0x1000  }
0x209: {  	[sflag:s29] =	ssyncset.done $0x0  }
0x20a: {  	s26 =	rddreg [dreg:$0x14];
	[sflag:s29] =	ssyncadd.s32 $0xFFFFF000  }
0x20b: {  	[tilespmem:s8], [sflag:$0x5] =	stream.indirect.gather [hbm4b:s4+s31], $0x80, s26, s31, $0xb8;
	[tilespmem:$0x1D000] =	vst v63  }
0x20c: {  	_ =	swait.ge [sflag:s17], $0x1000  }
0x20d: {  	[sflag:s17] =	ssyncset.done $0x0  }
0x20e: {  	s7 =	rddreg [dreg:$0x15];
	[sflag:s17] =	ssyncadd.s32 $0xFFFFF000  }
0x20f: {  	[spmem:s2] =	stream.indirect.scatter.add.f32 [tilespmem:s9], [sflag:$0x9], $0x80, s7, s31, $0xb8;
	[tilespmem:$0x1D000] =	vst v63  }
0x210: {  	_ =	swait.ge [sflag:s29], $0x1000  }
0x211: {  	[sflag:s29] =	ssyncset.done $0x0  }
0x212: {  	s26 =	rddreg [dreg:$0x16];
	[sflag:s29] =	ssyncadd.s32 $0xFFFFF000  }
0x213: {  	[tilespmem:s9], [sflag:$0x6] =	stream.indirect.gather [hbm4b:s4+s31], $0x80, s26, s31, $0xb8;
	[tilespmem:$0x1D000] =	vst v63  }
0x214: {  	_ =	swait.ge [sflag:s18], $0x1000  }
0x215: {  	[sflag:s18] =	ssyncset.done $0x0  }
0x216: {  	s7 =	rddreg [dreg:$0x17];
	[sflag:s18] =	ssyncadd.s32 $0xFFFFF000  }
0x217: {  	[spmem:s2] =	stream.indirect.scatter.add.f32 [tilespmem:s10], [sflag:$0x9], $0x80, s7, s31, $0xb8;
	[tilespmem:$0x1D000] =	vst v63  }
0x218: {  	_ =	swait.ge [sflag:s29], $0x1000  }
0x219: {  	[sflag:s29] =	ssyncset.done $0x0  }
0x21a: {  	s26 =	rddreg [dreg:$0x18];
	[sflag:s29] =	ssyncadd.s32 $0xFFFFF000  }
0x21b: {  	[tilespmem:s10], [sflag:$0x7] =	stream.indirect.gather [hbm4b:s4+s31], $0x80, s26, s31, $0xb8;
	[tilespmem:$0x1D000] =	vst v63  }
0x21c: {  	_ =	swait.ge [sflag:s19], $0x1000  }
0x21d: {  	[sflag:s19] =	ssyncset.done $0x0  }
0x21e: {  	s7 =	rddreg [dreg:$0x19];
	[sflag:s19] =	ssyncadd.s32 $0xFFFFF000  }
0x21f: {  	[spmem:s2] =	stream.indirect.scatter.add.f32 [tilespmem:s11], [sflag:$0x9], $0x80, s7, s31, $0xb8;
	[tilespmem:$0x1D000] =	vst v63  }
0x220: {  	_ =	swait.ge [sflag:s29], $0x1000  }
0x221: {  	[sflag:s29] =	ssyncset.done $0x0  }
0x222: {  	s26 =	rddreg [dreg:$0x1a];
	[sflag:s29] =	ssyncadd.s32 $0xFFFFF000  }
0x223: {  	[tilespmem:s11], [sflag:$0x8] =	stream.indirect.gather [hbm4b:s4+s31], $0x80, s26, s31, $0xb8;
	[tilespmem:$0x1D000] =	vst v63  }
0x224: {  	_ =	swait.ge [sflag:s12], $0x1000  }
0x225: {  	[sflag:s12] =	ssyncset.done $0x0  }
0x226: {  	s7 =	rddreg [dreg:$0x1b];
	[sflag:s12] =	ssyncadd.s32 $0xFFFFF000  }
0x227: {  	[spmem:s2] =	stream.indirect.scatter.add.f32 [tilespmem:s28], [sflag:$0x9], $0x80, s7, s31, $0xb8;
	[tilespmem:$0x1D000] =	vst v63  }
0x228: {  	_ =	swait.ge [sflag:s29], $0x1000  }
0x229: {  	[sflag:s29] =	ssyncset.done $0x0  }
0x22a: {  	[sflag:s29] =	ssyncadd.s32 $0xFFFFF000  }
0x22b: {  	_ =	swait.ge [sflag:s13], $0x1000  }
0x22c: {  	[sflag:s13] =	ssyncset.done $0x0  }
0x22d: {  	s26 =	rddreg [dreg:$0x1c];
	[sflag:s13] =	ssyncadd.s32 $0xFFFFF000  }
0x22e: {  	[spmem:s2] =	stream.indirect.scatter.add.f32 [tilespmem:s1], [sflag:$0x9], $0x80, s26, s31, $0xb8;
	[tilespmem:$0x1D000] =	vst v63  }
0x22f: {  	_ =	swait.ge [sflag:s29], $0x1000  }
0x230: {  	[sflag:s29] =	ssyncset.done $0x0  }
0x231: {  	[sflag:s29] =	ssyncadd.s32 $0xFFFFF000  }
0x232: {  	_ =	swait.ge [sflag:s14], $0x1000  }
0x233: {  	[sflag:s14] =	ssyncset.done $0x0  }
0x234: {  	s7 =	rddreg [dreg:$0x1d];
	[sflag:s14] =	ssyncadd.s32 $0xFFFFF000  }
0x235: {  	[spmem:s2] =	stream.indirect.scatter.add.f32 [tilespmem:s0], [sflag:$0x9], $0x80, s7, s31, $0xb8;
	[tilespmem:$0x1D000] =	vst v63  }
0x236: {  	_ =	swait.ge [sflag:s29], $0x1000  }
0x237: {  	[sflag:s29] =	ssyncset.done $0x0  }
0x238: {  	[sflag:s29] =	ssyncadd.s32 $0xFFFFF000  }
0x239: {  	_ =	swait.ge [sflag:s15], $0x1000  }
0x23a: {  	[sflag:s15] =	ssyncset.done $0x0  }
0x23b: {  	[sflag:s15] =	ssyncadd.s32 $0xFFFFF000  }
0x23c: {  	[spmem:s2] =	stream.indirect.scatter.add.f32 [tilespmem:s6], [sflag:$0x9], $0x80, s20, s31, $0xb8;
	[tilespmem:$0x1D000] =	vst v63  }
0x23d: {  	_ =	swait.ge [sflag:s29], $0x1000  }
0x23e: {  	[sflag:s29] =	ssyncset.done $0x0  }
0x23f: {  	[sflag:s29] =	ssyncadd.s32 $0xFFFFF000  }
0x240: {  	_ =	swait.ge [sflag:s16], $0x1000  }
0x241: {  	[sflag:s16] =	ssyncset.done $0x0  }
0x242: {  	[sflag:s16] =	ssyncadd.s32 $0xFFFFF000  }
0x243: {  	[spmem:s2] =	stream.indirect.scatter.add.f32 [tilespmem:s8], [sflag:$0x9], $0x80, s21, s31, $0xb8;
	[tilespmem:$0x1D000] =	vst v63  }
0x244: {  	_ =	swait.ge [sflag:s29], $0x1000  }
0x245: {  	[sflag:s29] =	ssyncset.done $0x0  }
0x246: {  	[sflag:s29] =	ssyncadd.s32 $0xFFFFF000  }
0x247: {  	_ =	swait.ge [sflag:s17], $0x1000  }
0x248: {  	[sflag:s17] =	ssyncset.done $0x0  }
0x249: {  	[sflag:s17] =	ssyncadd.s32 $0xFFFFF000  }
0x24a: {  	[spmem:s2] =	stream.indirect.scatter.add.f32 [tilespmem:s9], [sflag:$0x9], $0x80, s22, s31, $0xb8;
	[tilespmem:$0x1D000] =	vst v63  }
0x24b: {  	_ =	swait.ge [sflag:s29], $0x1000  }
0x24c: {  	[sflag:s29] =	ssyncset.done $0x0  }
0x24d: {  	[sflag:s29] =	ssyncadd.s32 $0xFFFFF000  }
0x24e: {  	_ =	swait.ge [sflag:s18], $0x1000  }
0x24f: {  	[sflag:s18] =	ssyncset.done $0x0  }
0x250: {  	[sflag:s18] =	ssyncadd.s32 $0xFFFFF000  }
0x251: {  	[spmem:s2] =	stream.indirect.scatter.add.f32 [tilespmem:s10], [sflag:$0x9], $0x80, s23, s31, $0xb8;
	[tilespmem:$0x1D000] =	vst v63  }
0x252: {  	_ =	swait.ge [sflag:s29], $0x1000  }
0x253: {  	[sflag:s29] =	ssyncset.done $0x0  }
0x254: {  	[sflag:s29] =	ssyncadd.s32 $0xFFFFF000  }
0x255: {  	_ =	swait.ge [sflag:s19], $0x1000  }
0x256: {  	[sflag:s19] =	ssyncset.done $0x0  }
0x257: {  	[sflag:s19] =	ssyncadd.s32 $0xFFFFF000  }
0x258: {  	[spmem:s2] =	stream.indirect.scatter.add.f32 [tilespmem:s11], [sflag:$0x9], $0x80, s24, s31, $0xb8;
	[tilespmem:$0x1D000] =	vst v63  }
0x259: {  	_ =	swait.ge [sflag:s29], $0x1000  }
0x25a: {  	[sflag:s29] =	ssyncset.done $0x0  }
0x25b: {  	[sflag:s29] =	ssyncadd.s32 $0xFFFFF000  }
0x25c: {  	s20 =	stileid.u32;
	[bflag:$0x0] =	sbarrier.arrive $0xFFFF  }
0x25d: {  	s5 =	sshll.u32 s20, $0x6;
	s26 =	rddreg [dreg:$0x1e]  }
0x25e: {  	s5 =	sor.u32 $0x1C09, s5;
	s21 =	sadd.s32 $0x0, s25;
	s20 =	sshrl.u32 s26, $0x3  }
0x25f: {  	[hbm:s21], [sflag:s5] =	dma.local [spmem:s20], $0x200  }
0x260: {  	_ =	swait.ge [sflag:s29], $0x200  }
0x261: {  	s26 =	sld [smem:$0x7EB]  }
0x262: {  	s7 =	simm.s32 $0x200  }
.LBB2_6:
0x263: {  	s20 =	sadd.s32 s7, s25;
	[sflag:s29] =	ssyncset.done $0x0;
	p0 =	sne.s32 s7, $0x2600  }
.Ltmp2:
0x264: {  	s21 =	sshrl.u32 s26, $0x3;
	[sflag:s29] =	ssyncadd.s32 $0xFFFFFE00;
	(pc) =	sbr.rel @p0 .LBB2_6-.Ltmp2, $3  }
0x265: {  	[hbm:s20], [sflag:s5] =	dma.local [spmem:s21], $0x200  }
0x266: {  	s7 =	sadd.s32 $0x200, s7;
	_ =	sdelay $0x1  }
0x267: {  	s26 =	sadd.s32 $0x1000, s26;
	_ =	swait.ge [sflag:s29], $0x200  }
0x268: {  	s7 =	sld [smem:$0x7EA];
	_ =	sdelay $0x2  }
0x269: {  	s5 =	rddreg [dreg:$0x1f];
	s7 =	sadd.s32 $0x1, s7  }
0x26a: {  	p0 =	sne.s32 s7, s5  }
.Ltmp3:
0x26b: {  	_ = 	snop;
	(pc) =	sbr.rel @p0 .LBB2_1-.Ltmp3, $3  }
0x26c: {  	_ =	sdelay $0x1  }
0x26d: {  	[sflag:s29] =	ssyncset.done $0x0;
	s26 =	rddreg [dreg:$0x1e]  }
0x26e: {  	s20 =	simm.s32 $0xD80;
	s21 =	simm.s32 $0xE00;
	[sflag:s29] =	ssyncadd.s32 $0xFFFFFE00  }
0x26f: {  	_ =	sfence.sel $0x180000  }
0x270: {  	[bflag:$0x0] =	sbarrier.arrive $0xFFFF  }
0x271: {  	_ =	strace $0x90000047  }
0x272: {  	s0 =	stileid.u32;
	[bflag:$0x2] =	sbarrier.arrive $0xFFFF  }
0x273: {  	p0 =	sne.s32 s0, $0x0;
	s0 =	rddreg [dreg:$0x2]  }
0x274: {  	s0 =	sadd.s32 @!p0 $0x100000, s0  }
0x275: {  	[sflag:s0] =	ssyncadd.tile.s32 @!p0 $0x1;
	_ =	shalt  }
.Lfunc_end2:
_tile_overlayer_lowered:
.L_overlay_start_2:
0x276: {  	(tag) =	ssettag $0x2  }
0x277: {  	s0 =	rddreg [dreg:$0x0];
	s2 =	stileid.u32  }
0x278: {  	s1 =	rddreg [dreg:$0x1];
	p0 =	sne.s32 s2, $0x0  }
0x279: {  	s3 =	rddreg [dreg:$0x2];
	[bflag:$0x3] =	sbarrier.arrive $0xFFFF;
	s2 =	simm.s32 @!p0 $0x1C09  }
0x27a: {  	[timem:s3], [sflag:s2] =	dma.local @!p0 [hbm:s0], s1  }
0x27b: {  	s0 =	simm.s32 @!p0 $0x9  }
0x27c: {  	_ =	swait.ge @!p0 [sflag:s0], s1  }
0x27d: {  	s1 =	ssub.s32 @!p0 $0x0, s1;
	[sflag:s0] =	ssyncset.done @!p0 $0x0  }
0x27e: {  	[sflag:s0] =	ssyncadd.s32 @!p0 s1  }
0x27f: {  	[bflag:$0x3] =	sbarrier.arrive $0xFFFF  }
0x280: {  	_ =	shalt  }

</sc_bundles>
